<compile_context>
chip_gen: v7x
topology: tpu7x:2x2x1
jax: 0.10.2.dev20260603
libtpu: 0.0.44.dev20260713+nightly
codegen_flags: <defaults>
</compile_context>

<pallas_src>
import functools

import jax
import jax.numpy as jnp
from jax import lax
from jax.experimental import pallas as pl
from jax.experimental.pallas import tpu as pltpu
from jax.experimental.pallas import tpu_sc as plsc

N_TOK = 16384
D = 256
V = 8192
TM = 4096
TW = 2736
V_PAD = 8208
N_WIN = 3
N_TT = N_TOK // TM
N_CH = TW // 8


def _argmin_body(z_ref, z2_ref, e_ref, e2_ref, idx_out, loss_out,
                 accv_s, acci_s, accx_s, lsum_s):
    j = pl.program_id(0)
    i = pl.program_id(1)

    zb = z_ref[...]
    eb = e_ref[...]
    s2 = lax.dot_general(eb, zb, (((1,), (1,)), ((), ())),
                         preferred_element_type=jnp.float32)
    z2 = z2_ref[...]
    m = (z2 + e2_ref[0:8, 0:1]) + s2[0:8, :]
    mi = jnp.zeros((8, TM), jnp.int32)
    for c in range(1, N_CH):
        dch = (z2 + e2_ref[c * 8:(c + 1) * 8, 0:1]) + s2[c * 8:(c + 1) * 8, :]
        lt = dch < m
        m = jnp.where(lt, dch, m)
        mi = jnp.where(lt, jnp.int32(c), mi)

    subl = lax.broadcasted_iota(jnp.int32, (8, TM), 0)
    gidx = mi * 8 + subl
    wmin = jnp.min(m, axis=0, keepdims=True)
    warg = jnp.min(jnp.where(m == wmin, gidx, jnp.int32(2**30)),
                   axis=0, keepdims=True) + j * TW

    row = pl.ds(i, 1)

    @pl.when(j == 0)
    def _first():
        accv_s[row, :] = wmin.astype(jnp.bfloat16).astype(jnp.float32)
        acci_s[row, :] = warg
        accx_s[row, :] = wmin

    @pl.when(j > 0)
    def _fold():
        av = accv_s[row, :]
        ai = acci_s[row, :]
        ax = accx_s[row, :]
        lt = wmin < av
        take = lt | ((wmin == av) & (warg < ai))
        acci_s[row, :] = jnp.where(take, warg, ai)
        accx_s[row, :] = jnp.where(take, wmin, ax)
        accv_s[row, :] = jnp.where(lt, wmin, av).astype(
            jnp.bfloat16).astype(jnp.float32)

    @pl.when(j == N_WIN - 1)
    def _finish():
        idx_out[...] = jnp.reshape(acci_s[row, :], (TM,))

        @pl.when(i == 0)
        def _z():
            lsum_s[0] = 0.0
        lsum_s[0] += jnp.sum(accx_s[row, :])

        @pl.when(i == N_TT - 1)
        def _w():
            loss_out[0, 0] = 2.0 * lsum_s[0] / jnp.float32(N_TOK * D)


def _argmin_call(z_bf, z2r, e_bf, e2c):
    return pl.pallas_call(
        _argmin_body,
        grid=(N_WIN, N_TT),
        in_specs=[
            pl.BlockSpec((TM, D), lambda j, i: (i, 0)),
            pl.BlockSpec((1, TM), lambda j, i: (0, i)),
            pl.BlockSpec((TW, D), lambda j, i: (j, 0)),
            pl.BlockSpec((TW, 1), lambda j, i: (j, 0)),
        ],
        out_specs=[
            pl.BlockSpec((TM,), lambda j, i: (i,)),
            pl.BlockSpec(memory_space=pltpu.SMEM),
        ],
        out_shape=[
            jax.ShapeDtypeStruct((N_TOK,), jnp.int32),
            jax.ShapeDtypeStruct((1, 1), jnp.float32),
        ],
        scratch_shapes=[
            pltpu.VMEM((N_TT, TM), jnp.float32),
            pltpu.VMEM((N_TT, TM), jnp.int32),
            pltpu.VMEM((N_TT, TM), jnp.float32),
            pltpu.SMEM((1,), jnp.float32),
        ],
    )(z_bf, z2r, e_bf, e2c)


_NW = 32
_BPW = N_TOK // _NW
_CHUNK = 128
_NCHUNK = _BPW // _CHUNK


def _gather_body(idx_hbm, table_hbm, out_hbm, idx_v, buf0, buf1, sem0, sem1):
    wid = lax.axis_index("s") * 2 + lax.axis_index("c")
    base = wid * _BPW
    pltpu.sync_copy(idx_hbm.at[pl.ds(base, _BPW)], idx_v)
    bufs = (buf0, buf1)
    sems = (sem0, sem1)

    def start(c):
        return pltpu.async_copy(
            table_hbm.at[idx_v.at[pl.ds(c * _CHUNK, _CHUNK)]],
            bufs[c % 2], sems[c % 2])

    cur = start(0)
    for c in range(_NCHUNK):
        nxt = start(c + 1) if c + 1 < _NCHUNK else None
        cur.wait()
        pltpu.sync_copy(bufs[c % 2],
                        out_hbm.at[pl.ds(base + c * _CHUNK, _CHUNK)])
        cur = nxt


def _gather_call(idx, emb):
    mesh = plsc.VectorSubcoreMesh(core_axis_name="c", subcore_axis_name="s")
    k = functools.partial(
        pl.kernel, mesh=mesh,
        out_type=jax.ShapeDtypeStruct((N_TOK, D), jnp.float32),
        scratch_types=[
            pltpu.VMEM((_BPW,), jnp.int32),
            pltpu.VMEM((_CHUNK, D), jnp.float32),
            pltpu.VMEM((_CHUNK, D), jnp.float32),
            pltpu.SemaphoreType.DMA,
            pltpu.SemaphoreType.DMA,
        ],
    )(_gather_body)
    return k(idx, emb)


def kernel(z_e, embedding_weight):
    z2r = jnp.sum(z_e ** 2, axis=-1).reshape(1, N_TOK)
    e2 = jnp.sum(embedding_weight ** 2, axis=1)

    z_bf = z_e.reshape(N_TOK, D).astype(jnp.bfloat16)
    e_bf = jnp.pad((-2.0 * embedding_weight).astype(jnp.bfloat16),
                   ((0, V_PAD - V), (0, 0)))
    e2c = jnp.pad(e2, (0, V_PAD - V),
                  constant_values=jnp.inf).reshape(V_PAD, 1)

    idx, loss = _argmin_call(z_bf, z2r, e_bf, e2c)
    z_q = _gather_call(idx, embedding_weight)
    return (z_e, jnp.reshape(loss, ()), z_q.reshape(z_e.shape))

# --- scband reference (transcript-rebuilt; emitter-appended) ---
"""Pipeline reference for scband-vqvae-22308060135448 (READ-ONLY COPY).

The authoritative reference and input builder live on the scoring server;
editing this copy changes nothing except your own understanding.
"""

import jax, jax.numpy as jnp
import numpy as np


def setup_inputs(seed: int = 0) -> dict:
    key = jax.random.key(seed)
    k1, k2 = jax.random.split(key)
    z_e = jax.random.normal(k1, (16, 1024, 256), dtype=jnp.float32)
    # learned parameter: nn.Embedding(codebook_size=8192, latent_dim=256).weight
    embedding_weight = jax.random.normal(k2, (8192, 256), dtype=jnp.float32) * 0.02
    return {"z_e": z_e, "embedding_weight": embedding_weight}


def reference(z_e, embedding_weight):
    latent_dim = embedding_weight.shape[1]
    original_shape = z_e.shape
    z_e_flat = z_e.reshape(-1, latent_dim)
    distances = (
        jnp.sum(z_e_flat ** 2, axis=1, keepdims=True)
        + jnp.sum(embedding_weight ** 2, axis=1)
        - 2.0 * jnp.matmul(z_e_flat, embedding_weight.T)
    )
    encoding_indices = jnp.argmin(distances, axis=1)
    z_q_flat = jnp.take(embedding_weight, encoding_indices, axis=0)
    z_q = z_q_flat.reshape(original_shape)
    commitment_loss = jnp.mean((jax.lax.stop_gradient(z_q) - z_e) ** 2)
    codebook_loss = jnp.mean((z_q - jax.lax.stop_gradient(z_e)) ** 2)
    loss = commitment_loss + codebook_loss
    z_q_st = z_e + jax.lax.stop_gradient(z_q - z_e)
    return (z_e, loss, z_q_st)

if __name__ == "__main__":
    import jax
    _d = setup_inputs()
    print(jax.jit(kernel)(*tuple(_d.values())))

</pallas_src>

<mosaic_0001>
#map = affine_map<(d0, d1) -> (0)>
#map1 = affine_map<(d0, d1) -> (0, 0)>
module attributes {stable_mosaic.version = 14 : i64} {
  func.func @_gather_body(%arg0: i32, %arg1: i32, %arg2: memref<16384xi32, #tpu.memory_space<hbm>>, %arg3: memref<8192x256xf32, #tpu.memory_space<hbm>>, %arg4: memref<16384x256xf32, #tpu.memory_space<hbm>>, %arg5: memref<512xi32, #tpu.memory_space<vmem>>, %arg6: memref<128x256xf32, #tpu.memory_space<vmem>>, %arg7: memref<128x256xf32, #tpu.memory_space<vmem>>, %arg8: memref<!tpu.dma_semaphore, #tpu.memory_space<semaphore_mem>>, %arg9: memref<!tpu.dma_semaphore, #tpu.memory_space<semaphore_mem>>) attributes {dimension_semantics = [#tpu.dimension_semantics<core_parallel>, #tpu.dimension_semantics<subcore_parallel>], iteration_bounds = array<i64: 2, 16>, scalar_prefetch = 0 : i64, scratch_operands = 5 : i64, tpu.core_type = #tpu.core_type<sc_vector_subcore>, window_params = [{transform_indices = #map}, {transform_indices = #map1}, {transform_indices = #map1}]} {
    %mul3A = arith.constant 2 : i32
    %mul3A_0 = arith.muli %arg1, %mul3A : i32
    %add3A = arith.addi %mul3A_0, %arg0 : i32
    %mul3A_1 = arith.constant 512 : i32
    %mul3A_2 = arith.muli %add3A, %mul3A_1 : i32
    "tpu.region"() ({
      %run_scoped3A = tpu.sem_alloc : memref<!tpu.dma_semaphore, #tpu.memory_space<semaphore_mem>>
      %dma_start3A_49 = tpu.memref_slice %arg2[%mul3A_2] : memref<16384xi32, #tpu.memory_space<hbm>> -> memref<512xi32, #tpu.memory_space<hbm>>
      %dma_start3A_50 = tpu.memref_slice %arg2[%mul3A_2] : memref<16384xi32, #tpu.memory_space<hbm>> -> memref<512xi32, #tpu.memory_space<hbm>>
      tpu.enqueue_dma source(%dma_start3A_50 : memref<512xi32, #tpu.memory_space<hbm>>) target(%arg5 : memref<512xi32, #tpu.memory_space<vmem>>) target_semaphore(%run_scoped3A : memref<!tpu.dma_semaphore, #tpu.memory_space<semaphore_mem>>)
      %dma_wait3A_51 = tpu.memref_slice %arg2[%mul3A_2] : memref<16384xi32, #tpu.memory_space<hbm>> -> memref<512xi32, #tpu.memory_space<hbm>>
      %dma_wait3A_52 = tpu.memref_slice %arg2[%mul3A_2] : memref<16384xi32, #tpu.memory_space<hbm>> -> memref<512xi32, #tpu.memory_space<hbm>>
      tpu.wait_dma2 semaphore(%run_scoped3A : memref<!tpu.dma_semaphore, #tpu.memory_space<semaphore_mem>>) src(%dma_wait3A_52 : memref<512xi32, #tpu.memory_space<hbm>>) dst(%arg5 : memref<512xi32, #tpu.memory_space<vmem>>)
      tpu.yield
    }) : () -> ()
    %dma_start3A = arith.constant 0 : i32
    %dma_start3A_3 = tpu.memref_slice %arg5[%dma_start3A] : memref<512xi32, #tpu.memory_space<vmem>> -> memref<128xi32, #tpu.memory_space<vmem>>
    %dma_start3A_4 = arith.constant 0 : i32
    %dma_start3A_5 = arith.constant 0 : i32
    %dma_start3A_6 = tpu.memref_slice %arg3[%dma_start3A_4, %dma_start3A_5] : memref<8192x256xf32, #tpu.memory_space<hbm>> -> memref<8192x256xf32, #tpu.memory_space<hbm>>
    tpu.enqueue_indirect_dma source(%dma_start3A_6 : memref<8192x256xf32, #tpu.memory_space<hbm>>) target(%arg6 : memref<128x256xf32, #tpu.memory_space<vmem>>) offsets(%dma_start3A_3 : memref<128xi32, #tpu.memory_space<vmem>>) semaphore(%arg8 : memref<!tpu.dma_semaphore, #tpu.memory_space<semaphore_mem>>)
    %dma_start3A_7 = arith.constant 128 : i32
    %dma_start3A_8 = tpu.memref_slice %arg5[%dma_start3A_7] : memref<512xi32, #tpu.memory_space<vmem>> -> memref<128xi32, #tpu.memory_space<vmem>>
    %dma_start3A_9 = arith.constant 0 : i32
    %dma_start3A_10 = arith.constant 0 : i32
    %dma_start3A_11 = tpu.memref_slice %arg3[%dma_start3A_9, %dma_start3A_10] : memref<8192x256xf32, #tpu.memory_space<hbm>> -> memref<8192x256xf32, #tpu.memory_space<hbm>>
    tpu.enqueue_indirect_dma source(%dma_start3A_11 : memref<8192x256xf32, #tpu.memory_space<hbm>>) target(%arg7 : memref<128x256xf32, #tpu.memory_space<vmem>>) offsets(%dma_start3A_8 : memref<128xi32, #tpu.memory_space<vmem>>) semaphore(%arg9 : memref<!tpu.dma_semaphore, #tpu.memory_space<semaphore_mem>>)
    %dma_wait3A = arith.constant 0 : i32
    %dma_wait3A_12 = tpu.memref_slice %arg5[%dma_wait3A] : memref<512xi32, #tpu.memory_space<vmem>> -> memref<128xi32, #tpu.memory_space<vmem>>
    %dma_wait3A_13 = arith.constant 0 : i32
    %dma_wait3A_14 = arith.constant 0 : i32
    %dma_wait3A_15 = tpu.memref_slice %arg3[%dma_wait3A_13, %dma_wait3A_14] : memref<8192x256xf32, #tpu.memory_space<hbm>> -> memref<8192x256xf32, #tpu.memory_space<hbm>>
    tpu.wait_indirect_dma semaphore(%arg8 : memref<!tpu.dma_semaphore, #tpu.memory_space<semaphore_mem>>) src(%dma_wait3A_15 : memref<8192x256xf32, #tpu.memory_space<hbm>>) dst(%arg6 : memref<128x256xf32, #tpu.memory_space<vmem>>)
    %add3A_16 = arith.constant 0 : i32
    %add3A_17 = arith.addi %mul3A_2, %add3A_16 : i32
    "tpu.region"() ({
      %run_scoped3A = tpu.sem_alloc : memref<!tpu.dma_semaphore, #tpu.memory_space<semaphore_mem>>
      %dma_start3A_49 = arith.constant 0 : i32
      %dma_start3A_50 = tpu.memref_slice %arg4[%add3A_17, %dma_start3A_49] : memref<16384x256xf32, #tpu.memory_space<hbm>> -> memref<128x256xf32, #tpu.memory_space<hbm>>
      %dma_start3A_51 = arith.constant 0 : i32
      %dma_start3A_52 = tpu.memref_slice %arg4[%add3A_17, %dma_start3A_51] : memref<16384x256xf32, #tpu.memory_space<hbm>> -> memref<128x256xf32, #tpu.memory_space<hbm>>
      tpu.enqueue_dma source(%arg6 : memref<128x256xf32, #tpu.memory_space<vmem>>) target(%dma_start3A_52 : memref<128x256xf32, #tpu.memory_space<hbm>>) target_semaphore(%run_scoped3A : memref<!tpu.dma_semaphore, #tpu.memory_space<semaphore_mem>>)
      %dma_wait3A_53 = arith.constant 0 : i32
      %dma_wait3A_54 = tpu.memref_slice %arg4[%add3A_17, %dma_wait3A_53] : memref<16384x256xf32, #tpu.memory_space<hbm>> -> memref<128x256xf32, #tpu.memory_space<hbm>>
      %dma_wait3A_55 = arith.constant 0 : i32
      %dma_wait3A_56 = tpu.memref_slice %arg4[%add3A_17, %dma_wait3A_55] : memref<16384x256xf32, #tpu.memory_space<hbm>> -> memref<128x256xf32, #tpu.memory_space<hbm>>
      tpu.wait_dma2 semaphore(%run_scoped3A : memref<!tpu.dma_semaphore, #tpu.memory_space<semaphore_mem>>) src(%arg6 : memref<128x256xf32, #tpu.memory_space<vmem>>) dst(%dma_wait3A_56 : memref<128x256xf32, #tpu.memory_space<hbm>>)
      tpu.yield
    }) : () -> ()
    %dma_start3A_18 = arith.constant 256 : i32
    %dma_start3A_19 = tpu.memref_slice %arg5[%dma_start3A_18] : memref<512xi32, #tpu.memory_space<vmem>> -> memref<128xi32, #tpu.memory_space<vmem>>
    %dma_start3A_20 = arith.constant 0 : i32
    %dma_start3A_21 = arith.constant 0 : i32
    %dma_start3A_22 = tpu.memref_slice %arg3[%dma_start3A_20, %dma_start3A_21] : memref<8192x256xf32, #tpu.memory_space<hbm>> -> memref<8192x256xf32, #tpu.memory_space<hbm>>
    tpu.enqueue_indirect_dma source(%dma_start3A_22 : memref<8192x256xf32, #tpu.memory_space<hbm>>) target(%arg6 : memref<128x256xf32, #tpu.memory_space<vmem>>) offsets(%dma_start3A_19 : memref<128xi32, #tpu.memory_space<vmem>>) semaphore(%arg8 : memref<!tpu.dma_semaphore, #tpu.memory_space<semaphore_mem>>)
    %dma_wait3A_23 = arith.constant 128 : i32
    %dma_wait3A_24 = tpu.memref_slice %arg5[%dma_wait3A_23] : memref<512xi32, #tpu.memory_space<vmem>> -> memref<128xi32, #tpu.memory_space<vmem>>
    %dma_wait3A_25 = arith.constant 0 : i32
    %dma_wait3A_26 = arith.constant 0 : i32
    %dma_wait3A_27 = tpu.memref_slice %arg3[%dma_wait3A_25, %dma_wait3A_26] : memref<8192x256xf32, #tpu.memory_space<hbm>> -> memref<8192x256xf32, #tpu.memory_space<hbm>>
    tpu.wait_indirect_dma semaphore(%arg9 : memref<!tpu.dma_semaphore, #tpu.memory_space<semaphore_mem>>) src(%dma_wait3A_27 : memref<8192x256xf32, #tpu.memory_space<hbm>>) dst(%arg7 : memref<128x256xf32, #tpu.memory_space<vmem>>)
    %add3A_28 = arith.constant 128 : i32
    %add3A_29 = arith.addi %mul3A_2, %add3A_28 : i32
    "tpu.region"() ({
      %run_scoped3A = tpu.sem_alloc : memref<!tpu.dma_semaphore, #tpu.memory_space<semaphore_mem>>
      %dma_start3A_49 = arith.constant 0 : i32
      %dma_start3A_50 = tpu.memref_slice %arg4[%add3A_29, %dma_start3A_49] : memref<16384x256xf32, #tpu.memory_space<hbm>> -> memref<128x256xf32, #tpu.memory_space<hbm>>
      %dma_start3A_51 = arith.constant 0 : i32
      %dma_start3A_52 = tpu.memref_slice %arg4[%add3A_29, %dma_start3A_51] : memref<16384x256xf32, #tpu.memory_space<hbm>> -> memref<128x256xf32, #tpu.memory_space<hbm>>
      tpu.enqueue_dma source(%arg7 : memref<128x256xf32, #tpu.memory_space<vmem>>) target(%dma_start3A_52 : memref<128x256xf32, #tpu.memory_space<hbm>>) target_semaphore(%run_scoped3A : memref<!tpu.dma_semaphore, #tpu.memory_space<semaphore_mem>>)
      %dma_wait3A_53 = arith.constant 0 : i32
      %dma_wait3A_54 = tpu.memref_slice %arg4[%add3A_29, %dma_wait3A_53] : memref<16384x256xf32, #tpu.memory_space<hbm>> -> memref<128x256xf32, #tpu.memory_space<hbm>>
      %dma_wait3A_55 = arith.constant 0 : i32
      %dma_wait3A_56 = tpu.memref_slice %arg4[%add3A_29, %dma_wait3A_55] : memref<16384x256xf32, #tpu.memory_space<hbm>> -> memref<128x256xf32, #tpu.memory_space<hbm>>
      tpu.wait_dma2 semaphore(%run_scoped3A : memref<!tpu.dma_semaphore, #tpu.memory_space<semaphore_mem>>) src(%arg7 : memref<128x256xf32, #tpu.memory_space<vmem>>) dst(%dma_wait3A_56 : memref<128x256xf32, #tpu.memory_space<hbm>>)
      tpu.yield
    }) : () -> ()
    %dma_start3A_30 = arith.constant 384 : i32
    %dma_start3A_31 = tpu.memref_slice %arg5[%dma_start3A_30] : memref<512xi32, #tpu.memory_space<vmem>> -> memref<128xi32, #tpu.memory_space<vmem>>
    %dma_start3A_32 = arith.constant 0 : i32
    %dma_start3A_33 = arith.constant 0 : i32
    %dma_start3A_34 = tpu.memref_slice %arg3[%dma_start3A_32, %dma_start3A_33] : memref<8192x256xf32, #tpu.memory_space<hbm>> -> memref<8192x256xf32, #tpu.memory_space<hbm>>
    tpu.enqueue_indirect_dma source(%dma_start3A_34 : memref<8192x256xf32, #tpu.memory_space<hbm>>) target(%arg7 : memref<128x256xf32, #tpu.memory_space<vmem>>) offsets(%dma_start3A_31 : memref<128xi32, #tpu.memory_space<vmem>>) semaphore(%arg9 : memref<!tpu.dma_semaphore, #tpu.memory_space<semaphore_mem>>)
    %dma_wait3A_35 = arith.constant 256 : i32
    %dma_wait3A_36 = tpu.memref_slice %arg5[%dma_wait3A_35] : memref<512xi32, #tpu.memory_space<vmem>> -> memref<128xi32, #tpu.memory_space<vmem>>
    %dma_wait3A_37 = arith.constant 0 : i32
    %dma_wait3A_38 = arith.constant 0 : i32
    %dma_wait3A_39 = tpu.memref_slice %arg3[%dma_wait3A_37, %dma_wait3A_38] : memref<8192x256xf32, #tpu.memory_space<hbm>> -> memref<8192x256xf32, #tpu.memory_space<hbm>>
    tpu.wait_indirect_dma semaphore(%arg8 : memref<!tpu.dma_semaphore, #tpu.memory_space<semaphore_mem>>) src(%dma_wait3A_39 : memref<8192x256xf32, #tpu.memory_space<hbm>>) dst(%arg6 : memref<128x256xf32, #tpu.memory_space<vmem>>)
    %add3A_40 = arith.constant 256 : i32
    %add3A_41 = arith.addi %mul3A_2, %add3A_40 : i32
    "tpu.region"() ({
      %run_scoped3A = tpu.sem_alloc : memref<!tpu.dma_semaphore, #tpu.memory_space<semaphore_mem>>
      %dma_start3A_49 = arith.constant 0 : i32
      %dma_start3A_50 = tpu.memref_slice %arg4[%add3A_41, %dma_start3A_49] : memref<16384x256xf32, #tpu.memory_space<hbm>> -> memref<128x256xf32, #tpu.memory_space<hbm>>
      %dma_start3A_51 = arith.constant 0 : i32
      %dma_start3A_52 = tpu.memref_slice %arg4[%add3A_41, %dma_start3A_51] : memref<16384x256xf32, #tpu.memory_space<hbm>> -> memref<128x256xf32, #tpu.memory_space<hbm>>
      tpu.enqueue_dma source(%arg6 : memref<128x256xf32, #tpu.memory_space<vmem>>) target(%dma_start3A_52 : memref<128x256xf32, #tpu.memory_space<hbm>>) target_semaphore(%run_scoped3A : memref<!tpu.dma_semaphore, #tpu.memory_space<semaphore_mem>>)
      %dma_wait3A_53 = arith.constant 0 : i32
      %dma_wait3A_54 = tpu.memref_slice %arg4[%add3A_41, %dma_wait3A_53] : memref<16384x256xf32, #tpu.memory_space<hbm>> -> memref<128x256xf32, #tpu.memory_space<hbm>>
      %dma_wait3A_55 = arith.constant 0 : i32
      %dma_wait3A_56 = tpu.memref_slice %arg4[%add3A_41, %dma_wait3A_55] : memref<16384x256xf32, #tpu.memory_space<hbm>> -> memref<128x256xf32, #tpu.memory_space<hbm>>
      tpu.wait_dma2 semaphore(%run_scoped3A : memref<!tpu.dma_semaphore, #tpu.memory_space<semaphore_mem>>) src(%arg6 : memref<128x256xf32, #tpu.memory_space<vmem>>) dst(%dma_wait3A_56 : memref<128x256xf32, #tpu.memory_space<hbm>>)
      tpu.yield
    }) : () -> ()
    %dma_wait3A_42 = arith.constant 384 : i32
    %dma_wait3A_43 = tpu.memref_slice %arg5[%dma_wait3A_42] : memref<512xi32, #tpu.memory_space<vmem>> -> memref<128xi32, #tpu.memory_space<vmem>>
    %dma_wait3A_44 = arith.constant 0 : i32
    %dma_wait3A_45 = arith.constant 0 : i32
    %dma_wait3A_46 = tpu.memref_slice %arg3[%dma_wait3A_44, %dma_wait3A_45] : memref<8192x256xf32, #tpu.memory_space<hbm>> -> memref<8192x256xf32, #tpu.memory_space<hbm>>
    tpu.wait_indirect_dma semaphore(%arg9 : memref<!tpu.dma_semaphore, #tpu.memory_space<semaphore_mem>>) src(%dma_wait3A_46 : memref<8192x256xf32, #tpu.memory_space<hbm>>) dst(%arg7 : memref<128x256xf32, #tpu.memory_space<vmem>>)
    %add3A_47 = arith.constant 384 : i32
    %add3A_48 = arith.addi %mul3A_2, %add3A_47 : i32
    "tpu.region"() ({
      %run_scoped3A = tpu.sem_alloc : memref<!tpu.dma_semaphore, #tpu.memory_space<semaphore_mem>>
      %dma_start3A_49 = arith.constant 0 : i32
      %dma_start3A_50 = tpu.memref_slice %arg4[%add3A_48, %dma_start3A_49] : memref<16384x256xf32, #tpu.memory_space<hbm>> -> memref<128x256xf32, #tpu.memory_space<hbm>>
      %dma_start3A_51 = arith.constant 0 : i32
      %dma_start3A_52 = tpu.memref_slice %arg4[%add3A_48, %dma_start3A_51] : memref<16384x256xf32, #tpu.memory_space<hbm>> -> memref<128x256xf32, #tpu.memory_space<hbm>>
      tpu.enqueue_dma source(%arg7 : memref<128x256xf32, #tpu.memory_space<vmem>>) target(%dma_start3A_52 : memref<128x256xf32, #tpu.memory_space<hbm>>) target_semaphore(%run_scoped3A : memref<!tpu.dma_semaphore, #tpu.memory_space<semaphore_mem>>)
      %dma_wait3A_53 = arith.constant 0 : i32
      %dma_wait3A_54 = tpu.memref_slice %arg4[%add3A_48, %dma_wait3A_53] : memref<16384x256xf32, #tpu.memory_space<hbm>> -> memref<128x256xf32, #tpu.memory_space<hbm>>
      %dma_wait3A_55 = arith.constant 0 : i32
      %dma_wait3A_56 = tpu.memref_slice %arg4[%add3A_48, %dma_wait3A_55] : memref<16384x256xf32, #tpu.memory_space<hbm>> -> memref<128x256xf32, #tpu.memory_space<hbm>>
      tpu.wait_dma2 semaphore(%run_scoped3A : memref<!tpu.dma_semaphore, #tpu.memory_space<semaphore_mem>>) src(%arg7 : memref<128x256xf32, #tpu.memory_space<vmem>>) dst(%dma_wait3A_56 : memref<128x256xf32, #tpu.memory_space<hbm>>)
      tpu.yield
    }) : () -> ()
    return
  }
}

module attributes {stable_mosaic.version = 14 : i64} {
  func.func @_argmin_body(%arg0: i32, %arg1: i32, %arg2: memref<4096x256xbf16, #tpu.memory_space<vmem>>, %arg3: memref<1x4096xf32, #tpu.memory_space<vmem>>, %arg4: memref<2736x256xbf16, #tpu.memory_space<vmem>>, %arg5: memref<2736x1xf32, #tpu.memory_space<vmem>>, %arg6: memref<4096xi32, #tpu.memory_space<vmem>>, %arg7: memref<1x1xf32, #tpu.memory_space<smem>>, %arg8: memref<4x4096xf32, #tpu.memory_space<vmem>>, %arg9: memref<4x4096xi32, #tpu.memory_space<vmem>>, %arg10: memref<4x4096xf32, #tpu.memory_space<vmem>>, %arg11: memref<1xf32, #tpu.memory_space<smem>>) attributes {dimension_semantics = [#tpu.dimension_semantics<arbitrary>, #tpu.dimension_semantics<arbitrary>], iteration_bounds = array<i64: 3, 4>, scalar_prefetch = 0 : i64, scratch_operands = 4 : i64, tpu.core_type = #tpu.core_type<tc>, window_params = [{transform_indices = @transform_0, window_bounds = array<i64: 4096, 256>}, {transform_indices = @transform_1, window_bounds = array<i64: 1, 4096>}, {transform_indices = @transform_2, window_bounds = array<i64: 2736, 256>}, {transform_indices = @transform_3, window_bounds = array<i64: 2736, 1>}, {transform_indices = @transform_4, window_bounds = array<i64: 4096>}, {transform_indices = @transform_5, window_bounds = array<i64: 1, 1>}]} {
    %get3A = arith.constant 0 : index
    %get3A_0 = arith.constant 0 : index
    %get3A_1 = vector.load %arg2[%get3A, %get3A_0] : memref<4096x256xbf16, #tpu.memory_space<vmem>>, vector<4096x256xbf16>
    %get3A_2 = arith.constant 0 : index
    %get3A_3 = arith.constant 0 : index
    %get3A_4 = vector.load %arg4[%get3A_2, %get3A_3] : memref<2736x256xbf16, #tpu.memory_space<vmem>>, vector<2736x256xbf16>
    %dot_general3A = arith.constant dense<0.000000e+00> : vector<2736x4096xf32>
    %dot_general3A_5 = tpu.matmul %get3A_4, %get3A_1, %dot_general3A {dimension_numbers = #tpu.dot_dimension_numbers<[1], [1], [0], [0], [0, 0, 1, 0], [], []>, transpose_lhs_hint = false} : vector<2736x256xbf16>, vector<4096x256xbf16>, vector<2736x4096xf32> -> vector<2736x4096xf32>
    %get3A_6 = arith.constant 0 : index
    %get3A_7 = arith.constant 0 : index
    %get3A_8 = vector.load %arg3[%get3A_6, %get3A_7] : memref<1x4096xf32, #tpu.memory_space<vmem>>, vector<1x4096xf32>
    %get3A_9 = arith.constant 0 : index
    %get3A_10 = arith.constant 0 : index
    %get3A_11 = vector.load %arg5[%get3A_9, %get3A_10] : memref<2736x1xf32, #tpu.memory_space<vmem>>, vector<8x1xf32>
    %add3A = vector.broadcast %get3A_8 : vector<1x4096xf32> to vector<8x4096xf32>
    %add3A_12 = vector.broadcast %get3A_11 : vector<8x1xf32> to vector<8x4096xf32>
    %add3A_13 = arith.addf %add3A, %add3A_12 : vector<8x4096xf32>
    %slice3A = vector.extract_strided_slice %dot_general3A_5 {offsets = [0, 0], sizes = [8, 4096], strides = [1, 1]} : vector<2736x4096xf32> to vector<8x4096xf32>
    %add3A_14 = arith.addf %add3A_13, %slice3A : vector<8x4096xf32>
    %broadcast_in_dim3A = arith.constant 0 : i32
    %broadcast_in_dim3A_15 = vector.broadcast %broadcast_in_dim3A : i32 to vector<8x4096xi32>
    %get3A_16 = arith.constant 8 : index
    %get3A_17 = arith.constant 0 : index
    %get3A_18 = vector.load %arg5[%get3A_16, %get3A_17] : memref<2736x1xf32, #tpu.memory_space<vmem>>, vector<8x1xf32>
    %add3A_19 = vector.broadcast %get3A_8 : vector<1x4096xf32> to vector<8x4096xf32>
    %add3A_20 = vector.broadcast %get3A_18 : vector<8x1xf32> to vector<8x4096xf32>
    %add3A_21 = arith.addf %add3A_19, %add3A_20 : vector<8x4096xf32>
    %slice3A_22 = vector.extract_strided_slice %dot_general3A_5 {offsets = [8, 0], sizes = [8, 4096], strides = [1, 1]} : vector<2736x4096xf32> to vector<8x4096xf32>
    %add3A_23 = arith.addf %add3A_21, %slice3A_22 : vector<8x4096xf32>
    %lt3A = arith.cmpf olt, %add3A_23, %add3A_14 : vector<8x4096xf32>
    %select_n3A = arith.select %lt3A, %add3A_23, %add3A_14 : vector<8x4096xi1>, vector<8x4096xf32>
    %jit3A = arith.constant 1 : i32
    %broadcast_in_dim3A_24 = vector.broadcast %jit3A : i32 to vector<8x4096xi32>
    %select_n3A_25 = arith.select %lt3A, %broadcast_in_dim3A_24, %broadcast_in_dim3A_15 : vector<8x4096xi1>, vector<8x4096xi32>
    %get3A_26 = arith.constant 16 : index
    %get3A_27 = arith.constant 0 : index
    %get3A_28 = vector.load %arg5[%get3A_26, %get3A_27] : memref<2736x1xf32, #tpu.memory_space<vmem>>, vector<8x1xf32>
    %add3A_29 = vector.broadcast %get3A_8 : vector<1x4096xf32> to vector<8x4096xf32>
    %add3A_30 = vector.broadcast %get3A_28 : vector<8x1xf32> to vector<8x4096xf32>
    %add3A_31 = arith.addf %add3A_29, %add3A_30 : vector<8x4096xf32>
    %slice3A_32 = vector.extract_strided_slice %dot_general3A_5 {offsets = [16, 0], sizes = [8, 4096], strides = [1, 1]} : vector<2736x4096xf32> to vector<8x4096xf32>
    %add3A_33 = arith.addf %add3A_31, %slice3A_32 : vector<8x4096xf32>
    %lt3A_34 = arith.cmpf olt, %add3A_33, %select_n3A : vector<8x4096xf32>
    %select_n3A_35 = arith.select %lt3A_34, %add3A_33, %select_n3A : vector<8x4096xi1>, vector<8x4096xf32>
    %jit3A_36 = arith.constant 2 : i32
    %broadcast_in_dim3A_37 = vector.broadcast %jit3A_36 : i32 to vector<8x4096xi32>
    %select_n3A_38 = arith.select %lt3A_34, %broadcast_in_dim3A_37, %select_n3A_25 : vector<8x4096xi1>, vector<8x4096xi32>
    %get3A_39 = arith.constant 24 : index
    %get3A_40 = arith.constant 0 : index
    %get3A_41 = vector.load %arg5[%get3A_39, %get3A_40] : memref<2736x1xf32, #tpu.memory_space<vmem>>, vector<8x1xf32>
    %add3A_42 = vector.broadcast %get3A_8 : vector<1x4096xf32> to vector<8x4096xf32>
    %add3A_43 = vector.broadcast %get3A_41 : vector<8x1xf32> to vector<8x4096xf32>
    %add3A_44 = arith.addf %add3A_42, %add3A_43 : vector<8x4096xf32>
    %slice3A_45 = vector.extract_strided_slice %dot_general3A_5 {offsets = [24, 0], sizes = [8, 4096], strides = [1, 1]} : vector<2736x4096xf32> to vector<8x4096xf32>
    %add3A_46 = arith.addf %add3A_44, %slice3A_45 : vector<8x4096xf32>
    %lt3A_47 = arith.cmpf olt, %add3A_46, %select_n3A_35 : vector<8x4096xf32>
    %select_n3A_48 = arith.select %lt3A_47, %add3A_46, %select_n3A_35 : vector<8x4096xi1>, vector<8x4096xf32>
    %jit3A_49 = arith.constant 3 : i32
    %broadcast_in_dim3A_50 = vector.broadcast %jit3A_49 : i32 to vector<8x4096xi32>
    %select_n3A_51 = arith.select %lt3A_47, %broadcast_in_dim3A_50, %select_n3A_38 : vector<8x4096xi1>, vector<8x4096xi32>
    %get3A_52 = arith.constant 32 : index
    %get3A_53 = arith.constant 0 : index
    %get3A_54 = vector.load %arg5[%get3A_52, %get3A_53] : memref<2736x1xf32, #tpu.memory_space<vmem>>, vector<8x1xf32>
    %add3A_55 = vector.broadcast %get3A_8 : vector<1x4096xf32> to vector<8x4096xf32>
    %add3A_56 = vector.broadcast %get3A_54 : vector<8x1xf32> to vector<8x4096xf32>
    %add3A_57 = arith.addf %add3A_55, %add3A_56 : vector<8x4096xf32>
    %slice3A_58 = vector.extract_strided_slice %dot_general3A_5 {offsets = [32, 0], sizes = [8, 4096], strides = [1, 1]} : vector<2736x4096xf32> to vector<8x4096xf32>
    %add3A_59 = arith.addf %add3A_57, %slice3A_58 : vector<8x4096xf32>
    %lt3A_60 = arith.cmpf olt, %add3A_59, %select_n3A_48 : vector<8x4096xf32>
    %select_n3A_61 = arith.select %lt3A_60, %add3A_59, %select_n3A_48 : vector<8x4096xi1>, vector<8x4096xf32>
    %jit3A_62 = arith.constant 4 : i32
    %broadcast_in_dim3A_63 = vector.broadcast %jit3A_62 : i32 to vector<8x4096xi32>
    %select_n3A_64 = arith.select %lt3A_60, %broadcast_in_dim3A_63, %select_n3A_51 : vector<8x4096xi1>, vector<8x4096xi32>
    %get3A_65 = arith.constant 40 : index
    %get3A_66 = arith.constant 0 : index
    %get3A_67 = vector.load %arg5[%get3A_65, %get3A_66] : memref<2736x1xf32, #tpu.memory_space<vmem>>, vector<8x1xf32>
    %add3A_68 = vector.broadcast %get3A_8 : vector<1x4096xf32> to vector<8x4096xf32>
    %add3A_69 = vector.broadcast %get3A_67 : vector<8x1xf32> to vector<8x4096xf32>
    %add3A_70 = arith.addf %add3A_68, %add3A_69 : vector<8x4096xf32>
    %slice3A_71 = vector.extract_strided_slice %dot_general3A_5 {offsets = [40, 0], sizes = [8, 4096], strides = [1, 1]} : vector<2736x4096xf32> to vector<8x4096xf32>
    %add3A_72 = arith.addf %add3A_70, %slice3A_71 : vector<8x4096xf32>
    %lt3A_73 = arith.cmpf olt, %add3A_72, %select_n3A_61 : vector<8x4096xf32>
    %select_n3A_74 = arith.select %lt3A_73, %add3A_72, %select_n3A_61 : vector<8x4096xi1>, vector<8x4096xf32>
    %jit3A_75 = arith.constant 5 : i32
    %broadcast_in_dim3A_76 = vector.broadcast %jit3A_75 : i32 to vector<8x4096xi32>
    %select_n3A_77 = arith.select %lt3A_73, %broadcast_in_dim3A_76, %select_n3A_64 : vector<8x4096xi1>, vector<8x4096xi32>
    %get3A_78 = arith.constant 48 : index
    %get3A_79 = arith.constant 0 : index
    %get3A_80 = vector.load %arg5[%get3A_78, %get3A_79] : memref<2736x1xf32, #tpu.memory_space<vmem>>, vector<8x1xf32>
    %add3A_81 = vector.broadcast %get3A_8 : vector<1x4096xf32> to vector<8x4096xf32>
    %add3A_82 = vector.broadcast %get3A_80 : vector<8x1xf32> to vector<8x4096xf32>
    %add3A_83 = arith.addf %add3A_81, %add3A_82 : vector<8x4096xf32>
    %slice3A_84 = vector.extract_strided_slice %dot_general3A_5 {offsets = [48, 0], sizes = [8, 4096], strides = [1, 1]} : vector<2736x4096xf32> to vector<8x4096xf32>
    %add3A_85 = arith.addf %add3A_83, %slice3A_84 : vector<8x4096xf32>
    %lt3A_86 = arith.cmpf olt, %add3A_85, %select_n3A_74 : vector<8x4096xf32>
    %select_n3A_87 = arith.select %lt3A_86, %add3A_85, %select_n3A_74 : vector<8x4096xi1>, vector<8x4096xf32>
    %jit3A_88 = arith.constant 6 : i32
    %broadcast_in_dim3A_89 = vector.broadcast %jit3A_88 : i32 to vector<8x4096xi32>
    %select_n3A_90 = arith.select %lt3A_86, %broadcast_in_dim3A_89, %select_n3A_77 : vector<8x4096xi1>, vector<8x4096xi32>
    %get3A_91 = arith.constant 56 : index
    %get3A_92 = arith.constant 0 : index
    %get3A_93 = vector.load %arg5[%get3A_91, %get3A_92] : memref<2736x1xf32, #tpu.memory_space<vmem>>, vector<8x1xf32>
    %add3A_94 = vector.broadcast %get3A_8 : vector<1x4096xf32> to vector<8x4096xf32>
    %add3A_95 = vector.broadcast %get3A_93 : vector<8x1xf32> to vector<8x4096xf32>
    %add3A_96 = arith.addf %add3A_94, %add3A_95 : vector<8x4096xf32>
    %slice3A_97 = vector.extract_strided_slice %dot_general3A_5 {offsets = [56, 0], sizes = [8, 4096], strides = [1, 1]} : vector<2736x4096xf32> to vector<8x4096xf32>
    %add3A_98 = arith.addf %add3A_96, %slice3A_97 : vector<8x4096xf32>
    %lt3A_99 = arith.cmpf olt, %add3A_98, %select_n3A_87 : vector<8x4096xf32>
    %select_n3A_100 = arith.select %lt3A_99, %add3A_98, %select_n3A_87 : vector<8x4096xi1>, vector<8x4096xf32>
    %jit3A_101 = arith.constant 7 : i32
    %broadcast_in_dim3A_102 = vector.broadcast %jit3A_101 : i32 to vector<8x4096xi32>
    %select_n3A_103 = arith.select %lt3A_99, %broadcast_in_dim3A_102, %select_n3A_90 : vector<8x4096xi1>, vector<8x4096xi32>
    %get3A_104 = arith.constant 64 : index
    %get3A_105 = arith.constant 0 : index
    %get3A_106 = vector.load %arg5[%get3A_104, %get3A_105] : memref<2736x1xf32, #tpu.memory_space<vmem>>, vector<8x1xf32>
    %add3A_107 = vector.broadcast %get3A_8 : vector<1x4096xf32> to vector<8x4096xf32>
    %add3A_108 = vector.broadcast %get3A_106 : vector<8x1xf32> to vector<8x4096xf32>
    %add3A_109 = arith.addf %add3A_107, %add3A_108 : vector<8x4096xf32>
    %slice3A_110 = vector.extract_strided_slice %dot_general3A_5 {offsets = [64, 0], sizes = [8, 4096], strides = [1, 1]} : vector<2736x4096xf32> to vector<8x4096xf32>
    %add3A_111 = arith.addf %add3A_109, %slice3A_110 : vector<8x4096xf32>
    %lt3A_112 = arith.cmpf olt, %add3A_111, %select_n3A_100 : vector<8x4096xf32>
    %select_n3A_113 = arith.select %lt3A_112, %add3A_111, %select_n3A_100 : vector<8x4096xi1>, vector<8x4096xf32>
    %jit3A_114 = arith.constant 8 : i32
    %broadcast_in_dim3A_115 = vector.broadcast %jit3A_114 : i32 to vector<8x4096xi32>
    %select_n3A_116 = arith.select %lt3A_112, %broadcast_in_dim3A_115, %select_n3A_103 : vector<8x4096xi1>, vector<8x4096xi32>
    %get3A_117 = arith.constant 72 : index
    %get3A_118 = arith.constant 0 : index
    %get3A_119 = vector.load %arg5[%get3A_117, %get3A_118] : memref<2736x1xf32, #tpu.memory_space<vmem>>, vector<8x1xf32>
    %add3A_120 = vector.broadcast %get3A_8 : vector<1x4096xf32> to vector<8x4096xf32>
    %add3A_121 = vector.broadcast %get3A_119 : vector<8x1xf32> to vector<8x4096xf32>
    %add3A_122 = arith.addf %add3A_120, %add3A_121 : vector<8x4096xf32>
    %slice3A_123 = vector.extract_strided_slice %dot_general3A_5 {offsets = [72, 0], sizes = [8, 4096], strides = [1, 1]} : vector<2736x4096xf32> to vector<8x4096xf32>
    %add3A_124 = arith.addf %add3A_122, %slice3A_123 : vector<8x4096xf32>
    %lt3A_125 = arith.cmpf olt, %add3A_124, %select_n3A_113 : vector<8x4096xf32>
    %select_n3A_126 = arith.select %lt3A_125, %add3A_124, %select_n3A_113 : vector<8x4096xi1>, vector<8x4096xf32>
    %jit3A_127 = arith.constant 9 : i32
    %broadcast_in_dim3A_128 = vector.broadcast %jit3A_127 : i32 to vector<8x4096xi32>
    %select_n3A_129 = arith.select %lt3A_125, %broadcast_in_dim3A_128, %select_n3A_116 : vector<8x4096xi1>, vector<8x4096xi32>
    %get3A_130 = arith.constant 80 : index
    %get3A_131 = arith.constant 0 : index
    %get3A_132 = vector.load %arg5[%get3A_130, %get3A_131] : memref<2736x1xf32, #tpu.memory_space<vmem>>, vector<8x1xf32>
    %add3A_133 = vector.broadcast %get3A_8 : vector<1x4096xf32> to vector<8x4096xf32>
    %add3A_134 = vector.broadcast %get3A_132 : vector<8x1xf32> to vector<8x4096xf32>
    %add3A_135 = arith.addf %add3A_133, %add3A_134 : vector<8x4096xf32>
    %slice3A_136 = vector.extract_strided_slice %dot_general3A_5 {offsets = [80, 0], sizes = [8, 4096], strides = [1, 1]} : vector<2736x4096xf32> to vector<8x4096xf32>
    %add3A_137 = arith.addf %add3A_135, %slice3A_136 : vector<8x4096xf32>
    %lt3A_138 = arith.cmpf olt, %add3A_137, %select_n3A_126 : vector<8x4096xf32>
    %select_n3A_139 = arith.select %lt3A_138, %add3A_137, %select_n3A_126 : vector<8x4096xi1>, vector<8x4096xf32>
    %jit3A_140 = arith.constant 10 : i32
    %broadcast_in_dim3A_141 = vector.broadcast %jit3A_140 : i32 to vector<8x4096xi32>
    %select_n3A_142 = arith.select %lt3A_138, %broadcast_in_dim3A_141, %select_n3A_129 : vector<8x4096xi1>, vector<8x4096xi32>
    %get3A_143 = arith.constant 88 : index
    %get3A_144 = arith.constant 0 : index
    %get3A_145 = vector.load %arg5[%get3A_143, %get3A_144] : memref<2736x1xf32, #tpu.memory_space<vmem>>, vector<8x1xf32>
    %add3A_146 = vector.broadcast %get3A_8 : vector<1x4096xf32> to vector<8x4096xf32>
    %add3A_147 = vector.broadcast %get3A_145 : vector<8x1xf32> to vector<8x4096xf32>
    %add3A_148 = arith.addf %add3A_146, %add3A_147 : vector<8x4096xf32>
    %slice3A_149 = vector.extract_strided_slice %dot_general3A_5 {offsets = [88, 0], sizes = [8, 4096], strides = [1, 1]} : vector<2736x4096xf32> to vector<8x4096xf32>
    %add3A_150 = arith.addf %add3A_148, %slice3A_149 : vector<8x4096xf32>
    %lt3A_151 = arith.cmpf olt, %add3A_150, %select_n3A_139 : vector<8x4096xf32>
    %select_n3A_152 = arith.select %lt3A_151, %add3A_150, %select_n3A_139 : vector<8x4096xi1>, vector<8x4096xf32>
    %jit3A_153 = arith.constant 11 : i32
    %broadcast_in_dim3A_154 = vector.broadcast %jit3A_153 : i32 to vector<8x4096xi32>
    %select_n3A_155 = arith.select %lt3A_151, %broadcast_in_dim3A_154, %select_n3A_142 : vector<8x4096xi1>, vector<8x4096xi32>
    %get3A_156 = arith.constant 96 : index
    %get3A_157 = arith.constant 0 : index
    %get3A_158 = vector.load %arg5[%get3A_156, %get3A_157] : memref<2736x1xf32, #tpu.memory_space<vmem>>, vector<8x1xf32>
    %add3A_159 = vector.broadcast %get3A_8 : vector<1x4096xf32> to vector<8x4096xf32>
    %add3A_160 = vector.broadcast %get3A_158 : vector<8x1xf32> to vector<8x4096xf32>
    %add3A_161 = arith.addf %add3A_159, %add3A_160 : vector<8x4096xf32>
    %slice3A_162 = vector.extract_strided_slice %dot_general3A_5 {offsets = [96, 0], sizes = [8, 4096], strides = [1, 1]} : vector<2736x4096xf32> to vector<8x4096xf32>
    %add3A_163 = arith.addf %add3A_161, %slice3A_162 : vector<8x4096xf32>
    %lt3A_164 = arith.cmpf olt, %add3A_163, %select_n3A_152 : vector<8x4096xf32>
    %select_n3A_165 = arith.select %lt3A_164, %add3A_163, %select_n3A_152 : vector<8x4096xi1>, vector<8x4096xf32>
    %jit3A_166 = arith.constant 12 : i32
    %broadcast_in_dim3A_167 = vector.broadcast %jit3A_166 : i32 to vector<8x4096xi32>
    %select_n3A_168 = arith.select %lt3A_164, %broadcast_in_dim3A_167, %select_n3A_155 : vector<8x4096xi1>, vector<8x4096xi32>
    %get3A_169 = arith.constant 104 : index
    %get3A_170 = arith.constant 0 : index
    %get3A_171 = vector.load %arg5[%get3A_169, %get3A_170] : memref<2736x1xf32, #tpu.memory_space<vmem>>, vector<8x1xf32>
    %add3A_172 = vector.broadcast %get3A_8 : vector<1x4096xf32> to vector<8x4096xf32>
    %add3A_173 = vector.broadcast %get3A_171 : vector<8x1xf32> to vector<8x4096xf32>
    %add3A_174 = arith.addf %add3A_172, %add3A_173 : vector<8x4096xf32>
    %slice3A_175 = vector.extract_strided_slice %dot_general3A_5 {offsets = [104, 0], sizes = [8, 4096], strides = [1, 1]} : vector<2736x4096xf32> to vector<8x4096xf32>
    %add3A_176 = arith.addf %add3A_174, %slice3A_175 : vector<8x4096xf32>
    %lt3A_177 = arith.cmpf olt, %add3A_176, %select_n3A_165 : vector<8x4096xf32>
    %select_n3A_178 = arith.select %lt3A_177, %add3A_176, %select_n3A_165 : vector<8x4096xi1>, vector<8x4096xf32>
    %jit3A_179 = arith.constant 13 : i32
    %broadcast_in_dim3A_180 = vector.broadcast %jit3A_179 : i32 to vector<8x4096xi32>
    %select_n3A_181 = arith.select %lt3A_177, %broadcast_in_dim3A_180, %select_n3A_168 : vector<8x4096xi1>, vector<8x4096xi32>
    %get3A_182 = arith.constant 112 : index
    %get3A_183 = arith.constant 0 : index
    %get3A_184 = vector.load %arg5[%get3A_182, %get3A_183] : memref<2736x1xf32, #tpu.memory_space<vmem>>, vector<8x1xf32>
    %add3A_185 = vector.broadcast %get3A_8 : vector<1x4096xf32> to vector<8x4096xf32>
    %add3A_186 = vector.broadcast %get3A_184 : vector<8x1xf32> to vector<8x4096xf32>
    %add3A_187 = arith.addf %add3A_185, %add3A_186 : vector<8x4096xf32>
    %slice3A_188 = vector.extract_strided_slice %dot_general3A_5 {offsets = [112, 0], sizes = [8, 4096], strides = [1, 1]} : vector<2736x4096xf32> to vector<8x4096xf32>
    %add3A_189 = arith.addf %add3A_187, %slice3A_188 : vector<8x4096xf32>
    %lt3A_190 = arith.cmpf olt, %add3A_189, %select_n3A_178 : vector<8x4096xf32>
    %select_n3A_191 = arith.select %lt3A_190, %add3A_189, %select_n3A_178 : vector<8x4096xi1>, vector<8x4096xf32>
    %jit3A_192 = arith.constant 14 : i32
    %broadcast_in_dim3A_193 = vector.broadcast %jit3A_192 : i32 to vector<8x4096xi32>
    %select_n3A_194 = arith.select %lt3A_190, %broadcast_in_dim3A_193, %select_n3A_181 : vector<8x4096xi1>, vector<8x4096xi32>
    %get3A_195 = arith.constant 120 : index
    %get3A_196 = arith.constant 0 : index
    %get3A_197 = vector.load %arg5[%get3A_195, %get3A_196] : memref<2736x1xf32, #tpu.memory_space<vmem>>, vector<8x1xf32>
    %add3A_198 = vector.broadcast %get3A_8 : vector<1x4096xf32> to vector<8x4096xf32>
    %add3A_199 = vector.broadcast %get3A_197 : vector<8x1xf32> to vector<8x4096xf32>
    %add3A_200 = arith.addf %add3A_198, %add3A_199 : vector<8x4096xf32>
    %slice3A_201 = vector.extract_strided_slice %dot_general3A_5 {offsets = [120, 0], sizes = [8, 4096], strides = [1, 1]} : vector<2736x4096xf32> to vector<8x4096xf32>
    %add3A_202 = arith.addf %add3A_200, %slice3A_201 : vector<8x4096xf32>
    %lt3A_203 = arith.cmpf olt, %add3A_202, %select_n3A_191 : vector<8x4096xf32>
    %select_n3A_204 = arith.select %lt3A_203, %add3A_202, %select_n3A_191 : vector<8x4096xi1>, vector<8x4096xf32>
    %jit3A_205 = arith.constant 15 : i32
    %broadcast_in_dim3A_206 = vector.broadcast %jit3A_205 : i32 to vector<8x4096xi32>
    %select_n3A_207 = arith.select %lt3A_203, %broadcast_in_dim3A_206, %select_n3A_194 : vector<8x4096xi1>, vector<8x4096xi32>
    %get3A_208 = arith.constant 128 : index
    %get3A_209 = arith.constant 0 : index
    %get3A_210 = vector.load %arg5[%get3A_208, %get3A_209] : memref<2736x1xf32, #tpu.memory_space<vmem>>, vector<8x1xf32>
    %add3A_211 = vector.broadcast %get3A_8 : vector<1x4096xf32> to vector<8x4096xf32>
    %add3A_212 = vector.broadcast %get3A_210 : vector<8x1xf32> to vector<8x4096xf32>
    %add3A_213 = arith.addf %add3A_211, %add3A_212 : vector<8x4096xf32>
    %slice3A_214 = vector.extract_strided_slice %dot_general3A_5 {offsets = [128, 0], sizes = [8, 4096], strides = [1, 1]} : vector<2736x4096xf32> to vector<8x4096xf32>
    %add3A_215 = arith.addf %add3A_213, %slice3A_214 : vector<8x4096xf32>
    %lt3A_216 = arith.cmpf olt, %add3A_215, %select_n3A_204 : vector<8x4096xf32>
    %select_n3A_217 = arith.select %lt3A_216, %add3A_215, %select_n3A_204 : vector<8x4096xi1>, vector<8x4096xf32>
    %jit3A_218 = arith.constant 16 : i32
    %broadcast_in_dim3A_219 = vector.broadcast %jit3A_218 : i32 to vector<8x4096xi32>
    %select_n3A_220 = arith.select %lt3A_216, %broadcast_in_dim3A_219, %select_n3A_207 : vector<8x4096xi1>, vector<8x4096xi32>
    %get3A_221 = arith.constant 136 : index
    %get3A_222 = arith.constant 0 : index
    %get3A_223 = vector.load %arg5[%get3A_221, %get3A_222] : memref<2736x1xf32, #tpu.memory_space<vmem>>, vector<8x1xf32>
    %add3A_224 = vector.broadcast %get3A_8 : vector<1x4096xf32> to vector<8x4096xf32>
    %add3A_225 = vector.broadcast %get3A_223 : vector<8x1xf32> to vector<8x4096xf32>
    %add3A_226 = arith.addf %add3A_224, %add3A_225 : vector<8x4096xf32>
    %slice3A_227 = vector.extract_strided_slice %dot_general3A_5 {offsets = [136, 0], sizes = [8, 4096], strides = [1, 1]} : vector<2736x4096xf32> to vector<8x4096xf32>
    %add3A_228 = arith.addf %add3A_226, %slice3A_227 : vector<8x4096xf32>
    %lt3A_229 = arith.cmpf olt, %add3A_228, %select_n3A_217 : vector<8x4096xf32>
    %select_n3A_230 = arith.select %lt3A_229, %add3A_228, %select_n3A_217 : vector<8x4096xi1>, vector<8x4096xf32>
    %jit3A_231 = arith.constant 17 : i32
    %broadcast_in_dim3A_232 = vector.broadcast %jit3A_231 : i32 to vector<8x4096xi32>
    %select_n3A_233 = arith.select %lt3A_229, %broadcast_in_dim3A_232, %select_n3A_220 : vector<8x4096xi1>, vector<8x4096xi32>
    %get3A_234 = arith.constant 144 : index
    %get3A_235 = arith.constant 0 : index
    %get3A_236 = vector.load %arg5[%get3A_234, %get3A_235] : memref<2736x1xf32, #tpu.memory_space<vmem>>, vector<8x1xf32>
    %add3A_237 = vector.broadcast %get3A_8 : vector<1x4096xf32> to vector<8x4096xf32>
    %add3A_238 = vector.broadcast %get3A_236 : vector<8x1xf32> to vector<8x4096xf32>
    %add3A_239 = arith.addf %add3A_237, %add3A_238 : vector<8x4096xf32>
    %slice3A_240 = vector.extract_strided_slice %dot_general3A_5 {offsets = [144, 0], sizes = [8, 4096], strides = [1, 1]} : vector<2736x4096xf32> to vector<8x4096xf32>
    %add3A_241 = arith.addf %add3A_239, %slice3A_240 : vector<8x4096xf32>
    %lt3A_242 = arith.cmpf olt, %add3A_241, %select_n3A_230 : vector<8x4096xf32>
    %select_n3A_243 = arith.select %lt3A_242, %add3A_241, %select_n3A_230 : vector<8x4096xi1>, vector<8x4096xf32>
    %jit3A_244 = arith.constant 18 : i32
    %broadcast_in_dim3A_245 = vector.broadcast %jit3A_244 : i32 to vector<8x4096xi32>
    %select_n3A_246 = arith.select %lt3A_242, %broadcast_in_dim3A_245, %select_n3A_233 : vector<8x4096xi1>, vector<8x4096xi32>
    %get3A_247 = arith.constant 152 : index
    %get3A_248 = arith.constant 0 : index
    %get3A_249 = vector.load %arg5[%get3A_247, %get3A_248] : memref<2736x1xf32, #tpu.memory_space<vmem>>, vector<8x1xf32>
    %add3A_250 = vector.broadcast %get3A_8 : vector<1x4096xf32> to vector<8x4096xf32>
    %add3A_251 = vector.broadcast %get3A_249 : vector<8x1xf32> to vector<8x4096xf32>
    %add3A_252 = arith.addf %add3A_250, %add3A_251 : vector<8x4096xf32>
    %slice3A_253 = vector.extract_strided_slice %dot_general3A_5 {offsets = [152, 0], sizes = [8, 4096], strides = [1, 1]} : vector<2736x4096xf32> to vector<8x4096xf32>
    %add3A_254 = arith.addf %add3A_252, %slice3A_253 : vector<8x4096xf32>
    %lt3A_255 = arith.cmpf olt, %add3A_254, %select_n3A_243 : vector<8x4096xf32>
    %select_n3A_256 = arith.select %lt3A_255, %add3A_254, %select_n3A_243 : vector<8x4096xi1>, vector<8x4096xf32>
    %jit3A_257 = arith.constant 19 : i32
    %broadcast_in_dim3A_258 = vector.broadcast %jit3A_257 : i32 to vector<8x4096xi32>
    %select_n3A_259 = arith.select %lt3A_255, %broadcast_in_dim3A_258, %select_n3A_246 : vector<8x4096xi1>, vector<8x4096xi32>
    %get3A_260 = arith.constant 160 : index
    %get3A_261 = arith.constant 0 : index
    %get3A_262 = vector.load %arg5[%get3A_260, %get3A_261] : memref<2736x1xf32, #tpu.memory_space<vmem>>, vector<8x1xf32>
    %add3A_263 = vector.broadcast %get3A_8 : vector<1x4096xf32> to vector<8x4096xf32>
    %add3A_264 = vector.broadcast %get3A_262 : vector<8x1xf32> to vector<8x4096xf32>
    %add3A_265 = arith.addf %add3A_263, %add3A_264 : vector<8x4096xf32>
    %slice3A_266 = vector.extract_strided_slice %dot_general3A_5 {offsets = [160, 0], sizes = [8, 4096], strides = [1, 1]} : vector<2736x4096xf32> to vector<8x4096xf32>
    %add3A_267 = arith.addf %add3A_265, %slice3A_266 : vector<8x4096xf32>
    %lt3A_268 = arith.cmpf olt, %add3A_267, %select_n3A_256 : vector<8x4096xf32>
    %select_n3A_269 = arith.select %lt3A_268, %add3A_267, %select_n3A_256 : vector<8x4096xi1>, vector<8x4096xf32>
    %jit3A_270 = arith.constant 20 : i32
    %broadcast_in_dim3A_271 = vector.broadcast %jit3A_270 : i32 to vector<8x4096xi32>
    %select_n3A_272 = arith.select %lt3A_268, %broadcast_in_dim3A_271, %select_n3A_259 : vector<8x4096xi1>, vector<8x4096xi32>
    %get3A_273 = arith.constant 168 : index
    %get3A_274 = arith.constant 0 : index
    %get3A_275 = vector.load %arg5[%get3A_273, %get3A_274] : memref<2736x1xf32, #tpu.memory_space<vmem>>, vector<8x1xf32>
    %add3A_276 = vector.broadcast %get3A_8 : vector<1x4096xf32> to vector<8x4096xf32>
    %add3A_277 = vector.broadcast %get3A_275 : vector<8x1xf32> to vector<8x4096xf32>
    %add3A_278 = arith.addf %add3A_276, %add3A_277 : vector<8x4096xf32>
    %slice3A_279 = vector.extract_strided_slice %dot_general3A_5 {offsets = [168, 0], sizes = [8, 4096], strides = [1, 1]} : vector<2736x4096xf32> to vector<8x4096xf32>
    %add3A_280 = arith.addf %add3A_278, %slice3A_279 : vector<8x4096xf32>
    %lt3A_281 = arith.cmpf olt, %add3A_280, %select_n3A_269 : vector<8x4096xf32>
    %select_n3A_282 = arith.select %lt3A_281, %add3A_280, %select_n3A_269 : vector<8x4096xi1>, vector<8x4096xf32>
    %jit3A_283 = arith.constant 21 : i32
    %broadcast_in_dim3A_284 = vector.broadcast %jit3A_283 : i32 to vector<8x4096xi32>
    %select_n3A_285 = arith.select %lt3A_281, %broadcast_in_dim3A_284, %select_n3A_272 : vector<8x4096xi1>, vector<8x4096xi32>
    %get3A_286 = arith.constant 176 : index
    %get3A_287 = arith.constant 0 : index
    %get3A_288 = vector.load %arg5[%get3A_286, %get3A_287] : memref<2736x1xf32, #tpu.memory_space<vmem>>, vector<8x1xf32>
    %add3A_289 = vector.broadcast %get3A_8 : vector<1x4096xf32> to vector<8x4096xf32>
    %add3A_290 = vector.broadcast %get3A_288 : vector<8x1xf32> to vector<8x4096xf32>
    %add3A_291 = arith.addf %add3A_289, %add3A_290 : vector<8x4096xf32>
    %slice3A_292 = vector.extract_strided_slice %dot_general3A_5 {offsets = [176, 0], sizes = [8, 4096], strides = [1, 1]} : vector<2736x4096xf32> to vector<8x4096xf32>
    %add3A_293 = arith.addf %add3A_291, %slice3A_292 : vector<8x4096xf32>
    %lt3A_294 = arith.cmpf olt, %add3A_293, %select_n3A_282 : vector<8x4096xf32>
    %select_n3A_295 = arith.select %lt3A_294, %add3A_293, %select_n3A_282 : vector<8x4096xi1>, vector<8x4096xf32>
    %jit3A_296 = arith.constant 22 : i32
    %broadcast_in_dim3A_297 = vector.broadcast %jit3A_296 : i32 to vector<8x4096xi32>
    %select_n3A_298 = arith.select %lt3A_294, %broadcast_in_dim3A_297, %select_n3A_285 : vector<8x4096xi1>, vector<8x4096xi32>
    %get3A_299 = arith.constant 184 : index
    %get3A_300 = arith.constant 0 : index
    %get3A_301 = vector.load %arg5[%get3A_299, %get3A_300] : memref<2736x1xf32, #tpu.memory_space<vmem>>, vector<8x1xf32>
    %add3A_302 = vector.broadcast %get3A_8 : vector<1x4096xf32> to vector<8x4096xf32>
    %add3A_303 = vector.broadcast %get3A_301 : vector<8x1xf32> to vector<8x4096xf32>
    %add3A_304 = arith.addf %add3A_302, %add3A_303 : vector<8x4096xf32>
    %slice3A_305 = vector.extract_strided_slice %dot_general3A_5 {offsets = [184, 0], sizes = [8, 4096], strides = [1, 1]} : vector<2736x4096xf32> to vector<8x4096xf32>
    %add3A_306 = arith.addf %add3A_304, %slice3A_305 : vector<8x4096xf32>
    %lt3A_307 = arith.cmpf olt, %add3A_306, %select_n3A_295 : vector<8x4096xf32>
    %select_n3A_308 = arith.select %lt3A_307, %add3A_306, %select_n3A_295 : vector<8x4096xi1>, vector<8x4096xf32>
    %jit3A_309 = arith.constant 23 : i32
    %broadcast_in_dim3A_310 = vector.broadcast %jit3A_309 : i32 to vector<8x4096xi32>
    %select_n3A_311 = arith.select %lt3A_307, %broadcast_in_dim3A_310, %select_n3A_298 : vector<8x4096xi1>, vector<8x4096xi32>
    %get3A_312 = arith.constant 192 : index
    %get3A_313 = arith.constant 0 : index
    %get3A_314 = vector.load %arg5[%get3A_312, %get3A_313] : memref<2736x1xf32, #tpu.memory_space<vmem>>, vector<8x1xf32>
    %add3A_315 = vector.broadcast %get3A_8 : vector<1x4096xf32> to vector<8x4096xf32>
    %add3A_316 = vector.broadcast %get3A_314 : vector<8x1xf32> to vector<8x4096xf32>
    %add3A_317 = arith.addf %add3A_315, %add3A_316 : vector<8x4096xf32>
    %slice3A_318 = vector.extract_strided_slice %dot_general3A_5 {offsets = [192, 0], sizes = [8, 4096], strides = [1, 1]} : vector<2736x4096xf32> to vector<8x4096xf32>
    %add3A_319 = arith.addf %add3A_317, %slice3A_318 : vector<8x4096xf32>
    %lt3A_320 = arith.cmpf olt, %add3A_319, %select_n3A_308 : vector<8x4096xf32>
    %select_n3A_321 = arith.select %lt3A_320, %add3A_319, %select_n3A_308 : vector<8x4096xi1>, vector<8x4096xf32>
    %jit3A_322 = arith.constant 24 : i32
    %broadcast_in_dim3A_323 = vector.broadcast %jit3A_322 : i32 to vector<8x4096xi32>
    %select_n3A_324 = arith.select %lt3A_320, %broadcast_in_dim3A_323, %select_n3A_311 : vector<8x4096xi1>, vector<8x4096xi32>
    %get3A_325 = arith.constant 200 : index
    %get3A_326 = arith.constant 0 : index
    %get3A_327 = vector.load %arg5[%get3A_325, %get3A_326] : memref<2736x1xf32, #tpu.memory_space<vmem>>, vector<8x1xf32>
    %add3A_328 = vector.broadcast %get3A_8 : vector<1x4096xf32> to vector<8x4096xf32>
    %add3A_329 = vector.broadcast %get3A_327 : vector<8x1xf32> to vector<8x4096xf32>
    %add3A_330 = arith.addf %add3A_328, %add3A_329 : vector<8x4096xf32>
    %slice3A_331 = vector.extract_strided_slice %dot_general3A_5 {offsets = [200, 0], sizes = [8, 4096], strides = [1, 1]} : vector<2736x4096xf32> to vector<8x4096xf32>
    %add3A_332 = arith.addf %add3A_330, %slice3A_331 : vector<8x4096xf32>
    %lt3A_333 = arith.cmpf olt, %add3A_332, %select_n3A_321 : vector<8x4096xf32>
    %select_n3A_334 = arith.select %lt3A_333, %add3A_332, %select_n3A_321 : vector<8x4096xi1>, vector<8x4096xf32>
    %jit3A_335 = arith.constant 25 : i32
    %broadcast_in_dim3A_336 = vector.broadcast %jit3A_335 : i32 to vector<8x4096xi32>
    %select_n3A_337 = arith.select %lt3A_333, %broadcast_in_dim3A_336, %select_n3A_324 : vector<8x4096xi1>, vector<8x4096xi32>
    %get3A_338 = arith.constant 208 : index
    %get3A_339 = arith.constant 0 : index
    %get3A_340 = vector.load %arg5[%get3A_338, %get3A_339] : memref<2736x1xf32, #tpu.memory_space<vmem>>, vector<8x1xf32>
    %add3A_341 = vector.broadcast %get3A_8 : vector<1x4096xf32> to vector<8x4096xf32>
    %add3A_342 = vector.broadcast %get3A_340 : vector<8x1xf32> to vector<8x4096xf32>
    %add3A_343 = arith.addf %add3A_341, %add3A_342 : vector<8x4096xf32>
    %slice3A_344 = vector.extract_strided_slice %dot_general3A_5 {offsets = [208, 0], sizes = [8, 4096], strides = [1, 1]} : vector<2736x4096xf32> to vector<8x4096xf32>
    %add3A_345 = arith.addf %add3A_343, %slice3A_344 : vector<8x4096xf32>
    %lt3A_346 = arith.cmpf olt, %add3A_345, %select_n3A_334 : vector<8x4096xf32>
    %select_n3A_347 = arith.select %lt3A_346, %add3A_345, %select_n3A_334 : vector<8x4096xi1>, vector<8x4096xf32>
    %jit3A_348 = arith.constant 26 : i32
    %broadcast_in_dim3A_349 = vector.broadcast %jit3A_348 : i32 to vector<8x4096xi32>
    %select_n3A_350 = arith.select %lt3A_346, %broadcast_in_dim3A_349, %select_n3A_337 : vector<8x4096xi1>, vector<8x4096xi32>
    %get3A_351 = arith.constant 216 : index
    %get3A_352 = arith.constant 0 : index
    %get3A_353 = vector.load %arg5[%get3A_351, %get3A_352] : memref<2736x1xf32, #tpu.memory_space<vmem>>, vector<8x1xf32>
    %add3A_354 = vector.broadcast %get3A_8 : vector<1x4096xf32> to vector<8x4096xf32>
    %add3A_355 = vector.broadcast %get3A_353 : vector<8x1xf32> to vector<8x4096xf32>
    %add3A_356 = arith.addf %add3A_354, %add3A_355 : vector<8x4096xf32>
    %slice3A_357 = vector.extract_strided_slice %dot_general3A_5 {offsets = [216, 0], sizes = [8, 4096], strides = [1, 1]} : vector<2736x4096xf32> to vector<8x4096xf32>
    %add3A_358 = arith.addf %add3A_356, %slice3A_357 : vector<8x4096xf32>
    %lt3A_359 = arith.cmpf olt, %add3A_358, %select_n3A_347 : vector<8x4096xf32>
    %select_n3A_360 = arith.select %lt3A_359, %add3A_358, %select_n3A_347 : vector<8x4096xi1>, vector<8x4096xf32>
    %jit3A_361 = arith.constant 27 : i32
    %broadcast_in_dim3A_362 = vector.broadcast %jit3A_361 : i32 to vector<8x4096xi32>
    %select_n3A_363 = arith.select %lt3A_359, %broadcast_in_dim3A_362, %select_n3A_350 : vector<8x4096xi1>, vector<8x4096xi32>
    %get3A_364 = arith.constant 224 : index
    %get3A_365 = arith.constant 0 : index
    %get3A_366 = vector.load %arg5[%get3A_364, %get3A_365] : memref<2736x1xf32, #tpu.memory_space<vmem>>, vector<8x1xf32>
    %add3A_367 = vector.broadcast %get3A_8 : vector<1x4096xf32> to vector<8x4096xf32>
    %add3A_368 = vector.broadcast %get3A_366 : vector<8x1xf32> to vector<8x4096xf32>
    %add3A_369 = arith.addf %add3A_367, %add3A_368 : vector<8x4096xf32>
    %slice3A_370 = vector.extract_strided_slice %dot_general3A_5 {offsets = [224, 0], sizes = [8, 4096], strides = [1, 1]} : vector<2736x4096xf32> to vector<8x4096xf32>
    %add3A_371 = arith.addf %add3A_369, %slice3A_370 : vector<8x4096xf32>
    %lt3A_372 = arith.cmpf olt, %add3A_371, %select_n3A_360 : vector<8x4096xf32>
    %select_n3A_373 = arith.select %lt3A_372, %add3A_371, %select_n3A_360 : vector<8x4096xi1>, vector<8x4096xf32>
    %jit3A_374 = arith.constant 28 : i32
    %broadcast_in_dim3A_375 = vector.broadcast %jit3A_374 : i32 to vector<8x4096xi32>
    %select_n3A_376 = arith.select %lt3A_372, %broadcast_in_dim3A_375, %select_n3A_363 : vector<8x4096xi1>, vector<8x4096xi32>
    %get3A_377 = arith.constant 232 : index
    %get3A_378 = arith.constant 0 : index
    %get3A_379 = vector.load %arg5[%get3A_377, %get3A_378] : memref<2736x1xf32, #tpu.memory_space<vmem>>, vector<8x1xf32>
    %add3A_380 = vector.broadcast %get3A_8 : vector<1x4096xf32> to vector<8x4096xf32>
    %add3A_381 = vector.broadcast %get3A_379 : vector<8x1xf32> to vector<8x4096xf32>
    %add3A_382 = arith.addf %add3A_380, %add3A_381 : vector<8x4096xf32>
    %slice3A_383 = vector.extract_strided_slice %dot_general3A_5 {offsets = [232, 0], sizes = [8, 4096], strides = [1, 1]} : vector<2736x4096xf32> to vector<8x4096xf32>
    %add3A_384 = arith.addf %add3A_382, %slice3A_383 : vector<8x4096xf32>
    %lt3A_385 = arith.cmpf olt, %add3A_384, %select_n3A_373 : vector<8x4096xf32>
    %select_n3A_386 = arith.select %lt3A_385, %add3A_384, %select_n3A_373 : vector<8x4096xi1>, vector<8x4096xf32>
    %jit3A_387 = arith.constant 29 : i32
    %broadcast_in_dim3A_388 = vector.broadcast %jit3A_387 : i32 to vector<8x4096xi32>
    %select_n3A_389 = arith.select %lt3A_385, %broadcast_in_dim3A_388, %select_n3A_376 : vector<8x4096xi1>, vector<8x4096xi32>
    %get3A_390 = arith.constant 240 : index
    %get3A_391 = arith.constant 0 : index
    %get3A_392 = vector.load %arg5[%get3A_390, %get3A_391] : memref<2736x1xf32, #tpu.memory_space<vmem>>, vector<8x1xf32>
    %add3A_393 = vector.broadcast %get3A_8 : vector<1x4096xf32> to vector<8x4096xf32>
    %add3A_394 = vector.broadcast %get3A_392 : vector<8x1xf32> to vector<8x4096xf32>
    %add3A_395 = arith.addf %add3A_393, %add3A_394 : vector<8x4096xf32>
    %slice3A_396 = vector.extract_strided_slice %dot_general3A_5 {offsets = [240, 0], sizes = [8, 4096], strides = [1, 1]} : vector<2736x4096xf32> to vector<8x4096xf32>
    %add3A_397 = arith.addf %add3A_395, %slice3A_396 : vector<8x4096xf32>
    %lt3A_398 = arith.cmpf olt, %add3A_397, %select_n3A_386 : vector<8x4096xf32>
    %select_n3A_399 = arith.select %lt3A_398, %add3A_397, %select_n3A_386 : vector<8x4096xi1>, vector<8x4096xf32>
    %jit3A_400 = arith.constant 30 : i32
    %broadcast_in_dim3A_401 = vector.broadcast %jit3A_400 : i32 to vector<8x4096xi32>
    %select_n3A_402 = arith.select %lt3A_398, %broadcast_in_dim3A_401, %select_n3A_389 : vector<8x4096xi1>, vector<8x4096xi32>
    %get3A_403 = arith.constant 248 : index
    %get3A_404 = arith.constant 0 : index
    %get3A_405 = vector.load %arg5[%get3A_403, %get3A_404] : memref<2736x1xf32, #tpu.memory_space<vmem>>, vector<8x1xf32>
    %add3A_406 = vector.broadcast %get3A_8 : vector<1x4096xf32> to vector<8x4096xf32>
    %add3A_407 = vector.broadcast %get3A_405 : vector<8x1xf32> to vector<8x4096xf32>
    %add3A_408 = arith.addf %add3A_406, %add3A_407 : vector<8x4096xf32>
    %slice3A_409 = vector.extract_strided_slice %dot_general3A_5 {offsets = [248, 0], sizes = [8, 4096], strides = [1, 1]} : vector<2736x4096xf32> to vector<8x4096xf32>
    %add3A_410 = arith.addf %add3A_408, %slice3A_409 : vector<8x4096xf32>
    %lt3A_411 = arith.cmpf olt, %add3A_410, %select_n3A_399 : vector<8x4096xf32>
    %select_n3A_412 = arith.select %lt3A_411, %add3A_410, %select_n3A_399 : vector<8x4096xi1>, vector<8x4096xf32>
    %jit3A_413 = arith.constant 31 : i32
    %broadcast_in_dim3A_414 = vector.broadcast %jit3A_413 : i32 to vector<8x4096xi32>
    %select_n3A_415 = arith.select %lt3A_411, %broadcast_in_dim3A_414, %select_n3A_402 : vector<8x4096xi1>, vector<8x4096xi32>
    %get3A_416 = arith.constant 256 : index
    %get3A_417 = arith.constant 0 : index
    %get3A_418 = vector.load %arg5[%get3A_416, %get3A_417] : memref<2736x1xf32, #tpu.memory_space<vmem>>, vector<8x1xf32>
    %add3A_419 = vector.broadcast %get3A_8 : vector<1x4096xf32> to vector<8x4096xf32>
    %add3A_420 = vector.broadcast %get3A_418 : vector<8x1xf32> to vector<8x4096xf32>
    %add3A_421 = arith.addf %add3A_419, %add3A_420 : vector<8x4096xf32>
    %slice3A_422 = vector.extract_strided_slice %dot_general3A_5 {offsets = [256, 0], sizes = [8, 4096], strides = [1, 1]} : vector<2736x4096xf32> to vector<8x4096xf32>
    %add3A_423 = arith.addf %add3A_421, %slice3A_422 : vector<8x4096xf32>
    %lt3A_424 = arith.cmpf olt, %add3A_423, %select_n3A_412 : vector<8x4096xf32>
    %select_n3A_425 = arith.select %lt3A_424, %add3A_423, %select_n3A_412 : vector<8x4096xi1>, vector<8x4096xf32>
    %jit3A_426 = arith.constant 32 : i32
    %broadcast_in_dim3A_427 = vector.broadcast %jit3A_426 : i32 to vector<8x4096xi32>
    %select_n3A_428 = arith.select %lt3A_424, %broadcast_in_dim3A_427, %select_n3A_415 : vector<8x4096xi1>, vector<8x4096xi32>
    %get3A_429 = arith.constant 264 : index
    %get3A_430 = arith.constant 0 : index
    %get3A_431 = vector.load %arg5[%get3A_429, %get3A_430] : memref<2736x1xf32, #tpu.memory_space<vmem>>, vector<8x1xf32>
    %add3A_432 = vector.broadcast %get3A_8 : vector<1x4096xf32> to vector<8x4096xf32>
    %add3A_433 = vector.broadcast %get3A_431 : vector<8x1xf32> to vector<8x4096xf32>
    %add3A_434 = arith.addf %add3A_432, %add3A_433 : vector<8x4096xf32>
    %slice3A_435 = vector.extract_strided_slice %dot_general3A_5 {offsets = [264, 0], sizes = [8, 4096], strides = [1, 1]} : vector<2736x4096xf32> to vector<8x4096xf32>
    %add3A_436 = arith.addf %add3A_434, %slice3A_435 : vector<8x4096xf32>
    %lt3A_437 = arith.cmpf olt, %add3A_436, %select_n3A_425 : vector<8x4096xf32>
    %select_n3A_438 = arith.select %lt3A_437, %add3A_436, %select_n3A_425 : vector<8x4096xi1>, vector<8x4096xf32>
    %jit3A_439 = arith.constant 33 : i32
    %broadcast_in_dim3A_440 = vector.broadcast %jit3A_439 : i32 to vector<8x4096xi32>
    %select_n3A_441 = arith.select %lt3A_437, %broadcast_in_dim3A_440, %select_n3A_428 : vector<8x4096xi1>, vector<8x4096xi32>
    %get3A_442 = arith.constant 272 : index
    %get3A_443 = arith.constant 0 : index
    %get3A_444 = vector.load %arg5[%get3A_442, %get3A_443] : memref<2736x1xf32, #tpu.memory_space<vmem>>, vector<8x1xf32>
    %add3A_445 = vector.broadcast %get3A_8 : vector<1x4096xf32> to vector<8x4096xf32>
    %add3A_446 = vector.broadcast %get3A_444 : vector<8x1xf32> to vector<8x4096xf32>
    %add3A_447 = arith.addf %add3A_445, %add3A_446 : vector<8x4096xf32>
    %slice3A_448 = vector.extract_strided_slice %dot_general3A_5 {offsets = [272, 0], sizes = [8, 4096], strides = [1, 1]} : vector<2736x4096xf32> to vector<8x4096xf32>
    %add3A_449 = arith.addf %add3A_447, %slice3A_448 : vector<8x4096xf32>
    %lt3A_450 = arith.cmpf olt, %add3A_449, %select_n3A_438 : vector<8x4096xf32>
    %select_n3A_451 = arith.select %lt3A_450, %add3A_449, %select_n3A_438 : vector<8x4096xi1>, vector<8x4096xf32>
    %jit3A_452 = arith.constant 34 : i32
    %broadcast_in_dim3A_453 = vector.broadcast %jit3A_452 : i32 to vector<8x4096xi32>
    %select_n3A_454 = arith.select %lt3A_450, %broadcast_in_dim3A_453, %select_n3A_441 : vector<8x4096xi1>, vector<8x4096xi32>
    %get3A_455 = arith.constant 280 : index
    %get3A_456 = arith.constant 0 : index
    %get3A_457 = vector.load %arg5[%get3A_455, %get3A_456] : memref<2736x1xf32, #tpu.memory_space<vmem>>, vector<8x1xf32>
    %add3A_458 = vector.broadcast %get3A_8 : vector<1x4096xf32> to vector<8x4096xf32>
    %add3A_459 = vector.broadcast %get3A_457 : vector<8x1xf32> to vector<8x4096xf32>
    %add3A_460 = arith.addf %add3A_458, %add3A_459 : vector<8x4096xf32>
    %slice3A_461 = vector.extract_strided_slice %dot_general3A_5 {offsets = [280, 0], sizes = [8, 4096], strides = [1, 1]} : vector<2736x4096xf32> to vector<8x4096xf32>
    %add3A_462 = arith.addf %add3A_460, %slice3A_461 : vector<8x4096xf32>
    %lt3A_463 = arith.cmpf olt, %add3A_462, %select_n3A_451 : vector<8x4096xf32>
    %select_n3A_464 = arith.select %lt3A_463, %add3A_462, %select_n3A_451 : vector<8x4096xi1>, vector<8x4096xf32>
    %jit3A_465 = arith.constant 35 : i32
    %broadcast_in_dim3A_466 = vector.broadcast %jit3A_465 : i32 to vector<8x4096xi32>
    %select_n3A_467 = arith.select %lt3A_463, %broadcast_in_dim3A_466, %select_n3A_454 : vector<8x4096xi1>, vector<8x4096xi32>
    %get3A_468 = arith.constant 288 : index
    %get3A_469 = arith.constant 0 : index
    %get3A_470 = vector.load %arg5[%get3A_468, %get3A_469] : memref<2736x1xf32, #tpu.memory_space<vmem>>, vector<8x1xf32>
    %add3A_471 = vector.broadcast %get3A_8 : vector<1x4096xf32> to vector<8x4096xf32>
    %add3A_472 = vector.broadcast %get3A_470 : vector<8x1xf32> to vector<8x4096xf32>
    %add3A_473 = arith.addf %add3A_471, %add3A_472 : vector<8x4096xf32>
    %slice3A_474 = vector.extract_strided_slice %dot_general3A_5 {offsets = [288, 0], sizes = [8, 4096], strides = [1, 1]} : vector<2736x4096xf32> to vector<8x4096xf32>
    %add3A_475 = arith.addf %add3A_473, %slice3A_474 : vector<8x4096xf32>
    %lt3A_476 = arith.cmpf olt, %add3A_475, %select_n3A_464 : vector<8x4096xf32>
    %select_n3A_477 = arith.select %lt3A_476, %add3A_475, %select_n3A_464 : vector<8x4096xi1>, vector<8x4096xf32>
    %jit3A_478 = arith.constant 36 : i32
    %broadcast_in_dim3A_479 = vector.broadcast %jit3A_478 : i32 to vector<8x4096xi32>
    %select_n3A_480 = arith.select %lt3A_476, %broadcast_in_dim3A_479, %select_n3A_467 : vector<8x4096xi1>, vector<8x4096xi32>
    %get3A_481 = arith.constant 296 : index
    %get3A_482 = arith.constant 0 : index
    %get3A_483 = vector.load %arg5[%get3A_481, %get3A_482] : memref<2736x1xf32, #tpu.memory_space<vmem>>, vector<8x1xf32>
    %add3A_484 = vector.broadcast %get3A_8 : vector<1x4096xf32> to vector<8x4096xf32>
    %add3A_485 = vector.broadcast %get3A_483 : vector<8x1xf32> to vector<8x4096xf32>
    %add3A_486 = arith.addf %add3A_484, %add3A_485 : vector<8x4096xf32>
    %slice3A_487 = vector.extract_strided_slice %dot_general3A_5 {offsets = [296, 0], sizes = [8, 4096], strides = [1, 1]} : vector<2736x4096xf32> to vector<8x4096xf32>
    %add3A_488 = arith.addf %add3A_486, %slice3A_487 : vector<8x4096xf32>
    %lt3A_489 = arith.cmpf olt, %add3A_488, %select_n3A_477 : vector<8x4096xf32>
    %select_n3A_490 = arith.select %lt3A_489, %add3A_488, %select_n3A_477 : vector<8x4096xi1>, vector<8x4096xf32>
    %jit3A_491 = arith.constant 37 : i32
    %broadcast_in_dim3A_492 = vector.broadcast %jit3A_491 : i32 to vector<8x4096xi32>
    %select_n3A_493 = arith.select %lt3A_489, %broadcast_in_dim3A_492, %select_n3A_480 : vector<8x4096xi1>, vector<8x4096xi32>
    %get3A_494 = arith.constant 304 : index
    %get3A_495 = arith.constant 0 : index
    %get3A_496 = vector.load %arg5[%get3A_494, %get3A_495] : memref<2736x1xf32, #tpu.memory_space<vmem>>, vector<8x1xf32>
    %add3A_497 = vector.broadcast %get3A_8 : vector<1x4096xf32> to vector<8x4096xf32>
    %add3A_498 = vector.broadcast %get3A_496 : vector<8x1xf32> to vector<8x4096xf32>
    %add3A_499 = arith.addf %add3A_497, %add3A_498 : vector<8x4096xf32>
    %slice3A_500 = vector.extract_strided_slice %dot_general3A_5 {offsets = [304, 0], sizes = [8, 4096], strides = [1, 1]} : vector<2736x4096xf32> to vector<8x4096xf32>
    %add3A_501 = arith.addf %add3A_499, %slice3A_500 : vector<8x4096xf32>
    %lt3A_502 = arith.cmpf olt, %add3A_501, %select_n3A_490 : vector<8x4096xf32>
    %select_n3A_503 = arith.select %lt3A_502, %add3A_501, %select_n3A_490 : vector<8x4096xi1>, vector<8x4096xf32>
    %jit3A_504 = arith.constant 38 : i32
    %broadcast_in_dim3A_505 = vector.broadcast %jit3A_504 : i32 to vector<8x4096xi32>
    %select_n3A_506 = arith.select %lt3A_502, %broadcast_in_dim3A_505, %select_n3A_493 : vector<8x4096xi1>, vector<8x4096xi32>
    %get3A_507 = arith.constant 312 : index
    %get3A_508 = arith.constant 0 : index
    %get3A_509 = vector.load %arg5[%get3A_507, %get3A_508] : memref<2736x1xf32, #tpu.memory_space<vmem>>, vector<8x1xf32>
    %add3A_510 = vector.broadcast %get3A_8 : vector<1x4096xf32> to vector<8x4096xf32>
    %add3A_511 = vector.broadcast %get3A_509 : vector<8x1xf32> to vector<8x4096xf32>
    %add3A_512 = arith.addf %add3A_510, %add3A_511 : vector<8x4096xf32>
    %slice3A_513 = vector.extract_strided_slice %dot_general3A_5 {offsets = [312, 0], sizes = [8, 4096], strides = [1, 1]} : vector<2736x4096xf32> to vector<8x4096xf32>
    %add3A_514 = arith.addf %add3A_512, %slice3A_513 : vector<8x4096xf32>
    %lt3A_515 = arith.cmpf olt, %add3A_514, %select_n3A_503 : vector<8x4096xf32>
    %select_n3A_516 = arith.select %lt3A_515, %add3A_514, %select_n3A_503 : vector<8x4096xi1>, vector<8x4096xf32>
    %jit3A_517 = arith.constant 39 : i32
    %broadcast_in_dim3A_518 = vector.broadcast %jit3A_517 : i32 to vector<8x4096xi32>
    %select_n3A_519 = arith.select %lt3A_515, %broadcast_in_dim3A_518, %select_n3A_506 : vector<8x4096xi1>, vector<8x4096xi32>
    %get3A_520 = arith.constant 320 : index
    %get3A_521 = arith.constant 0 : index
    %get3A_522 = vector.load %arg5[%get3A_520, %get3A_521] : memref<2736x1xf32, #tpu.memory_space<vmem>>, vector<8x1xf32>
    %add3A_523 = vector.broadcast %get3A_8 : vector<1x4096xf32> to vector<8x4096xf32>
    %add3A_524 = vector.broadcast %get3A_522 : vector<8x1xf32> to vector<8x4096xf32>
    %add3A_525 = arith.addf %add3A_523, %add3A_524 : vector<8x4096xf32>
    %slice3A_526 = vector.extract_strided_slice %dot_general3A_5 {offsets = [320, 0], sizes = [8, 4096], strides = [1, 1]} : vector<2736x4096xf32> to vector<8x4096xf32>
    %add3A_527 = arith.addf %add3A_525, %slice3A_526 : vector<8x4096xf32>
    %lt3A_528 = arith.cmpf olt, %add3A_527, %select_n3A_516 : vector<8x4096xf32>
    %select_n3A_529 = arith.select %lt3A_528, %add3A_527, %select_n3A_516 : vector<8x4096xi1>, vector<8x4096xf32>
    %jit3A_530 = arith.constant 40 : i32
    %broadcast_in_dim3A_531 = vector.broadcast %jit3A_530 : i32 to vector<8x4096xi32>
    %select_n3A_532 = arith.select %lt3A_528, %broadcast_in_dim3A_531, %select_n3A_519 : vector<8x4096xi1>, vector<8x4096xi32>
    %get3A_533 = arith.constant 328 : index
    %get3A_534 = arith.constant 0 : index
    %get3A_535 = vector.load %arg5[%get3A_533, %get3A_534] : memref<2736x1xf32, #tpu.memory_space<vmem>>, vector<8x1xf32>
    %add3A_536 = vector.broadcast %get3A_8 : vector<1x4096xf32> to vector<8x4096xf32>
    %add3A_537 = vector.broadcast %get3A_535 : vector<8x1xf32> to vector<8x4096xf32>
    %add3A_538 = arith.addf %add3A_536, %add3A_537 : vector<8x4096xf32>
    %slice3A_539 = vector.extract_strided_slice %dot_general3A_5 {offsets = [328, 0], sizes = [8, 4096], strides = [1, 1]} : vector<2736x4096xf32> to vector<8x4096xf32>
    %add3A_540 = arith.addf %add3A_538, %slice3A_539 : vector<8x4096xf32>
    %lt3A_541 = arith.cmpf olt, %add3A_540, %select_n3A_529 : vector<8x4096xf32>
    %select_n3A_542 = arith.select %lt3A_541, %add3A_540, %select_n3A_529 : vector<8x4096xi1>, vector<8x4096xf32>
    %jit3A_543 = arith.constant 41 : i32
    %broadcast_in_dim3A_544 = vector.broadcast %jit3A_543 : i32 to vector<8x4096xi32>
    %select_n3A_545 = arith.select %lt3A_541, %broadcast_in_dim3A_544, %select_n3A_532 : vector<8x4096xi1>, vector<8x4096xi32>
    %get3A_546 = arith.constant 336 : index
    %get3A_547 = arith.constant 0 : index
    %get3A_548 = vector.load %arg5[%get3A_546, %get3A_547] : memref<2736x1xf32, #tpu.memory_space<vmem>>, vector<8x1xf32>
    %add3A_549 = vector.broadcast %get3A_8 : vector<1x4096xf32> to vector<8x4096xf32>
    %add3A_550 = vector.broadcast %get3A_548 : vector<8x1xf32> to vector<8x4096xf32>
    %add3A_551 = arith.addf %add3A_549, %add3A_550 : vector<8x4096xf32>
    %slice3A_552 = vector.extract_strided_slice %dot_general3A_5 {offsets = [336, 0], sizes = [8, 4096], strides = [1, 1]} : vector<2736x4096xf32> to vector<8x4096xf32>
    %add3A_553 = arith.addf %add3A_551, %slice3A_552 : vector<8x4096xf32>
    %lt3A_554 = arith.cmpf olt, %add3A_553, %select_n3A_542 : vector<8x4096xf32>
    %select_n3A_555 = arith.select %lt3A_554, %add3A_553, %select_n3A_542 : vector<8x4096xi1>, vector<8x4096xf32>
    %jit3A_556 = arith.constant 42 : i32
    %broadcast_in_dim3A_557 = vector.broadcast %jit3A_556 : i32 to vector<8x4096xi32>
    %select_n3A_558 = arith.select %lt3A_554, %broadcast_in_dim3A_557, %select_n3A_545 : vector<8x4096xi1>, vector<8x4096xi32>
    %get3A_559 = arith.constant 344 : index
    %get3A_560 = arith.constant 0 : index
    %get3A_561 = vector.load %arg5[%get3A_559, %get3A_560] : memref<2736x1xf32, #tpu.memory_space<vmem>>, vector<8x1xf32>
    %add3A_562 = vector.broadcast %get3A_8 : vector<1x4096xf32> to vector<8x4096xf32>
    %add3A_563 = vector.broadcast %get3A_561 : vector<8x1xf32> to vector<8x4096xf32>
    %add3A_564 = arith.addf %add3A_562, %add3A_563 : vector<8x4096xf32>
    %slice3A_565 = vector.extract_strided_slice %dot_general3A_5 {offsets = [344, 0], sizes = [8, 4096], strides = [1, 1]} : vector<2736x4096xf32> to vector<8x4096xf32>
    %add3A_566 = arith.addf %add3A_564, %slice3A_565 : vector<8x4096xf32>
    %lt3A_567 = arith.cmpf olt, %add3A_566, %select_n3A_555 : vector<8x4096xf32>
    %select_n3A_568 = arith.select %lt3A_567, %add3A_566, %select_n3A_555 : vector<8x4096xi1>, vector<8x4096xf32>
    %jit3A_569 = arith.constant 43 : i32
    %broadcast_in_dim3A_570 = vector.broadcast %jit3A_569 : i32 to vector<8x4096xi32>
    %select_n3A_571 = arith.select %lt3A_567, %broadcast_in_dim3A_570, %select_n3A_558 : vector<8x4096xi1>, vector<8x4096xi32>
    %get3A_572 = arith.constant 352 : index
    %get3A_573 = arith.constant 0 : index
    %get3A_574 = vector.load %arg5[%get3A_572, %get3A_573] : memref<2736x1xf32, #tpu.memory_space<vmem>>, vector<8x1xf32>
    %add3A_575 = vector.broadcast %get3A_8 : vector<1x4096xf32> to vector<8x4096xf32>
    %add3A_576 = vector.broadcast %get3A_574 : vector<8x1xf32> to vector<8x4096xf32>
    %add3A_577 = arith.addf %add3A_575, %add3A_576 : vector<8x4096xf32>
    %slice3A_578 = vector.extract_strided_slice %dot_general3A_5 {offsets = [352, 0], sizes = [8, 4096], strides = [1, 1]} : vector<2736x4096xf32> to vector<8x4096xf32>
    %add3A_579 = arith.addf %add3A_577, %slice3A_578 : vector<8x4096xf32>
    %lt3A_580 = arith.cmpf olt, %add3A_579, %select_n3A_568 : vector<8x4096xf32>
    %select_n3A_581 = arith.select %lt3A_580, %add3A_579, %select_n3A_568 : vector<8x4096xi1>, vector<8x4096xf32>
    %jit3A_582 = arith.constant 44 : i32
    %broadcast_in_dim3A_583 = vector.broadcast %jit3A_582 : i32 to vector<8x4096xi32>
    %select_n3A_584 = arith.select %lt3A_580, %broadcast_in_dim3A_583, %select_n3A_571 : vector<8x4096xi1>, vector<8x4096xi32>
    %get3A_585 = arith.constant 360 : index
    %get3A_586 = arith.constant 0 : index
    %get3A_587 = vector.load %arg5[%get3A_585, %get3A_586] : memref<2736x1xf32, #tpu.memory_space<vmem>>, vector<8x1xf32>
    %add3A_588 = vector.broadcast %get3A_8 : vector<1x4096xf32> to vector<8x4096xf32>
    %add3A_589 = vector.broadcast %get3A_587 : vector<8x1xf32> to vector<8x4096xf32>
    %add3A_590 = arith.addf %add3A_588, %add3A_589 : vector<8x4096xf32>
    %slice3A_591 = vector.extract_strided_slice %dot_general3A_5 {offsets = [360, 0], sizes = [8, 4096], strides = [1, 1]} : vector<2736x4096xf32> to vector<8x4096xf32>
    %add3A_592 = arith.addf %add3A_590, %slice3A_591 : vector<8x4096xf32>
    %lt3A_593 = arith.cmpf olt, %add3A_592, %select_n3A_581 : vector<8x4096xf32>
    %select_n3A_594 = arith.select %lt3A_593, %add3A_592, %select_n3A_581 : vector<8x4096xi1>, vector<8x4096xf32>
    %jit3A_595 = arith.constant 45 : i32
    %broadcast_in_dim3A_596 = vector.broadcast %jit3A_595 : i32 to vector<8x4096xi32>
    %select_n3A_597 = arith.select %lt3A_593, %broadcast_in_dim3A_596, %select_n3A_584 : vector<8x4096xi1>, vector<8x4096xi32>
    %get3A_598 = arith.constant 368 : index
    %get3A_599 = arith.constant 0 : index
    %get3A_600 = vector.load %arg5[%get3A_598, %get3A_599] : memref<2736x1xf32, #tpu.memory_space<vmem>>, vector<8x1xf32>
    %add3A_601 = vector.broadcast %get3A_8 : vector<1x4096xf32> to vector<8x4096xf32>
    %add3A_602 = vector.broadcast %get3A_600 : vector<8x1xf32> to vector<8x4096xf32>
    %add3A_603 = arith.addf %add3A_601, %add3A_602 : vector<8x4096xf32>
    %slice3A_604 = vector.extract_strided_slice %dot_general3A_5 {offsets = [368, 0], sizes = [8, 4096], strides = [1, 1]} : vector<2736x4096xf32> to vector<8x4096xf32>
    %add3A_605 = arith.addf %add3A_603, %slice3A_604 : vector<8x4096xf32>
    %lt3A_606 = arith.cmpf olt, %add3A_605, %select_n3A_594 : vector<8x4096xf32>
    %select_n3A_607 = arith.select %lt3A_606, %add3A_605, %select_n3A_594 : vector<8x4096xi1>, vector<8x4096xf32>
    %jit3A_608 = arith.constant 46 : i32
    %broadcast_in_dim3A_609 = vector.broadcast %jit3A_608 : i32 to vector<8x4096xi32>
    %select_n3A_610 = arith.select %lt3A_606, %broadcast_in_dim3A_609, %select_n3A_597 : vector<8x4096xi1>, vector<8x4096xi32>
    %get3A_611 = arith.constant 376 : index
    %get3A_612 = arith.constant 0 : index
    %get3A_613 = vector.load %arg5[%get3A_611, %get3A_612] : memref<2736x1xf32, #tpu.memory_space<vmem>>, vector<8x1xf32>
    %add3A_614 = vector.broadcast %get3A_8 : vector<1x4096xf32> to vector<8x4096xf32>
    %add3A_615 = vector.broadcast %get3A_613 : vector<8x1xf32> to vector<8x4096xf32>
    %add3A_616 = arith.addf %add3A_614, %add3A_615 : vector<8x4096xf32>
    %slice3A_617 = vector.extract_strided_slice %dot_general3A_5 {offsets = [376, 0], sizes = [8, 4096], strides = [1, 1]} : vector<2736x4096xf32> to vector<8x4096xf32>
    %add3A_618 = arith.addf %add3A_616, %slice3A_617 : vector<8x4096xf32>
    %lt3A_619 = arith.cmpf olt, %add3A_618, %select_n3A_607 : vector<8x4096xf32>
    %select_n3A_620 = arith.select %lt3A_619, %add3A_618, %select_n3A_607 : vector<8x4096xi1>, vector<8x4096xf32>
    %jit3A_621 = arith.constant 47 : i32
    %broadcast_in_dim3A_622 = vector.broadcast %jit3A_621 : i32 to vector<8x4096xi32>
    %select_n3A_623 = arith.select %lt3A_619, %broadcast_in_dim3A_622, %select_n3A_610 : vector<8x4096xi1>, vector<8x4096xi32>
    %get3A_624 = arith.constant 384 : index
    %get3A_625 = arith.constant 0 : index
    %get3A_626 = vector.load %arg5[%get3A_624, %get3A_625] : memref<2736x1xf32, #tpu.memory_space<vmem>>, vector<8x1xf32>
    %add3A_627 = vector.broadcast %get3A_8 : vector<1x4096xf32> to vector<8x4096xf32>
    %add3A_628 = vector.broadcast %get3A_626 : vector<8x1xf32> to vector<8x4096xf32>
    %add3A_629 = arith.addf %add3A_627, %add3A_628 : vector<8x4096xf32>
    %slice3A_630 = vector.extract_strided_slice %dot_general3A_5 {offsets = [384, 0], sizes = [8, 4096], strides = [1, 1]} : vector<2736x4096xf32> to vector<8x4096xf32>
    %add3A_631 = arith.addf %add3A_629, %slice3A_630 : vector<8x4096xf32>
    %lt3A_632 = arith.cmpf olt, %add3A_631, %select_n3A_620 : vector<8x4096xf32>
    %select_n3A_633 = arith.select %lt3A_632, %add3A_631, %select_n3A_620 : vector<8x4096xi1>, vector<8x4096xf32>
    %jit3A_634 = arith.constant 48 : i32
    %broadcast_in_dim3A_635 = vector.broadcast %jit3A_634 : i32 to vector<8x4096xi32>
    %select_n3A_636 = arith.select %lt3A_632, %broadcast_in_dim3A_635, %select_n3A_623 : vector<8x4096xi1>, vector<8x4096xi32>
    %get3A_637 = arith.constant 392 : index
    %get3A_638 = arith.constant 0 : index
    %get3A_639 = vector.load %arg5[%get3A_637, %get3A_638] : memref<2736x1xf32, #tpu.memory_space<vmem>>, vector<8x1xf32>
    %add3A_640 = vector.broadcast %get3A_8 : vector<1x4096xf32> to vector<8x4096xf32>
    %add3A_641 = vector.broadcast %get3A_639 : vector<8x1xf32> to vector<8x4096xf32>
    %add3A_642 = arith.addf %add3A_640, %add3A_641 : vector<8x4096xf32>
    %slice3A_643 = vector.extract_strided_slice %dot_general3A_5 {offsets = [392, 0], sizes = [8, 4096], strides = [1, 1]} : vector<2736x4096xf32> to vector<8x4096xf32>
    %add3A_644 = arith.addf %add3A_642, %slice3A_643 : vector<8x4096xf32>
    %lt3A_645 = arith.cmpf olt, %add3A_644, %select_n3A_633 : vector<8x4096xf32>
    %select_n3A_646 = arith.select %lt3A_645, %add3A_644, %select_n3A_633 : vector<8x4096xi1>, vector<8x4096xf32>
    %jit3A_647 = arith.constant 49 : i32
    %broadcast_in_dim3A_648 = vector.broadcast %jit3A_647 : i32 to vector<8x4096xi32>
    %select_n3A_649 = arith.select %lt3A_645, %broadcast_in_dim3A_648, %select_n3A_636 : vector<8x4096xi1>, vector<8x4096xi32>
    %get3A_650 = arith.constant 400 : index
    %get3A_651 = arith.constant 0 : index
    %get3A_652 = vector.load %arg5[%get3A_650, %get3A_651] : memref<2736x1xf32, #tpu.memory_space<vmem>>, vector<8x1xf32>
    %add3A_653 = vector.broadcast %get3A_8 : vector<1x4096xf32> to vector<8x4096xf32>
    %add3A_654 = vector.broadcast %get3A_652 : vector<8x1xf32> to vector<8x4096xf32>
    %add3A_655 = arith.addf %add3A_653, %add3A_654 : vector<8x4096xf32>
    %slice3A_656 = vector.extract_strided_slice %dot_general3A_5 {offsets = [400, 0], sizes = [8, 4096], strides = [1, 1]} : vector<2736x4096xf32> to vector<8x4096xf32>
    %add3A_657 = arith.addf %add3A_655, %slice3A_656 : vector<8x4096xf32>
    %lt3A_658 = arith.cmpf olt, %add3A_657, %select_n3A_646 : vector<8x4096xf32>
    %select_n3A_659 = arith.select %lt3A_658, %add3A_657, %select_n3A_646 : vector<8x4096xi1>, vector<8x4096xf32>
    %jit3A_660 = arith.constant 50 : i32
    %broadcast_in_dim3A_661 = vector.broadcast %jit3A_660 : i32 to vector<8x4096xi32>
    %select_n3A_662 = arith.select %lt3A_658, %broadcast_in_dim3A_661, %select_n3A_649 : vector<8x4096xi1>, vector<8x4096xi32>
    %get3A_663 = arith.constant 408 : index
    %get3A_664 = arith.constant 0 : index
    %get3A_665 = vector.load %arg5[%get3A_663, %get3A_664] : memref<2736x1xf32, #tpu.memory_space<vmem>>, vector<8x1xf32>
    %add3A_666 = vector.broadcast %get3A_8 : vector<1x4096xf32> to vector<8x4096xf32>
    %add3A_667 = vector.broadcast %get3A_665 : vector<8x1xf32> to vector<8x4096xf32>
    %add3A_668 = arith.addf %add3A_666, %add3A_667 : vector<8x4096xf32>
    %slice3A_669 = vector.extract_strided_slice %dot_general3A_5 {offsets = [408, 0], sizes = [8, 4096], strides = [1, 1]} : vector<2736x4096xf32> to vector<8x4096xf32>
    %add3A_670 = arith.addf %add3A_668, %slice3A_669 : vector<8x4096xf32>
    %lt3A_671 = arith.cmpf olt, %add3A_670, %select_n3A_659 : vector<8x4096xf32>
    %select_n3A_672 = arith.select %lt3A_671, %add3A_670, %select_n3A_659 : vector<8x4096xi1>, vector<8x4096xf32>
    %jit3A_673 = arith.constant 51 : i32
    %broadcast_in_dim3A_674 = vector.broadcast %jit3A_673 : i32 to vector<8x4096xi32>
    %select_n3A_675 = arith.select %lt3A_671, %broadcast_in_dim3A_674, %select_n3A_662 : vector<8x4096xi1>, vector<8x4096xi32>
    %get3A_676 = arith.constant 416 : index
    %get3A_677 = arith.constant 0 : index
    %get3A_678 = vector.load %arg5[%get3A_676, %get3A_677] : memref<2736x1xf32, #tpu.memory_space<vmem>>, vector<8x1xf32>
    %add3A_679 = vector.broadcast %get3A_8 : vector<1x4096xf32> to vector<8x4096xf32>
    %add3A_680 = vector.broadcast %get3A_678 : vector<8x1xf32> to vector<8x4096xf32>
    %add3A_681 = arith.addf %add3A_679, %add3A_680 : vector<8x4096xf32>
    %slice3A_682 = vector.extract_strided_slice %dot_general3A_5 {offsets = [416, 0], sizes = [8, 4096], strides = [1, 1]} : vector<2736x4096xf32> to vector<8x4096xf32>
    %add3A_683 = arith.addf %add3A_681, %slice3A_682 : vector<8x4096xf32>
    %lt3A_684 = arith.cmpf olt, %add3A_683, %select_n3A_672 : vector<8x4096xf32>
    %select_n3A_685 = arith.select %lt3A_684, %add3A_683, %select_n3A_672 : vector<8x4096xi1>, vector<8x4096xf32>
    %jit3A_686 = arith.constant 52 : i32
    %broadcast_in_dim3A_687 = vector.broadcast %jit3A_686 : i32 to vector<8x4096xi32>
    %select_n3A_688 = arith.select %lt3A_684, %broadcast_in_dim3A_687, %select_n3A_675 : vector<8x4096xi1>, vector<8x4096xi32>
    %get3A_689 = arith.constant 424 : index
    %get3A_690 = arith.constant 0 : index
    %get3A_691 = vector.load %arg5[%get3A_689, %get3A_690] : memref<2736x1xf32, #tpu.memory_space<vmem>>, vector<8x1xf32>
    %add3A_692 = vector.broadcast %get3A_8 : vector<1x4096xf32> to vector<8x4096xf32>
    %add3A_693 = vector.broadcast %get3A_691 : vector<8x1xf32> to vector<8x4096xf32>
    %add3A_694 = arith.addf %add3A_692, %add3A_693 : vector<8x4096xf32>
    %slice3A_695 = vector.extract_strided_slice %dot_general3A_5 {offsets = [424, 0], sizes = [8, 4096], strides = [1, 1]} : vector<2736x4096xf32> to vector<8x4096xf32>
    %add3A_696 = arith.addf %add3A_694, %slice3A_695 : vector<8x4096xf32>
    %lt3A_697 = arith.cmpf olt, %add3A_696, %select_n3A_685 : vector<8x4096xf32>
    %select_n3A_698 = arith.select %lt3A_697, %add3A_696, %select_n3A_685 : vector<8x4096xi1>, vector<8x4096xf32>
    %jit3A_699 = arith.constant 53 : i32
    %broadcast_in_dim3A_700 = vector.broadcast %jit3A_699 : i32 to vector<8x4096xi32>
    %select_n3A_701 = arith.select %lt3A_697, %broadcast_in_dim3A_700, %select_n3A_688 : vector<8x4096xi1>, vector<8x4096xi32>
    %get3A_702 = arith.constant 432 : index
    %get3A_703 = arith.constant 0 : index
    %get3A_704 = vector.load %arg5[%get3A_702, %get3A_703] : memref<2736x1xf32, #tpu.memory_space<vmem>>, vector<8x1xf32>
    %add3A_705 = vector.broadcast %get3A_8 : vector<1x4096xf32> to vector<8x4096xf32>
    %add3A_706 = vector.broadcast %get3A_704 : vector<8x1xf32> to vector<8x4096xf32>
    %add3A_707 = arith.addf %add3A_705, %add3A_706 : vector<8x4096xf32>
    %slice3A_708 = vector.extract_strided_slice %dot_general3A_5 {offsets = [432, 0], sizes = [8, 4096], strides = [1, 1]} : vector<2736x4096xf32> to vector<8x4096xf32>
    %add3A_709 = arith.addf %add3A_707, %slice3A_708 : vector<8x4096xf32>
    %lt3A_710 = arith.cmpf olt, %add3A_709, %select_n3A_698 : vector<8x4096xf32>
    %select_n3A_711 = arith.select %lt3A_710, %add3A_709, %select_n3A_698 : vector<8x4096xi1>, vector<8x4096xf32>
    %jit3A_712 = arith.constant 54 : i32
    %broadcast_in_dim3A_713 = vector.broadcast %jit3A_712 : i32 to vector<8x4096xi32>
    %select_n3A_714 = arith.select %lt3A_710, %broadcast_in_dim3A_713, %select_n3A_701 : vector<8x4096xi1>, vector<8x4096xi32>
    %get3A_715 = arith.constant 440 : index
    %get3A_716 = arith.constant 0 : index
    %get3A_717 = vector.load %arg5[%get3A_715, %get3A_716] : memref<2736x1xf32, #tpu.memory_space<vmem>>, vector<8x1xf32>
    %add3A_718 = vector.broadcast %get3A_8 : vector<1x4096xf32> to vector<8x4096xf32>
    %add3A_719 = vector.broadcast %get3A_717 : vector<8x1xf32> to vector<8x4096xf32>
    %add3A_720 = arith.addf %add3A_718, %add3A_719 : vector<8x4096xf32>
    %slice3A_721 = vector.extract_strided_slice %dot_general3A_5 {offsets = [440, 0], sizes = [8, 4096], strides = [1, 1]} : vector<2736x4096xf32> to vector<8x4096xf32>
    %add3A_722 = arith.addf %add3A_720, %slice3A_721 : vector<8x4096xf32>
    %lt3A_723 = arith.cmpf olt, %add3A_722, %select_n3A_711 : vector<8x4096xf32>
    %select_n3A_724 = arith.select %lt3A_723, %add3A_722, %select_n3A_711 : vector<8x4096xi1>, vector<8x4096xf32>
    %jit3A_725 = arith.constant 55 : i32
    %broadcast_in_dim3A_726 = vector.broadcast %jit3A_725 : i32 to vector<8x4096xi32>
    %select_n3A_727 = arith.select %lt3A_723, %broadcast_in_dim3A_726, %select_n3A_714 : vector<8x4096xi1>, vector<8x4096xi32>
    %get3A_728 = arith.constant 448 : index
    %get3A_729 = arith.constant 0 : index
    %get3A_730 = vector.load %arg5[%get3A_728, %get3A_729] : memref<2736x1xf32, #tpu.memory_space<vmem>>, vector<8x1xf32>
    %add3A_731 = vector.broadcast %get3A_8 : vector<1x4096xf32> to vector<8x4096xf32>
    %add3A_732 = vector.broadcast %get3A_730 : vector<8x1xf32> to vector<8x4096xf32>
    %add3A_733 = arith.addf %add3A_731, %add3A_732 : vector<8x4096xf32>
    %slice3A_734 = vector.extract_strided_slice %dot_general3A_5 {offsets = [448, 0], sizes = [8, 4096], strides = [1, 1]} : vector<2736x4096xf32> to vector<8x4096xf32>
    %add3A_735 = arith.addf %add3A_733, %slice3A_734 : vector<8x4096xf32>
    %lt3A_736 = arith.cmpf olt, %add3A_735, %select_n3A_724 : vector<8x4096xf32>
    %select_n3A_737 = arith.select %lt3A_736, %add3A_735, %select_n3A_724 : vector<8x4096xi1>, vector<8x4096xf32>
    %jit3A_738 = arith.constant 56 : i32
    %broadcast_in_dim3A_739 = vector.broadcast %jit3A_738 : i32 to vector<8x4096xi32>
    %select_n3A_740 = arith.select %lt3A_736, %broadcast_in_dim3A_739, %select_n3A_727 : vector<8x4096xi1>, vector<8x4096xi32>
    %get3A_741 = arith.constant 456 : index
    %get3A_742 = arith.constant 0 : index
    %get3A_743 = vector.load %arg5[%get3A_741, %get3A_742] : memref<2736x1xf32, #tpu.memory_space<vmem>>, vector<8x1xf32>
    %add3A_744 = vector.broadcast %get3A_8 : vector<1x4096xf32> to vector<8x4096xf32>
    %add3A_745 = vector.broadcast %get3A_743 : vector<8x1xf32> to vector<8x4096xf32>
    %add3A_746 = arith.addf %add3A_744, %add3A_745 : vector<8x4096xf32>
    %slice3A_747 = vector.extract_strided_slice %dot_general3A_5 {offsets = [456, 0], sizes = [8, 4096], strides = [1, 1]} : vector<2736x4096xf32> to vector<8x4096xf32>
    %add3A_748 = arith.addf %add3A_746, %slice3A_747 : vector<8x4096xf32>
    %lt3A_749 = arith.cmpf olt, %add3A_748, %select_n3A_737 : vector<8x4096xf32>
    %select_n3A_750 = arith.select %lt3A_749, %add3A_748, %select_n3A_737 : vector<8x4096xi1>, vector<8x4096xf32>
    %jit3A_751 = arith.constant 57 : i32
    %broadcast_in_dim3A_752 = vector.broadcast %jit3A_751 : i32 to vector<8x4096xi32>
    %select_n3A_753 = arith.select %lt3A_749, %broadcast_in_dim3A_752, %select_n3A_740 : vector<8x4096xi1>, vector<8x4096xi32>
    %get3A_754 = arith.constant 464 : index
    %get3A_755 = arith.constant 0 : index
    %get3A_756 = vector.load %arg5[%get3A_754, %get3A_755] : memref<2736x1xf32, #tpu.memory_space<vmem>>, vector<8x1xf32>
    %add3A_757 = vector.broadcast %get3A_8 : vector<1x4096xf32> to vector<8x4096xf32>
    %add3A_758 = vector.broadcast %get3A_756 : vector<8x1xf32> to vector<8x4096xf32>
    %add3A_759 = arith.addf %add3A_757, %add3A_758 : vector<8x4096xf32>
    %slice3A_760 = vector.extract_strided_slice %dot_general3A_5 {offsets = [464, 0], sizes = [8, 4096], strides = [1, 1]} : vector<2736x4096xf32> to vector<8x4096xf32>
    %add3A_761 = arith.addf %add3A_759, %slice3A_760 : vector<8x4096xf32>
    %lt3A_762 = arith.cmpf olt, %add3A_761, %select_n3A_750 : vector<8x4096xf32>
    %select_n3A_763 = arith.select %lt3A_762, %add3A_761, %select_n3A_750 : vector<8x4096xi1>, vector<8x4096xf32>
    %jit3A_764 = arith.constant 58 : i32
    %broadcast_in_dim3A_765 = vector.broadcast %jit3A_764 : i32 to vector<8x4096xi32>
    %select_n3A_766 = arith.select %lt3A_762, %broadcast_in_dim3A_765, %select_n3A_753 : vector<8x4096xi1>, vector<8x4096xi32>
    %get3A_767 = arith.constant 472 : index
    %get3A_768 = arith.constant 0 : index
    %get3A_769 = vector.load %arg5[%get3A_767, %get3A_768] : memref<2736x1xf32, #tpu.memory_space<vmem>>, vector<8x1xf32>
    %add3A_770 = vector.broadcast %get3A_8 : vector<1x4096xf32> to vector<8x4096xf32>
    %add3A_771 = vector.broadcast %get3A_769 : vector<8x1xf32> to vector<8x4096xf32>
    %add3A_772 = arith.addf %add3A_770, %add3A_771 : vector<8x4096xf32>
    %slice3A_773 = vector.extract_strided_slice %dot_general3A_5 {offsets = [472, 0], sizes = [8, 4096], strides = [1, 1]} : vector<2736x4096xf32> to vector<8x4096xf32>
    %add3A_774 = arith.addf %add3A_772, %slice3A_773 : vector<8x4096xf32>
    %lt3A_775 = arith.cmpf olt, %add3A_774, %select_n3A_763 : vector<8x4096xf32>
    %select_n3A_776 = arith.select %lt3A_775, %add3A_774, %select_n3A_763 : vector<8x4096xi1>, vector<8x4096xf32>
    %jit3A_777 = arith.constant 59 : i32
    %broadcast_in_dim3A_778 = vector.broadcast %jit3A_777 : i32 to vector<8x4096xi32>
    %select_n3A_779 = arith.select %lt3A_775, %broadcast_in_dim3A_778, %select_n3A_766 : vector<8x4096xi1>, vector<8x4096xi32>
    %get3A_780 = arith.constant 480 : index
    %get3A_781 = arith.constant 0 : index
    %get3A_782 = vector.load %arg5[%get3A_780, %get3A_781] : memref<2736x1xf32, #tpu.memory_space<vmem>>, vector<8x1xf32>
    %add3A_783 = vector.broadcast %get3A_8 : vector<1x4096xf32> to vector<8x4096xf32>
    %add3A_784 = vector.broadcast %get3A_782 : vector<8x1xf32> to vector<8x4096xf32>
    %add3A_785 = arith.addf %add3A_783, %add3A_784 : vector<8x4096xf32>
    %slice3A_786 = vector.extract_strided_slice %dot_general3A_5 {offsets = [480, 0], sizes = [8, 4096], strides = [1, 1]} : vector<2736x4096xf32> to vector<8x4096xf32>
    %add3A_787 = arith.addf %add3A_785, %slice3A_786 : vector<8x4096xf32>
    %lt3A_788 = arith.cmpf olt, %add3A_787, %select_n3A_776 : vector<8x4096xf32>
    %select_n3A_789 = arith.select %lt3A_788, %add3A_787, %select_n3A_776 : vector<8x4096xi1>, vector<8x4096xf32>
    %jit3A_790 = arith.constant 60 : i32
    %broadcast_in_dim3A_791 = vector.broadcast %jit3A_790 : i32 to vector<8x4096xi32>
    %select_n3A_792 = arith.select %lt3A_788, %broadcast_in_dim3A_791, %select_n3A_779 : vector<8x4096xi1>, vector<8x4096xi32>
    %get3A_793 = arith.constant 488 : index
    %get3A_794 = arith.constant 0 : index
    %get3A_795 = vector.load %arg5[%get3A_793, %get3A_794] : memref<2736x1xf32, #tpu.memory_space<vmem>>, vector<8x1xf32>
    %add3A_796 = vector.broadcast %get3A_8 : vector<1x4096xf32> to vector<8x4096xf32>
    %add3A_797 = vector.broadcast %get3A_795 : vector<8x1xf32> to vector<8x4096xf32>
    %add3A_798 = arith.addf %add3A_796, %add3A_797 : vector<8x4096xf32>
    %slice3A_799 = vector.extract_strided_slice %dot_general3A_5 {offsets = [488, 0], sizes = [8, 4096], strides = [1, 1]} : vector<2736x4096xf32> to vector<8x4096xf32>
    %add3A_800 = arith.addf %add3A_798, %slice3A_799 : vector<8x4096xf32>
    %lt3A_801 = arith.cmpf olt, %add3A_800, %select_n3A_789 : vector<8x4096xf32>
    %select_n3A_802 = arith.select %lt3A_801, %add3A_800, %select_n3A_789 : vector<8x4096xi1>, vector<8x4096xf32>
    %jit3A_803 = arith.constant 61 : i32
    %broadcast_in_dim3A_804 = vector.broadcast %jit3A_803 : i32 to vector<8x4096xi32>
    %select_n3A_805 = arith.select %lt3A_801, %broadcast_in_dim3A_804, %select_n3A_792 : vector<8x4096xi1>, vector<8x4096xi32>
    %get3A_806 = arith.constant 496 : index
    %get3A_807 = arith.constant 0 : index
    %get3A_808 = vector.load %arg5[%get3A_806, %get3A_807] : memref<2736x1xf32, #tpu.memory_space<vmem>>, vector<8x1xf32>
    %add3A_809 = vector.broadcast %get3A_8 : vector<1x4096xf32> to vector<8x4096xf32>
    %add3A_810 = vector.broadcast %get3A_808 : vector<8x1xf32> to vector<8x4096xf32>
    %add3A_811 = arith.addf %add3A_809, %add3A_810 : vector<8x4096xf32>
    %slice3A_812 = vector.extract_strided_slice %dot_general3A_5 {offsets = [496, 0], sizes = [8, 4096], strides = [1, 1]} : vector<2736x4096xf32> to vector<8x4096xf32>
    %add3A_813 = arith.addf %add3A_811, %slice3A_812 : vector<8x4096xf32>
    %lt3A_814 = arith.cmpf olt, %add3A_813, %select_n3A_802 : vector<8x4096xf32>
    %select_n3A_815 = arith.select %lt3A_814, %add3A_813, %select_n3A_802 : vector<8x4096xi1>, vector<8x4096xf32>
    %jit3A_816 = arith.constant 62 : i32
    %broadcast_in_dim3A_817 = vector.broadcast %jit3A_816 : i32 to vector<8x4096xi32>
    %select_n3A_818 = arith.select %lt3A_814, %broadcast_in_dim3A_817, %select_n3A_805 : vector<8x4096xi1>, vector<8x4096xi32>
    %get3A_819 = arith.constant 504 : index
    %get3A_820 = arith.constant 0 : index
    %get3A_821 = vector.load %arg5[%get3A_819, %get3A_820] : memref<2736x1xf32, #tpu.memory_space<vmem>>, vector<8x1xf32>
    %add3A_822 = vector.broadcast %get3A_8 : vector<1x4096xf32> to vector<8x4096xf32>
    %add3A_823 = vector.broadcast %get3A_821 : vector<8x1xf32> to vector<8x4096xf32>
    %add3A_824 = arith.addf %add3A_822, %add3A_823 : vector<8x4096xf32>
    %slice3A_825 = vector.extract_strided_slice %dot_general3A_5 {offsets = [504, 0], sizes = [8, 4096], strides = [1, 1]} : vector<2736x4096xf32> to vector<8x4096xf32>
    %add3A_826 = arith.addf %add3A_824, %slice3A_825 : vector<8x4096xf32>
    %lt3A_827 = arith.cmpf olt, %add3A_826, %select_n3A_815 : vector<8x4096xf32>
    %select_n3A_828 = arith.select %lt3A_827, %add3A_826, %select_n3A_815 : vector<8x4096xi1>, vector<8x4096xf32>
    %jit3A_829 = arith.constant 63 : i32
    %broadcast_in_dim3A_830 = vector.broadcast %jit3A_829 : i32 to vector<8x4096xi32>
    %select_n3A_831 = arith.select %lt3A_827, %broadcast_in_dim3A_830, %select_n3A_818 : vector<8x4096xi1>, vector<8x4096xi32>
    %get3A_832 = arith.constant 512 : index
    %get3A_833 = arith.constant 0 : index
    %get3A_834 = vector.load %arg5[%get3A_832, %get3A_833] : memref<2736x1xf32, #tpu.memory_space<vmem>>, vector<8x1xf32>
    %add3A_835 = vector.broadcast %get3A_8 : vector<1x4096xf32> to vector<8x4096xf32>
    %add3A_836 = vector.broadcast %get3A_834 : vector<8x1xf32> to vector<8x4096xf32>
    %add3A_837 = arith.addf %add3A_835, %add3A_836 : vector<8x4096xf32>
    %slice3A_838 = vector.extract_strided_slice %dot_general3A_5 {offsets = [512, 0], sizes = [8, 4096], strides = [1, 1]} : vector<2736x4096xf32> to vector<8x4096xf32>
    %add3A_839 = arith.addf %add3A_837, %slice3A_838 : vector<8x4096xf32>
    %lt3A_840 = arith.cmpf olt, %add3A_839, %select_n3A_828 : vector<8x4096xf32>
    %select_n3A_841 = arith.select %lt3A_840, %add3A_839, %select_n3A_828 : vector<8x4096xi1>, vector<8x4096xf32>
    %jit3A_842 = arith.constant 64 : i32
    %broadcast_in_dim3A_843 = vector.broadcast %jit3A_842 : i32 to vector<8x4096xi32>
    %select_n3A_844 = arith.select %lt3A_840, %broadcast_in_dim3A_843, %select_n3A_831 : vector<8x4096xi1>, vector<8x4096xi32>
    %get3A_845 = arith.constant 520 : index
    %get3A_846 = arith.constant 0 : index
    %get3A_847 = vector.load %arg5[%get3A_845, %get3A_846] : memref<2736x1xf32, #tpu.memory_space<vmem>>, vector<8x1xf32>
    %add3A_848 = vector.broadcast %get3A_8 : vector<1x4096xf32> to vector<8x4096xf32>
    %add3A_849 = vector.broadcast %get3A_847 : vector<8x1xf32> to vector<8x4096xf32>
    %add3A_850 = arith.addf %add3A_848, %add3A_849 : vector<8x4096xf32>
    %slice3A_851 = vector.extract_strided_slice %dot_general3A_5 {offsets = [520, 0], sizes = [8, 4096], strides = [1, 1]} : vector<2736x4096xf32> to vector<8x4096xf32>
    %add3A_852 = arith.addf %add3A_850, %slice3A_851 : vector<8x4096xf32>
    %lt3A_853 = arith.cmpf olt, %add3A_852, %select_n3A_841 : vector<8x4096xf32>
    %select_n3A_854 = arith.select %lt3A_853, %add3A_852, %select_n3A_841 : vector<8x4096xi1>, vector<8x4096xf32>
    %jit3A_855 = arith.constant 65 : i32
    %broadcast_in_dim3A_856 = vector.broadcast %jit3A_855 : i32 to vector<8x4096xi32>
    %select_n3A_857 = arith.select %lt3A_853, %broadcast_in_dim3A_856, %select_n3A_844 : vector<8x4096xi1>, vector<8x4096xi32>
    %get3A_858 = arith.constant 528 : index
    %get3A_859 = arith.constant 0 : index
    %get3A_860 = vector.load %arg5[%get3A_858, %get3A_859] : memref<2736x1xf32, #tpu.memory_space<vmem>>, vector<8x1xf32>
    %add3A_861 = vector.broadcast %get3A_8 : vector<1x4096xf32> to vector<8x4096xf32>
    %add3A_862 = vector.broadcast %get3A_860 : vector<8x1xf32> to vector<8x4096xf32>
    %add3A_863 = arith.addf %add3A_861, %add3A_862 : vector<8x4096xf32>
    %slice3A_864 = vector.extract_strided_slice %dot_general3A_5 {offsets = [528, 0], sizes = [8, 4096], strides = [1, 1]} : vector<2736x4096xf32> to vector<8x4096xf32>
    %add3A_865 = arith.addf %add3A_863, %slice3A_864 : vector<8x4096xf32>
    %lt3A_866 = arith.cmpf olt, %add3A_865, %select_n3A_854 : vector<8x4096xf32>
    %select_n3A_867 = arith.select %lt3A_866, %add3A_865, %select_n3A_854 : vector<8x4096xi1>, vector<8x4096xf32>
    %jit3A_868 = arith.constant 66 : i32
    %broadcast_in_dim3A_869 = vector.broadcast %jit3A_868 : i32 to vector<8x4096xi32>
    %select_n3A_870 = arith.select %lt3A_866, %broadcast_in_dim3A_869, %select_n3A_857 : vector<8x4096xi1>, vector<8x4096xi32>
    %get3A_871 = arith.constant 536 : index
    %get3A_872 = arith.constant 0 : index
    %get3A_873 = vector.load %arg5[%get3A_871, %get3A_872] : memref<2736x1xf32, #tpu.memory_space<vmem>>, vector<8x1xf32>
    %add3A_874 = vector.broadcast %get3A_8 : vector<1x4096xf32> to vector<8x4096xf32>
    %add3A_875 = vector.broadcast %get3A_873 : vector<8x1xf32> to vector<8x4096xf32>
    %add3A_876 = arith.addf %add3A_874, %add3A_875 : vector<8x4096xf32>
    %slice3A_877 = vector.extract_strided_slice %dot_general3A_5 {offsets = [536, 0], sizes = [8, 4096], strides = [1, 1]} : vector<2736x4096xf32> to vector<8x4096xf32>
    %add3A_878 = arith.addf %add3A_876, %slice3A_877 : vector<8x4096xf32>
    %lt3A_879 = arith.cmpf olt, %add3A_878, %select_n3A_867 : vector<8x4096xf32>
    %select_n3A_880 = arith.select %lt3A_879, %add3A_878, %select_n3A_867 : vector<8x4096xi1>, vector<8x4096xf32>
    %jit3A_881 = arith.constant 67 : i32
    %broadcast_in_dim3A_882 = vector.broadcast %jit3A_881 : i32 to vector<8x4096xi32>
    %select_n3A_883 = arith.select %lt3A_879, %broadcast_in_dim3A_882, %select_n3A_870 : vector<8x4096xi1>, vector<8x4096xi32>
    %get3A_884 = arith.constant 544 : index
    %get3A_885 = arith.constant 0 : index
    %get3A_886 = vector.load %arg5[%get3A_884, %get3A_885] : memref<2736x1xf32, #tpu.memory_space<vmem>>, vector<8x1xf32>
    %add3A_887 = vector.broadcast %get3A_8 : vector<1x4096xf32> to vector<8x4096xf32>
    %add3A_888 = vector.broadcast %get3A_886 : vector<8x1xf32> to vector<8x4096xf32>
    %add3A_889 = arith.addf %add3A_887, %add3A_888 : vector<8x4096xf32>
    %slice3A_890 = vector.extract_strided_slice %dot_general3A_5 {offsets = [544, 0], sizes = [8, 4096], strides = [1, 1]} : vector<2736x4096xf32> to vector<8x4096xf32>
    %add3A_891 = arith.addf %add3A_889, %slice3A_890 : vector<8x4096xf32>
    %lt3A_892 = arith.cmpf olt, %add3A_891, %select_n3A_880 : vector<8x4096xf32>
    %select_n3A_893 = arith.select %lt3A_892, %add3A_891, %select_n3A_880 : vector<8x4096xi1>, vector<8x4096xf32>
    %jit3A_894 = arith.constant 68 : i32
    %broadcast_in_dim3A_895 = vector.broadcast %jit3A_894 : i32 to vector<8x4096xi32>
    %select_n3A_896 = arith.select %lt3A_892, %broadcast_in_dim3A_895, %select_n3A_883 : vector<8x4096xi1>, vector<8x4096xi32>
    %get3A_897 = arith.constant 552 : index
    %get3A_898 = arith.constant 0 : index
    %get3A_899 = vector.load %arg5[%get3A_897, %get3A_898] : memref<2736x1xf32, #tpu.memory_space<vmem>>, vector<8x1xf32>
    %add3A_900 = vector.broadcast %get3A_8 : vector<1x4096xf32> to vector<8x4096xf32>
    %add3A_901 = vector.broadcast %get3A_899 : vector<8x1xf32> to vector<8x4096xf32>
    %add3A_902 = arith.addf %add3A_900, %add3A_901 : vector<8x4096xf32>
    %slice3A_903 = vector.extract_strided_slice %dot_general3A_5 {offsets = [552, 0], sizes = [8, 4096], strides = [1, 1]} : vector<2736x4096xf32> to vector<8x4096xf32>
    %add3A_904 = arith.addf %add3A_902, %slice3A_903 : vector<8x4096xf32>
    %lt3A_905 = arith.cmpf olt, %add3A_904, %select_n3A_893 : vector<8x4096xf32>
    %select_n3A_906 = arith.select %lt3A_905, %add3A_904, %select_n3A_893 : vector<8x4096xi1>, vector<8x4096xf32>
    %jit3A_907 = arith.constant 69 : i32
    %broadcast_in_dim3A_908 = vector.broadcast %jit3A_907 : i32 to vector<8x4096xi32>
    %select_n3A_909 = arith.select %lt3A_905, %broadcast_in_dim3A_908, %select_n3A_896 : vector<8x4096xi1>, vector<8x4096xi32>
    %get3A_910 = arith.constant 560 : index
    %get3A_911 = arith.constant 0 : index
    %get3A_912 = vector.load %arg5[%get3A_910, %get3A_911] : memref<2736x1xf32, #tpu.memory_space<vmem>>, vector<8x1xf32>
    %add3A_913 = vector.broadcast %get3A_8 : vector<1x4096xf32> to vector<8x4096xf32>
    %add3A_914 = vector.broadcast %get3A_912 : vector<8x1xf32> to vector<8x4096xf32>
    %add3A_915 = arith.addf %add3A_913, %add3A_914 : vector<8x4096xf32>
    %slice3A_916 = vector.extract_strided_slice %dot_general3A_5 {offsets = [560, 0], sizes = [8, 4096], strides = [1, 1]} : vector<2736x4096xf32> to vector<8x4096xf32>
    %add3A_917 = arith.addf %add3A_915, %slice3A_916 : vector<8x4096xf32>
    %lt3A_918 = arith.cmpf olt, %add3A_917, %select_n3A_906 : vector<8x4096xf32>
    %select_n3A_919 = arith.select %lt3A_918, %add3A_917, %select_n3A_906 : vector<8x4096xi1>, vector<8x4096xf32>
    %jit3A_920 = arith.constant 70 : i32
    %broadcast_in_dim3A_921 = vector.broadcast %jit3A_920 : i32 to vector<8x4096xi32>
    %select_n3A_922 = arith.select %lt3A_918, %broadcast_in_dim3A_921, %select_n3A_909 : vector<8x4096xi1>, vector<8x4096xi32>
    %get3A_923 = arith.constant 568 : index
    %get3A_924 = arith.constant 0 : index
    %get3A_925 = vector.load %arg5[%get3A_923, %get3A_924] : memref<2736x1xf32, #tpu.memory_space<vmem>>, vector<8x1xf32>
    %add3A_926 = vector.broadcast %get3A_8 : vector<1x4096xf32> to vector<8x4096xf32>
    %add3A_927 = vector.broadcast %get3A_925 : vector<8x1xf32> to vector<8x4096xf32>
    %add3A_928 = arith.addf %add3A_926, %add3A_927 : vector<8x4096xf32>
    %slice3A_929 = vector.extract_strided_slice %dot_general3A_5 {offsets = [568, 0], sizes = [8, 4096], strides = [1, 1]} : vector<2736x4096xf32> to vector<8x4096xf32>
    %add3A_930 = arith.addf %add3A_928, %slice3A_929 : vector<8x4096xf32>
    %lt3A_931 = arith.cmpf olt, %add3A_930, %select_n3A_919 : vector<8x4096xf32>
    %select_n3A_932 = arith.select %lt3A_931, %add3A_930, %select_n3A_919 : vector<8x4096xi1>, vector<8x4096xf32>
    %jit3A_933 = arith.constant 71 : i32
    %broadcast_in_dim3A_934 = vector.broadcast %jit3A_933 : i32 to vector<8x4096xi32>
    %select_n3A_935 = arith.select %lt3A_931, %broadcast_in_dim3A_934, %select_n3A_922 : vector<8x4096xi1>, vector<8x4096xi32>
    %get3A_936 = arith.constant 576 : index
    %get3A_937 = arith.constant 0 : index
    %get3A_938 = vector.load %arg5[%get3A_936, %get3A_937] : memref<2736x1xf32, #tpu.memory_space<vmem>>, vector<8x1xf32>
    %add3A_939 = vector.broadcast %get3A_8 : vector<1x4096xf32> to vector<8x4096xf32>
    %add3A_940 = vector.broadcast %get3A_938 : vector<8x1xf32> to vector<8x4096xf32>
    %add3A_941 = arith.addf %add3A_939, %add3A_940 : vector<8x4096xf32>
    %slice3A_942 = vector.extract_strided_slice %dot_general3A_5 {offsets = [576, 0], sizes = [8, 4096], strides = [1, 1]} : vector<2736x4096xf32> to vector<8x4096xf32>
    %add3A_943 = arith.addf %add3A_941, %slice3A_942 : vector<8x4096xf32>
    %lt3A_944 = arith.cmpf olt, %add3A_943, %select_n3A_932 : vector<8x4096xf32>
    %select_n3A_945 = arith.select %lt3A_944, %add3A_943, %select_n3A_932 : vector<8x4096xi1>, vector<8x4096xf32>
    %jit3A_946 = arith.constant 72 : i32
    %broadcast_in_dim3A_947 = vector.broadcast %jit3A_946 : i32 to vector<8x4096xi32>
    %select_n3A_948 = arith.select %lt3A_944, %broadcast_in_dim3A_947, %select_n3A_935 : vector<8x4096xi1>, vector<8x4096xi32>
    %get3A_949 = arith.constant 584 : index
    %get3A_950 = arith.constant 0 : index
    %get3A_951 = vector.load %arg5[%get3A_949, %get3A_950] : memref<2736x1xf32, #tpu.memory_space<vmem>>, vector<8x1xf32>
    %add3A_952 = vector.broadcast %get3A_8 : vector<1x4096xf32> to vector<8x4096xf32>
    %add3A_953 = vector.broadcast %get3A_951 : vector<8x1xf32> to vector<8x4096xf32>
    %add3A_954 = arith.addf %add3A_952, %add3A_953 : vector<8x4096xf32>
    %slice3A_955 = vector.extract_strided_slice %dot_general3A_5 {offsets = [584, 0], sizes = [8, 4096], strides = [1, 1]} : vector<2736x4096xf32> to vector<8x4096xf32>
    %add3A_956 = arith.addf %add3A_954, %slice3A_955 : vector<8x4096xf32>
    %lt3A_957 = arith.cmpf olt, %add3A_956, %select_n3A_945 : vector<8x4096xf32>
    %select_n3A_958 = arith.select %lt3A_957, %add3A_956, %select_n3A_945 : vector<8x4096xi1>, vector<8x4096xf32>
    %jit3A_959 = arith.constant 73 : i32
    %broadcast_in_dim3A_960 = vector.broadcast %jit3A_959 : i32 to vector<8x4096xi32>
    %select_n3A_961 = arith.select %lt3A_957, %broadcast_in_dim3A_960, %select_n3A_948 : vector<8x4096xi1>, vector<8x4096xi32>
    %get3A_962 = arith.constant 592 : index
    %get3A_963 = arith.constant 0 : index
    %get3A_964 = vector.load %arg5[%get3A_962, %get3A_963] : memref<2736x1xf32, #tpu.memory_space<vmem>>, vector<8x1xf32>
    %add3A_965 = vector.broadcast %get3A_8 : vector<1x4096xf32> to vector<8x4096xf32>
    %add3A_966 = vector.broadcast %get3A_964 : vector<8x1xf32> to vector<8x4096xf32>
    %add3A_967 = arith.addf %add3A_965, %add3A_966 : vector<8x4096xf32>
    %slice3A_968 = vector.extract_strided_slice %dot_general3A_5 {offsets = [592, 0], sizes = [8, 4096], strides = [1, 1]} : vector<2736x4096xf32> to vector<8x4096xf32>
    %add3A_969 = arith.addf %add3A_967, %slice3A_968 : vector<8x4096xf32>
    %lt3A_970 = arith.cmpf olt, %add3A_969, %select_n3A_958 : vector<8x4096xf32>
    %select_n3A_971 = arith.select %lt3A_970, %add3A_969, %select_n3A_958 : vector<8x4096xi1>, vector<8x4096xf32>
    %jit3A_972 = arith.constant 74 : i32
    %broadcast_in_dim3A_973 = vector.broadcast %jit3A_972 : i32 to vector<8x4096xi32>
    %select_n3A_974 = arith.select %lt3A_970, %broadcast_in_dim3A_973, %select_n3A_961 : vector<8x4096xi1>, vector<8x4096xi32>
    %get3A_975 = arith.constant 600 : index
    %get3A_976 = arith.constant 0 : index
    %get3A_977 = vector.load %arg5[%get3A_975, %get3A_976] : memref<2736x1xf32, #tpu.memory_space<vmem>>, vector<8x1xf32>
    %add3A_978 = vector.broadcast %get3A_8 : vector<1x4096xf32> to vector<8x4096xf32>
    %add3A_979 = vector.broadcast %get3A_977 : vector<8x1xf32> to vector<8x4096xf32>
    %add3A_980 = arith.addf %add3A_978, %add3A_979 : vector<8x4096xf32>
    %slice3A_981 = vector.extract_strided_slice %dot_general3A_5 {offsets = [600, 0], sizes = [8, 4096], strides = [1, 1]} : vector<2736x4096xf32> to vector<8x4096xf32>
    %add3A_982 = arith.addf %add3A_980, %slice3A_981 : vector<8x4096xf32>
    %lt3A_983 = arith.cmpf olt, %add3A_982, %select_n3A_971 : vector<8x4096xf32>
    %select_n3A_984 = arith.select %lt3A_983, %add3A_982, %select_n3A_971 : vector<8x4096xi1>, vector<8x4096xf32>
    %jit3A_985 = arith.constant 75 : i32
    %broadcast_in_dim3A_986 = vector.broadcast %jit3A_985 : i32 to vector<8x4096xi32>
    %select_n3A_987 = arith.select %lt3A_983, %broadcast_in_dim3A_986, %select_n3A_974 : vector<8x4096xi1>, vector<8x4096xi32>
    %get3A_988 = arith.constant 608 : index
    %get3A_989 = arith.constant 0 : index
    %get3A_990 = vector.load %arg5[%get3A_988, %get3A_989] : memref<2736x1xf32, #tpu.memory_space<vmem>>, vector<8x1xf32>
    %add3A_991 = vector.broadcast %get3A_8 : vector<1x4096xf32> to vector<8x4096xf32>
    %add3A_992 = vector.broadcast %get3A_990 : vector<8x1xf32> to vector<8x4096xf32>
    %add3A_993 = arith.addf %add3A_991, %add3A_992 : vector<8x4096xf32>
    %slice3A_994 = vector.extract_strided_slice %dot_general3A_5 {offsets = [608, 0], sizes = [8, 4096], strides = [1, 1]} : vector<2736x4096xf32> to vector<8x4096xf32>
    %add3A_995 = arith.addf %add3A_993, %slice3A_994 : vector<8x4096xf32>
    %lt3A_996 = arith.cmpf olt, %add3A_995, %select_n3A_984 : vector<8x4096xf32>
    %select_n3A_997 = arith.select %lt3A_996, %add3A_995, %select_n3A_984 : vector<8x4096xi1>, vector<8x4096xf32>
    %jit3A_998 = arith.constant 76 : i32
    %broadcast_in_dim3A_999 = vector.broadcast %jit3A_998 : i32 to vector<8x4096xi32>
    %select_n3A_1000 = arith.select %lt3A_996, %broadcast_in_dim3A_999, %select_n3A_987 : vector<8x4096xi1>, vector<8x4096xi32>
    %get3A_1001 = arith.constant 616 : index
    %get3A_1002 = arith.constant 0 : index
    %get3A_1003 = vector.load %arg5[%get3A_1001, %get3A_1002] : memref<2736x1xf32, #tpu.memory_space<vmem>>, vector<8x1xf32>
    %add3A_1004 = vector.broadcast %get3A_8 : vector<1x4096xf32> to vector<8x4096xf32>
    %add3A_1005 = vector.broadcast %get3A_1003 : vector<8x1xf32> to vector<8x4096xf32>
    %add3A_1006 = arith.addf %add3A_1004, %add3A_1005 : vector<8x4096xf32>
    %slice3A_1007 = vector.extract_strided_slice %dot_general3A_5 {offsets = [616, 0], sizes = [8, 4096], strides = [1, 1]} : vector<2736x4096xf32> to vector<8x4096xf32>
    %add3A_1008 = arith.addf %add3A_1006, %slice3A_1007 : vector<8x4096xf32>
    %lt3A_1009 = arith.cmpf olt, %add3A_1008, %select_n3A_997 : vector<8x4096xf32>
    %select_n3A_1010 = arith.select %lt3A_1009, %add3A_1008, %select_n3A_997 : vector<8x4096xi1>, vector<8x4096xf32>
    %jit3A_1011 = arith.constant 77 : i32
    %broadcast_in_dim3A_1012 = vector.broadcast %jit3A_1011 : i32 to vector<8x4096xi32>
    %select_n3A_1013 = arith.select %lt3A_1009, %broadcast_in_dim3A_1012, %select_n3A_1000 : vector<8x4096xi1>, vector<8x4096xi32>
    %get3A_1014 = arith.constant 624 : index
    %get3A_1015 = arith.constant 0 : index
    %get3A_1016 = vector.load %arg5[%get3A_1014, %get3A_1015] : memref<2736x1xf32, #tpu.memory_space<vmem>>, vector<8x1xf32>
    %add3A_1017 = vector.broadcast %get3A_8 : vector<1x4096xf32> to vector<8x4096xf32>
    %add3A_1018 = vector.broadcast %get3A_1016 : vector<8x1xf32> to vector<8x4096xf32>
    %add3A_1019 = arith.addf %add3A_1017, %add3A_1018 : vector<8x4096xf32>
    %slice3A_1020 = vector.extract_strided_slice %dot_general3A_5 {offsets = [624, 0], sizes = [8, 4096], strides = [1, 1]} : vector<2736x4096xf32> to vector<8x4096xf32>
    %add3A_1021 = arith.addf %add3A_1019, %slice3A_1020 : vector<8x4096xf32>
    %lt3A_1022 = arith.cmpf olt, %add3A_1021, %select_n3A_1010 : vector<8x4096xf32>
    %select_n3A_1023 = arith.select %lt3A_1022, %add3A_1021, %select_n3A_1010 : vector<8x4096xi1>, vector<8x4096xf32>
    %jit3A_1024 = arith.constant 78 : i32
    %broadcast_in_dim3A_1025 = vector.broadcast %jit3A_1024 : i32 to vector<8x4096xi32>
    %select_n3A_1026 = arith.select %lt3A_1022, %broadcast_in_dim3A_1025, %select_n3A_1013 : vector<8x4096xi1>, vector<8x4096xi32>
    %get3A_1027 = arith.constant 632 : index
    %get3A_1028 = arith.constant 0 : index
    %get3A_1029 = vector.load %arg5[%get3A_1027, %get3A_1028] : memref<2736x1xf32, #tpu.memory_space<vmem>>, vector<8x1xf32>
    %add3A_1030 = vector.broadcast %get3A_8 : vector<1x4096xf32> to vector<8x4096xf32>
    %add3A_1031 = vector.broadcast %get3A_1029 : vector<8x1xf32> to vector<8x4096xf32>
    %add3A_1032 = arith.addf %add3A_1030, %add3A_1031 : vector<8x4096xf32>
    %slice3A_1033 = vector.extract_strided_slice %dot_general3A_5 {offsets = [632, 0], sizes = [8, 4096], strides = [1, 1]} : vector<2736x4096xf32> to vector<8x4096xf32>
    %add3A_1034 = arith.addf %add3A_1032, %slice3A_1033 : vector<8x4096xf32>
    %lt3A_1035 = arith.cmpf olt, %add3A_1034, %select_n3A_1023 : vector<8x4096xf32>
    %select_n3A_1036 = arith.select %lt3A_1035, %add3A_1034, %select_n3A_1023 : vector<8x4096xi1>, vector<8x4096xf32>
    %jit3A_1037 = arith.constant 79 : i32
    %broadcast_in_dim3A_1038 = vector.broadcast %jit3A_1037 : i32 to vector<8x4096xi32>
    %select_n3A_1039 = arith.select %lt3A_1035, %broadcast_in_dim3A_1038, %select_n3A_1026 : vector<8x4096xi1>, vector<8x4096xi32>
    %get3A_1040 = arith.constant 640 : index
    %get3A_1041 = arith.constant 0 : index
    %get3A_1042 = vector.load %arg5[%get3A_1040, %get3A_1041] : memref<2736x1xf32, #tpu.memory_space<vmem>>, vector<8x1xf32>
    %add3A_1043 = vector.broadcast %get3A_8 : vector<1x4096xf32> to vector<8x4096xf32>
    %add3A_1044 = vector.broadcast %get3A_1042 : vector<8x1xf32> to vector<8x4096xf32>
    %add3A_1045 = arith.addf %add3A_1043, %add3A_1044 : vector<8x4096xf32>
    %slice3A_1046 = vector.extract_strided_slice %dot_general3A_5 {offsets = [640, 0], sizes = [8, 4096], strides = [1, 1]} : vector<2736x4096xf32> to vector<8x4096xf32>
    %add3A_1047 = arith.addf %add3A_1045, %slice3A_1046 : vector<8x4096xf32>
    %lt3A_1048 = arith.cmpf olt, %add3A_1047, %select_n3A_1036 : vector<8x4096xf32>
    %select_n3A_1049 = arith.select %lt3A_1048, %add3A_1047, %select_n3A_1036 : vector<8x4096xi1>, vector<8x4096xf32>
    %jit3A_1050 = arith.constant 80 : i32
    %broadcast_in_dim3A_1051 = vector.broadcast %jit3A_1050 : i32 to vector<8x4096xi32>
    %select_n3A_1052 = arith.select %lt3A_1048, %broadcast_in_dim3A_1051, %select_n3A_1039 : vector<8x4096xi1>, vector<8x4096xi32>
    %get3A_1053 = arith.constant 648 : index
    %get3A_1054 = arith.constant 0 : index
    %get3A_1055 = vector.load %arg5[%get3A_1053, %get3A_1054] : memref<2736x1xf32, #tpu.memory_space<vmem>>, vector<8x1xf32>
    %add3A_1056 = vector.broadcast %get3A_8 : vector<1x4096xf32> to vector<8x4096xf32>
    %add3A_1057 = vector.broadcast %get3A_1055 : vector<8x1xf32> to vector<8x4096xf32>
    %add3A_1058 = arith.addf %add3A_1056, %add3A_1057 : vector<8x4096xf32>
    %slice3A_1059 = vector.extract_strided_slice %dot_general3A_5 {offsets = [648, 0], sizes = [8, 4096], strides = [1, 1]} : vector<2736x4096xf32> to vector<8x4096xf32>
    %add3A_1060 = arith.addf %add3A_1058, %slice3A_1059 : vector<8x4096xf32>
    %lt3A_1061 = arith.cmpf olt, %add3A_1060, %select_n3A_1049 : vector<8x4096xf32>
    %select_n3A_1062 = arith.select %lt3A_1061, %add3A_1060, %select_n3A_1049 : vector<8x4096xi1>, vector<8x4096xf32>
    %jit3A_1063 = arith.constant 81 : i32
    %broadcast_in_dim3A_1064 = vector.broadcast %jit3A_1063 : i32 to vector<8x4096xi32>
    %select_n3A_1065 = arith.select %lt3A_1061, %broadcast_in_dim3A_1064, %select_n3A_1052 : vector<8x4096xi1>, vector<8x4096xi32>
    %get3A_1066 = arith.constant 656 : index
    %get3A_1067 = arith.constant 0 : index
    %get3A_1068 = vector.load %arg5[%get3A_1066, %get3A_1067] : memref<2736x1xf32, #tpu.memory_space<vmem>>, vector<8x1xf32>
    %add3A_1069 = vector.broadcast %get3A_8 : vector<1x4096xf32> to vector<8x4096xf32>
    %add3A_1070 = vector.broadcast %get3A_1068 : vector<8x1xf32> to vector<8x4096xf32>
    %add3A_1071 = arith.addf %add3A_1069, %add3A_1070 : vector<8x4096xf32>
    %slice3A_1072 = vector.extract_strided_slice %dot_general3A_5 {offsets = [656, 0], sizes = [8, 4096], strides = [1, 1]} : vector<2736x4096xf32> to vector<8x4096xf32>
    %add3A_1073 = arith.addf %add3A_1071, %slice3A_1072 : vector<8x4096xf32>
    %lt3A_1074 = arith.cmpf olt, %add3A_1073, %select_n3A_1062 : vector<8x4096xf32>
    %select_n3A_1075 = arith.select %lt3A_1074, %add3A_1073, %select_n3A_1062 : vector<8x4096xi1>, vector<8x4096xf32>
    %jit3A_1076 = arith.constant 82 : i32
    %broadcast_in_dim3A_1077 = vector.broadcast %jit3A_1076 : i32 to vector<8x4096xi32>
    %select_n3A_1078 = arith.select %lt3A_1074, %broadcast_in_dim3A_1077, %select_n3A_1065 : vector<8x4096xi1>, vector<8x4096xi32>
    %get3A_1079 = arith.constant 664 : index
    %get3A_1080 = arith.constant 0 : index
    %get3A_1081 = vector.load %arg5[%get3A_1079, %get3A_1080] : memref<2736x1xf32, #tpu.memory_space<vmem>>, vector<8x1xf32>
    %add3A_1082 = vector.broadcast %get3A_8 : vector<1x4096xf32> to vector<8x4096xf32>
    %add3A_1083 = vector.broadcast %get3A_1081 : vector<8x1xf32> to vector<8x4096xf32>
    %add3A_1084 = arith.addf %add3A_1082, %add3A_1083 : vector<8x4096xf32>
    %slice3A_1085 = vector.extract_strided_slice %dot_general3A_5 {offsets = [664, 0], sizes = [8, 4096], strides = [1, 1]} : vector<2736x4096xf32> to vector<8x4096xf32>
    %add3A_1086 = arith.addf %add3A_1084, %slice3A_1085 : vector<8x4096xf32>
    %lt3A_1087 = arith.cmpf olt, %add3A_1086, %select_n3A_1075 : vector<8x4096xf32>
    %select_n3A_1088 = arith.select %lt3A_1087, %add3A_1086, %select_n3A_1075 : vector<8x4096xi1>, vector<8x4096xf32>
    %jit3A_1089 = arith.constant 83 : i32
    %broadcast_in_dim3A_1090 = vector.broadcast %jit3A_1089 : i32 to vector<8x4096xi32>
    %select_n3A_1091 = arith.select %lt3A_1087, %broadcast_in_dim3A_1090, %select_n3A_1078 : vector<8x4096xi1>, vector<8x4096xi32>
    %get3A_1092 = arith.constant 672 : index
    %get3A_1093 = arith.constant 0 : index
    %get3A_1094 = vector.load %arg5[%get3A_1092, %get3A_1093] : memref<2736x1xf32, #tpu.memory_space<vmem>>, vector<8x1xf32>
    %add3A_1095 = vector.broadcast %get3A_8 : vector<1x4096xf32> to vector<8x4096xf32>
    %add3A_1096 = vector.broadcast %get3A_1094 : vector<8x1xf32> to vector<8x4096xf32>
    %add3A_1097 = arith.addf %add3A_1095, %add3A_1096 : vector<8x4096xf32>
    %slice3A_1098 = vector.extract_strided_slice %dot_general3A_5 {offsets = [672, 0], sizes = [8, 4096], strides = [1, 1]} : vector<2736x4096xf32> to vector<8x4096xf32>
    %add3A_1099 = arith.addf %add3A_1097, %slice3A_1098 : vector<8x4096xf32>
    %lt3A_1100 = arith.cmpf olt, %add3A_1099, %select_n3A_1088 : vector<8x4096xf32>
    %select_n3A_1101 = arith.select %lt3A_1100, %add3A_1099, %select_n3A_1088 : vector<8x4096xi1>, vector<8x4096xf32>
    %jit3A_1102 = arith.constant 84 : i32
    %broadcast_in_dim3A_1103 = vector.broadcast %jit3A_1102 : i32 to vector<8x4096xi32>
    %select_n3A_1104 = arith.select %lt3A_1100, %broadcast_in_dim3A_1103, %select_n3A_1091 : vector<8x4096xi1>, vector<8x4096xi32>
    %get3A_1105 = arith.constant 680 : index
    %get3A_1106 = arith.constant 0 : index
    %get3A_1107 = vector.load %arg5[%get3A_1105, %get3A_1106] : memref<2736x1xf32, #tpu.memory_space<vmem>>, vector<8x1xf32>
    %add3A_1108 = vector.broadcast %get3A_8 : vector<1x4096xf32> to vector<8x4096xf32>
    %add3A_1109 = vector.broadcast %get3A_1107 : vector<8x1xf32> to vector<8x4096xf32>
    %add3A_1110 = arith.addf %add3A_1108, %add3A_1109 : vector<8x4096xf32>
    %slice3A_1111 = vector.extract_strided_slice %dot_general3A_5 {offsets = [680, 0], sizes = [8, 4096], strides = [1, 1]} : vector<2736x4096xf32> to vector<8x4096xf32>
    %add3A_1112 = arith.addf %add3A_1110, %slice3A_1111 : vector<8x4096xf32>
    %lt3A_1113 = arith.cmpf olt, %add3A_1112, %select_n3A_1101 : vector<8x4096xf32>
    %select_n3A_1114 = arith.select %lt3A_1113, %add3A_1112, %select_n3A_1101 : vector<8x4096xi1>, vector<8x4096xf32>
    %jit3A_1115 = arith.constant 85 : i32
    %broadcast_in_dim3A_1116 = vector.broadcast %jit3A_1115 : i32 to vector<8x4096xi32>
    %select_n3A_1117 = arith.select %lt3A_1113, %broadcast_in_dim3A_1116, %select_n3A_1104 : vector<8x4096xi1>, vector<8x4096xi32>
    %get3A_1118 = arith.constant 688 : index
    %get3A_1119 = arith.constant 0 : index
    %get3A_1120 = vector.load %arg5[%get3A_1118, %get3A_1119] : memref<2736x1xf32, #tpu.memory_space<vmem>>, vector<8x1xf32>
    %add3A_1121 = vector.broadcast %get3A_8 : vector<1x4096xf32> to vector<8x4096xf32>
    %add3A_1122 = vector.broadcast %get3A_1120 : vector<8x1xf32> to vector<8x4096xf32>
    %add3A_1123 = arith.addf %add3A_1121, %add3A_1122 : vector<8x4096xf32>
    %slice3A_1124 = vector.extract_strided_slice %dot_general3A_5 {offsets = [688, 0], sizes = [8, 4096], strides = [1, 1]} : vector<2736x4096xf32> to vector<8x4096xf32>
    %add3A_1125 = arith.addf %add3A_1123, %slice3A_1124 : vector<8x4096xf32>
    %lt3A_1126 = arith.cmpf olt, %add3A_1125, %select_n3A_1114 : vector<8x4096xf32>
    %select_n3A_1127 = arith.select %lt3A_1126, %add3A_1125, %select_n3A_1114 : vector<8x4096xi1>, vector<8x4096xf32>
    %jit3A_1128 = arith.constant 86 : i32
    %broadcast_in_dim3A_1129 = vector.broadcast %jit3A_1128 : i32 to vector<8x4096xi32>
    %select_n3A_1130 = arith.select %lt3A_1126, %broadcast_in_dim3A_1129, %select_n3A_1117 : vector<8x4096xi1>, vector<8x4096xi32>
    %get3A_1131 = arith.constant 696 : index
    %get3A_1132 = arith.constant 0 : index
    %get3A_1133 = vector.load %arg5[%get3A_1131, %get3A_1132] : memref<2736x1xf32, #tpu.memory_space<vmem>>, vector<8x1xf32>
    %add3A_1134 = vector.broadcast %get3A_8 : vector<1x4096xf32> to vector<8x4096xf32>
    %add3A_1135 = vector.broadcast %get3A_1133 : vector<8x1xf32> to vector<8x4096xf32>
    %add3A_1136 = arith.addf %add3A_1134, %add3A_1135 : vector<8x4096xf32>
    %slice3A_1137 = vector.extract_strided_slice %dot_general3A_5 {offsets = [696, 0], sizes = [8, 4096], strides = [1, 1]} : vector<2736x4096xf32> to vector<8x4096xf32>
    %add3A_1138 = arith.addf %add3A_1136, %slice3A_1137 : vector<8x4096xf32>
    %lt3A_1139 = arith.cmpf olt, %add3A_1138, %select_n3A_1127 : vector<8x4096xf32>
    %select_n3A_1140 = arith.select %lt3A_1139, %add3A_1138, %select_n3A_1127 : vector<8x4096xi1>, vector<8x4096xf32>
    %jit3A_1141 = arith.constant 87 : i32
    %broadcast_in_dim3A_1142 = vector.broadcast %jit3A_1141 : i32 to vector<8x4096xi32>
    %select_n3A_1143 = arith.select %lt3A_1139, %broadcast_in_dim3A_1142, %select_n3A_1130 : vector<8x4096xi1>, vector<8x4096xi32>
    %get3A_1144 = arith.constant 704 : index
    %get3A_1145 = arith.constant 0 : index
    %get3A_1146 = vector.load %arg5[%get3A_1144, %get3A_1145] : memref<2736x1xf32, #tpu.memory_space<vmem>>, vector<8x1xf32>
    %add3A_1147 = vector.broadcast %get3A_8 : vector<1x4096xf32> to vector<8x4096xf32>
    %add3A_1148 = vector.broadcast %get3A_1146 : vector<8x1xf32> to vector<8x4096xf32>
    %add3A_1149 = arith.addf %add3A_1147, %add3A_1148 : vector<8x4096xf32>
    %slice3A_1150 = vector.extract_strided_slice %dot_general3A_5 {offsets = [704, 0], sizes = [8, 4096], strides = [1, 1]} : vector<2736x4096xf32> to vector<8x4096xf32>
    %add3A_1151 = arith.addf %add3A_1149, %slice3A_1150 : vector<8x4096xf32>
    %lt3A_1152 = arith.cmpf olt, %add3A_1151, %select_n3A_1140 : vector<8x4096xf32>
    %select_n3A_1153 = arith.select %lt3A_1152, %add3A_1151, %select_n3A_1140 : vector<8x4096xi1>, vector<8x4096xf32>
    %jit3A_1154 = arith.constant 88 : i32
    %broadcast_in_dim3A_1155 = vector.broadcast %jit3A_1154 : i32 to vector<8x4096xi32>
    %select_n3A_1156 = arith.select %lt3A_1152, %broadcast_in_dim3A_1155, %select_n3A_1143 : vector<8x4096xi1>, vector<8x4096xi32>
    %get3A_1157 = arith.constant 712 : index
    %get3A_1158 = arith.constant 0 : index
    %get3A_1159 = vector.load %arg5[%get3A_1157, %get3A_1158] : memref<2736x1xf32, #tpu.memory_space<vmem>>, vector<8x1xf32>
    %add3A_1160 = vector.broadcast %get3A_8 : vector<1x4096xf32> to vector<8x4096xf32>
    %add3A_1161 = vector.broadcast %get3A_1159 : vector<8x1xf32> to vector<8x4096xf32>
    %add3A_1162 = arith.addf %add3A_1160, %add3A_1161 : vector<8x4096xf32>
    %slice3A_1163 = vector.extract_strided_slice %dot_general3A_5 {offsets = [712, 0], sizes = [8, 4096], strides = [1, 1]} : vector<2736x4096xf32> to vector<8x4096xf32>
    %add3A_1164 = arith.addf %add3A_1162, %slice3A_1163 : vector<8x4096xf32>
    %lt3A_1165 = arith.cmpf olt, %add3A_1164, %select_n3A_1153 : vector<8x4096xf32>
    %select_n3A_1166 = arith.select %lt3A_1165, %add3A_1164, %select_n3A_1153 : vector<8x4096xi1>, vector<8x4096xf32>
    %jit3A_1167 = arith.constant 89 : i32
    %broadcast_in_dim3A_1168 = vector.broadcast %jit3A_1167 : i32 to vector<8x4096xi32>
    %select_n3A_1169 = arith.select %lt3A_1165, %broadcast_in_dim3A_1168, %select_n3A_1156 : vector<8x4096xi1>, vector<8x4096xi32>
    %get3A_1170 = arith.constant 720 : index
    %get3A_1171 = arith.constant 0 : index
    %get3A_1172 = vector.load %arg5[%get3A_1170, %get3A_1171] : memref<2736x1xf32, #tpu.memory_space<vmem>>, vector<8x1xf32>
    %add3A_1173 = vector.broadcast %get3A_8 : vector<1x4096xf32> to vector<8x4096xf32>
    %add3A_1174 = vector.broadcast %get3A_1172 : vector<8x1xf32> to vector<8x4096xf32>
    %add3A_1175 = arith.addf %add3A_1173, %add3A_1174 : vector<8x4096xf32>
    %slice3A_1176 = vector.extract_strided_slice %dot_general3A_5 {offsets = [720, 0], sizes = [8, 4096], strides = [1, 1]} : vector<2736x4096xf32> to vector<8x4096xf32>
    %add3A_1177 = arith.addf %add3A_1175, %slice3A_1176 : vector<8x4096xf32>
    %lt3A_1178 = arith.cmpf olt, %add3A_1177, %select_n3A_1166 : vector<8x4096xf32>
    %select_n3A_1179 = arith.select %lt3A_1178, %add3A_1177, %select_n3A_1166 : vector<8x4096xi1>, vector<8x4096xf32>
    %jit3A_1180 = arith.constant 90 : i32
    %broadcast_in_dim3A_1181 = vector.broadcast %jit3A_1180 : i32 to vector<8x4096xi32>
    %select_n3A_1182 = arith.select %lt3A_1178, %broadcast_in_dim3A_1181, %select_n3A_1169 : vector<8x4096xi1>, vector<8x4096xi32>
    %get3A_1183 = arith.constant 728 : index
    %get3A_1184 = arith.constant 0 : index
    %get3A_1185 = vector.load %arg5[%get3A_1183, %get3A_1184] : memref<2736x1xf32, #tpu.memory_space<vmem>>, vector<8x1xf32>
    %add3A_1186 = vector.broadcast %get3A_8 : vector<1x4096xf32> to vector<8x4096xf32>
    %add3A_1187 = vector.broadcast %get3A_1185 : vector<8x1xf32> to vector<8x4096xf32>
    %add3A_1188 = arith.addf %add3A_1186, %add3A_1187 : vector<8x4096xf32>
    %slice3A_1189 = vector.extract_strided_slice %dot_general3A_5 {offsets = [728, 0], sizes = [8, 4096], strides = [1, 1]} : vector<2736x4096xf32> to vector<8x4096xf32>
    %add3A_1190 = arith.addf %add3A_1188, %slice3A_1189 : vector<8x4096xf32>
    %lt3A_1191 = arith.cmpf olt, %add3A_1190, %select_n3A_1179 : vector<8x4096xf32>
    %select_n3A_1192 = arith.select %lt3A_1191, %add3A_1190, %select_n3A_1179 : vector<8x4096xi1>, vector<8x4096xf32>
    %jit3A_1193 = arith.constant 91 : i32
    %broadcast_in_dim3A_1194 = vector.broadcast %jit3A_1193 : i32 to vector<8x4096xi32>
    %select_n3A_1195 = arith.select %lt3A_1191, %broadcast_in_dim3A_1194, %select_n3A_1182 : vector<8x4096xi1>, vector<8x4096xi32>
    %get3A_1196 = arith.constant 736 : index
    %get3A_1197 = arith.constant 0 : index
    %get3A_1198 = vector.load %arg5[%get3A_1196, %get3A_1197] : memref<2736x1xf32, #tpu.memory_space<vmem>>, vector<8x1xf32>
    %add3A_1199 = vector.broadcast %get3A_8 : vector<1x4096xf32> to vector<8x4096xf32>
    %add3A_1200 = vector.broadcast %get3A_1198 : vector<8x1xf32> to vector<8x4096xf32>
    %add3A_1201 = arith.addf %add3A_1199, %add3A_1200 : vector<8x4096xf32>
    %slice3A_1202 = vector.extract_strided_slice %dot_general3A_5 {offsets = [736, 0], sizes = [8, 4096], strides = [1, 1]} : vector<2736x4096xf32> to vector<8x4096xf32>
    %add3A_1203 = arith.addf %add3A_1201, %slice3A_1202 : vector<8x4096xf32>
    %lt3A_1204 = arith.cmpf olt, %add3A_1203, %select_n3A_1192 : vector<8x4096xf32>
    %select_n3A_1205 = arith.select %lt3A_1204, %add3A_1203, %select_n3A_1192 : vector<8x4096xi1>, vector<8x4096xf32>
    %jit3A_1206 = arith.constant 92 : i32
    %broadcast_in_dim3A_1207 = vector.broadcast %jit3A_1206 : i32 to vector<8x4096xi32>
    %select_n3A_1208 = arith.select %lt3A_1204, %broadcast_in_dim3A_1207, %select_n3A_1195 : vector<8x4096xi1>, vector<8x4096xi32>
    %get3A_1209 = arith.constant 744 : index
    %get3A_1210 = arith.constant 0 : index
    %get3A_1211 = vector.load %arg5[%get3A_1209, %get3A_1210] : memref<2736x1xf32, #tpu.memory_space<vmem>>, vector<8x1xf32>
    %add3A_1212 = vector.broadcast %get3A_8 : vector<1x4096xf32> to vector<8x4096xf32>
    %add3A_1213 = vector.broadcast %get3A_1211 : vector<8x1xf32> to vector<8x4096xf32>
    %add3A_1214 = arith.addf %add3A_1212, %add3A_1213 : vector<8x4096xf32>
    %slice3A_1215 = vector.extract_strided_slice %dot_general3A_5 {offsets = [744, 0], sizes = [8, 4096], strides = [1, 1]} : vector<2736x4096xf32> to vector<8x4096xf32>
    %add3A_1216 = arith.addf %add3A_1214, %slice3A_1215 : vector<8x4096xf32>
    %lt3A_1217 = arith.cmpf olt, %add3A_1216, %select_n3A_1205 : vector<8x4096xf32>
    %select_n3A_1218 = arith.select %lt3A_1217, %add3A_1216, %select_n3A_1205 : vector<8x4096xi1>, vector<8x4096xf32>
    %jit3A_1219 = arith.constant 93 : i32
    %broadcast_in_dim3A_1220 = vector.broadcast %jit3A_1219 : i32 to vector<8x4096xi32>
    %select_n3A_1221 = arith.select %lt3A_1217, %broadcast_in_dim3A_1220, %select_n3A_1208 : vector<8x4096xi1>, vector<8x4096xi32>
    %get3A_1222 = arith.constant 752 : index
    %get3A_1223 = arith.constant 0 : index
    %get3A_1224 = vector.load %arg5[%get3A_1222, %get3A_1223] : memref<2736x1xf32, #tpu.memory_space<vmem>>, vector<8x1xf32>
    %add3A_1225 = vector.broadcast %get3A_8 : vector<1x4096xf32> to vector<8x4096xf32>
    %add3A_1226 = vector.broadcast %get3A_1224 : vector<8x1xf32> to vector<8x4096xf32>
    %add3A_1227 = arith.addf %add3A_1225, %add3A_1226 : vector<8x4096xf32>
    %slice3A_1228 = vector.extract_strided_slice %dot_general3A_5 {offsets = [752, 0], sizes = [8, 4096], strides = [1, 1]} : vector<2736x4096xf32> to vector<8x4096xf32>
    %add3A_1229 = arith.addf %add3A_1227, %slice3A_1228 : vector<8x4096xf32>
    %lt3A_1230 = arith.cmpf olt, %add3A_1229, %select_n3A_1218 : vector<8x4096xf32>
    %select_n3A_1231 = arith.select %lt3A_1230, %add3A_1229, %select_n3A_1218 : vector<8x4096xi1>, vector<8x4096xf32>
    %jit3A_1232 = arith.constant 94 : i32
    %broadcast_in_dim3A_1233 = vector.broadcast %jit3A_1232 : i32 to vector<8x4096xi32>
    %select_n3A_1234 = arith.select %lt3A_1230, %broadcast_in_dim3A_1233, %select_n3A_1221 : vector<8x4096xi1>, vector<8x4096xi32>
    %get3A_1235 = arith.constant 760 : index
    %get3A_1236 = arith.constant 0 : index
    %get3A_1237 = vector.load %arg5[%get3A_1235, %get3A_1236] : memref<2736x1xf32, #tpu.memory_space<vmem>>, vector<8x1xf32>
    %add3A_1238 = vector.broadcast %get3A_8 : vector<1x4096xf32> to vector<8x4096xf32>
    %add3A_1239 = vector.broadcast %get3A_1237 : vector<8x1xf32> to vector<8x4096xf32>
    %add3A_1240 = arith.addf %add3A_1238, %add3A_1239 : vector<8x4096xf32>
    %slice3A_1241 = vector.extract_strided_slice %dot_general3A_5 {offsets = [760, 0], sizes = [8, 4096], strides = [1, 1]} : vector<2736x4096xf32> to vector<8x4096xf32>
    %add3A_1242 = arith.addf %add3A_1240, %slice3A_1241 : vector<8x4096xf32>
    %lt3A_1243 = arith.cmpf olt, %add3A_1242, %select_n3A_1231 : vector<8x4096xf32>
    %select_n3A_1244 = arith.select %lt3A_1243, %add3A_1242, %select_n3A_1231 : vector<8x4096xi1>, vector<8x4096xf32>
    %jit3A_1245 = arith.constant 95 : i32
    %broadcast_in_dim3A_1246 = vector.broadcast %jit3A_1245 : i32 to vector<8x4096xi32>
    %select_n3A_1247 = arith.select %lt3A_1243, %broadcast_in_dim3A_1246, %select_n3A_1234 : vector<8x4096xi1>, vector<8x4096xi32>
    %get3A_1248 = arith.constant 768 : index
    %get3A_1249 = arith.constant 0 : index
    %get3A_1250 = vector.load %arg5[%get3A_1248, %get3A_1249] : memref<2736x1xf32, #tpu.memory_space<vmem>>, vector<8x1xf32>
    %add3A_1251 = vector.broadcast %get3A_8 : vector<1x4096xf32> to vector<8x4096xf32>
    %add3A_1252 = vector.broadcast %get3A_1250 : vector<8x1xf32> to vector<8x4096xf32>
    %add3A_1253 = arith.addf %add3A_1251, %add3A_1252 : vector<8x4096xf32>
    %slice3A_1254 = vector.extract_strided_slice %dot_general3A_5 {offsets = [768, 0], sizes = [8, 4096], strides = [1, 1]} : vector<2736x4096xf32> to vector<8x4096xf32>
    %add3A_1255 = arith.addf %add3A_1253, %slice3A_1254 : vector<8x4096xf32>
    %lt3A_1256 = arith.cmpf olt, %add3A_1255, %select_n3A_1244 : vector<8x4096xf32>
    %select_n3A_1257 = arith.select %lt3A_1256, %add3A_1255, %select_n3A_1244 : vector<8x4096xi1>, vector<8x4096xf32>
    %jit3A_1258 = arith.constant 96 : i32
    %broadcast_in_dim3A_1259 = vector.broadcast %jit3A_1258 : i32 to vector<8x4096xi32>
    %select_n3A_1260 = arith.select %lt3A_1256, %broadcast_in_dim3A_1259, %select_n3A_1247 : vector<8x4096xi1>, vector<8x4096xi32>
    %get3A_1261 = arith.constant 776 : index
    %get3A_1262 = arith.constant 0 : index
    %get3A_1263 = vector.load %arg5[%get3A_1261, %get3A_1262] : memref<2736x1xf32, #tpu.memory_space<vmem>>, vector<8x1xf32>
    %add3A_1264 = vector.broadcast %get3A_8 : vector<1x4096xf32> to vector<8x4096xf32>
    %add3A_1265 = vector.broadcast %get3A_1263 : vector<8x1xf32> to vector<8x4096xf32>
    %add3A_1266 = arith.addf %add3A_1264, %add3A_1265 : vector<8x4096xf32>
    %slice3A_1267 = vector.extract_strided_slice %dot_general3A_5 {offsets = [776, 0], sizes = [8, 4096], strides = [1, 1]} : vector<2736x4096xf32> to vector<8x4096xf32>
    %add3A_1268 = arith.addf %add3A_1266, %slice3A_1267 : vector<8x4096xf32>
    %lt3A_1269 = arith.cmpf olt, %add3A_1268, %select_n3A_1257 : vector<8x4096xf32>
    %select_n3A_1270 = arith.select %lt3A_1269, %add3A_1268, %select_n3A_1257 : vector<8x4096xi1>, vector<8x4096xf32>
    %jit3A_1271 = arith.constant 97 : i32
    %broadcast_in_dim3A_1272 = vector.broadcast %jit3A_1271 : i32 to vector<8x4096xi32>
    %select_n3A_1273 = arith.select %lt3A_1269, %broadcast_in_dim3A_1272, %select_n3A_1260 : vector<8x4096xi1>, vector<8x4096xi32>
    %get3A_1274 = arith.constant 784 : index
    %get3A_1275 = arith.constant 0 : index
    %get3A_1276 = vector.load %arg5[%get3A_1274, %get3A_1275] : memref<2736x1xf32, #tpu.memory_space<vmem>>, vector<8x1xf32>
    %add3A_1277 = vector.broadcast %get3A_8 : vector<1x4096xf32> to vector<8x4096xf32>
    %add3A_1278 = vector.broadcast %get3A_1276 : vector<8x1xf32> to vector<8x4096xf32>
    %add3A_1279 = arith.addf %add3A_1277, %add3A_1278 : vector<8x4096xf32>
    %slice3A_1280 = vector.extract_strided_slice %dot_general3A_5 {offsets = [784, 0], sizes = [8, 4096], strides = [1, 1]} : vector<2736x4096xf32> to vector<8x4096xf32>
    %add3A_1281 = arith.addf %add3A_1279, %slice3A_1280 : vector<8x4096xf32>
    %lt3A_1282 = arith.cmpf olt, %add3A_1281, %select_n3A_1270 : vector<8x4096xf32>
    %select_n3A_1283 = arith.select %lt3A_1282, %add3A_1281, %select_n3A_1270 : vector<8x4096xi1>, vector<8x4096xf32>
    %jit3A_1284 = arith.constant 98 : i32
    %broadcast_in_dim3A_1285 = vector.broadcast %jit3A_1284 : i32 to vector<8x4096xi32>
    %select_n3A_1286 = arith.select %lt3A_1282, %broadcast_in_dim3A_1285, %select_n3A_1273 : vector<8x4096xi1>, vector<8x4096xi32>
    %get3A_1287 = arith.constant 792 : index
    %get3A_1288 = arith.constant 0 : index
    %get3A_1289 = vector.load %arg5[%get3A_1287, %get3A_1288] : memref<2736x1xf32, #tpu.memory_space<vmem>>, vector<8x1xf32>
    %add3A_1290 = vector.broadcast %get3A_8 : vector<1x4096xf32> to vector<8x4096xf32>
    %add3A_1291 = vector.broadcast %get3A_1289 : vector<8x1xf32> to vector<8x4096xf32>
    %add3A_1292 = arith.addf %add3A_1290, %add3A_1291 : vector<8x4096xf32>
    %slice3A_1293 = vector.extract_strided_slice %dot_general3A_5 {offsets = [792, 0], sizes = [8, 4096], strides = [1, 1]} : vector<2736x4096xf32> to vector<8x4096xf32>
    %add3A_1294 = arith.addf %add3A_1292, %slice3A_1293 : vector<8x4096xf32>
    %lt3A_1295 = arith.cmpf olt, %add3A_1294, %select_n3A_1283 : vector<8x4096xf32>
    %select_n3A_1296 = arith.select %lt3A_1295, %add3A_1294, %select_n3A_1283 : vector<8x4096xi1>, vector<8x4096xf32>
    %jit3A_1297 = arith.constant 99 : i32
    %broadcast_in_dim3A_1298 = vector.broadcast %jit3A_1297 : i32 to vector<8x4096xi32>
    %select_n3A_1299 = arith.select %lt3A_1295, %broadcast_in_dim3A_1298, %select_n3A_1286 : vector<8x4096xi1>, vector<8x4096xi32>
    %get3A_1300 = arith.constant 800 : index
    %get3A_1301 = arith.constant 0 : index
    %get3A_1302 = vector.load %arg5[%get3A_1300, %get3A_1301] : memref<2736x1xf32, #tpu.memory_space<vmem>>, vector<8x1xf32>
    %add3A_1303 = vector.broadcast %get3A_8 : vector<1x4096xf32> to vector<8x4096xf32>
    %add3A_1304 = vector.broadcast %get3A_1302 : vector<8x1xf32> to vector<8x4096xf32>
    %add3A_1305 = arith.addf %add3A_1303, %add3A_1304 : vector<8x4096xf32>
    %slice3A_1306 = vector.extract_strided_slice %dot_general3A_5 {offsets = [800, 0], sizes = [8, 4096], strides = [1, 1]} : vector<2736x4096xf32> to vector<8x4096xf32>
    %add3A_1307 = arith.addf %add3A_1305, %slice3A_1306 : vector<8x4096xf32>
    %lt3A_1308 = arith.cmpf olt, %add3A_1307, %select_n3A_1296 : vector<8x4096xf32>
    %select_n3A_1309 = arith.select %lt3A_1308, %add3A_1307, %select_n3A_1296 : vector<8x4096xi1>, vector<8x4096xf32>
    %jit3A_1310 = arith.constant 100 : i32
    %broadcast_in_dim3A_1311 = vector.broadcast %jit3A_1310 : i32 to vector<8x4096xi32>
    %select_n3A_1312 = arith.select %lt3A_1308, %broadcast_in_dim3A_1311, %select_n3A_1299 : vector<8x4096xi1>, vector<8x4096xi32>
    %get3A_1313 = arith.constant 808 : index
    %get3A_1314 = arith.constant 0 : index
    %get3A_1315 = vector.load %arg5[%get3A_1313, %get3A_1314] : memref<2736x1xf32, #tpu.memory_space<vmem>>, vector<8x1xf32>
    %add3A_1316 = vector.broadcast %get3A_8 : vector<1x4096xf32> to vector<8x4096xf32>
    %add3A_1317 = vector.broadcast %get3A_1315 : vector<8x1xf32> to vector<8x4096xf32>
    %add3A_1318 = arith.addf %add3A_1316, %add3A_1317 : vector<8x4096xf32>
    %slice3A_1319 = vector.extract_strided_slice %dot_general3A_5 {offsets = [808, 0], sizes = [8, 4096], strides = [1, 1]} : vector<2736x4096xf32> to vector<8x4096xf32>
    %add3A_1320 = arith.addf %add3A_1318, %slice3A_1319 : vector<8x4096xf32>
    %lt3A_1321 = arith.cmpf olt, %add3A_1320, %select_n3A_1309 : vector<8x4096xf32>
    %select_n3A_1322 = arith.select %lt3A_1321, %add3A_1320, %select_n3A_1309 : vector<8x4096xi1>, vector<8x4096xf32>
    %jit3A_1323 = arith.constant 101 : i32
    %broadcast_in_dim3A_1324 = vector.broadcast %jit3A_1323 : i32 to vector<8x4096xi32>
    %select_n3A_1325 = arith.select %lt3A_1321, %broadcast_in_dim3A_1324, %select_n3A_1312 : vector<8x4096xi1>, vector<8x4096xi32>
    %get3A_1326 = arith.constant 816 : index
    %get3A_1327 = arith.constant 0 : index
    %get3A_1328 = vector.load %arg5[%get3A_1326, %get3A_1327] : memref<2736x1xf32, #tpu.memory_space<vmem>>, vector<8x1xf32>
    %add3A_1329 = vector.broadcast %get3A_8 : vector<1x4096xf32> to vector<8x4096xf32>
    %add3A_1330 = vector.broadcast %get3A_1328 : vector<8x1xf32> to vector<8x4096xf32>
    %add3A_1331 = arith.addf %add3A_1329, %add3A_1330 : vector<8x4096xf32>
    %slice3A_1332 = vector.extract_strided_slice %dot_general3A_5 {offsets = [816, 0], sizes = [8, 4096], strides = [1, 1]} : vector<2736x4096xf32> to vector<8x4096xf32>
    %add3A_1333 = arith.addf %add3A_1331, %slice3A_1332 : vector<8x4096xf32>
    %lt3A_1334 = arith.cmpf olt, %add3A_1333, %select_n3A_1322 : vector<8x4096xf32>
    %select_n3A_1335 = arith.select %lt3A_1334, %add3A_1333, %select_n3A_1322 : vector<8x4096xi1>, vector<8x4096xf32>
    %jit3A_1336 = arith.constant 102 : i32
    %broadcast_in_dim3A_1337 = vector.broadcast %jit3A_1336 : i32 to vector<8x4096xi32>
    %select_n3A_1338 = arith.select %lt3A_1334, %broadcast_in_dim3A_1337, %select_n3A_1325 : vector<8x4096xi1>, vector<8x4096xi32>
    %get3A_1339 = arith.constant 824 : index
    %get3A_1340 = arith.constant 0 : index
    %get3A_1341 = vector.load %arg5[%get3A_1339, %get3A_1340] : memref<2736x1xf32, #tpu.memory_space<vmem>>, vector<8x1xf32>
    %add3A_1342 = vector.broadcast %get3A_8 : vector<1x4096xf32> to vector<8x4096xf32>
    %add3A_1343 = vector.broadcast %get3A_1341 : vector<8x1xf32> to vector<8x4096xf32>
    %add3A_1344 = arith.addf %add3A_1342, %add3A_1343 : vector<8x4096xf32>
    %slice3A_1345 = vector.extract_strided_slice %dot_general3A_5 {offsets = [824, 0], sizes = [8, 4096], strides = [1, 1]} : vector<2736x4096xf32> to vector<8x4096xf32>
    %add3A_1346 = arith.addf %add3A_1344, %slice3A_1345 : vector<8x4096xf32>
    %lt3A_1347 = arith.cmpf olt, %add3A_1346, %select_n3A_1335 : vector<8x4096xf32>
    %select_n3A_1348 = arith.select %lt3A_1347, %add3A_1346, %select_n3A_1335 : vector<8x4096xi1>, vector<8x4096xf32>
    %jit3A_1349 = arith.constant 103 : i32
    %broadcast_in_dim3A_1350 = vector.broadcast %jit3A_1349 : i32 to vector<8x4096xi32>
    %select_n3A_1351 = arith.select %lt3A_1347, %broadcast_in_dim3A_1350, %select_n3A_1338 : vector<8x4096xi1>, vector<8x4096xi32>
    %get3A_1352 = arith.constant 832 : index
    %get3A_1353 = arith.constant 0 : index
    %get3A_1354 = vector.load %arg5[%get3A_1352, %get3A_1353] : memref<2736x1xf32, #tpu.memory_space<vmem>>, vector<8x1xf32>
    %add3A_1355 = vector.broadcast %get3A_8 : vector<1x4096xf32> to vector<8x4096xf32>
    %add3A_1356 = vector.broadcast %get3A_1354 : vector<8x1xf32> to vector<8x4096xf32>
    %add3A_1357 = arith.addf %add3A_1355, %add3A_1356 : vector<8x4096xf32>
    %slice3A_1358 = vector.extract_strided_slice %dot_general3A_5 {offsets = [832, 0], sizes = [8, 4096], strides = [1, 1]} : vector<2736x4096xf32> to vector<8x4096xf32>
    %add3A_1359 = arith.addf %add3A_1357, %slice3A_1358 : vector<8x4096xf32>
    %lt3A_1360 = arith.cmpf olt, %add3A_1359, %select_n3A_1348 : vector<8x4096xf32>
    %select_n3A_1361 = arith.select %lt3A_1360, %add3A_1359, %select_n3A_1348 : vector<8x4096xi1>, vector<8x4096xf32>
    %jit3A_1362 = arith.constant 104 : i32
    %broadcast_in_dim3A_1363 = vector.broadcast %jit3A_1362 : i32 to vector<8x4096xi32>
    %select_n3A_1364 = arith.select %lt3A_1360, %broadcast_in_dim3A_1363, %select_n3A_1351 : vector<8x4096xi1>, vector<8x4096xi32>
    %get3A_1365 = arith.constant 840 : index
    %get3A_1366 = arith.constant 0 : index
    %get3A_1367 = vector.load %arg5[%get3A_1365, %get3A_1366] : memref<2736x1xf32, #tpu.memory_space<vmem>>, vector<8x1xf32>
    %add3A_1368 = vector.broadcast %get3A_8 : vector<1x4096xf32> to vector<8x4096xf32>
    %add3A_1369 = vector.broadcast %get3A_1367 : vector<8x1xf32> to vector<8x4096xf32>
    %add3A_1370 = arith.addf %add3A_1368, %add3A_1369 : vector<8x4096xf32>
    %slice3A_1371 = vector.extract_strided_slice %dot_general3A_5 {offsets = [840, 0], sizes = [8, 4096], strides = [1, 1]} : vector<2736x4096xf32> to vector<8x4096xf32>
    %add3A_1372 = arith.addf %add3A_1370, %slice3A_1371 : vector<8x4096xf32>
    %lt3A_1373 = arith.cmpf olt, %add3A_1372, %select_n3A_1361 : vector<8x4096xf32>
    %select_n3A_1374 = arith.select %lt3A_1373, %add3A_1372, %select_n3A_1361 : vector<8x4096xi1>, vector<8x4096xf32>
    %jit3A_1375 = arith.constant 105 : i32
    %broadcast_in_dim3A_1376 = vector.broadcast %jit3A_1375 : i32 to vector<8x4096xi32>
    %select_n3A_1377 = arith.select %lt3A_1373, %broadcast_in_dim3A_1376, %select_n3A_1364 : vector<8x4096xi1>, vector<8x4096xi32>
    %get3A_1378 = arith.constant 848 : index
    %get3A_1379 = arith.constant 0 : index
    %get3A_1380 = vector.load %arg5[%get3A_1378, %get3A_1379] : memref<2736x1xf32, #tpu.memory_space<vmem>>, vector<8x1xf32>
    %add3A_1381 = vector.broadcast %get3A_8 : vector<1x4096xf32> to vector<8x4096xf32>
    %add3A_1382 = vector.broadcast %get3A_1380 : vector<8x1xf32> to vector<8x4096xf32>
    %add3A_1383 = arith.addf %add3A_1381, %add3A_1382 : vector<8x4096xf32>
    %slice3A_1384 = vector.extract_strided_slice %dot_general3A_5 {offsets = [848, 0], sizes = [8, 4096], strides = [1, 1]} : vector<2736x4096xf32> to vector<8x4096xf32>
    %add3A_1385 = arith.addf %add3A_1383, %slice3A_1384 : vector<8x4096xf32>
    %lt3A_1386 = arith.cmpf olt, %add3A_1385, %select_n3A_1374 : vector<8x4096xf32>
    %select_n3A_1387 = arith.select %lt3A_1386, %add3A_1385, %select_n3A_1374 : vector<8x4096xi1>, vector<8x4096xf32>
    %jit3A_1388 = arith.constant 106 : i32
    %broadcast_in_dim3A_1389 = vector.broadcast %jit3A_1388 : i32 to vector<8x4096xi32>
    %select_n3A_1390 = arith.select %lt3A_1386, %broadcast_in_dim3A_1389, %select_n3A_1377 : vector<8x4096xi1>, vector<8x4096xi32>
    %get3A_1391 = arith.constant 856 : index
    %get3A_1392 = arith.constant 0 : index
    %get3A_1393 = vector.load %arg5[%get3A_1391, %get3A_1392] : memref<2736x1xf32, #tpu.memory_space<vmem>>, vector<8x1xf32>
    %add3A_1394 = vector.broadcast %get3A_8 : vector<1x4096xf32> to vector<8x4096xf32>
    %add3A_1395 = vector.broadcast %get3A_1393 : vector<8x1xf32> to vector<8x4096xf32>
    %add3A_1396 = arith.addf %add3A_1394, %add3A_1395 : vector<8x4096xf32>
    %slice3A_1397 = vector.extract_strided_slice %dot_general3A_5 {offsets = [856, 0], sizes = [8, 4096], strides = [1, 1]} : vector<2736x4096xf32> to vector<8x4096xf32>
    %add3A_1398 = arith.addf %add3A_1396, %slice3A_1397 : vector<8x4096xf32>
    %lt3A_1399 = arith.cmpf olt, %add3A_1398, %select_n3A_1387 : vector<8x4096xf32>
    %select_n3A_1400 = arith.select %lt3A_1399, %add3A_1398, %select_n3A_1387 : vector<8x4096xi1>, vector<8x4096xf32>
    %jit3A_1401 = arith.constant 107 : i32
    %broadcast_in_dim3A_1402 = vector.broadcast %jit3A_1401 : i32 to vector<8x4096xi32>
    %select_n3A_1403 = arith.select %lt3A_1399, %broadcast_in_dim3A_1402, %select_n3A_1390 : vector<8x4096xi1>, vector<8x4096xi32>
    %get3A_1404 = arith.constant 864 : index
    %get3A_1405 = arith.constant 0 : index
    %get3A_1406 = vector.load %arg5[%get3A_1404, %get3A_1405] : memref<2736x1xf32, #tpu.memory_space<vmem>>, vector<8x1xf32>
    %add3A_1407 = vector.broadcast %get3A_8 : vector<1x4096xf32> to vector<8x4096xf32>
    %add3A_1408 = vector.broadcast %get3A_1406 : vector<8x1xf32> to vector<8x4096xf32>
    %add3A_1409 = arith.addf %add3A_1407, %add3A_1408 : vector<8x4096xf32>
    %slice3A_1410 = vector.extract_strided_slice %dot_general3A_5 {offsets = [864, 0], sizes = [8, 4096], strides = [1, 1]} : vector<2736x4096xf32> to vector<8x4096xf32>
    %add3A_1411 = arith.addf %add3A_1409, %slice3A_1410 : vector<8x4096xf32>
    %lt3A_1412 = arith.cmpf olt, %add3A_1411, %select_n3A_1400 : vector<8x4096xf32>
    %select_n3A_1413 = arith.select %lt3A_1412, %add3A_1411, %select_n3A_1400 : vector<8x4096xi1>, vector<8x4096xf32>
    %jit3A_1414 = arith.constant 108 : i32
    %broadcast_in_dim3A_1415 = vector.broadcast %jit3A_1414 : i32 to vector<8x4096xi32>
    %select_n3A_1416 = arith.select %lt3A_1412, %broadcast_in_dim3A_1415, %select_n3A_1403 : vector<8x4096xi1>, vector<8x4096xi32>
    %get3A_1417 = arith.constant 872 : index
    %get3A_1418 = arith.constant 0 : index
    %get3A_1419 = vector.load %arg5[%get3A_1417, %get3A_1418] : memref<2736x1xf32, #tpu.memory_space<vmem>>, vector<8x1xf32>
    %add3A_1420 = vector.broadcast %get3A_8 : vector<1x4096xf32> to vector<8x4096xf32>
    %add3A_1421 = vector.broadcast %get3A_1419 : vector<8x1xf32> to vector<8x4096xf32>
    %add3A_1422 = arith.addf %add3A_1420, %add3A_1421 : vector<8x4096xf32>
    %slice3A_1423 = vector.extract_strided_slice %dot_general3A_5 {offsets = [872, 0], sizes = [8, 4096], strides = [1, 1]} : vector<2736x4096xf32> to vector<8x4096xf32>
    %add3A_1424 = arith.addf %add3A_1422, %slice3A_1423 : vector<8x4096xf32>
    %lt3A_1425 = arith.cmpf olt, %add3A_1424, %select_n3A_1413 : vector<8x4096xf32>
    %select_n3A_1426 = arith.select %lt3A_1425, %add3A_1424, %select_n3A_1413 : vector<8x4096xi1>, vector<8x4096xf32>
    %jit3A_1427 = arith.constant 109 : i32
    %broadcast_in_dim3A_1428 = vector.broadcast %jit3A_1427 : i32 to vector<8x4096xi32>
    %select_n3A_1429 = arith.select %lt3A_1425, %broadcast_in_dim3A_1428, %select_n3A_1416 : vector<8x4096xi1>, vector<8x4096xi32>
    %get3A_1430 = arith.constant 880 : index
    %get3A_1431 = arith.constant 0 : index
    %get3A_1432 = vector.load %arg5[%get3A_1430, %get3A_1431] : memref<2736x1xf32, #tpu.memory_space<vmem>>, vector<8x1xf32>
    %add3A_1433 = vector.broadcast %get3A_8 : vector<1x4096xf32> to vector<8x4096xf32>
    %add3A_1434 = vector.broadcast %get3A_1432 : vector<8x1xf32> to vector<8x4096xf32>
    %add3A_1435 = arith.addf %add3A_1433, %add3A_1434 : vector<8x4096xf32>
    %slice3A_1436 = vector.extract_strided_slice %dot_general3A_5 {offsets = [880, 0], sizes = [8, 4096], strides = [1, 1]} : vector<2736x4096xf32> to vector<8x4096xf32>
    %add3A_1437 = arith.addf %add3A_1435, %slice3A_1436 : vector<8x4096xf32>
    %lt3A_1438 = arith.cmpf olt, %add3A_1437, %select_n3A_1426 : vector<8x4096xf32>
    %select_n3A_1439 = arith.select %lt3A_1438, %add3A_1437, %select_n3A_1426 : vector<8x4096xi1>, vector<8x4096xf32>
    %jit3A_1440 = arith.constant 110 : i32
    %broadcast_in_dim3A_1441 = vector.broadcast %jit3A_1440 : i32 to vector<8x4096xi32>
    %select_n3A_1442 = arith.select %lt3A_1438, %broadcast_in_dim3A_1441, %select_n3A_1429 : vector<8x4096xi1>, vector<8x4096xi32>
    %get3A_1443 = arith.constant 888 : index
    %get3A_1444 = arith.constant 0 : index
    %get3A_1445 = vector.load %arg5[%get3A_1443, %get3A_1444] : memref<2736x1xf32, #tpu.memory_space<vmem>>, vector<8x1xf32>
    %add3A_1446 = vector.broadcast %get3A_8 : vector<1x4096xf32> to vector<8x4096xf32>
    %add3A_1447 = vector.broadcast %get3A_1445 : vector<8x1xf32> to vector<8x4096xf32>
    %add3A_1448 = arith.addf %add3A_1446, %add3A_1447 : vector<8x4096xf32>
    %slice3A_1449 = vector.extract_strided_slice %dot_general3A_5 {offsets = [888, 0], sizes = [8, 4096], strides = [1, 1]} : vector<2736x4096xf32> to vector<8x4096xf32>
    %add3A_1450 = arith.addf %add3A_1448, %slice3A_1449 : vector<8x4096xf32>
    %lt3A_1451 = arith.cmpf olt, %add3A_1450, %select_n3A_1439 : vector<8x4096xf32>
    %select_n3A_1452 = arith.select %lt3A_1451, %add3A_1450, %select_n3A_1439 : vector<8x4096xi1>, vector<8x4096xf32>
    %jit3A_1453 = arith.constant 111 : i32
    %broadcast_in_dim3A_1454 = vector.broadcast %jit3A_1453 : i32 to vector<8x4096xi32>
    %select_n3A_1455 = arith.select %lt3A_1451, %broadcast_in_dim3A_1454, %select_n3A_1442 : vector<8x4096xi1>, vector<8x4096xi32>
    %get3A_1456 = arith.constant 896 : index
    %get3A_1457 = arith.constant 0 : index
    %get3A_1458 = vector.load %arg5[%get3A_1456, %get3A_1457] : memref<2736x1xf32, #tpu.memory_space<vmem>>, vector<8x1xf32>
    %add3A_1459 = vector.broadcast %get3A_8 : vector<1x4096xf32> to vector<8x4096xf32>
    %add3A_1460 = vector.broadcast %get3A_1458 : vector<8x1xf32> to vector<8x4096xf32>
    %add3A_1461 = arith.addf %add3A_1459, %add3A_1460 : vector<8x4096xf32>
    %slice3A_1462 = vector.extract_strided_slice %dot_general3A_5 {offsets = [896, 0], sizes = [8, 4096], strides = [1, 1]} : vector<2736x4096xf32> to vector<8x4096xf32>
    %add3A_1463 = arith.addf %add3A_1461, %slice3A_1462 : vector<8x4096xf32>
    %lt3A_1464 = arith.cmpf olt, %add3A_1463, %select_n3A_1452 : vector<8x4096xf32>
    %select_n3A_1465 = arith.select %lt3A_1464, %add3A_1463, %select_n3A_1452 : vector<8x4096xi1>, vector<8x4096xf32>
    %jit3A_1466 = arith.constant 112 : i32
    %broadcast_in_dim3A_1467 = vector.broadcast %jit3A_1466 : i32 to vector<8x4096xi32>
    %select_n3A_1468 = arith.select %lt3A_1464, %broadcast_in_dim3A_1467, %select_n3A_1455 : vector<8x4096xi1>, vector<8x4096xi32>
    %get3A_1469 = arith.constant 904 : index
    %get3A_1470 = arith.constant 0 : index
    %get3A_1471 = vector.load %arg5[%get3A_1469, %get3A_1470] : memref<2736x1xf32, #tpu.memory_space<vmem>>, vector<8x1xf32>
    %add3A_1472 = vector.broadcast %get3A_8 : vector<1x4096xf32> to vector<8x4096xf32>
    %add3A_1473 = vector.broadcast %get3A_1471 : vector<8x1xf32> to vector<8x4096xf32>
    %add3A_1474 = arith.addf %add3A_1472, %add3A_1473 : vector<8x4096xf32>
    %slice3A_1475 = vector.extract_strided_slice %dot_general3A_5 {offsets = [904, 0], sizes = [8, 4096], strides = [1, 1]} : vector<2736x4096xf32> to vector<8x4096xf32>
    %add3A_1476 = arith.addf %add3A_1474, %slice3A_1475 : vector<8x4096xf32>
    %lt3A_1477 = arith.cmpf olt, %add3A_1476, %select_n3A_1465 : vector<8x4096xf32>
    %select_n3A_1478 = arith.select %lt3A_1477, %add3A_1476, %select_n3A_1465 : vector<8x4096xi1>, vector<8x4096xf32>
    %jit3A_1479 = arith.constant 113 : i32
    %broadcast_in_dim3A_1480 = vector.broadcast %jit3A_1479 : i32 to vector<8x4096xi32>
    %select_n3A_1481 = arith.select %lt3A_1477, %broadcast_in_dim3A_1480, %select_n3A_1468 : vector<8x4096xi1>, vector<8x4096xi32>
    %get3A_1482 = arith.constant 912 : index
    %get3A_1483 = arith.constant 0 : index
    %get3A_1484 = vector.load %arg5[%get3A_1482, %get3A_1483] : memref<2736x1xf32, #tpu.memory_space<vmem>>, vector<8x1xf32>
    %add3A_1485 = vector.broadcast %get3A_8 : vector<1x4096xf32> to vector<8x4096xf32>
    %add3A_1486 = vector.broadcast %get3A_1484 : vector<8x1xf32> to vector<8x4096xf32>
    %add3A_1487 = arith.addf %add3A_1485, %add3A_1486 : vector<8x4096xf32>
    %slice3A_1488 = vector.extract_strided_slice %dot_general3A_5 {offsets = [912, 0], sizes = [8, 4096], strides = [1, 1]} : vector<2736x4096xf32> to vector<8x4096xf32>
    %add3A_1489 = arith.addf %add3A_1487, %slice3A_1488 : vector<8x4096xf32>
    %lt3A_1490 = arith.cmpf olt, %add3A_1489, %select_n3A_1478 : vector<8x4096xf32>
    %select_n3A_1491 = arith.select %lt3A_1490, %add3A_1489, %select_n3A_1478 : vector<8x4096xi1>, vector<8x4096xf32>
    %jit3A_1492 = arith.constant 114 : i32
    %broadcast_in_dim3A_1493 = vector.broadcast %jit3A_1492 : i32 to vector<8x4096xi32>
    %select_n3A_1494 = arith.select %lt3A_1490, %broadcast_in_dim3A_1493, %select_n3A_1481 : vector<8x4096xi1>, vector<8x4096xi32>
    %get3A_1495 = arith.constant 920 : index
    %get3A_1496 = arith.constant 0 : index
    %get3A_1497 = vector.load %arg5[%get3A_1495, %get3A_1496] : memref<2736x1xf32, #tpu.memory_space<vmem>>, vector<8x1xf32>
    %add3A_1498 = vector.broadcast %get3A_8 : vector<1x4096xf32> to vector<8x4096xf32>
    %add3A_1499 = vector.broadcast %get3A_1497 : vector<8x1xf32> to vector<8x4096xf32>
    %add3A_1500 = arith.addf %add3A_1498, %add3A_1499 : vector<8x4096xf32>
    %slice3A_1501 = vector.extract_strided_slice %dot_general3A_5 {offsets = [920, 0], sizes = [8, 4096], strides = [1, 1]} : vector<2736x4096xf32> to vector<8x4096xf32>
    %add3A_1502 = arith.addf %add3A_1500, %slice3A_1501 : vector<8x4096xf32>
    %lt3A_1503 = arith.cmpf olt, %add3A_1502, %select_n3A_1491 : vector<8x4096xf32>
    %select_n3A_1504 = arith.select %lt3A_1503, %add3A_1502, %select_n3A_1491 : vector<8x4096xi1>, vector<8x4096xf32>
    %jit3A_1505 = arith.constant 115 : i32
    %broadcast_in_dim3A_1506 = vector.broadcast %jit3A_1505 : i32 to vector<8x4096xi32>
    %select_n3A_1507 = arith.select %lt3A_1503, %broadcast_in_dim3A_1506, %select_n3A_1494 : vector<8x4096xi1>, vector<8x4096xi32>
    %get3A_1508 = arith.constant 928 : index
    %get3A_1509 = arith.constant 0 : index
    %get3A_1510 = vector.load %arg5[%get3A_1508, %get3A_1509] : memref<2736x1xf32, #tpu.memory_space<vmem>>, vector<8x1xf32>
    %add3A_1511 = vector.broadcast %get3A_8 : vector<1x4096xf32> to vector<8x4096xf32>
    %add3A_1512 = vector.broadcast %get3A_1510 : vector<8x1xf32> to vector<8x4096xf32>
    %add3A_1513 = arith.addf %add3A_1511, %add3A_1512 : vector<8x4096xf32>
    %slice3A_1514 = vector.extract_strided_slice %dot_general3A_5 {offsets = [928, 0], sizes = [8, 4096], strides = [1, 1]} : vector<2736x4096xf32> to vector<8x4096xf32>
    %add3A_1515 = arith.addf %add3A_1513, %slice3A_1514 : vector<8x4096xf32>
    %lt3A_1516 = arith.cmpf olt, %add3A_1515, %select_n3A_1504 : vector<8x4096xf32>
    %select_n3A_1517 = arith.select %lt3A_1516, %add3A_1515, %select_n3A_1504 : vector<8x4096xi1>, vector<8x4096xf32>
    %jit3A_1518 = arith.constant 116 : i32
    %broadcast_in_dim3A_1519 = vector.broadcast %jit3A_1518 : i32 to vector<8x4096xi32>
    %select_n3A_1520 = arith.select %lt3A_1516, %broadcast_in_dim3A_1519, %select_n3A_1507 : vector<8x4096xi1>, vector<8x4096xi32>
    %get3A_1521 = arith.constant 936 : index
    %get3A_1522 = arith.constant 0 : index
    %get3A_1523 = vector.load %arg5[%get3A_1521, %get3A_1522] : memref<2736x1xf32, #tpu.memory_space<vmem>>, vector<8x1xf32>
    %add3A_1524 = vector.broadcast %get3A_8 : vector<1x4096xf32> to vector<8x4096xf32>
    %add3A_1525 = vector.broadcast %get3A_1523 : vector<8x1xf32> to vector<8x4096xf32>
    %add3A_1526 = arith.addf %add3A_1524, %add3A_1525 : vector<8x4096xf32>
    %slice3A_1527 = vector.extract_strided_slice %dot_general3A_5 {offsets = [936, 0], sizes = [8, 4096], strides = [1, 1]} : vector<2736x4096xf32> to vector<8x4096xf32>
    %add3A_1528 = arith.addf %add3A_1526, %slice3A_1527 : vector<8x4096xf32>
    %lt3A_1529 = arith.cmpf olt, %add3A_1528, %select_n3A_1517 : vector<8x4096xf32>
    %select_n3A_1530 = arith.select %lt3A_1529, %add3A_1528, %select_n3A_1517 : vector<8x4096xi1>, vector<8x4096xf32>
    %jit3A_1531 = arith.constant 117 : i32
    %broadcast_in_dim3A_1532 = vector.broadcast %jit3A_1531 : i32 to vector<8x4096xi32>
    %select_n3A_1533 = arith.select %lt3A_1529, %broadcast_in_dim3A_1532, %select_n3A_1520 : vector<8x4096xi1>, vector<8x4096xi32>
    %get3A_1534 = arith.constant 944 : index
    %get3A_1535 = arith.constant 0 : index
    %get3A_1536 = vector.load %arg5[%get3A_1534, %get3A_1535] : memref<2736x1xf32, #tpu.memory_space<vmem>>, vector<8x1xf32>
    %add3A_1537 = vector.broadcast %get3A_8 : vector<1x4096xf32> to vector<8x4096xf32>
    %add3A_1538 = vector.broadcast %get3A_1536 : vector<8x1xf32> to vector<8x4096xf32>
    %add3A_1539 = arith.addf %add3A_1537, %add3A_1538 : vector<8x4096xf32>
    %slice3A_1540 = vector.extract_strided_slice %dot_general3A_5 {offsets = [944, 0], sizes = [8, 4096], strides = [1, 1]} : vector<2736x4096xf32> to vector<8x4096xf32>
    %add3A_1541 = arith.addf %add3A_1539, %slice3A_1540 : vector<8x4096xf32>
    %lt3A_1542 = arith.cmpf olt, %add3A_1541, %select_n3A_1530 : vector<8x4096xf32>
    %select_n3A_1543 = arith.select %lt3A_1542, %add3A_1541, %select_n3A_1530 : vector<8x4096xi1>, vector<8x4096xf32>
    %jit3A_1544 = arith.constant 118 : i32
    %broadcast_in_dim3A_1545 = vector.broadcast %jit3A_1544 : i32 to vector<8x4096xi32>
    %select_n3A_1546 = arith.select %lt3A_1542, %broadcast_in_dim3A_1545, %select_n3A_1533 : vector<8x4096xi1>, vector<8x4096xi32>
    %get3A_1547 = arith.constant 952 : index
    %get3A_1548 = arith.constant 0 : index
    %get3A_1549 = vector.load %arg5[%get3A_1547, %get3A_1548] : memref<2736x1xf32, #tpu.memory_space<vmem>>, vector<8x1xf32>
    %add3A_1550 = vector.broadcast %get3A_8 : vector<1x4096xf32> to vector<8x4096xf32>
    %add3A_1551 = vector.broadcast %get3A_1549 : vector<8x1xf32> to vector<8x4096xf32>
    %add3A_1552 = arith.addf %add3A_1550, %add3A_1551 : vector<8x4096xf32>
    %slice3A_1553 = vector.extract_strided_slice %dot_general3A_5 {offsets = [952, 0], sizes = [8, 4096], strides = [1, 1]} : vector<2736x4096xf32> to vector<8x4096xf32>
    %add3A_1554 = arith.addf %add3A_1552, %slice3A_1553 : vector<8x4096xf32>
    %lt3A_1555 = arith.cmpf olt, %add3A_1554, %select_n3A_1543 : vector<8x4096xf32>
    %select_n3A_1556 = arith.select %lt3A_1555, %add3A_1554, %select_n3A_1543 : vector<8x4096xi1>, vector<8x4096xf32>
    %jit3A_1557 = arith.constant 119 : i32
    %broadcast_in_dim3A_1558 = vector.broadcast %jit3A_1557 : i32 to vector<8x4096xi32>
    %select_n3A_1559 = arith.select %lt3A_1555, %broadcast_in_dim3A_1558, %select_n3A_1546 : vector<8x4096xi1>, vector<8x4096xi32>
    %get3A_1560 = arith.constant 960 : index
    %get3A_1561 = arith.constant 0 : index
    %get3A_1562 = vector.load %arg5[%get3A_1560, %get3A_1561] : memref<2736x1xf32, #tpu.memory_space<vmem>>, vector<8x1xf32>
    %add3A_1563 = vector.broadcast %get3A_8 : vector<1x4096xf32> to vector<8x4096xf32>
    %add3A_1564 = vector.broadcast %get3A_1562 : vector<8x1xf32> to vector<8x4096xf32>
    %add3A_1565 = arith.addf %add3A_1563, %add3A_1564 : vector<8x4096xf32>
    %slice3A_1566 = vector.extract_strided_slice %dot_general3A_5 {offsets = [960, 0], sizes = [8, 4096], strides = [1, 1]} : vector<2736x4096xf32> to vector<8x4096xf32>
    %add3A_1567 = arith.addf %add3A_1565, %slice3A_1566 : vector<8x4096xf32>
    %lt3A_1568 = arith.cmpf olt, %add3A_1567, %select_n3A_1556 : vector<8x4096xf32>
    %select_n3A_1569 = arith.select %lt3A_1568, %add3A_1567, %select_n3A_1556 : vector<8x4096xi1>, vector<8x4096xf32>
    %jit3A_1570 = arith.constant 120 : i32
    %broadcast_in_dim3A_1571 = vector.broadcast %jit3A_1570 : i32 to vector<8x4096xi32>
    %select_n3A_1572 = arith.select %lt3A_1568, %broadcast_in_dim3A_1571, %select_n3A_1559 : vector<8x4096xi1>, vector<8x4096xi32>
    %get3A_1573 = arith.constant 968 : index
    %get3A_1574 = arith.constant 0 : index
    %get3A_1575 = vector.load %arg5[%get3A_1573, %get3A_1574] : memref<2736x1xf32, #tpu.memory_space<vmem>>, vector<8x1xf32>
    %add3A_1576 = vector.broadcast %get3A_8 : vector<1x4096xf32> to vector<8x4096xf32>
    %add3A_1577 = vector.broadcast %get3A_1575 : vector<8x1xf32> to vector<8x4096xf32>
    %add3A_1578 = arith.addf %add3A_1576, %add3A_1577 : vector<8x4096xf32>
    %slice3A_1579 = vector.extract_strided_slice %dot_general3A_5 {offsets = [968, 0], sizes = [8, 4096], strides = [1, 1]} : vector<2736x4096xf32> to vector<8x4096xf32>
    %add3A_1580 = arith.addf %add3A_1578, %slice3A_1579 : vector<8x4096xf32>
    %lt3A_1581 = arith.cmpf olt, %add3A_1580, %select_n3A_1569 : vector<8x4096xf32>
    %select_n3A_1582 = arith.select %lt3A_1581, %add3A_1580, %select_n3A_1569 : vector<8x4096xi1>, vector<8x4096xf32>
    %jit3A_1583 = arith.constant 121 : i32
    %broadcast_in_dim3A_1584 = vector.broadcast %jit3A_1583 : i32 to vector<8x4096xi32>
    %select_n3A_1585 = arith.select %lt3A_1581, %broadcast_in_dim3A_1584, %select_n3A_1572 : vector<8x4096xi1>, vector<8x4096xi32>
    %get3A_1586 = arith.constant 976 : index
    %get3A_1587 = arith.constant 0 : index
    %get3A_1588 = vector.load %arg5[%get3A_1586, %get3A_1587] : memref<2736x1xf32, #tpu.memory_space<vmem>>, vector<8x1xf32>
    %add3A_1589 = vector.broadcast %get3A_8 : vector<1x4096xf32> to vector<8x4096xf32>
    %add3A_1590 = vector.broadcast %get3A_1588 : vector<8x1xf32> to vector<8x4096xf32>
    %add3A_1591 = arith.addf %add3A_1589, %add3A_1590 : vector<8x4096xf32>
    %slice3A_1592 = vector.extract_strided_slice %dot_general3A_5 {offsets = [976, 0], sizes = [8, 4096], strides = [1, 1]} : vector<2736x4096xf32> to vector<8x4096xf32>
    %add3A_1593 = arith.addf %add3A_1591, %slice3A_1592 : vector<8x4096xf32>
    %lt3A_1594 = arith.cmpf olt, %add3A_1593, %select_n3A_1582 : vector<8x4096xf32>
    %select_n3A_1595 = arith.select %lt3A_1594, %add3A_1593, %select_n3A_1582 : vector<8x4096xi1>, vector<8x4096xf32>
    %jit3A_1596 = arith.constant 122 : i32
    %broadcast_in_dim3A_1597 = vector.broadcast %jit3A_1596 : i32 to vector<8x4096xi32>
    %select_n3A_1598 = arith.select %lt3A_1594, %broadcast_in_dim3A_1597, %select_n3A_1585 : vector<8x4096xi1>, vector<8x4096xi32>
    %get3A_1599 = arith.constant 984 : index
    %get3A_1600 = arith.constant 0 : index
    %get3A_1601 = vector.load %arg5[%get3A_1599, %get3A_1600] : memref<2736x1xf32, #tpu.memory_space<vmem>>, vector<8x1xf32>
    %add3A_1602 = vector.broadcast %get3A_8 : vector<1x4096xf32> to vector<8x4096xf32>
    %add3A_1603 = vector.broadcast %get3A_1601 : vector<8x1xf32> to vector<8x4096xf32>
    %add3A_1604 = arith.addf %add3A_1602, %add3A_1603 : vector<8x4096xf32>
    %slice3A_1605 = vector.extract_strided_slice %dot_general3A_5 {offsets = [984, 0], sizes = [8, 4096], strides = [1, 1]} : vector<2736x4096xf32> to vector<8x4096xf32>
    %add3A_1606 = arith.addf %add3A_1604, %slice3A_1605 : vector<8x4096xf32>
    %lt3A_1607 = arith.cmpf olt, %add3A_1606, %select_n3A_1595 : vector<8x4096xf32>
    %select_n3A_1608 = arith.select %lt3A_1607, %add3A_1606, %select_n3A_1595 : vector<8x4096xi1>, vector<8x4096xf32>
    %jit3A_1609 = arith.constant 123 : i32
    %broadcast_in_dim3A_1610 = vector.broadcast %jit3A_1609 : i32 to vector<8x4096xi32>
    %select_n3A_1611 = arith.select %lt3A_1607, %broadcast_in_dim3A_1610, %select_n3A_1598 : vector<8x4096xi1>, vector<8x4096xi32>
    %get3A_1612 = arith.constant 992 : index
    %get3A_1613 = arith.constant 0 : index
    %get3A_1614 = vector.load %arg5[%get3A_1612, %get3A_1613] : memref<2736x1xf32, #tpu.memory_space<vmem>>, vector<8x1xf32>
    %add3A_1615 = vector.broadcast %get3A_8 : vector<1x4096xf32> to vector<8x4096xf32>
    %add3A_1616 = vector.broadcast %get3A_1614 : vector<8x1xf32> to vector<8x4096xf32>
    %add3A_1617 = arith.addf %add3A_1615, %add3A_1616 : vector<8x4096xf32>
    %slice3A_1618 = vector.extract_strided_slice %dot_general3A_5 {offsets = [992, 0], sizes = [8, 4096], strides = [1, 1]} : vector<2736x4096xf32> to vector<8x4096xf32>
    %add3A_1619 = arith.addf %add3A_1617, %slice3A_1618 : vector<8x4096xf32>
    %lt3A_1620 = arith.cmpf olt, %add3A_1619, %select_n3A_1608 : vector<8x4096xf32>
    %select_n3A_1621 = arith.select %lt3A_1620, %add3A_1619, %select_n3A_1608 : vector<8x4096xi1>, vector<8x4096xf32>
    %jit3A_1622 = arith.constant 124 : i32
    %broadcast_in_dim3A_1623 = vector.broadcast %jit3A_1622 : i32 to vector<8x4096xi32>
    %select_n3A_1624 = arith.select %lt3A_1620, %broadcast_in_dim3A_1623, %select_n3A_1611 : vector<8x4096xi1>, vector<8x4096xi32>
    %get3A_1625 = arith.constant 1000 : index
    %get3A_1626 = arith.constant 0 : index
    %get3A_1627 = vector.load %arg5[%get3A_1625, %get3A_1626] : memref<2736x1xf32, #tpu.memory_space<vmem>>, vector<8x1xf32>
    %add3A_1628 = vector.broadcast %get3A_8 : vector<1x4096xf32> to vector<8x4096xf32>
    %add3A_1629 = vector.broadcast %get3A_1627 : vector<8x1xf32> to vector<8x4096xf32>
    %add3A_1630 = arith.addf %add3A_1628, %add3A_1629 : vector<8x4096xf32>
    %slice3A_1631 = vector.extract_strided_slice %dot_general3A_5 {offsets = [1000, 0], sizes = [8, 4096], strides = [1, 1]} : vector<2736x4096xf32> to vector<8x4096xf32>
    %add3A_1632 = arith.addf %add3A_1630, %slice3A_1631 : vector<8x4096xf32>
    %lt3A_1633 = arith.cmpf olt, %add3A_1632, %select_n3A_1621 : vector<8x4096xf32>
    %select_n3A_1634 = arith.select %lt3A_1633, %add3A_1632, %select_n3A_1621 : vector<8x4096xi1>, vector<8x4096xf32>
    %jit3A_1635 = arith.constant 125 : i32
    %broadcast_in_dim3A_1636 = vector.broadcast %jit3A_1635 : i32 to vector<8x4096xi32>
    %select_n3A_1637 = arith.select %lt3A_1633, %broadcast_in_dim3A_1636, %select_n3A_1624 : vector<8x4096xi1>, vector<8x4096xi32>
    %get3A_1638 = arith.constant 1008 : index
    %get3A_1639 = arith.constant 0 : index
    %get3A_1640 = vector.load %arg5[%get3A_1638, %get3A_1639] : memref<2736x1xf32, #tpu.memory_space<vmem>>, vector<8x1xf32>
    %add3A_1641 = vector.broadcast %get3A_8 : vector<1x4096xf32> to vector<8x4096xf32>
    %add3A_1642 = vector.broadcast %get3A_1640 : vector<8x1xf32> to vector<8x4096xf32>
    %add3A_1643 = arith.addf %add3A_1641, %add3A_1642 : vector<8x4096xf32>
    %slice3A_1644 = vector.extract_strided_slice %dot_general3A_5 {offsets = [1008, 0], sizes = [8, 4096], strides = [1, 1]} : vector<2736x4096xf32> to vector<8x4096xf32>
    %add3A_1645 = arith.addf %add3A_1643, %slice3A_1644 : vector<8x4096xf32>
    %lt3A_1646 = arith.cmpf olt, %add3A_1645, %select_n3A_1634 : vector<8x4096xf32>
    %select_n3A_1647 = arith.select %lt3A_1646, %add3A_1645, %select_n3A_1634 : vector<8x4096xi1>, vector<8x4096xf32>
    %jit3A_1648 = arith.constant 126 : i32
    %broadcast_in_dim3A_1649 = vector.broadcast %jit3A_1648 : i32 to vector<8x4096xi32>
    %select_n3A_1650 = arith.select %lt3A_1646, %broadcast_in_dim3A_1649, %select_n3A_1637 : vector<8x4096xi1>, vector<8x4096xi32>
    %get3A_1651 = arith.constant 1016 : index
    %get3A_1652 = arith.constant 0 : index
    %get3A_1653 = vector.load %arg5[%get3A_1651, %get3A_1652] : memref<2736x1xf32, #tpu.memory_space<vmem>>, vector<8x1xf32>
    %add3A_1654 = vector.broadcast %get3A_8 : vector<1x4096xf32> to vector<8x4096xf32>
    %add3A_1655 = vector.broadcast %get3A_1653 : vector<8x1xf32> to vector<8x4096xf32>
    %add3A_1656 = arith.addf %add3A_1654, %add3A_1655 : vector<8x4096xf32>
    %slice3A_1657 = vector.extract_strided_slice %dot_general3A_5 {offsets = [1016, 0], sizes = [8, 4096], strides = [1, 1]} : vector<2736x4096xf32> to vector<8x4096xf32>
    %add3A_1658 = arith.addf %add3A_1656, %slice3A_1657 : vector<8x4096xf32>
    %lt3A_1659 = arith.cmpf olt, %add3A_1658, %select_n3A_1647 : vector<8x4096xf32>
    %select_n3A_1660 = arith.select %lt3A_1659, %add3A_1658, %select_n3A_1647 : vector<8x4096xi1>, vector<8x4096xf32>
    %jit3A_1661 = arith.constant 127 : i32
    %broadcast_in_dim3A_1662 = vector.broadcast %jit3A_1661 : i32 to vector<8x4096xi32>
    %select_n3A_1663 = arith.select %lt3A_1659, %broadcast_in_dim3A_1662, %select_n3A_1650 : vector<8x4096xi1>, vector<8x4096xi32>
    %get3A_1664 = arith.constant 1024 : index
    %get3A_1665 = arith.constant 0 : index
    %get3A_1666 = vector.load %arg5[%get3A_1664, %get3A_1665] : memref<2736x1xf32, #tpu.memory_space<vmem>>, vector<8x1xf32>
    %add3A_1667 = vector.broadcast %get3A_8 : vector<1x4096xf32> to vector<8x4096xf32>
    %add3A_1668 = vector.broadcast %get3A_1666 : vector<8x1xf32> to vector<8x4096xf32>
    %add3A_1669 = arith.addf %add3A_1667, %add3A_1668 : vector<8x4096xf32>
    %slice3A_1670 = vector.extract_strided_slice %dot_general3A_5 {offsets = [1024, 0], sizes = [8, 4096], strides = [1, 1]} : vector<2736x4096xf32> to vector<8x4096xf32>
    %add3A_1671 = arith.addf %add3A_1669, %slice3A_1670 : vector<8x4096xf32>
    %lt3A_1672 = arith.cmpf olt, %add3A_1671, %select_n3A_1660 : vector<8x4096xf32>
    %select_n3A_1673 = arith.select %lt3A_1672, %add3A_1671, %select_n3A_1660 : vector<8x4096xi1>, vector<8x4096xf32>
    %jit3A_1674 = arith.constant 128 : i32
    %broadcast_in_dim3A_1675 = vector.broadcast %jit3A_1674 : i32 to vector<8x4096xi32>
    %select_n3A_1676 = arith.select %lt3A_1672, %broadcast_in_dim3A_1675, %select_n3A_1663 : vector<8x4096xi1>, vector<8x4096xi32>
    %get3A_1677 = arith.constant 1032 : index
    %get3A_1678 = arith.constant 0 : index
    %get3A_1679 = vector.load %arg5[%get3A_1677, %get3A_1678] : memref<2736x1xf32, #tpu.memory_space<vmem>>, vector<8x1xf32>
    %add3A_1680 = vector.broadcast %get3A_8 : vector<1x4096xf32> to vector<8x4096xf32>
    %add3A_1681 = vector.broadcast %get3A_1679 : vector<8x1xf32> to vector<8x4096xf32>
    %add3A_1682 = arith.addf %add3A_1680, %add3A_1681 : vector<8x4096xf32>
    %slice3A_1683 = vector.extract_strided_slice %dot_general3A_5 {offsets = [1032, 0], sizes = [8, 4096], strides = [1, 1]} : vector<2736x4096xf32> to vector<8x4096xf32>
    %add3A_1684 = arith.addf %add3A_1682, %slice3A_1683 : vector<8x4096xf32>
    %lt3A_1685 = arith.cmpf olt, %add3A_1684, %select_n3A_1673 : vector<8x4096xf32>
    %select_n3A_1686 = arith.select %lt3A_1685, %add3A_1684, %select_n3A_1673 : vector<8x4096xi1>, vector<8x4096xf32>
    %jit3A_1687 = arith.constant 129 : i32
    %broadcast_in_dim3A_1688 = vector.broadcast %jit3A_1687 : i32 to vector<8x4096xi32>
    %select_n3A_1689 = arith.select %lt3A_1685, %broadcast_in_dim3A_1688, %select_n3A_1676 : vector<8x4096xi1>, vector<8x4096xi32>
    %get3A_1690 = arith.constant 1040 : index
    %get3A_1691 = arith.constant 0 : index
    %get3A_1692 = vector.load %arg5[%get3A_1690, %get3A_1691] : memref<2736x1xf32, #tpu.memory_space<vmem>>, vector<8x1xf32>
    %add3A_1693 = vector.broadcast %get3A_8 : vector<1x4096xf32> to vector<8x4096xf32>
    %add3A_1694 = vector.broadcast %get3A_1692 : vector<8x1xf32> to vector<8x4096xf32>
    %add3A_1695 = arith.addf %add3A_1693, %add3A_1694 : vector<8x4096xf32>
    %slice3A_1696 = vector.extract_strided_slice %dot_general3A_5 {offsets = [1040, 0], sizes = [8, 4096], strides = [1, 1]} : vector<2736x4096xf32> to vector<8x4096xf32>
    %add3A_1697 = arith.addf %add3A_1695, %slice3A_1696 : vector<8x4096xf32>
    %lt3A_1698 = arith.cmpf olt, %add3A_1697, %select_n3A_1686 : vector<8x4096xf32>
    %select_n3A_1699 = arith.select %lt3A_1698, %add3A_1697, %select_n3A_1686 : vector<8x4096xi1>, vector<8x4096xf32>
    %jit3A_1700 = arith.constant 130 : i32
    %broadcast_in_dim3A_1701 = vector.broadcast %jit3A_1700 : i32 to vector<8x4096xi32>
    %select_n3A_1702 = arith.select %lt3A_1698, %broadcast_in_dim3A_1701, %select_n3A_1689 : vector<8x4096xi1>, vector<8x4096xi32>
    %get3A_1703 = arith.constant 1048 : index
    %get3A_1704 = arith.constant 0 : index
    %get3A_1705 = vector.load %arg5[%get3A_1703, %get3A_1704] : memref<2736x1xf32, #tpu.memory_space<vmem>>, vector<8x1xf32>
    %add3A_1706 = vector.broadcast %get3A_8 : vector<1x4096xf32> to vector<8x4096xf32>
    %add3A_1707 = vector.broadcast %get3A_1705 : vector<8x1xf32> to vector<8x4096xf32>
    %add3A_1708 = arith.addf %add3A_1706, %add3A_1707 : vector<8x4096xf32>
    %slice3A_1709 = vector.extract_strided_slice %dot_general3A_5 {offsets = [1048, 0], sizes = [8, 4096], strides = [1, 1]} : vector<2736x4096xf32> to vector<8x4096xf32>
    %add3A_1710 = arith.addf %add3A_1708, %slice3A_1709 : vector<8x4096xf32>
    %lt3A_1711 = arith.cmpf olt, %add3A_1710, %select_n3A_1699 : vector<8x4096xf32>
    %select_n3A_1712 = arith.select %lt3A_1711, %add3A_1710, %select_n3A_1699 : vector<8x4096xi1>, vector<8x4096xf32>
    %jit3A_1713 = arith.constant 131 : i32
    %broadcast_in_dim3A_1714 = vector.broadcast %jit3A_1713 : i32 to vector<8x4096xi32>
    %select_n3A_1715 = arith.select %lt3A_1711, %broadcast_in_dim3A_1714, %select_n3A_1702 : vector<8x4096xi1>, vector<8x4096xi32>
    %get3A_1716 = arith.constant 1056 : index
    %get3A_1717 = arith.constant 0 : index
    %get3A_1718 = vector.load %arg5[%get3A_1716, %get3A_1717] : memref<2736x1xf32, #tpu.memory_space<vmem>>, vector<8x1xf32>
    %add3A_1719 = vector.broadcast %get3A_8 : vector<1x4096xf32> to vector<8x4096xf32>
    %add3A_1720 = vector.broadcast %get3A_1718 : vector<8x1xf32> to vector<8x4096xf32>
    %add3A_1721 = arith.addf %add3A_1719, %add3A_1720 : vector<8x4096xf32>
    %slice3A_1722 = vector.extract_strided_slice %dot_general3A_5 {offsets = [1056, 0], sizes = [8, 4096], strides = [1, 1]} : vector<2736x4096xf32> to vector<8x4096xf32>
    %add3A_1723 = arith.addf %add3A_1721, %slice3A_1722 : vector<8x4096xf32>
    %lt3A_1724 = arith.cmpf olt, %add3A_1723, %select_n3A_1712 : vector<8x4096xf32>
    %select_n3A_1725 = arith.select %lt3A_1724, %add3A_1723, %select_n3A_1712 : vector<8x4096xi1>, vector<8x4096xf32>
    %jit3A_1726 = arith.constant 132 : i32
    %broadcast_in_dim3A_1727 = vector.broadcast %jit3A_1726 : i32 to vector<8x4096xi32>
    %select_n3A_1728 = arith.select %lt3A_1724, %broadcast_in_dim3A_1727, %select_n3A_1715 : vector<8x4096xi1>, vector<8x4096xi32>
    %get3A_1729 = arith.constant 1064 : index
    %get3A_1730 = arith.constant 0 : index
    %get3A_1731 = vector.load %arg5[%get3A_1729, %get3A_1730] : memref<2736x1xf32, #tpu.memory_space<vmem>>, vector<8x1xf32>
    %add3A_1732 = vector.broadcast %get3A_8 : vector<1x4096xf32> to vector<8x4096xf32>
    %add3A_1733 = vector.broadcast %get3A_1731 : vector<8x1xf32> to vector<8x4096xf32>
    %add3A_1734 = arith.addf %add3A_1732, %add3A_1733 : vector<8x4096xf32>
    %slice3A_1735 = vector.extract_strided_slice %dot_general3A_5 {offsets = [1064, 0], sizes = [8, 4096], strides = [1, 1]} : vector<2736x4096xf32> to vector<8x4096xf32>
    %add3A_1736 = arith.addf %add3A_1734, %slice3A_1735 : vector<8x4096xf32>
    %lt3A_1737 = arith.cmpf olt, %add3A_1736, %select_n3A_1725 : vector<8x4096xf32>
    %select_n3A_1738 = arith.select %lt3A_1737, %add3A_1736, %select_n3A_1725 : vector<8x4096xi1>, vector<8x4096xf32>
    %jit3A_1739 = arith.constant 133 : i32
    %broadcast_in_dim3A_1740 = vector.broadcast %jit3A_1739 : i32 to vector<8x4096xi32>
    %select_n3A_1741 = arith.select %lt3A_1737, %broadcast_in_dim3A_1740, %select_n3A_1728 : vector<8x4096xi1>, vector<8x4096xi32>
    %get3A_1742 = arith.constant 1072 : index
    %get3A_1743 = arith.constant 0 : index
    %get3A_1744 = vector.load %arg5[%get3A_1742, %get3A_1743] : memref<2736x1xf32, #tpu.memory_space<vmem>>, vector<8x1xf32>
    %add3A_1745 = vector.broadcast %get3A_8 : vector<1x4096xf32> to vector<8x4096xf32>
    %add3A_1746 = vector.broadcast %get3A_1744 : vector<8x1xf32> to vector<8x4096xf32>
    %add3A_1747 = arith.addf %add3A_1745, %add3A_1746 : vector<8x4096xf32>
    %slice3A_1748 = vector.extract_strided_slice %dot_general3A_5 {offsets = [1072, 0], sizes = [8, 4096], strides = [1, 1]} : vector<2736x4096xf32> to vector<8x4096xf32>
    %add3A_1749 = arith.addf %add3A_1747, %slice3A_1748 : vector<8x4096xf32>
    %lt3A_1750 = arith.cmpf olt, %add3A_1749, %select_n3A_1738 : vector<8x4096xf32>
    %select_n3A_1751 = arith.select %lt3A_1750, %add3A_1749, %select_n3A_1738 : vector<8x4096xi1>, vector<8x4096xf32>
    %jit3A_1752 = arith.constant 134 : i32
    %broadcast_in_dim3A_1753 = vector.broadcast %jit3A_1752 : i32 to vector<8x4096xi32>
    %select_n3A_1754 = arith.select %lt3A_1750, %broadcast_in_dim3A_1753, %select_n3A_1741 : vector<8x4096xi1>, vector<8x4096xi32>
    %get3A_1755 = arith.constant 1080 : index
    %get3A_1756 = arith.constant 0 : index
    %get3A_1757 = vector.load %arg5[%get3A_1755, %get3A_1756] : memref<2736x1xf32, #tpu.memory_space<vmem>>, vector<8x1xf32>
    %add3A_1758 = vector.broadcast %get3A_8 : vector<1x4096xf32> to vector<8x4096xf32>
    %add3A_1759 = vector.broadcast %get3A_1757 : vector<8x1xf32> to vector<8x4096xf32>
    %add3A_1760 = arith.addf %add3A_1758, %add3A_1759 : vector<8x4096xf32>
    %slice3A_1761 = vector.extract_strided_slice %dot_general3A_5 {offsets = [1080, 0], sizes = [8, 4096], strides = [1, 1]} : vector<2736x4096xf32> to vector<8x4096xf32>
    %add3A_1762 = arith.addf %add3A_1760, %slice3A_1761 : vector<8x4096xf32>
    %lt3A_1763 = arith.cmpf olt, %add3A_1762, %select_n3A_1751 : vector<8x4096xf32>
    %select_n3A_1764 = arith.select %lt3A_1763, %add3A_1762, %select_n3A_1751 : vector<8x4096xi1>, vector<8x4096xf32>
    %jit3A_1765 = arith.constant 135 : i32
    %broadcast_in_dim3A_1766 = vector.broadcast %jit3A_1765 : i32 to vector<8x4096xi32>
    %select_n3A_1767 = arith.select %lt3A_1763, %broadcast_in_dim3A_1766, %select_n3A_1754 : vector<8x4096xi1>, vector<8x4096xi32>
    %get3A_1768 = arith.constant 1088 : index
    %get3A_1769 = arith.constant 0 : index
    %get3A_1770 = vector.load %arg5[%get3A_1768, %get3A_1769] : memref<2736x1xf32, #tpu.memory_space<vmem>>, vector<8x1xf32>
    %add3A_1771 = vector.broadcast %get3A_8 : vector<1x4096xf32> to vector<8x4096xf32>
    %add3A_1772 = vector.broadcast %get3A_1770 : vector<8x1xf32> to vector<8x4096xf32>
    %add3A_1773 = arith.addf %add3A_1771, %add3A_1772 : vector<8x4096xf32>
    %slice3A_1774 = vector.extract_strided_slice %dot_general3A_5 {offsets = [1088, 0], sizes = [8, 4096], strides = [1, 1]} : vector<2736x4096xf32> to vector<8x4096xf32>
    %add3A_1775 = arith.addf %add3A_1773, %slice3A_1774 : vector<8x4096xf32>
    %lt3A_1776 = arith.cmpf olt, %add3A_1775, %select_n3A_1764 : vector<8x4096xf32>
    %select_n3A_1777 = arith.select %lt3A_1776, %add3A_1775, %select_n3A_1764 : vector<8x4096xi1>, vector<8x4096xf32>
    %jit3A_1778 = arith.constant 136 : i32
    %broadcast_in_dim3A_1779 = vector.broadcast %jit3A_1778 : i32 to vector<8x4096xi32>
    %select_n3A_1780 = arith.select %lt3A_1776, %broadcast_in_dim3A_1779, %select_n3A_1767 : vector<8x4096xi1>, vector<8x4096xi32>
    %get3A_1781 = arith.constant 1096 : index
    %get3A_1782 = arith.constant 0 : index
    %get3A_1783 = vector.load %arg5[%get3A_1781, %get3A_1782] : memref<2736x1xf32, #tpu.memory_space<vmem>>, vector<8x1xf32>
    %add3A_1784 = vector.broadcast %get3A_8 : vector<1x4096xf32> to vector<8x4096xf32>
    %add3A_1785 = vector.broadcast %get3A_1783 : vector<8x1xf32> to vector<8x4096xf32>
    %add3A_1786 = arith.addf %add3A_1784, %add3A_1785 : vector<8x4096xf32>
    %slice3A_1787 = vector.extract_strided_slice %dot_general3A_5 {offsets = [1096, 0], sizes = [8, 4096], strides = [1, 1]} : vector<2736x4096xf32> to vector<8x4096xf32>
    %add3A_1788 = arith.addf %add3A_1786, %slice3A_1787 : vector<8x4096xf32>
    %lt3A_1789 = arith.cmpf olt, %add3A_1788, %select_n3A_1777 : vector<8x4096xf32>
    %select_n3A_1790 = arith.select %lt3A_1789, %add3A_1788, %select_n3A_1777 : vector<8x4096xi1>, vector<8x4096xf32>
    %jit3A_1791 = arith.constant 137 : i32
    %broadcast_in_dim3A_1792 = vector.broadcast %jit3A_1791 : i32 to vector<8x4096xi32>
    %select_n3A_1793 = arith.select %lt3A_1789, %broadcast_in_dim3A_1792, %select_n3A_1780 : vector<8x4096xi1>, vector<8x4096xi32>
    %get3A_1794 = arith.constant 1104 : index
    %get3A_1795 = arith.constant 0 : index
    %get3A_1796 = vector.load %arg5[%get3A_1794, %get3A_1795] : memref<2736x1xf32, #tpu.memory_space<vmem>>, vector<8x1xf32>
    %add3A_1797 = vector.broadcast %get3A_8 : vector<1x4096xf32> to vector<8x4096xf32>
    %add3A_1798 = vector.broadcast %get3A_1796 : vector<8x1xf32> to vector<8x4096xf32>
    %add3A_1799 = arith.addf %add3A_1797, %add3A_1798 : vector<8x4096xf32>
    %slice3A_1800 = vector.extract_strided_slice %dot_general3A_5 {offsets = [1104, 0], sizes = [8, 4096], strides = [1, 1]} : vector<2736x4096xf32> to vector<8x4096xf32>
    %add3A_1801 = arith.addf %add3A_1799, %slice3A_1800 : vector<8x4096xf32>
    %lt3A_1802 = arith.cmpf olt, %add3A_1801, %select_n3A_1790 : vector<8x4096xf32>
    %select_n3A_1803 = arith.select %lt3A_1802, %add3A_1801, %select_n3A_1790 : vector<8x4096xi1>, vector<8x4096xf32>
    %jit3A_1804 = arith.constant 138 : i32
    %broadcast_in_dim3A_1805 = vector.broadcast %jit3A_1804 : i32 to vector<8x4096xi32>
    %select_n3A_1806 = arith.select %lt3A_1802, %broadcast_in_dim3A_1805, %select_n3A_1793 : vector<8x4096xi1>, vector<8x4096xi32>
    %get3A_1807 = arith.constant 1112 : index
    %get3A_1808 = arith.constant 0 : index
    %get3A_1809 = vector.load %arg5[%get3A_1807, %get3A_1808] : memref<2736x1xf32, #tpu.memory_space<vmem>>, vector<8x1xf32>
    %add3A_1810 = vector.broadcast %get3A_8 : vector<1x4096xf32> to vector<8x4096xf32>
    %add3A_1811 = vector.broadcast %get3A_1809 : vector<8x1xf32> to vector<8x4096xf32>
    %add3A_1812 = arith.addf %add3A_1810, %add3A_1811 : vector<8x4096xf32>
    %slice3A_1813 = vector.extract_strided_slice %dot_general3A_5 {offsets = [1112, 0], sizes = [8, 4096], strides = [1, 1]} : vector<2736x4096xf32> to vector<8x4096xf32>
    %add3A_1814 = arith.addf %add3A_1812, %slice3A_1813 : vector<8x4096xf32>
    %lt3A_1815 = arith.cmpf olt, %add3A_1814, %select_n3A_1803 : vector<8x4096xf32>
    %select_n3A_1816 = arith.select %lt3A_1815, %add3A_1814, %select_n3A_1803 : vector<8x4096xi1>, vector<8x4096xf32>
    %jit3A_1817 = arith.constant 139 : i32
    %broadcast_in_dim3A_1818 = vector.broadcast %jit3A_1817 : i32 to vector<8x4096xi32>
    %select_n3A_1819 = arith.select %lt3A_1815, %broadcast_in_dim3A_1818, %select_n3A_1806 : vector<8x4096xi1>, vector<8x4096xi32>
    %get3A_1820 = arith.constant 1120 : index
    %get3A_1821 = arith.constant 0 : index
    %get3A_1822 = vector.load %arg5[%get3A_1820, %get3A_1821] : memref<2736x1xf32, #tpu.memory_space<vmem>>, vector<8x1xf32>
    %add3A_1823 = vector.broadcast %get3A_8 : vector<1x4096xf32> to vector<8x4096xf32>
    %add3A_1824 = vector.broadcast %get3A_1822 : vector<8x1xf32> to vector<8x4096xf32>
    %add3A_1825 = arith.addf %add3A_1823, %add3A_1824 : vector<8x4096xf32>
    %slice3A_1826 = vector.extract_strided_slice %dot_general3A_5 {offsets = [1120, 0], sizes = [8, 4096], strides = [1, 1]} : vector<2736x4096xf32> to vector<8x4096xf32>
    %add3A_1827 = arith.addf %add3A_1825, %slice3A_1826 : vector<8x4096xf32>
    %lt3A_1828 = arith.cmpf olt, %add3A_1827, %select_n3A_1816 : vector<8x4096xf32>
    %select_n3A_1829 = arith.select %lt3A_1828, %add3A_1827, %select_n3A_1816 : vector<8x4096xi1>, vector<8x4096xf32>
    %jit3A_1830 = arith.constant 140 : i32
    %broadcast_in_dim3A_1831 = vector.broadcast %jit3A_1830 : i32 to vector<8x4096xi32>
    %select_n3A_1832 = arith.select %lt3A_1828, %broadcast_in_dim3A_1831, %select_n3A_1819 : vector<8x4096xi1>, vector<8x4096xi32>
    %get3A_1833 = arith.constant 1128 : index
    %get3A_1834 = arith.constant 0 : index
    %get3A_1835 = vector.load %arg5[%get3A_1833, %get3A_1834] : memref<2736x1xf32, #tpu.memory_space<vmem>>, vector<8x1xf32>
    %add3A_1836 = vector.broadcast %get3A_8 : vector<1x4096xf32> to vector<8x4096xf32>
    %add3A_1837 = vector.broadcast %get3A_1835 : vector<8x1xf32> to vector<8x4096xf32>
    %add3A_1838 = arith.addf %add3A_1836, %add3A_1837 : vector<8x4096xf32>
    %slice3A_1839 = vector.extract_strided_slice %dot_general3A_5 {offsets = [1128, 0], sizes = [8, 4096], strides = [1, 1]} : vector<2736x4096xf32> to vector<8x4096xf32>
    %add3A_1840 = arith.addf %add3A_1838, %slice3A_1839 : vector<8x4096xf32>
    %lt3A_1841 = arith.cmpf olt, %add3A_1840, %select_n3A_1829 : vector<8x4096xf32>
    %select_n3A_1842 = arith.select %lt3A_1841, %add3A_1840, %select_n3A_1829 : vector<8x4096xi1>, vector<8x4096xf32>
    %jit3A_1843 = arith.constant 141 : i32
    %broadcast_in_dim3A_1844 = vector.broadcast %jit3A_1843 : i32 to vector<8x4096xi32>
    %select_n3A_1845 = arith.select %lt3A_1841, %broadcast_in_dim3A_1844, %select_n3A_1832 : vector<8x4096xi1>, vector<8x4096xi32>
    %get3A_1846 = arith.constant 1136 : index
    %get3A_1847 = arith.constant 0 : index
    %get3A_1848 = vector.load %arg5[%get3A_1846, %get3A_1847] : memref<2736x1xf32, #tpu.memory_space<vmem>>, vector<8x1xf32>
    %add3A_1849 = vector.broadcast %get3A_8 : vector<1x4096xf32> to vector<8x4096xf32>
    %add3A_1850 = vector.broadcast %get3A_1848 : vector<8x1xf32> to vector<8x4096xf32>
    %add3A_1851 = arith.addf %add3A_1849, %add3A_1850 : vector<8x4096xf32>
    %slice3A_1852 = vector.extract_strided_slice %dot_general3A_5 {offsets = [1136, 0], sizes = [8, 4096], strides = [1, 1]} : vector<2736x4096xf32> to vector<8x4096xf32>
    %add3A_1853 = arith.addf %add3A_1851, %slice3A_1852 : vector<8x4096xf32>
    %lt3A_1854 = arith.cmpf olt, %add3A_1853, %select_n3A_1842 : vector<8x4096xf32>
    %select_n3A_1855 = arith.select %lt3A_1854, %add3A_1853, %select_n3A_1842 : vector<8x4096xi1>, vector<8x4096xf32>
    %jit3A_1856 = arith.constant 142 : i32
    %broadcast_in_dim3A_1857 = vector.broadcast %jit3A_1856 : i32 to vector<8x4096xi32>
    %select_n3A_1858 = arith.select %lt3A_1854, %broadcast_in_dim3A_1857, %select_n3A_1845 : vector<8x4096xi1>, vector<8x4096xi32>
    %get3A_1859 = arith.constant 1144 : index
    %get3A_1860 = arith.constant 0 : index
    %get3A_1861 = vector.load %arg5[%get3A_1859, %get3A_1860] : memref<2736x1xf32, #tpu.memory_space<vmem>>, vector<8x1xf32>
    %add3A_1862 = vector.broadcast %get3A_8 : vector<1x4096xf32> to vector<8x4096xf32>
    %add3A_1863 = vector.broadcast %get3A_1861 : vector<8x1xf32> to vector<8x4096xf32>
    %add3A_1864 = arith.addf %add3A_1862, %add3A_1863 : vector<8x4096xf32>
    %slice3A_1865 = vector.extract_strided_slice %dot_general3A_5 {offsets = [1144, 0], sizes = [8, 4096], strides = [1, 1]} : vector<2736x4096xf32> to vector<8x4096xf32>
    %add3A_1866 = arith.addf %add3A_1864, %slice3A_1865 : vector<8x4096xf32>
    %lt3A_1867 = arith.cmpf olt, %add3A_1866, %select_n3A_1855 : vector<8x4096xf32>
    %select_n3A_1868 = arith.select %lt3A_1867, %add3A_1866, %select_n3A_1855 : vector<8x4096xi1>, vector<8x4096xf32>
    %jit3A_1869 = arith.constant 143 : i32
    %broadcast_in_dim3A_1870 = vector.broadcast %jit3A_1869 : i32 to vector<8x4096xi32>
    %select_n3A_1871 = arith.select %lt3A_1867, %broadcast_in_dim3A_1870, %select_n3A_1858 : vector<8x4096xi1>, vector<8x4096xi32>
    %get3A_1872 = arith.constant 1152 : index
    %get3A_1873 = arith.constant 0 : index
    %get3A_1874 = vector.load %arg5[%get3A_1872, %get3A_1873] : memref<2736x1xf32, #tpu.memory_space<vmem>>, vector<8x1xf32>
    %add3A_1875 = vector.broadcast %get3A_8 : vector<1x4096xf32> to vector<8x4096xf32>
    %add3A_1876 = vector.broadcast %get3A_1874 : vector<8x1xf32> to vector<8x4096xf32>
    %add3A_1877 = arith.addf %add3A_1875, %add3A_1876 : vector<8x4096xf32>
    %slice3A_1878 = vector.extract_strided_slice %dot_general3A_5 {offsets = [1152, 0], sizes = [8, 4096], strides = [1, 1]} : vector<2736x4096xf32> to vector<8x4096xf32>
    %add3A_1879 = arith.addf %add3A_1877, %slice3A_1878 : vector<8x4096xf32>
    %lt3A_1880 = arith.cmpf olt, %add3A_1879, %select_n3A_1868 : vector<8x4096xf32>
    %select_n3A_1881 = arith.select %lt3A_1880, %add3A_1879, %select_n3A_1868 : vector<8x4096xi1>, vector<8x4096xf32>
    %jit3A_1882 = arith.constant 144 : i32
    %broadcast_in_dim3A_1883 = vector.broadcast %jit3A_1882 : i32 to vector<8x4096xi32>
    %select_n3A_1884 = arith.select %lt3A_1880, %broadcast_in_dim3A_1883, %select_n3A_1871 : vector<8x4096xi1>, vector<8x4096xi32>
    %get3A_1885 = arith.constant 1160 : index
    %get3A_1886 = arith.constant 0 : index
    %get3A_1887 = vector.load %arg5[%get3A_1885, %get3A_1886] : memref<2736x1xf32, #tpu.memory_space<vmem>>, vector<8x1xf32>
    %add3A_1888 = vector.broadcast %get3A_8 : vector<1x4096xf32> to vector<8x4096xf32>
    %add3A_1889 = vector.broadcast %get3A_1887 : vector<8x1xf32> to vector<8x4096xf32>
    %add3A_1890 = arith.addf %add3A_1888, %add3A_1889 : vector<8x4096xf32>
    %slice3A_1891 = vector.extract_strided_slice %dot_general3A_5 {offsets = [1160, 0], sizes = [8, 4096], strides = [1, 1]} : vector<2736x4096xf32> to vector<8x4096xf32>
    %add3A_1892 = arith.addf %add3A_1890, %slice3A_1891 : vector<8x4096xf32>
    %lt3A_1893 = arith.cmpf olt, %add3A_1892, %select_n3A_1881 : vector<8x4096xf32>
    %select_n3A_1894 = arith.select %lt3A_1893, %add3A_1892, %select_n3A_1881 : vector<8x4096xi1>, vector<8x4096xf32>
    %jit3A_1895 = arith.constant 145 : i32
    %broadcast_in_dim3A_1896 = vector.broadcast %jit3A_1895 : i32 to vector<8x4096xi32>
    %select_n3A_1897 = arith.select %lt3A_1893, %broadcast_in_dim3A_1896, %select_n3A_1884 : vector<8x4096xi1>, vector<8x4096xi32>
    %get3A_1898 = arith.constant 1168 : index
    %get3A_1899 = arith.constant 0 : index
    %get3A_1900 = vector.load %arg5[%get3A_1898, %get3A_1899] : memref<2736x1xf32, #tpu.memory_space<vmem>>, vector<8x1xf32>
    %add3A_1901 = vector.broadcast %get3A_8 : vector<1x4096xf32> to vector<8x4096xf32>
    %add3A_1902 = vector.broadcast %get3A_1900 : vector<8x1xf32> to vector<8x4096xf32>
    %add3A_1903 = arith.addf %add3A_1901, %add3A_1902 : vector<8x4096xf32>
    %slice3A_1904 = vector.extract_strided_slice %dot_general3A_5 {offsets = [1168, 0], sizes = [8, 4096], strides = [1, 1]} : vector<2736x4096xf32> to vector<8x4096xf32>
    %add3A_1905 = arith.addf %add3A_1903, %slice3A_1904 : vector<8x4096xf32>
    %lt3A_1906 = arith.cmpf olt, %add3A_1905, %select_n3A_1894 : vector<8x4096xf32>
    %select_n3A_1907 = arith.select %lt3A_1906, %add3A_1905, %select_n3A_1894 : vector<8x4096xi1>, vector<8x4096xf32>
    %jit3A_1908 = arith.constant 146 : i32
    %broadcast_in_dim3A_1909 = vector.broadcast %jit3A_1908 : i32 to vector<8x4096xi32>
    %select_n3A_1910 = arith.select %lt3A_1906, %broadcast_in_dim3A_1909, %select_n3A_1897 : vector<8x4096xi1>, vector<8x4096xi32>
    %get3A_1911 = arith.constant 1176 : index
    %get3A_1912 = arith.constant 0 : index
    %get3A_1913 = vector.load %arg5[%get3A_1911, %get3A_1912] : memref<2736x1xf32, #tpu.memory_space<vmem>>, vector<8x1xf32>
    %add3A_1914 = vector.broadcast %get3A_8 : vector<1x4096xf32> to vector<8x4096xf32>
    %add3A_1915 = vector.broadcast %get3A_1913 : vector<8x1xf32> to vector<8x4096xf32>
    %add3A_1916 = arith.addf %add3A_1914, %add3A_1915 : vector<8x4096xf32>
    %slice3A_1917 = vector.extract_strided_slice %dot_general3A_5 {offsets = [1176, 0], sizes = [8, 4096], strides = [1, 1]} : vector<2736x4096xf32> to vector<8x4096xf32>
    %add3A_1918 = arith.addf %add3A_1916, %slice3A_1917 : vector<8x4096xf32>
    %lt3A_1919 = arith.cmpf olt, %add3A_1918, %select_n3A_1907 : vector<8x4096xf32>
    %select_n3A_1920 = arith.select %lt3A_1919, %add3A_1918, %select_n3A_1907 : vector<8x4096xi1>, vector<8x4096xf32>
    %jit3A_1921 = arith.constant 147 : i32
    %broadcast_in_dim3A_1922 = vector.broadcast %jit3A_1921 : i32 to vector<8x4096xi32>
    %select_n3A_1923 = arith.select %lt3A_1919, %broadcast_in_dim3A_1922, %select_n3A_1910 : vector<8x4096xi1>, vector<8x4096xi32>
    %get3A_1924 = arith.constant 1184 : index
    %get3A_1925 = arith.constant 0 : index
    %get3A_1926 = vector.load %arg5[%get3A_1924, %get3A_1925] : memref<2736x1xf32, #tpu.memory_space<vmem>>, vector<8x1xf32>
    %add3A_1927 = vector.broadcast %get3A_8 : vector<1x4096xf32> to vector<8x4096xf32>
    %add3A_1928 = vector.broadcast %get3A_1926 : vector<8x1xf32> to vector<8x4096xf32>
    %add3A_1929 = arith.addf %add3A_1927, %add3A_1928 : vector<8x4096xf32>
    %slice3A_1930 = vector.extract_strided_slice %dot_general3A_5 {offsets = [1184, 0], sizes = [8, 4096], strides = [1, 1]} : vector<2736x4096xf32> to vector<8x4096xf32>
    %add3A_1931 = arith.addf %add3A_1929, %slice3A_1930 : vector<8x4096xf32>
    %lt3A_1932 = arith.cmpf olt, %add3A_1931, %select_n3A_1920 : vector<8x4096xf32>
    %select_n3A_1933 = arith.select %lt3A_1932, %add3A_1931, %select_n3A_1920 : vector<8x4096xi1>, vector<8x4096xf32>
    %jit3A_1934 = arith.constant 148 : i32
    %broadcast_in_dim3A_1935 = vector.broadcast %jit3A_1934 : i32 to vector<8x4096xi32>
    %select_n3A_1936 = arith.select %lt3A_1932, %broadcast_in_dim3A_1935, %select_n3A_1923 : vector<8x4096xi1>, vector<8x4096xi32>
    %get3A_1937 = arith.constant 1192 : index
    %get3A_1938 = arith.constant 0 : index
    %get3A_1939 = vector.load %arg5[%get3A_1937, %get3A_1938] : memref<2736x1xf32, #tpu.memory_space<vmem>>, vector<8x1xf32>
    %add3A_1940 = vector.broadcast %get3A_8 : vector<1x4096xf32> to vector<8x4096xf32>
    %add3A_1941 = vector.broadcast %get3A_1939 : vector<8x1xf32> to vector<8x4096xf32>
    %add3A_1942 = arith.addf %add3A_1940, %add3A_1941 : vector<8x4096xf32>
    %slice3A_1943 = vector.extract_strided_slice %dot_general3A_5 {offsets = [1192, 0], sizes = [8, 4096], strides = [1, 1]} : vector<2736x4096xf32> to vector<8x4096xf32>
    %add3A_1944 = arith.addf %add3A_1942, %slice3A_1943 : vector<8x4096xf32>
    %lt3A_1945 = arith.cmpf olt, %add3A_1944, %select_n3A_1933 : vector<8x4096xf32>
    %select_n3A_1946 = arith.select %lt3A_1945, %add3A_1944, %select_n3A_1933 : vector<8x4096xi1>, vector<8x4096xf32>
    %jit3A_1947 = arith.constant 149 : i32
    %broadcast_in_dim3A_1948 = vector.broadcast %jit3A_1947 : i32 to vector<8x4096xi32>
    %select_n3A_1949 = arith.select %lt3A_1945, %broadcast_in_dim3A_1948, %select_n3A_1936 : vector<8x4096xi1>, vector<8x4096xi32>
    %get3A_1950 = arith.constant 1200 : index
    %get3A_1951 = arith.constant 0 : index
    %get3A_1952 = vector.load %arg5[%get3A_1950, %get3A_1951] : memref<2736x1xf32, #tpu.memory_space<vmem>>, vector<8x1xf32>
    %add3A_1953 = vector.broadcast %get3A_8 : vector<1x4096xf32> to vector<8x4096xf32>
    %add3A_1954 = vector.broadcast %get3A_1952 : vector<8x1xf32> to vector<8x4096xf32>
    %add3A_1955 = arith.addf %add3A_1953, %add3A_1954 : vector<8x4096xf32>
    %slice3A_1956 = vector.extract_strided_slice %dot_general3A_5 {offsets = [1200, 0], sizes = [8, 4096], strides = [1, 1]} : vector<2736x4096xf32> to vector<8x4096xf32>
    %add3A_1957 = arith.addf %add3A_1955, %slice3A_1956 : vector<8x4096xf32>
    %lt3A_1958 = arith.cmpf olt, %add3A_1957, %select_n3A_1946 : vector<8x4096xf32>
    %select_n3A_1959 = arith.select %lt3A_1958, %add3A_1957, %select_n3A_1946 : vector<8x4096xi1>, vector<8x4096xf32>
    %jit3A_1960 = arith.constant 150 : i32
    %broadcast_in_dim3A_1961 = vector.broadcast %jit3A_1960 : i32 to vector<8x4096xi32>
    %select_n3A_1962 = arith.select %lt3A_1958, %broadcast_in_dim3A_1961, %select_n3A_1949 : vector<8x4096xi1>, vector<8x4096xi32>
    %get3A_1963 = arith.constant 1208 : index
    %get3A_1964 = arith.constant 0 : index
    %get3A_1965 = vector.load %arg5[%get3A_1963, %get3A_1964] : memref<2736x1xf32, #tpu.memory_space<vmem>>, vector<8x1xf32>
    %add3A_1966 = vector.broadcast %get3A_8 : vector<1x4096xf32> to vector<8x4096xf32>
    %add3A_1967 = vector.broadcast %get3A_1965 : vector<8x1xf32> to vector<8x4096xf32>
    %add3A_1968 = arith.addf %add3A_1966, %add3A_1967 : vector<8x4096xf32>
    %slice3A_1969 = vector.extract_strided_slice %dot_general3A_5 {offsets = [1208, 0], sizes = [8, 4096], strides = [1, 1]} : vector<2736x4096xf32> to vector<8x4096xf32>
    %add3A_1970 = arith.addf %add3A_1968, %slice3A_1969 : vector<8x4096xf32>
    %lt3A_1971 = arith.cmpf olt, %add3A_1970, %select_n3A_1959 : vector<8x4096xf32>
    %select_n3A_1972 = arith.select %lt3A_1971, %add3A_1970, %select_n3A_1959 : vector<8x4096xi1>, vector<8x4096xf32>
    %jit3A_1973 = arith.constant 151 : i32
    %broadcast_in_dim3A_1974 = vector.broadcast %jit3A_1973 : i32 to vector<8x4096xi32>
    %select_n3A_1975 = arith.select %lt3A_1971, %broadcast_in_dim3A_1974, %select_n3A_1962 : vector<8x4096xi1>, vector<8x4096xi32>
    %get3A_1976 = arith.constant 1216 : index
    %get3A_1977 = arith.constant 0 : index
    %get3A_1978 = vector.load %arg5[%get3A_1976, %get3A_1977] : memref<2736x1xf32, #tpu.memory_space<vmem>>, vector<8x1xf32>
    %add3A_1979 = vector.broadcast %get3A_8 : vector<1x4096xf32> to vector<8x4096xf32>
    %add3A_1980 = vector.broadcast %get3A_1978 : vector<8x1xf32> to vector<8x4096xf32>
    %add3A_1981 = arith.addf %add3A_1979, %add3A_1980 : vector<8x4096xf32>
    %slice3A_1982 = vector.extract_strided_slice %dot_general3A_5 {offsets = [1216, 0], sizes = [8, 4096], strides = [1, 1]} : vector<2736x4096xf32> to vector<8x4096xf32>
    %add3A_1983 = arith.addf %add3A_1981, %slice3A_1982 : vector<8x4096xf32>
    %lt3A_1984 = arith.cmpf olt, %add3A_1983, %select_n3A_1972 : vector<8x4096xf32>
    %select_n3A_1985 = arith.select %lt3A_1984, %add3A_1983, %select_n3A_1972 : vector<8x4096xi1>, vector<8x4096xf32>
    %jit3A_1986 = arith.constant 152 : i32
    %broadcast_in_dim3A_1987 = vector.broadcast %jit3A_1986 : i32 to vector<8x4096xi32>
    %select_n3A_1988 = arith.select %lt3A_1984, %broadcast_in_dim3A_1987, %select_n3A_1975 : vector<8x4096xi1>, vector<8x4096xi32>
    %get3A_1989 = arith.constant 1224 : index
    %get3A_1990 = arith.constant 0 : index
    %get3A_1991 = vector.load %arg5[%get3A_1989, %get3A_1990] : memref<2736x1xf32, #tpu.memory_space<vmem>>, vector<8x1xf32>
    %add3A_1992 = vector.broadcast %get3A_8 : vector<1x4096xf32> to vector<8x4096xf32>
    %add3A_1993 = vector.broadcast %get3A_1991 : vector<8x1xf32> to vector<8x4096xf32>
    %add3A_1994 = arith.addf %add3A_1992, %add3A_1993 : vector<8x4096xf32>
    %slice3A_1995 = vector.extract_strided_slice %dot_general3A_5 {offsets = [1224, 0], sizes = [8, 4096], strides = [1, 1]} : vector<2736x4096xf32> to vector<8x4096xf32>
    %add3A_1996 = arith.addf %add3A_1994, %slice3A_1995 : vector<8x4096xf32>
    %lt3A_1997 = arith.cmpf olt, %add3A_1996, %select_n3A_1985 : vector<8x4096xf32>
    %select_n3A_1998 = arith.select %lt3A_1997, %add3A_1996, %select_n3A_1985 : vector<8x4096xi1>, vector<8x4096xf32>
    %jit3A_1999 = arith.constant 153 : i32
    %broadcast_in_dim3A_2000 = vector.broadcast %jit3A_1999 : i32 to vector<8x4096xi32>
    %select_n3A_2001 = arith.select %lt3A_1997, %broadcast_in_dim3A_2000, %select_n3A_1988 : vector<8x4096xi1>, vector<8x4096xi32>
    %get3A_2002 = arith.constant 1232 : index
    %get3A_2003 = arith.constant 0 : index
    %get3A_2004 = vector.load %arg5[%get3A_2002, %get3A_2003] : memref<2736x1xf32, #tpu.memory_space<vmem>>, vector<8x1xf32>
    %add3A_2005 = vector.broadcast %get3A_8 : vector<1x4096xf32> to vector<8x4096xf32>
    %add3A_2006 = vector.broadcast %get3A_2004 : vector<8x1xf32> to vector<8x4096xf32>
    %add3A_2007 = arith.addf %add3A_2005, %add3A_2006 : vector<8x4096xf32>
    %slice3A_2008 = vector.extract_strided_slice %dot_general3A_5 {offsets = [1232, 0], sizes = [8, 4096], strides = [1, 1]} : vector<2736x4096xf32> to vector<8x4096xf32>
    %add3A_2009 = arith.addf %add3A_2007, %slice3A_2008 : vector<8x4096xf32>
    %lt3A_2010 = arith.cmpf olt, %add3A_2009, %select_n3A_1998 : vector<8x4096xf32>
    %select_n3A_2011 = arith.select %lt3A_2010, %add3A_2009, %select_n3A_1998 : vector<8x4096xi1>, vector<8x4096xf32>
    %jit3A_2012 = arith.constant 154 : i32
    %broadcast_in_dim3A_2013 = vector.broadcast %jit3A_2012 : i32 to vector<8x4096xi32>
    %select_n3A_2014 = arith.select %lt3A_2010, %broadcast_in_dim3A_2013, %select_n3A_2001 : vector<8x4096xi1>, vector<8x4096xi32>
    %get3A_2015 = arith.constant 1240 : index
    %get3A_2016 = arith.constant 0 : index
    %get3A_2017 = vector.load %arg5[%get3A_2015, %get3A_2016] : memref<2736x1xf32, #tpu.memory_space<vmem>>, vector<8x1xf32>
    %add3A_2018 = vector.broadcast %get3A_8 : vector<1x4096xf32> to vector<8x4096xf32>
    %add3A_2019 = vector.broadcast %get3A_2017 : vector<8x1xf32> to vector<8x4096xf32>
    %add3A_2020 = arith.addf %add3A_2018, %add3A_2019 : vector<8x4096xf32>
    %slice3A_2021 = vector.extract_strided_slice %dot_general3A_5 {offsets = [1240, 0], sizes = [8, 4096], strides = [1, 1]} : vector<2736x4096xf32> to vector<8x4096xf32>
    %add3A_2022 = arith.addf %add3A_2020, %slice3A_2021 : vector<8x4096xf32>
    %lt3A_2023 = arith.cmpf olt, %add3A_2022, %select_n3A_2011 : vector<8x4096xf32>
    %select_n3A_2024 = arith.select %lt3A_2023, %add3A_2022, %select_n3A_2011 : vector<8x4096xi1>, vector<8x4096xf32>
    %jit3A_2025 = arith.constant 155 : i32
    %broadcast_in_dim3A_2026 = vector.broadcast %jit3A_2025 : i32 to vector<8x4096xi32>
    %select_n3A_2027 = arith.select %lt3A_2023, %broadcast_in_dim3A_2026, %select_n3A_2014 : vector<8x4096xi1>, vector<8x4096xi32>
    %get3A_2028 = arith.constant 1248 : index
    %get3A_2029 = arith.constant 0 : index
    %get3A_2030 = vector.load %arg5[%get3A_2028, %get3A_2029] : memref<2736x1xf32, #tpu.memory_space<vmem>>, vector<8x1xf32>
    %add3A_2031 = vector.broadcast %get3A_8 : vector<1x4096xf32> to vector<8x4096xf32>
    %add3A_2032 = vector.broadcast %get3A_2030 : vector<8x1xf32> to vector<8x4096xf32>
    %add3A_2033 = arith.addf %add3A_2031, %add3A_2032 : vector<8x4096xf32>
    %slice3A_2034 = vector.extract_strided_slice %dot_general3A_5 {offsets = [1248, 0], sizes = [8, 4096], strides = [1, 1]} : vector<2736x4096xf32> to vector<8x4096xf32>
    %add3A_2035 = arith.addf %add3A_2033, %slice3A_2034 : vector<8x4096xf32>
    %lt3A_2036 = arith.cmpf olt, %add3A_2035, %select_n3A_2024 : vector<8x4096xf32>
    %select_n3A_2037 = arith.select %lt3A_2036, %add3A_2035, %select_n3A_2024 : vector<8x4096xi1>, vector<8x4096xf32>
    %jit3A_2038 = arith.constant 156 : i32
    %broadcast_in_dim3A_2039 = vector.broadcast %jit3A_2038 : i32 to vector<8x4096xi32>
    %select_n3A_2040 = arith.select %lt3A_2036, %broadcast_in_dim3A_2039, %select_n3A_2027 : vector<8x4096xi1>, vector<8x4096xi32>
    %get3A_2041 = arith.constant 1256 : index
    %get3A_2042 = arith.constant 0 : index
    %get3A_2043 = vector.load %arg5[%get3A_2041, %get3A_2042] : memref<2736x1xf32, #tpu.memory_space<vmem>>, vector<8x1xf32>
    %add3A_2044 = vector.broadcast %get3A_8 : vector<1x4096xf32> to vector<8x4096xf32>
    %add3A_2045 = vector.broadcast %get3A_2043 : vector<8x1xf32> to vector<8x4096xf32>
    %add3A_2046 = arith.addf %add3A_2044, %add3A_2045 : vector<8x4096xf32>
    %slice3A_2047 = vector.extract_strided_slice %dot_general3A_5 {offsets = [1256, 0], sizes = [8, 4096], strides = [1, 1]} : vector<2736x4096xf32> to vector<8x4096xf32>
    %add3A_2048 = arith.addf %add3A_2046, %slice3A_2047 : vector<8x4096xf32>
    %lt3A_2049 = arith.cmpf olt, %add3A_2048, %select_n3A_2037 : vector<8x4096xf32>
    %select_n3A_2050 = arith.select %lt3A_2049, %add3A_2048, %select_n3A_2037 : vector<8x4096xi1>, vector<8x4096xf32>
    %jit3A_2051 = arith.constant 157 : i32
    %broadcast_in_dim3A_2052 = vector.broadcast %jit3A_2051 : i32 to vector<8x4096xi32>
    %select_n3A_2053 = arith.select %lt3A_2049, %broadcast_in_dim3A_2052, %select_n3A_2040 : vector<8x4096xi1>, vector<8x4096xi32>
    %get3A_2054 = arith.constant 1264 : index
    %get3A_2055 = arith.constant 0 : index
    %get3A_2056 = vector.load %arg5[%get3A_2054, %get3A_2055] : memref<2736x1xf32, #tpu.memory_space<vmem>>, vector<8x1xf32>
    %add3A_2057 = vector.broadcast %get3A_8 : vector<1x4096xf32> to vector<8x4096xf32>
    %add3A_2058 = vector.broadcast %get3A_2056 : vector<8x1xf32> to vector<8x4096xf32>
    %add3A_2059 = arith.addf %add3A_2057, %add3A_2058 : vector<8x4096xf32>
    %slice3A_2060 = vector.extract_strided_slice %dot_general3A_5 {offsets = [1264, 0], sizes = [8, 4096], strides = [1, 1]} : vector<2736x4096xf32> to vector<8x4096xf32>
    %add3A_2061 = arith.addf %add3A_2059, %slice3A_2060 : vector<8x4096xf32>
    %lt3A_2062 = arith.cmpf olt, %add3A_2061, %select_n3A_2050 : vector<8x4096xf32>
    %select_n3A_2063 = arith.select %lt3A_2062, %add3A_2061, %select_n3A_2050 : vector<8x4096xi1>, vector<8x4096xf32>
    %jit3A_2064 = arith.constant 158 : i32
    %broadcast_in_dim3A_2065 = vector.broadcast %jit3A_2064 : i32 to vector<8x4096xi32>
    %select_n3A_2066 = arith.select %lt3A_2062, %broadcast_in_dim3A_2065, %select_n3A_2053 : vector<8x4096xi1>, vector<8x4096xi32>
    %get3A_2067 = arith.constant 1272 : index
    %get3A_2068 = arith.constant 0 : index
    %get3A_2069 = vector.load %arg5[%get3A_2067, %get3A_2068] : memref<2736x1xf32, #tpu.memory_space<vmem>>, vector<8x1xf32>
    %add3A_2070 = vector.broadcast %get3A_8 : vector<1x4096xf32> to vector<8x4096xf32>
    %add3A_2071 = vector.broadcast %get3A_2069 : vector<8x1xf32> to vector<8x4096xf32>
    %add3A_2072 = arith.addf %add3A_2070, %add3A_2071 : vector<8x4096xf32>
    %slice3A_2073 = vector.extract_strided_slice %dot_general3A_5 {offsets = [1272, 0], sizes = [8, 4096], strides = [1, 1]} : vector<2736x4096xf32> to vector<8x4096xf32>
    %add3A_2074 = arith.addf %add3A_2072, %slice3A_2073 : vector<8x4096xf32>
    %lt3A_2075 = arith.cmpf olt, %add3A_2074, %select_n3A_2063 : vector<8x4096xf32>
    %select_n3A_2076 = arith.select %lt3A_2075, %add3A_2074, %select_n3A_2063 : vector<8x4096xi1>, vector<8x4096xf32>
    %jit3A_2077 = arith.constant 159 : i32
    %broadcast_in_dim3A_2078 = vector.broadcast %jit3A_2077 : i32 to vector<8x4096xi32>
    %select_n3A_2079 = arith.select %lt3A_2075, %broadcast_in_dim3A_2078, %select_n3A_2066 : vector<8x4096xi1>, vector<8x4096xi32>
    %get3A_2080 = arith.constant 1280 : index
    %get3A_2081 = arith.constant 0 : index
    %get3A_2082 = vector.load %arg5[%get3A_2080, %get3A_2081] : memref<2736x1xf32, #tpu.memory_space<vmem>>, vector<8x1xf32>
    %add3A_2083 = vector.broadcast %get3A_8 : vector<1x4096xf32> to vector<8x4096xf32>
    %add3A_2084 = vector.broadcast %get3A_2082 : vector<8x1xf32> to vector<8x4096xf32>
    %add3A_2085 = arith.addf %add3A_2083, %add3A_2084 : vector<8x4096xf32>
    %slice3A_2086 = vector.extract_strided_slice %dot_general3A_5 {offsets = [1280, 0], sizes = [8, 4096], strides = [1, 1]} : vector<2736x4096xf32> to vector<8x4096xf32>
    %add3A_2087 = arith.addf %add3A_2085, %slice3A_2086 : vector<8x4096xf32>
    %lt3A_2088 = arith.cmpf olt, %add3A_2087, %select_n3A_2076 : vector<8x4096xf32>
    %select_n3A_2089 = arith.select %lt3A_2088, %add3A_2087, %select_n3A_2076 : vector<8x4096xi1>, vector<8x4096xf32>
    %jit3A_2090 = arith.constant 160 : i32
    %broadcast_in_dim3A_2091 = vector.broadcast %jit3A_2090 : i32 to vector<8x4096xi32>
    %select_n3A_2092 = arith.select %lt3A_2088, %broadcast_in_dim3A_2091, %select_n3A_2079 : vector<8x4096xi1>, vector<8x4096xi32>
    %get3A_2093 = arith.constant 1288 : index
    %get3A_2094 = arith.constant 0 : index
    %get3A_2095 = vector.load %arg5[%get3A_2093, %get3A_2094] : memref<2736x1xf32, #tpu.memory_space<vmem>>, vector<8x1xf32>
    %add3A_2096 = vector.broadcast %get3A_8 : vector<1x4096xf32> to vector<8x4096xf32>
    %add3A_2097 = vector.broadcast %get3A_2095 : vector<8x1xf32> to vector<8x4096xf32>
    %add3A_2098 = arith.addf %add3A_2096, %add3A_2097 : vector<8x4096xf32>
    %slice3A_2099 = vector.extract_strided_slice %dot_general3A_5 {offsets = [1288, 0], sizes = [8, 4096], strides = [1, 1]} : vector<2736x4096xf32> to vector<8x4096xf32>
    %add3A_2100 = arith.addf %add3A_2098, %slice3A_2099 : vector<8x4096xf32>
    %lt3A_2101 = arith.cmpf olt, %add3A_2100, %select_n3A_2089 : vector<8x4096xf32>
    %select_n3A_2102 = arith.select %lt3A_2101, %add3A_2100, %select_n3A_2089 : vector<8x4096xi1>, vector<8x4096xf32>
    %jit3A_2103 = arith.constant 161 : i32
    %broadcast_in_dim3A_2104 = vector.broadcast %jit3A_2103 : i32 to vector<8x4096xi32>
    %select_n3A_2105 = arith.select %lt3A_2101, %broadcast_in_dim3A_2104, %select_n3A_2092 : vector<8x4096xi1>, vector<8x4096xi32>
    %get3A_2106 = arith.constant 1296 : index
    %get3A_2107 = arith.constant 0 : index
    %get3A_2108 = vector.load %arg5[%get3A_2106, %get3A_2107] : memref<2736x1xf32, #tpu.memory_space<vmem>>, vector<8x1xf32>
    %add3A_2109 = vector.broadcast %get3A_8 : vector<1x4096xf32> to vector<8x4096xf32>
    %add3A_2110 = vector.broadcast %get3A_2108 : vector<8x1xf32> to vector<8x4096xf32>
    %add3A_2111 = arith.addf %add3A_2109, %add3A_2110 : vector<8x4096xf32>
    %slice3A_2112 = vector.extract_strided_slice %dot_general3A_5 {offsets = [1296, 0], sizes = [8, 4096], strides = [1, 1]} : vector<2736x4096xf32> to vector<8x4096xf32>
    %add3A_2113 = arith.addf %add3A_2111, %slice3A_2112 : vector<8x4096xf32>
    %lt3A_2114 = arith.cmpf olt, %add3A_2113, %select_n3A_2102 : vector<8x4096xf32>
    %select_n3A_2115 = arith.select %lt3A_2114, %add3A_2113, %select_n3A_2102 : vector<8x4096xi1>, vector<8x4096xf32>
    %jit3A_2116 = arith.constant 162 : i32
    %broadcast_in_dim3A_2117 = vector.broadcast %jit3A_2116 : i32 to vector<8x4096xi32>
    %select_n3A_2118 = arith.select %lt3A_2114, %broadcast_in_dim3A_2117, %select_n3A_2105 : vector<8x4096xi1>, vector<8x4096xi32>
    %get3A_2119 = arith.constant 1304 : index
    %get3A_2120 = arith.constant 0 : index
    %get3A_2121 = vector.load %arg5[%get3A_2119, %get3A_2120] : memref<2736x1xf32, #tpu.memory_space<vmem>>, vector<8x1xf32>
    %add3A_2122 = vector.broadcast %get3A_8 : vector<1x4096xf32> to vector<8x4096xf32>
    %add3A_2123 = vector.broadcast %get3A_2121 : vector<8x1xf32> to vector<8x4096xf32>
    %add3A_2124 = arith.addf %add3A_2122, %add3A_2123 : vector<8x4096xf32>
    %slice3A_2125 = vector.extract_strided_slice %dot_general3A_5 {offsets = [1304, 0], sizes = [8, 4096], strides = [1, 1]} : vector<2736x4096xf32> to vector<8x4096xf32>
    %add3A_2126 = arith.addf %add3A_2124, %slice3A_2125 : vector<8x4096xf32>
    %lt3A_2127 = arith.cmpf olt, %add3A_2126, %select_n3A_2115 : vector<8x4096xf32>
    %select_n3A_2128 = arith.select %lt3A_2127, %add3A_2126, %select_n3A_2115 : vector<8x4096xi1>, vector<8x4096xf32>
    %jit3A_2129 = arith.constant 163 : i32
    %broadcast_in_dim3A_2130 = vector.broadcast %jit3A_2129 : i32 to vector<8x4096xi32>
    %select_n3A_2131 = arith.select %lt3A_2127, %broadcast_in_dim3A_2130, %select_n3A_2118 : vector<8x4096xi1>, vector<8x4096xi32>
    %get3A_2132 = arith.constant 1312 : index
    %get3A_2133 = arith.constant 0 : index
    %get3A_2134 = vector.load %arg5[%get3A_2132, %get3A_2133] : memref<2736x1xf32, #tpu.memory_space<vmem>>, vector<8x1xf32>
    %add3A_2135 = vector.broadcast %get3A_8 : vector<1x4096xf32> to vector<8x4096xf32>
    %add3A_2136 = vector.broadcast %get3A_2134 : vector<8x1xf32> to vector<8x4096xf32>
    %add3A_2137 = arith.addf %add3A_2135, %add3A_2136 : vector<8x4096xf32>
    %slice3A_2138 = vector.extract_strided_slice %dot_general3A_5 {offsets = [1312, 0], sizes = [8, 4096], strides = [1, 1]} : vector<2736x4096xf32> to vector<8x4096xf32>
    %add3A_2139 = arith.addf %add3A_2137, %slice3A_2138 : vector<8x4096xf32>
    %lt3A_2140 = arith.cmpf olt, %add3A_2139, %select_n3A_2128 : vector<8x4096xf32>
    %select_n3A_2141 = arith.select %lt3A_2140, %add3A_2139, %select_n3A_2128 : vector<8x4096xi1>, vector<8x4096xf32>
    %jit3A_2142 = arith.constant 164 : i32
    %broadcast_in_dim3A_2143 = vector.broadcast %jit3A_2142 : i32 to vector<8x4096xi32>
    %select_n3A_2144 = arith.select %lt3A_2140, %broadcast_in_dim3A_2143, %select_n3A_2131 : vector<8x4096xi1>, vector<8x4096xi32>
    %get3A_2145 = arith.constant 1320 : index
    %get3A_2146 = arith.constant 0 : index
    %get3A_2147 = vector.load %arg5[%get3A_2145, %get3A_2146] : memref<2736x1xf32, #tpu.memory_space<vmem>>, vector<8x1xf32>
    %add3A_2148 = vector.broadcast %get3A_8 : vector<1x4096xf32> to vector<8x4096xf32>
    %add3A_2149 = vector.broadcast %get3A_2147 : vector<8x1xf32> to vector<8x4096xf32>
    %add3A_2150 = arith.addf %add3A_2148, %add3A_2149 : vector<8x4096xf32>
    %slice3A_2151 = vector.extract_strided_slice %dot_general3A_5 {offsets = [1320, 0], sizes = [8, 4096], strides = [1, 1]} : vector<2736x4096xf32> to vector<8x4096xf32>
    %add3A_2152 = arith.addf %add3A_2150, %slice3A_2151 : vector<8x4096xf32>
    %lt3A_2153 = arith.cmpf olt, %add3A_2152, %select_n3A_2141 : vector<8x4096xf32>
    %select_n3A_2154 = arith.select %lt3A_2153, %add3A_2152, %select_n3A_2141 : vector<8x4096xi1>, vector<8x4096xf32>
    %jit3A_2155 = arith.constant 165 : i32
    %broadcast_in_dim3A_2156 = vector.broadcast %jit3A_2155 : i32 to vector<8x4096xi32>
    %select_n3A_2157 = arith.select %lt3A_2153, %broadcast_in_dim3A_2156, %select_n3A_2144 : vector<8x4096xi1>, vector<8x4096xi32>
    %get3A_2158 = arith.constant 1328 : index
    %get3A_2159 = arith.constant 0 : index
    %get3A_2160 = vector.load %arg5[%get3A_2158, %get3A_2159] : memref<2736x1xf32, #tpu.memory_space<vmem>>, vector<8x1xf32>
    %add3A_2161 = vector.broadcast %get3A_8 : vector<1x4096xf32> to vector<8x4096xf32>
    %add3A_2162 = vector.broadcast %get3A_2160 : vector<8x1xf32> to vector<8x4096xf32>
    %add3A_2163 = arith.addf %add3A_2161, %add3A_2162 : vector<8x4096xf32>
    %slice3A_2164 = vector.extract_strided_slice %dot_general3A_5 {offsets = [1328, 0], sizes = [8, 4096], strides = [1, 1]} : vector<2736x4096xf32> to vector<8x4096xf32>
    %add3A_2165 = arith.addf %add3A_2163, %slice3A_2164 : vector<8x4096xf32>
    %lt3A_2166 = arith.cmpf olt, %add3A_2165, %select_n3A_2154 : vector<8x4096xf32>
    %select_n3A_2167 = arith.select %lt3A_2166, %add3A_2165, %select_n3A_2154 : vector<8x4096xi1>, vector<8x4096xf32>
    %jit3A_2168 = arith.constant 166 : i32
    %broadcast_in_dim3A_2169 = vector.broadcast %jit3A_2168 : i32 to vector<8x4096xi32>
    %select_n3A_2170 = arith.select %lt3A_2166, %broadcast_in_dim3A_2169, %select_n3A_2157 : vector<8x4096xi1>, vector<8x4096xi32>
    %get3A_2171 = arith.constant 1336 : index
    %get3A_2172 = arith.constant 0 : index
    %get3A_2173 = vector.load %arg5[%get3A_2171, %get3A_2172] : memref<2736x1xf32, #tpu.memory_space<vmem>>, vector<8x1xf32>
    %add3A_2174 = vector.broadcast %get3A_8 : vector<1x4096xf32> to vector<8x4096xf32>
    %add3A_2175 = vector.broadcast %get3A_2173 : vector<8x1xf32> to vector<8x4096xf32>
    %add3A_2176 = arith.addf %add3A_2174, %add3A_2175 : vector<8x4096xf32>
    %slice3A_2177 = vector.extract_strided_slice %dot_general3A_5 {offsets = [1336, 0], sizes = [8, 4096], strides = [1, 1]} : vector<2736x4096xf32> to vector<8x4096xf32>
    %add3A_2178 = arith.addf %add3A_2176, %slice3A_2177 : vector<8x4096xf32>
    %lt3A_2179 = arith.cmpf olt, %add3A_2178, %select_n3A_2167 : vector<8x4096xf32>
    %select_n3A_2180 = arith.select %lt3A_2179, %add3A_2178, %select_n3A_2167 : vector<8x4096xi1>, vector<8x4096xf32>
    %jit3A_2181 = arith.constant 167 : i32
    %broadcast_in_dim3A_2182 = vector.broadcast %jit3A_2181 : i32 to vector<8x4096xi32>
    %select_n3A_2183 = arith.select %lt3A_2179, %broadcast_in_dim3A_2182, %select_n3A_2170 : vector<8x4096xi1>, vector<8x4096xi32>
    %get3A_2184 = arith.constant 1344 : index
    %get3A_2185 = arith.constant 0 : index
    %get3A_2186 = vector.load %arg5[%get3A_2184, %get3A_2185] : memref<2736x1xf32, #tpu.memory_space<vmem>>, vector<8x1xf32>
    %add3A_2187 = vector.broadcast %get3A_8 : vector<1x4096xf32> to vector<8x4096xf32>
    %add3A_2188 = vector.broadcast %get3A_2186 : vector<8x1xf32> to vector<8x4096xf32>
    %add3A_2189 = arith.addf %add3A_2187, %add3A_2188 : vector<8x4096xf32>
    %slice3A_2190 = vector.extract_strided_slice %dot_general3A_5 {offsets = [1344, 0], sizes = [8, 4096], strides = [1, 1]} : vector<2736x4096xf32> to vector<8x4096xf32>
    %add3A_2191 = arith.addf %add3A_2189, %slice3A_2190 : vector<8x4096xf32>
    %lt3A_2192 = arith.cmpf olt, %add3A_2191, %select_n3A_2180 : vector<8x4096xf32>
    %select_n3A_2193 = arith.select %lt3A_2192, %add3A_2191, %select_n3A_2180 : vector<8x4096xi1>, vector<8x4096xf32>
    %jit3A_2194 = arith.constant 168 : i32
    %broadcast_in_dim3A_2195 = vector.broadcast %jit3A_2194 : i32 to vector<8x4096xi32>
    %select_n3A_2196 = arith.select %lt3A_2192, %broadcast_in_dim3A_2195, %select_n3A_2183 : vector<8x4096xi1>, vector<8x4096xi32>
    %get3A_2197 = arith.constant 1352 : index
    %get3A_2198 = arith.constant 0 : index
    %get3A_2199 = vector.load %arg5[%get3A_2197, %get3A_2198] : memref<2736x1xf32, #tpu.memory_space<vmem>>, vector<8x1xf32>
    %add3A_2200 = vector.broadcast %get3A_8 : vector<1x4096xf32> to vector<8x4096xf32>
    %add3A_2201 = vector.broadcast %get3A_2199 : vector<8x1xf32> to vector<8x4096xf32>
    %add3A_2202 = arith.addf %add3A_2200, %add3A_2201 : vector<8x4096xf32>
    %slice3A_2203 = vector.extract_strided_slice %dot_general3A_5 {offsets = [1352, 0], sizes = [8, 4096], strides = [1, 1]} : vector<2736x4096xf32> to vector<8x4096xf32>
    %add3A_2204 = arith.addf %add3A_2202, %slice3A_2203 : vector<8x4096xf32>
    %lt3A_2205 = arith.cmpf olt, %add3A_2204, %select_n3A_2193 : vector<8x4096xf32>
    %select_n3A_2206 = arith.select %lt3A_2205, %add3A_2204, %select_n3A_2193 : vector<8x4096xi1>, vector<8x4096xf32>
    %jit3A_2207 = arith.constant 169 : i32
    %broadcast_in_dim3A_2208 = vector.broadcast %jit3A_2207 : i32 to vector<8x4096xi32>
    %select_n3A_2209 = arith.select %lt3A_2205, %broadcast_in_dim3A_2208, %select_n3A_2196 : vector<8x4096xi1>, vector<8x4096xi32>
    %get3A_2210 = arith.constant 1360 : index
    %get3A_2211 = arith.constant 0 : index
    %get3A_2212 = vector.load %arg5[%get3A_2210, %get3A_2211] : memref<2736x1xf32, #tpu.memory_space<vmem>>, vector<8x1xf32>
    %add3A_2213 = vector.broadcast %get3A_8 : vector<1x4096xf32> to vector<8x4096xf32>
    %add3A_2214 = vector.broadcast %get3A_2212 : vector<8x1xf32> to vector<8x4096xf32>
    %add3A_2215 = arith.addf %add3A_2213, %add3A_2214 : vector<8x4096xf32>
    %slice3A_2216 = vector.extract_strided_slice %dot_general3A_5 {offsets = [1360, 0], sizes = [8, 4096], strides = [1, 1]} : vector<2736x4096xf32> to vector<8x4096xf32>
    %add3A_2217 = arith.addf %add3A_2215, %slice3A_2216 : vector<8x4096xf32>
    %lt3A_2218 = arith.cmpf olt, %add3A_2217, %select_n3A_2206 : vector<8x4096xf32>
    %select_n3A_2219 = arith.select %lt3A_2218, %add3A_2217, %select_n3A_2206 : vector<8x4096xi1>, vector<8x4096xf32>
    %jit3A_2220 = arith.constant 170 : i32
    %broadcast_in_dim3A_2221 = vector.broadcast %jit3A_2220 : i32 to vector<8x4096xi32>
    %select_n3A_2222 = arith.select %lt3A_2218, %broadcast_in_dim3A_2221, %select_n3A_2209 : vector<8x4096xi1>, vector<8x4096xi32>
    %get3A_2223 = arith.constant 1368 : index
    %get3A_2224 = arith.constant 0 : index
    %get3A_2225 = vector.load %arg5[%get3A_2223, %get3A_2224] : memref<2736x1xf32, #tpu.memory_space<vmem>>, vector<8x1xf32>
    %add3A_2226 = vector.broadcast %get3A_8 : vector<1x4096xf32> to vector<8x4096xf32>
    %add3A_2227 = vector.broadcast %get3A_2225 : vector<8x1xf32> to vector<8x4096xf32>
    %add3A_2228 = arith.addf %add3A_2226, %add3A_2227 : vector<8x4096xf32>
    %slice3A_2229 = vector.extract_strided_slice %dot_general3A_5 {offsets = [1368, 0], sizes = [8, 4096], strides = [1, 1]} : vector<2736x4096xf32> to vector<8x4096xf32>
    %add3A_2230 = arith.addf %add3A_2228, %slice3A_2229 : vector<8x4096xf32>
    %lt3A_2231 = arith.cmpf olt, %add3A_2230, %select_n3A_2219 : vector<8x4096xf32>
    %select_n3A_2232 = arith.select %lt3A_2231, %add3A_2230, %select_n3A_2219 : vector<8x4096xi1>, vector<8x4096xf32>
    %jit3A_2233 = arith.constant 171 : i32
    %broadcast_in_dim3A_2234 = vector.broadcast %jit3A_2233 : i32 to vector<8x4096xi32>
    %select_n3A_2235 = arith.select %lt3A_2231, %broadcast_in_dim3A_2234, %select_n3A_2222 : vector<8x4096xi1>, vector<8x4096xi32>
    %get3A_2236 = arith.constant 1376 : index
    %get3A_2237 = arith.constant 0 : index
    %get3A_2238 = vector.load %arg5[%get3A_2236, %get3A_2237] : memref<2736x1xf32, #tpu.memory_space<vmem>>, vector<8x1xf32>
    %add3A_2239 = vector.broadcast %get3A_8 : vector<1x4096xf32> to vector<8x4096xf32>
    %add3A_2240 = vector.broadcast %get3A_2238 : vector<8x1xf32> to vector<8x4096xf32>
    %add3A_2241 = arith.addf %add3A_2239, %add3A_2240 : vector<8x4096xf32>
    %slice3A_2242 = vector.extract_strided_slice %dot_general3A_5 {offsets = [1376, 0], sizes = [8, 4096], strides = [1, 1]} : vector<2736x4096xf32> to vector<8x4096xf32>
    %add3A_2243 = arith.addf %add3A_2241, %slice3A_2242 : vector<8x4096xf32>
    %lt3A_2244 = arith.cmpf olt, %add3A_2243, %select_n3A_2232 : vector<8x4096xf32>
    %select_n3A_2245 = arith.select %lt3A_2244, %add3A_2243, %select_n3A_2232 : vector<8x4096xi1>, vector<8x4096xf32>
    %jit3A_2246 = arith.constant 172 : i32
    %broadcast_in_dim3A_2247 = vector.broadcast %jit3A_2246 : i32 to vector<8x4096xi32>
    %select_n3A_2248 = arith.select %lt3A_2244, %broadcast_in_dim3A_2247, %select_n3A_2235 : vector<8x4096xi1>, vector<8x4096xi32>
    %get3A_2249 = arith.constant 1384 : index
    %get3A_2250 = arith.constant 0 : index
    %get3A_2251 = vector.load %arg5[%get3A_2249, %get3A_2250] : memref<2736x1xf32, #tpu.memory_space<vmem>>, vector<8x1xf32>
    %add3A_2252 = vector.broadcast %get3A_8 : vector<1x4096xf32> to vector<8x4096xf32>
    %add3A_2253 = vector.broadcast %get3A_2251 : vector<8x1xf32> to vector<8x4096xf32>
    %add3A_2254 = arith.addf %add3A_2252, %add3A_2253 : vector<8x4096xf32>
    %slice3A_2255 = vector.extract_strided_slice %dot_general3A_5 {offsets = [1384, 0], sizes = [8, 4096], strides = [1, 1]} : vector<2736x4096xf32> to vector<8x4096xf32>
    %add3A_2256 = arith.addf %add3A_2254, %slice3A_2255 : vector<8x4096xf32>
    %lt3A_2257 = arith.cmpf olt, %add3A_2256, %select_n3A_2245 : vector<8x4096xf32>
    %select_n3A_2258 = arith.select %lt3A_2257, %add3A_2256, %select_n3A_2245 : vector<8x4096xi1>, vector<8x4096xf32>
    %jit3A_2259 = arith.constant 173 : i32
    %broadcast_in_dim3A_2260 = vector.broadcast %jit3A_2259 : i32 to vector<8x4096xi32>
    %select_n3A_2261 = arith.select %lt3A_2257, %broadcast_in_dim3A_2260, %select_n3A_2248 : vector<8x4096xi1>, vector<8x4096xi32>
    %get3A_2262 = arith.constant 1392 : index
    %get3A_2263 = arith.constant 0 : index
    %get3A_2264 = vector.load %arg5[%get3A_2262, %get3A_2263] : memref<2736x1xf32, #tpu.memory_space<vmem>>, vector<8x1xf32>
    %add3A_2265 = vector.broadcast %get3A_8 : vector<1x4096xf32> to vector<8x4096xf32>
    %add3A_2266 = vector.broadcast %get3A_2264 : vector<8x1xf32> to vector<8x4096xf32>
    %add3A_2267 = arith.addf %add3A_2265, %add3A_2266 : vector<8x4096xf32>
    %slice3A_2268 = vector.extract_strided_slice %dot_general3A_5 {offsets = [1392, 0], sizes = [8, 4096], strides = [1, 1]} : vector<2736x4096xf32> to vector<8x4096xf32>
    %add3A_2269 = arith.addf %add3A_2267, %slice3A_2268 : vector<8x4096xf32>
    %lt3A_2270 = arith.cmpf olt, %add3A_2269, %select_n3A_2258 : vector<8x4096xf32>
    %select_n3A_2271 = arith.select %lt3A_2270, %add3A_2269, %select_n3A_2258 : vector<8x4096xi1>, vector<8x4096xf32>
    %jit3A_2272 = arith.constant 174 : i32
    %broadcast_in_dim3A_2273 = vector.broadcast %jit3A_2272 : i32 to vector<8x4096xi32>
    %select_n3A_2274 = arith.select %lt3A_2270, %broadcast_in_dim3A_2273, %select_n3A_2261 : vector<8x4096xi1>, vector<8x4096xi32>
    %get3A_2275 = arith.constant 1400 : index
    %get3A_2276 = arith.constant 0 : index
    %get3A_2277 = vector.load %arg5[%get3A_2275, %get3A_2276] : memref<2736x1xf32, #tpu.memory_space<vmem>>, vector<8x1xf32>
    %add3A_2278 = vector.broadcast %get3A_8 : vector<1x4096xf32> to vector<8x4096xf32>
    %add3A_2279 = vector.broadcast %get3A_2277 : vector<8x1xf32> to vector<8x4096xf32>
    %add3A_2280 = arith.addf %add3A_2278, %add3A_2279 : vector<8x4096xf32>
    %slice3A_2281 = vector.extract_strided_slice %dot_general3A_5 {offsets = [1400, 0], sizes = [8, 4096], strides = [1, 1]} : vector<2736x4096xf32> to vector<8x4096xf32>
    %add3A_2282 = arith.addf %add3A_2280, %slice3A_2281 : vector<8x4096xf32>
    %lt3A_2283 = arith.cmpf olt, %add3A_2282, %select_n3A_2271 : vector<8x4096xf32>
    %select_n3A_2284 = arith.select %lt3A_2283, %add3A_2282, %select_n3A_2271 : vector<8x4096xi1>, vector<8x4096xf32>
    %jit3A_2285 = arith.constant 175 : i32
    %broadcast_in_dim3A_2286 = vector.broadcast %jit3A_2285 : i32 to vector<8x4096xi32>
    %select_n3A_2287 = arith.select %lt3A_2283, %broadcast_in_dim3A_2286, %select_n3A_2274 : vector<8x4096xi1>, vector<8x4096xi32>
    %get3A_2288 = arith.constant 1408 : index
    %get3A_2289 = arith.constant 0 : index
    %get3A_2290 = vector.load %arg5[%get3A_2288, %get3A_2289] : memref<2736x1xf32, #tpu.memory_space<vmem>>, vector<8x1xf32>
    %add3A_2291 = vector.broadcast %get3A_8 : vector<1x4096xf32> to vector<8x4096xf32>
    %add3A_2292 = vector.broadcast %get3A_2290 : vector<8x1xf32> to vector<8x4096xf32>
    %add3A_2293 = arith.addf %add3A_2291, %add3A_2292 : vector<8x4096xf32>
    %slice3A_2294 = vector.extract_strided_slice %dot_general3A_5 {offsets = [1408, 0], sizes = [8, 4096], strides = [1, 1]} : vector<2736x4096xf32> to vector<8x4096xf32>
    %add3A_2295 = arith.addf %add3A_2293, %slice3A_2294 : vector<8x4096xf32>
    %lt3A_2296 = arith.cmpf olt, %add3A_2295, %select_n3A_2284 : vector<8x4096xf32>
    %select_n3A_2297 = arith.select %lt3A_2296, %add3A_2295, %select_n3A_2284 : vector<8x4096xi1>, vector<8x4096xf32>
    %jit3A_2298 = arith.constant 176 : i32
    %broadcast_in_dim3A_2299 = vector.broadcast %jit3A_2298 : i32 to vector<8x4096xi32>
    %select_n3A_2300 = arith.select %lt3A_2296, %broadcast_in_dim3A_2299, %select_n3A_2287 : vector<8x4096xi1>, vector<8x4096xi32>
    %get3A_2301 = arith.constant 1416 : index
    %get3A_2302 = arith.constant 0 : index
    %get3A_2303 = vector.load %arg5[%get3A_2301, %get3A_2302] : memref<2736x1xf32, #tpu.memory_space<vmem>>, vector<8x1xf32>
    %add3A_2304 = vector.broadcast %get3A_8 : vector<1x4096xf32> to vector<8x4096xf32>
    %add3A_2305 = vector.broadcast %get3A_2303 : vector<8x1xf32> to vector<8x4096xf32>
    %add3A_2306 = arith.addf %add3A_2304, %add3A_2305 : vector<8x4096xf32>
    %slice3A_2307 = vector.extract_strided_slice %dot_general3A_5 {offsets = [1416, 0], sizes = [8, 4096], strides = [1, 1]} : vector<2736x4096xf32> to vector<8x4096xf32>
    %add3A_2308 = arith.addf %add3A_2306, %slice3A_2307 : vector<8x4096xf32>
    %lt3A_2309 = arith.cmpf olt, %add3A_2308, %select_n3A_2297 : vector<8x4096xf32>
    %select_n3A_2310 = arith.select %lt3A_2309, %add3A_2308, %select_n3A_2297 : vector<8x4096xi1>, vector<8x4096xf32>
    %jit3A_2311 = arith.constant 177 : i32
    %broadcast_in_dim3A_2312 = vector.broadcast %jit3A_2311 : i32 to vector<8x4096xi32>
    %select_n3A_2313 = arith.select %lt3A_2309, %broadcast_in_dim3A_2312, %select_n3A_2300 : vector<8x4096xi1>, vector<8x4096xi32>
    %get3A_2314 = arith.constant 1424 : index
    %get3A_2315 = arith.constant 0 : index
    %get3A_2316 = vector.load %arg5[%get3A_2314, %get3A_2315] : memref<2736x1xf32, #tpu.memory_space<vmem>>, vector<8x1xf32>
    %add3A_2317 = vector.broadcast %get3A_8 : vector<1x4096xf32> to vector<8x4096xf32>
    %add3A_2318 = vector.broadcast %get3A_2316 : vector<8x1xf32> to vector<8x4096xf32>
    %add3A_2319 = arith.addf %add3A_2317, %add3A_2318 : vector<8x4096xf32>
    %slice3A_2320 = vector.extract_strided_slice %dot_general3A_5 {offsets = [1424, 0], sizes = [8, 4096], strides = [1, 1]} : vector<2736x4096xf32> to vector<8x4096xf32>
    %add3A_2321 = arith.addf %add3A_2319, %slice3A_2320 : vector<8x4096xf32>
    %lt3A_2322 = arith.cmpf olt, %add3A_2321, %select_n3A_2310 : vector<8x4096xf32>
    %select_n3A_2323 = arith.select %lt3A_2322, %add3A_2321, %select_n3A_2310 : vector<8x4096xi1>, vector<8x4096xf32>
    %jit3A_2324 = arith.constant 178 : i32
    %broadcast_in_dim3A_2325 = vector.broadcast %jit3A_2324 : i32 to vector<8x4096xi32>
    %select_n3A_2326 = arith.select %lt3A_2322, %broadcast_in_dim3A_2325, %select_n3A_2313 : vector<8x4096xi1>, vector<8x4096xi32>
    %get3A_2327 = arith.constant 1432 : index
    %get3A_2328 = arith.constant 0 : index
    %get3A_2329 = vector.load %arg5[%get3A_2327, %get3A_2328] : memref<2736x1xf32, #tpu.memory_space<vmem>>, vector<8x1xf32>
    %add3A_2330 = vector.broadcast %get3A_8 : vector<1x4096xf32> to vector<8x4096xf32>
    %add3A_2331 = vector.broadcast %get3A_2329 : vector<8x1xf32> to vector<8x4096xf32>
    %add3A_2332 = arith.addf %add3A_2330, %add3A_2331 : vector<8x4096xf32>
    %slice3A_2333 = vector.extract_strided_slice %dot_general3A_5 {offsets = [1432, 0], sizes = [8, 4096], strides = [1, 1]} : vector<2736x4096xf32> to vector<8x4096xf32>
    %add3A_2334 = arith.addf %add3A_2332, %slice3A_2333 : vector<8x4096xf32>
    %lt3A_2335 = arith.cmpf olt, %add3A_2334, %select_n3A_2323 : vector<8x4096xf32>
    %select_n3A_2336 = arith.select %lt3A_2335, %add3A_2334, %select_n3A_2323 : vector<8x4096xi1>, vector<8x4096xf32>
    %jit3A_2337 = arith.constant 179 : i32
    %broadcast_in_dim3A_2338 = vector.broadcast %jit3A_2337 : i32 to vector<8x4096xi32>
    %select_n3A_2339 = arith.select %lt3A_2335, %broadcast_in_dim3A_2338, %select_n3A_2326 : vector<8x4096xi1>, vector<8x4096xi32>
    %get3A_2340 = arith.constant 1440 : index
    %get3A_2341 = arith.constant 0 : index
    %get3A_2342 = vector.load %arg5[%get3A_2340, %get3A_2341] : memref<2736x1xf32, #tpu.memory_space<vmem>>, vector<8x1xf32>
    %add3A_2343 = vector.broadcast %get3A_8 : vector<1x4096xf32> to vector<8x4096xf32>
    %add3A_2344 = vector.broadcast %get3A_2342 : vector<8x1xf32> to vector<8x4096xf32>
    %add3A_2345 = arith.addf %add3A_2343, %add3A_2344 : vector<8x4096xf32>
    %slice3A_2346 = vector.extract_strided_slice %dot_general3A_5 {offsets = [1440, 0], sizes = [8, 4096], strides = [1, 1]} : vector<2736x4096xf32> to vector<8x4096xf32>
    %add3A_2347 = arith.addf %add3A_2345, %slice3A_2346 : vector<8x4096xf32>
    %lt3A_2348 = arith.cmpf olt, %add3A_2347, %select_n3A_2336 : vector<8x4096xf32>
    %select_n3A_2349 = arith.select %lt3A_2348, %add3A_2347, %select_n3A_2336 : vector<8x4096xi1>, vector<8x4096xf32>
    %jit3A_2350 = arith.constant 180 : i32
    %broadcast_in_dim3A_2351 = vector.broadcast %jit3A_2350 : i32 to vector<8x4096xi32>
    %select_n3A_2352 = arith.select %lt3A_2348, %broadcast_in_dim3A_2351, %select_n3A_2339 : vector<8x4096xi1>, vector<8x4096xi32>
    %get3A_2353 = arith.constant 1448 : index
    %get3A_2354 = arith.constant 0 : index
    %get3A_2355 = vector.load %arg5[%get3A_2353, %get3A_2354] : memref<2736x1xf32, #tpu.memory_space<vmem>>, vector<8x1xf32>
    %add3A_2356 = vector.broadcast %get3A_8 : vector<1x4096xf32> to vector<8x4096xf32>
    %add3A_2357 = vector.broadcast %get3A_2355 : vector<8x1xf32> to vector<8x4096xf32>
    %add3A_2358 = arith.addf %add3A_2356, %add3A_2357 : vector<8x4096xf32>
    %slice3A_2359 = vector.extract_strided_slice %dot_general3A_5 {offsets = [1448, 0], sizes = [8, 4096], strides = [1, 1]} : vector<2736x4096xf32> to vector<8x4096xf32>
    %add3A_2360 = arith.addf %add3A_2358, %slice3A_2359 : vector<8x4096xf32>
    %lt3A_2361 = arith.cmpf olt, %add3A_2360, %select_n3A_2349 : vector<8x4096xf32>
    %select_n3A_2362 = arith.select %lt3A_2361, %add3A_2360, %select_n3A_2349 : vector<8x4096xi1>, vector<8x4096xf32>
    %jit3A_2363 = arith.constant 181 : i32
    %broadcast_in_dim3A_2364 = vector.broadcast %jit3A_2363 : i32 to vector<8x4096xi32>
    %select_n3A_2365 = arith.select %lt3A_2361, %broadcast_in_dim3A_2364, %select_n3A_2352 : vector<8x4096xi1>, vector<8x4096xi32>
    %get3A_2366 = arith.constant 1456 : index
    %get3A_2367 = arith.constant 0 : index
    %get3A_2368 = vector.load %arg5[%get3A_2366, %get3A_2367] : memref<2736x1xf32, #tpu.memory_space<vmem>>, vector<8x1xf32>
    %add3A_2369 = vector.broadcast %get3A_8 : vector<1x4096xf32> to vector<8x4096xf32>
    %add3A_2370 = vector.broadcast %get3A_2368 : vector<8x1xf32> to vector<8x4096xf32>
    %add3A_2371 = arith.addf %add3A_2369, %add3A_2370 : vector<8x4096xf32>
    %slice3A_2372 = vector.extract_strided_slice %dot_general3A_5 {offsets = [1456, 0], sizes = [8, 4096], strides = [1, 1]} : vector<2736x4096xf32> to vector<8x4096xf32>
    %add3A_2373 = arith.addf %add3A_2371, %slice3A_2372 : vector<8x4096xf32>
    %lt3A_2374 = arith.cmpf olt, %add3A_2373, %select_n3A_2362 : vector<8x4096xf32>
    %select_n3A_2375 = arith.select %lt3A_2374, %add3A_2373, %select_n3A_2362 : vector<8x4096xi1>, vector<8x4096xf32>
    %jit3A_2376 = arith.constant 182 : i32
    %broadcast_in_dim3A_2377 = vector.broadcast %jit3A_2376 : i32 to vector<8x4096xi32>
    %select_n3A_2378 = arith.select %lt3A_2374, %broadcast_in_dim3A_2377, %select_n3A_2365 : vector<8x4096xi1>, vector<8x4096xi32>
    %get3A_2379 = arith.constant 1464 : index
    %get3A_2380 = arith.constant 0 : index
    %get3A_2381 = vector.load %arg5[%get3A_2379, %get3A_2380] : memref<2736x1xf32, #tpu.memory_space<vmem>>, vector<8x1xf32>
    %add3A_2382 = vector.broadcast %get3A_8 : vector<1x4096xf32> to vector<8x4096xf32>
    %add3A_2383 = vector.broadcast %get3A_2381 : vector<8x1xf32> to vector<8x4096xf32>
    %add3A_2384 = arith.addf %add3A_2382, %add3A_2383 : vector<8x4096xf32>
    %slice3A_2385 = vector.extract_strided_slice %dot_general3A_5 {offsets = [1464, 0], sizes = [8, 4096], strides = [1, 1]} : vector<2736x4096xf32> to vector<8x4096xf32>
    %add3A_2386 = arith.addf %add3A_2384, %slice3A_2385 : vector<8x4096xf32>
    %lt3A_2387 = arith.cmpf olt, %add3A_2386, %select_n3A_2375 : vector<8x4096xf32>
    %select_n3A_2388 = arith.select %lt3A_2387, %add3A_2386, %select_n3A_2375 : vector<8x4096xi1>, vector<8x4096xf32>
    %jit3A_2389 = arith.constant 183 : i32
    %broadcast_in_dim3A_2390 = vector.broadcast %jit3A_2389 : i32 to vector<8x4096xi32>
    %select_n3A_2391 = arith.select %lt3A_2387, %broadcast_in_dim3A_2390, %select_n3A_2378 : vector<8x4096xi1>, vector<8x4096xi32>
    %get3A_2392 = arith.constant 1472 : index
    %get3A_2393 = arith.constant 0 : index
    %get3A_2394 = vector.load %arg5[%get3A_2392, %get3A_2393] : memref<2736x1xf32, #tpu.memory_space<vmem>>, vector<8x1xf32>
    %add3A_2395 = vector.broadcast %get3A_8 : vector<1x4096xf32> to vector<8x4096xf32>
    %add3A_2396 = vector.broadcast %get3A_2394 : vector<8x1xf32> to vector<8x4096xf32>
    %add3A_2397 = arith.addf %add3A_2395, %add3A_2396 : vector<8x4096xf32>
    %slice3A_2398 = vector.extract_strided_slice %dot_general3A_5 {offsets = [1472, 0], sizes = [8, 4096], strides = [1, 1]} : vector<2736x4096xf32> to vector<8x4096xf32>
    %add3A_2399 = arith.addf %add3A_2397, %slice3A_2398 : vector<8x4096xf32>
    %lt3A_2400 = arith.cmpf olt, %add3A_2399, %select_n3A_2388 : vector<8x4096xf32>
    %select_n3A_2401 = arith.select %lt3A_2400, %add3A_2399, %select_n3A_2388 : vector<8x4096xi1>, vector<8x4096xf32>
    %jit3A_2402 = arith.constant 184 : i32
    %broadcast_in_dim3A_2403 = vector.broadcast %jit3A_2402 : i32 to vector<8x4096xi32>
    %select_n3A_2404 = arith.select %lt3A_2400, %broadcast_in_dim3A_2403, %select_n3A_2391 : vector<8x4096xi1>, vector<8x4096xi32>
    %get3A_2405 = arith.constant 1480 : index
    %get3A_2406 = arith.constant 0 : index
    %get3A_2407 = vector.load %arg5[%get3A_2405, %get3A_2406] : memref<2736x1xf32, #tpu.memory_space<vmem>>, vector<8x1xf32>
    %add3A_2408 = vector.broadcast %get3A_8 : vector<1x4096xf32> to vector<8x4096xf32>
    %add3A_2409 = vector.broadcast %get3A_2407 : vector<8x1xf32> to vector<8x4096xf32>
    %add3A_2410 = arith.addf %add3A_2408, %add3A_2409 : vector<8x4096xf32>
    %slice3A_2411 = vector.extract_strided_slice %dot_general3A_5 {offsets = [1480, 0], sizes = [8, 4096], strides = [1, 1]} : vector<2736x4096xf32> to vector<8x4096xf32>
    %add3A_2412 = arith.addf %add3A_2410, %slice3A_2411 : vector<8x4096xf32>
    %lt3A_2413 = arith.cmpf olt, %add3A_2412, %select_n3A_2401 : vector<8x4096xf32>
    %select_n3A_2414 = arith.select %lt3A_2413, %add3A_2412, %select_n3A_2401 : vector<8x4096xi1>, vector<8x4096xf32>
    %jit3A_2415 = arith.constant 185 : i32
    %broadcast_in_dim3A_2416 = vector.broadcast %jit3A_2415 : i32 to vector<8x4096xi32>
    %select_n3A_2417 = arith.select %lt3A_2413, %broadcast_in_dim3A_2416, %select_n3A_2404 : vector<8x4096xi1>, vector<8x4096xi32>
    %get3A_2418 = arith.constant 1488 : index
    %get3A_2419 = arith.constant 0 : index
    %get3A_2420 = vector.load %arg5[%get3A_2418, %get3A_2419] : memref<2736x1xf32, #tpu.memory_space<vmem>>, vector<8x1xf32>
    %add3A_2421 = vector.broadcast %get3A_8 : vector<1x4096xf32> to vector<8x4096xf32>
    %add3A_2422 = vector.broadcast %get3A_2420 : vector<8x1xf32> to vector<8x4096xf32>
    %add3A_2423 = arith.addf %add3A_2421, %add3A_2422 : vector<8x4096xf32>
    %slice3A_2424 = vector.extract_strided_slice %dot_general3A_5 {offsets = [1488, 0], sizes = [8, 4096], strides = [1, 1]} : vector<2736x4096xf32> to vector<8x4096xf32>
    %add3A_2425 = arith.addf %add3A_2423, %slice3A_2424 : vector<8x4096xf32>
    %lt3A_2426 = arith.cmpf olt, %add3A_2425, %select_n3A_2414 : vector<8x4096xf32>
    %select_n3A_2427 = arith.select %lt3A_2426, %add3A_2425, %select_n3A_2414 : vector<8x4096xi1>, vector<8x4096xf32>
    %jit3A_2428 = arith.constant 186 : i32
    %broadcast_in_dim3A_2429 = vector.broadcast %jit3A_2428 : i32 to vector<8x4096xi32>
    %select_n3A_2430 = arith.select %lt3A_2426, %broadcast_in_dim3A_2429, %select_n3A_2417 : vector<8x4096xi1>, vector<8x4096xi32>
    %get3A_2431 = arith.constant 1496 : index
    %get3A_2432 = arith.constant 0 : index
    %get3A_2433 = vector.load %arg5[%get3A_2431, %get3A_2432] : memref<2736x1xf32, #tpu.memory_space<vmem>>, vector<8x1xf32>
    %add3A_2434 = vector.broadcast %get3A_8 : vector<1x4096xf32> to vector<8x4096xf32>
    %add3A_2435 = vector.broadcast %get3A_2433 : vector<8x1xf32> to vector<8x4096xf32>
    %add3A_2436 = arith.addf %add3A_2434, %add3A_2435 : vector<8x4096xf32>
    %slice3A_2437 = vector.extract_strided_slice %dot_general3A_5 {offsets = [1496, 0], sizes = [8, 4096], strides = [1, 1]} : vector<2736x4096xf32> to vector<8x4096xf32>
    %add3A_2438 = arith.addf %add3A_2436, %slice3A_2437 : vector<8x4096xf32>
    %lt3A_2439 = arith.cmpf olt, %add3A_2438, %select_n3A_2427 : vector<8x4096xf32>
    %select_n3A_2440 = arith.select %lt3A_2439, %add3A_2438, %select_n3A_2427 : vector<8x4096xi1>, vector<8x4096xf32>
    %jit3A_2441 = arith.constant 187 : i32
    %broadcast_in_dim3A_2442 = vector.broadcast %jit3A_2441 : i32 to vector<8x4096xi32>
    %select_n3A_2443 = arith.select %lt3A_2439, %broadcast_in_dim3A_2442, %select_n3A_2430 : vector<8x4096xi1>, vector<8x4096xi32>
    %get3A_2444 = arith.constant 1504 : index
    %get3A_2445 = arith.constant 0 : index
    %get3A_2446 = vector.load %arg5[%get3A_2444, %get3A_2445] : memref<2736x1xf32, #tpu.memory_space<vmem>>, vector<8x1xf32>
    %add3A_2447 = vector.broadcast %get3A_8 : vector<1x4096xf32> to vector<8x4096xf32>
    %add3A_2448 = vector.broadcast %get3A_2446 : vector<8x1xf32> to vector<8x4096xf32>
    %add3A_2449 = arith.addf %add3A_2447, %add3A_2448 : vector<8x4096xf32>
    %slice3A_2450 = vector.extract_strided_slice %dot_general3A_5 {offsets = [1504, 0], sizes = [8, 4096], strides = [1, 1]} : vector<2736x4096xf32> to vector<8x4096xf32>
    %add3A_2451 = arith.addf %add3A_2449, %slice3A_2450 : vector<8x4096xf32>
    %lt3A_2452 = arith.cmpf olt, %add3A_2451, %select_n3A_2440 : vector<8x4096xf32>
    %select_n3A_2453 = arith.select %lt3A_2452, %add3A_2451, %select_n3A_2440 : vector<8x4096xi1>, vector<8x4096xf32>
    %jit3A_2454 = arith.constant 188 : i32
    %broadcast_in_dim3A_2455 = vector.broadcast %jit3A_2454 : i32 to vector<8x4096xi32>
    %select_n3A_2456 = arith.select %lt3A_2452, %broadcast_in_dim3A_2455, %select_n3A_2443 : vector<8x4096xi1>, vector<8x4096xi32>
    %get3A_2457 = arith.constant 1512 : index
    %get3A_2458 = arith.constant 0 : index
    %get3A_2459 = vector.load %arg5[%get3A_2457, %get3A_2458] : memref<2736x1xf32, #tpu.memory_space<vmem>>, vector<8x1xf32>
    %add3A_2460 = vector.broadcast %get3A_8 : vector<1x4096xf32> to vector<8x4096xf32>
    %add3A_2461 = vector.broadcast %get3A_2459 : vector<8x1xf32> to vector<8x4096xf32>
    %add3A_2462 = arith.addf %add3A_2460, %add3A_2461 : vector<8x4096xf32>
    %slice3A_2463 = vector.extract_strided_slice %dot_general3A_5 {offsets = [1512, 0], sizes = [8, 4096], strides = [1, 1]} : vector<2736x4096xf32> to vector<8x4096xf32>
    %add3A_2464 = arith.addf %add3A_2462, %slice3A_2463 : vector<8x4096xf32>
    %lt3A_2465 = arith.cmpf olt, %add3A_2464, %select_n3A_2453 : vector<8x4096xf32>
    %select_n3A_2466 = arith.select %lt3A_2465, %add3A_2464, %select_n3A_2453 : vector<8x4096xi1>, vector<8x4096xf32>
    %jit3A_2467 = arith.constant 189 : i32
    %broadcast_in_dim3A_2468 = vector.broadcast %jit3A_2467 : i32 to vector<8x4096xi32>
    %select_n3A_2469 = arith.select %lt3A_2465, %broadcast_in_dim3A_2468, %select_n3A_2456 : vector<8x4096xi1>, vector<8x4096xi32>
    %get3A_2470 = arith.constant 1520 : index
    %get3A_2471 = arith.constant 0 : index
    %get3A_2472 = vector.load %arg5[%get3A_2470, %get3A_2471] : memref<2736x1xf32, #tpu.memory_space<vmem>>, vector<8x1xf32>
    %add3A_2473 = vector.broadcast %get3A_8 : vector<1x4096xf32> to vector<8x4096xf32>
    %add3A_2474 = vector.broadcast %get3A_2472 : vector<8x1xf32> to vector<8x4096xf32>
    %add3A_2475 = arith.addf %add3A_2473, %add3A_2474 : vector<8x4096xf32>
    %slice3A_2476 = vector.extract_strided_slice %dot_general3A_5 {offsets = [1520, 0], sizes = [8, 4096], strides = [1, 1]} : vector<2736x4096xf32> to vector<8x4096xf32>
    %add3A_2477 = arith.addf %add3A_2475, %slice3A_2476 : vector<8x4096xf32>
    %lt3A_2478 = arith.cmpf olt, %add3A_2477, %select_n3A_2466 : vector<8x4096xf32>
    %select_n3A_2479 = arith.select %lt3A_2478, %add3A_2477, %select_n3A_2466 : vector<8x4096xi1>, vector<8x4096xf32>
    %jit3A_2480 = arith.constant 190 : i32
    %broadcast_in_dim3A_2481 = vector.broadcast %jit3A_2480 : i32 to vector<8x4096xi32>
    %select_n3A_2482 = arith.select %lt3A_2478, %broadcast_in_dim3A_2481, %select_n3A_2469 : vector<8x4096xi1>, vector<8x4096xi32>
    %get3A_2483 = arith.constant 1528 : index
    %get3A_2484 = arith.constant 0 : index
    %get3A_2485 = vector.load %arg5[%get3A_2483, %get3A_2484] : memref<2736x1xf32, #tpu.memory_space<vmem>>, vector<8x1xf32>
    %add3A_2486 = vector.broadcast %get3A_8 : vector<1x4096xf32> to vector<8x4096xf32>
    %add3A_2487 = vector.broadcast %get3A_2485 : vector<8x1xf32> to vector<8x4096xf32>
    %add3A_2488 = arith.addf %add3A_2486, %add3A_2487 : vector<8x4096xf32>
    %slice3A_2489 = vector.extract_strided_slice %dot_general3A_5 {offsets = [1528, 0], sizes = [8, 4096], strides = [1, 1]} : vector<2736x4096xf32> to vector<8x4096xf32>
    %add3A_2490 = arith.addf %add3A_2488, %slice3A_2489 : vector<8x4096xf32>
    %lt3A_2491 = arith.cmpf olt, %add3A_2490, %select_n3A_2479 : vector<8x4096xf32>
    %select_n3A_2492 = arith.select %lt3A_2491, %add3A_2490, %select_n3A_2479 : vector<8x4096xi1>, vector<8x4096xf32>
    %jit3A_2493 = arith.constant 191 : i32
    %broadcast_in_dim3A_2494 = vector.broadcast %jit3A_2493 : i32 to vector<8x4096xi32>
    %select_n3A_2495 = arith.select %lt3A_2491, %broadcast_in_dim3A_2494, %select_n3A_2482 : vector<8x4096xi1>, vector<8x4096xi32>
    %get3A_2496 = arith.constant 1536 : index
    %get3A_2497 = arith.constant 0 : index
    %get3A_2498 = vector.load %arg5[%get3A_2496, %get3A_2497] : memref<2736x1xf32, #tpu.memory_space<vmem>>, vector<8x1xf32>
    %add3A_2499 = vector.broadcast %get3A_8 : vector<1x4096xf32> to vector<8x4096xf32>
    %add3A_2500 = vector.broadcast %get3A_2498 : vector<8x1xf32> to vector<8x4096xf32>
    %add3A_2501 = arith.addf %add3A_2499, %add3A_2500 : vector<8x4096xf32>
    %slice3A_2502 = vector.extract_strided_slice %dot_general3A_5 {offsets = [1536, 0], sizes = [8, 4096], strides = [1, 1]} : vector<2736x4096xf32> to vector<8x4096xf32>
    %add3A_2503 = arith.addf %add3A_2501, %slice3A_2502 : vector<8x4096xf32>
    %lt3A_2504 = arith.cmpf olt, %add3A_2503, %select_n3A_2492 : vector<8x4096xf32>
    %select_n3A_2505 = arith.select %lt3A_2504, %add3A_2503, %select_n3A_2492 : vector<8x4096xi1>, vector<8x4096xf32>
    %jit3A_2506 = arith.constant 192 : i32
    %broadcast_in_dim3A_2507 = vector.broadcast %jit3A_2506 : i32 to vector<8x4096xi32>
    %select_n3A_2508 = arith.select %lt3A_2504, %broadcast_in_dim3A_2507, %select_n3A_2495 : vector<8x4096xi1>, vector<8x4096xi32>
    %get3A_2509 = arith.constant 1544 : index
    %get3A_2510 = arith.constant 0 : index
    %get3A_2511 = vector.load %arg5[%get3A_2509, %get3A_2510] : memref<2736x1xf32, #tpu.memory_space<vmem>>, vector<8x1xf32>
    %add3A_2512 = vector.broadcast %get3A_8 : vector<1x4096xf32> to vector<8x4096xf32>
    %add3A_2513 = vector.broadcast %get3A_2511 : vector<8x1xf32> to vector<8x4096xf32>
    %add3A_2514 = arith.addf %add3A_2512, %add3A_2513 : vector<8x4096xf32>
    %slice3A_2515 = vector.extract_strided_slice %dot_general3A_5 {offsets = [1544, 0], sizes = [8, 4096], strides = [1, 1]} : vector<2736x4096xf32> to vector<8x4096xf32>
    %add3A_2516 = arith.addf %add3A_2514, %slice3A_2515 : vector<8x4096xf32>
    %lt3A_2517 = arith.cmpf olt, %add3A_2516, %select_n3A_2505 : vector<8x4096xf32>
    %select_n3A_2518 = arith.select %lt3A_2517, %add3A_2516, %select_n3A_2505 : vector<8x4096xi1>, vector<8x4096xf32>
    %jit3A_2519 = arith.constant 193 : i32
    %broadcast_in_dim3A_2520 = vector.broadcast %jit3A_2519 : i32 to vector<8x4096xi32>
    %select_n3A_2521 = arith.select %lt3A_2517, %broadcast_in_dim3A_2520, %select_n3A_2508 : vector<8x4096xi1>, vector<8x4096xi32>
    %get3A_2522 = arith.constant 1552 : index
    %get3A_2523 = arith.constant 0 : index
    %get3A_2524 = vector.load %arg5[%get3A_2522, %get3A_2523] : memref<2736x1xf32, #tpu.memory_space<vmem>>, vector<8x1xf32>
    %add3A_2525 = vector.broadcast %get3A_8 : vector<1x4096xf32> to vector<8x4096xf32>
    %add3A_2526 = vector.broadcast %get3A_2524 : vector<8x1xf32> to vector<8x4096xf32>
    %add3A_2527 = arith.addf %add3A_2525, %add3A_2526 : vector<8x4096xf32>
    %slice3A_2528 = vector.extract_strided_slice %dot_general3A_5 {offsets = [1552, 0], sizes = [8, 4096], strides = [1, 1]} : vector<2736x4096xf32> to vector<8x4096xf32>
    %add3A_2529 = arith.addf %add3A_2527, %slice3A_2528 : vector<8x4096xf32>
    %lt3A_2530 = arith.cmpf olt, %add3A_2529, %select_n3A_2518 : vector<8x4096xf32>
    %select_n3A_2531 = arith.select %lt3A_2530, %add3A_2529, %select_n3A_2518 : vector<8x4096xi1>, vector<8x4096xf32>
    %jit3A_2532 = arith.constant 194 : i32
    %broadcast_in_dim3A_2533 = vector.broadcast %jit3A_2532 : i32 to vector<8x4096xi32>
    %select_n3A_2534 = arith.select %lt3A_2530, %broadcast_in_dim3A_2533, %select_n3A_2521 : vector<8x4096xi1>, vector<8x4096xi32>
    %get3A_2535 = arith.constant 1560 : index
    %get3A_2536 = arith.constant 0 : index
    %get3A_2537 = vector.load %arg5[%get3A_2535, %get3A_2536] : memref<2736x1xf32, #tpu.memory_space<vmem>>, vector<8x1xf32>
    %add3A_2538 = vector.broadcast %get3A_8 : vector<1x4096xf32> to vector<8x4096xf32>
    %add3A_2539 = vector.broadcast %get3A_2537 : vector<8x1xf32> to vector<8x4096xf32>
    %add3A_2540 = arith.addf %add3A_2538, %add3A_2539 : vector<8x4096xf32>
    %slice3A_2541 = vector.extract_strided_slice %dot_general3A_5 {offsets = [1560, 0], sizes = [8, 4096], strides = [1, 1]} : vector<2736x4096xf32> to vector<8x4096xf32>
    %add3A_2542 = arith.addf %add3A_2540, %slice3A_2541 : vector<8x4096xf32>
    %lt3A_2543 = arith.cmpf olt, %add3A_2542, %select_n3A_2531 : vector<8x4096xf32>
    %select_n3A_2544 = arith.select %lt3A_2543, %add3A_2542, %select_n3A_2531 : vector<8x4096xi1>, vector<8x4096xf32>
    %jit3A_2545 = arith.constant 195 : i32
    %broadcast_in_dim3A_2546 = vector.broadcast %jit3A_2545 : i32 to vector<8x4096xi32>
    %select_n3A_2547 = arith.select %lt3A_2543, %broadcast_in_dim3A_2546, %select_n3A_2534 : vector<8x4096xi1>, vector<8x4096xi32>
    %get3A_2548 = arith.constant 1568 : index
    %get3A_2549 = arith.constant 0 : index
    %get3A_2550 = vector.load %arg5[%get3A_2548, %get3A_2549] : memref<2736x1xf32, #tpu.memory_space<vmem>>, vector<8x1xf32>
    %add3A_2551 = vector.broadcast %get3A_8 : vector<1x4096xf32> to vector<8x4096xf32>
    %add3A_2552 = vector.broadcast %get3A_2550 : vector<8x1xf32> to vector<8x4096xf32>
    %add3A_2553 = arith.addf %add3A_2551, %add3A_2552 : vector<8x4096xf32>
    %slice3A_2554 = vector.extract_strided_slice %dot_general3A_5 {offsets = [1568, 0], sizes = [8, 4096], strides = [1, 1]} : vector<2736x4096xf32> to vector<8x4096xf32>
    %add3A_2555 = arith.addf %add3A_2553, %slice3A_2554 : vector<8x4096xf32>
    %lt3A_2556 = arith.cmpf olt, %add3A_2555, %select_n3A_2544 : vector<8x4096xf32>
    %select_n3A_2557 = arith.select %lt3A_2556, %add3A_2555, %select_n3A_2544 : vector<8x4096xi1>, vector<8x4096xf32>
    %jit3A_2558 = arith.constant 196 : i32
    %broadcast_in_dim3A_2559 = vector.broadcast %jit3A_2558 : i32 to vector<8x4096xi32>
    %select_n3A_2560 = arith.select %lt3A_2556, %broadcast_in_dim3A_2559, %select_n3A_2547 : vector<8x4096xi1>, vector<8x4096xi32>
    %get3A_2561 = arith.constant 1576 : index
    %get3A_2562 = arith.constant 0 : index
    %get3A_2563 = vector.load %arg5[%get3A_2561, %get3A_2562] : memref<2736x1xf32, #tpu.memory_space<vmem>>, vector<8x1xf32>
    %add3A_2564 = vector.broadcast %get3A_8 : vector<1x4096xf32> to vector<8x4096xf32>
    %add3A_2565 = vector.broadcast %get3A_2563 : vector<8x1xf32> to vector<8x4096xf32>
    %add3A_2566 = arith.addf %add3A_2564, %add3A_2565 : vector<8x4096xf32>
    %slice3A_2567 = vector.extract_strided_slice %dot_general3A_5 {offsets = [1576, 0], sizes = [8, 4096], strides = [1, 1]} : vector<2736x4096xf32> to vector<8x4096xf32>
    %add3A_2568 = arith.addf %add3A_2566, %slice3A_2567 : vector<8x4096xf32>
    %lt3A_2569 = arith.cmpf olt, %add3A_2568, %select_n3A_2557 : vector<8x4096xf32>
    %select_n3A_2570 = arith.select %lt3A_2569, %add3A_2568, %select_n3A_2557 : vector<8x4096xi1>, vector<8x4096xf32>
    %jit3A_2571 = arith.constant 197 : i32
    %broadcast_in_dim3A_2572 = vector.broadcast %jit3A_2571 : i32 to vector<8x4096xi32>
    %select_n3A_2573 = arith.select %lt3A_2569, %broadcast_in_dim3A_2572, %select_n3A_2560 : vector<8x4096xi1>, vector<8x4096xi32>
    %get3A_2574 = arith.constant 1584 : index
    %get3A_2575 = arith.constant 0 : index
    %get3A_2576 = vector.load %arg5[%get3A_2574, %get3A_2575] : memref<2736x1xf32, #tpu.memory_space<vmem>>, vector<8x1xf32>
    %add3A_2577 = vector.broadcast %get3A_8 : vector<1x4096xf32> to vector<8x4096xf32>
    %add3A_2578 = vector.broadcast %get3A_2576 : vector<8x1xf32> to vector<8x4096xf32>
    %add3A_2579 = arith.addf %add3A_2577, %add3A_2578 : vector<8x4096xf32>
    %slice3A_2580 = vector.extract_strided_slice %dot_general3A_5 {offsets = [1584, 0], sizes = [8, 4096], strides = [1, 1]} : vector<2736x4096xf32> to vector<8x4096xf32>
    %add3A_2581 = arith.addf %add3A_2579, %slice3A_2580 : vector<8x4096xf32>
    %lt3A_2582 = arith.cmpf olt, %add3A_2581, %select_n3A_2570 : vector<8x4096xf32>
    %select_n3A_2583 = arith.select %lt3A_2582, %add3A_2581, %select_n3A_2570 : vector<8x4096xi1>, vector<8x4096xf32>
    %jit3A_2584 = arith.constant 198 : i32
    %broadcast_in_dim3A_2585 = vector.broadcast %jit3A_2584 : i32 to vector<8x4096xi32>
    %select_n3A_2586 = arith.select %lt3A_2582, %broadcast_in_dim3A_2585, %select_n3A_2573 : vector<8x4096xi1>, vector<8x4096xi32>
    %get3A_2587 = arith.constant 1592 : index
    %get3A_2588 = arith.constant 0 : index
    %get3A_2589 = vector.load %arg5[%get3A_2587, %get3A_2588] : memref<2736x1xf32, #tpu.memory_space<vmem>>, vector<8x1xf32>
    %add3A_2590 = vector.broadcast %get3A_8 : vector<1x4096xf32> to vector<8x4096xf32>
    %add3A_2591 = vector.broadcast %get3A_2589 : vector<8x1xf32> to vector<8x4096xf32>
    %add3A_2592 = arith.addf %add3A_2590, %add3A_2591 : vector<8x4096xf32>
    %slice3A_2593 = vector.extract_strided_slice %dot_general3A_5 {offsets = [1592, 0], sizes = [8, 4096], strides = [1, 1]} : vector<2736x4096xf32> to vector<8x4096xf32>
    %add3A_2594 = arith.addf %add3A_2592, %slice3A_2593 : vector<8x4096xf32>
    %lt3A_2595 = arith.cmpf olt, %add3A_2594, %select_n3A_2583 : vector<8x4096xf32>
    %select_n3A_2596 = arith.select %lt3A_2595, %add3A_2594, %select_n3A_2583 : vector<8x4096xi1>, vector<8x4096xf32>
    %jit3A_2597 = arith.constant 199 : i32
    %broadcast_in_dim3A_2598 = vector.broadcast %jit3A_2597 : i32 to vector<8x4096xi32>
    %select_n3A_2599 = arith.select %lt3A_2595, %broadcast_in_dim3A_2598, %select_n3A_2586 : vector<8x4096xi1>, vector<8x4096xi32>
    %get3A_2600 = arith.constant 1600 : index
    %get3A_2601 = arith.constant 0 : index
    %get3A_2602 = vector.load %arg5[%get3A_2600, %get3A_2601] : memref<2736x1xf32, #tpu.memory_space<vmem>>, vector<8x1xf32>
    %add3A_2603 = vector.broadcast %get3A_8 : vector<1x4096xf32> to vector<8x4096xf32>
    %add3A_2604 = vector.broadcast %get3A_2602 : vector<8x1xf32> to vector<8x4096xf32>
    %add3A_2605 = arith.addf %add3A_2603, %add3A_2604 : vector<8x4096xf32>
    %slice3A_2606 = vector.extract_strided_slice %dot_general3A_5 {offsets = [1600, 0], sizes = [8, 4096], strides = [1, 1]} : vector<2736x4096xf32> to vector<8x4096xf32>
    %add3A_2607 = arith.addf %add3A_2605, %slice3A_2606 : vector<8x4096xf32>
    %lt3A_2608 = arith.cmpf olt, %add3A_2607, %select_n3A_2596 : vector<8x4096xf32>
    %select_n3A_2609 = arith.select %lt3A_2608, %add3A_2607, %select_n3A_2596 : vector<8x4096xi1>, vector<8x4096xf32>
    %jit3A_2610 = arith.constant 200 : i32
    %broadcast_in_dim3A_2611 = vector.broadcast %jit3A_2610 : i32 to vector<8x4096xi32>
    %select_n3A_2612 = arith.select %lt3A_2608, %broadcast_in_dim3A_2611, %select_n3A_2599 : vector<8x4096xi1>, vector<8x4096xi32>
    %get3A_2613 = arith.constant 1608 : index
    %get3A_2614 = arith.constant 0 : index
    %get3A_2615 = vector.load %arg5[%get3A_2613, %get3A_2614] : memref<2736x1xf32, #tpu.memory_space<vmem>>, vector<8x1xf32>
    %add3A_2616 = vector.broadcast %get3A_8 : vector<1x4096xf32> to vector<8x4096xf32>
    %add3A_2617 = vector.broadcast %get3A_2615 : vector<8x1xf32> to vector<8x4096xf32>
    %add3A_2618 = arith.addf %add3A_2616, %add3A_2617 : vector<8x4096xf32>
    %slice3A_2619 = vector.extract_strided_slice %dot_general3A_5 {offsets = [1608, 0], sizes = [8, 4096], strides = [1, 1]} : vector<2736x4096xf32> to vector<8x4096xf32>
    %add3A_2620 = arith.addf %add3A_2618, %slice3A_2619 : vector<8x4096xf32>
    %lt3A_2621 = arith.cmpf olt, %add3A_2620, %select_n3A_2609 : vector<8x4096xf32>
    %select_n3A_2622 = arith.select %lt3A_2621, %add3A_2620, %select_n3A_2609 : vector<8x4096xi1>, vector<8x4096xf32>
    %jit3A_2623 = arith.constant 201 : i32
    %broadcast_in_dim3A_2624 = vector.broadcast %jit3A_2623 : i32 to vector<8x4096xi32>
    %select_n3A_2625 = arith.select %lt3A_2621, %broadcast_in_dim3A_2624, %select_n3A_2612 : vector<8x4096xi1>, vector<8x4096xi32>
    %get3A_2626 = arith.constant 1616 : index
    %get3A_2627 = arith.constant 0 : index
    %get3A_2628 = vector.load %arg5[%get3A_2626, %get3A_2627] : memref<2736x1xf32, #tpu.memory_space<vmem>>, vector<8x1xf32>
    %add3A_2629 = vector.broadcast %get3A_8 : vector<1x4096xf32> to vector<8x4096xf32>
    %add3A_2630 = vector.broadcast %get3A_2628 : vector<8x1xf32> to vector<8x4096xf32>
    %add3A_2631 = arith.addf %add3A_2629, %add3A_2630 : vector<8x4096xf32>
    %slice3A_2632 = vector.extract_strided_slice %dot_general3A_5 {offsets = [1616, 0], sizes = [8, 4096], strides = [1, 1]} : vector<2736x4096xf32> to vector<8x4096xf32>
    %add3A_2633 = arith.addf %add3A_2631, %slice3A_2632 : vector<8x4096xf32>
    %lt3A_2634 = arith.cmpf olt, %add3A_2633, %select_n3A_2622 : vector<8x4096xf32>
    %select_n3A_2635 = arith.select %lt3A_2634, %add3A_2633, %select_n3A_2622 : vector<8x4096xi1>, vector<8x4096xf32>
    %jit3A_2636 = arith.constant 202 : i32
    %broadcast_in_dim3A_2637 = vector.broadcast %jit3A_2636 : i32 to vector<8x4096xi32>
    %select_n3A_2638 = arith.select %lt3A_2634, %broadcast_in_dim3A_2637, %select_n3A_2625 : vector<8x4096xi1>, vector<8x4096xi32>
    %get3A_2639 = arith.constant 1624 : index
    %get3A_2640 = arith.constant 0 : index
    %get3A_2641 = vector.load %arg5[%get3A_2639, %get3A_2640] : memref<2736x1xf32, #tpu.memory_space<vmem>>, vector<8x1xf32>
    %add3A_2642 = vector.broadcast %get3A_8 : vector<1x4096xf32> to vector<8x4096xf32>
    %add3A_2643 = vector.broadcast %get3A_2641 : vector<8x1xf32> to vector<8x4096xf32>
    %add3A_2644 = arith.addf %add3A_2642, %add3A_2643 : vector<8x4096xf32>
    %slice3A_2645 = vector.extract_strided_slice %dot_general3A_5 {offsets = [1624, 0], sizes = [8, 4096], strides = [1, 1]} : vector<2736x4096xf32> to vector<8x4096xf32>
    %add3A_2646 = arith.addf %add3A_2644, %slice3A_2645 : vector<8x4096xf32>
    %lt3A_2647 = arith.cmpf olt, %add3A_2646, %select_n3A_2635 : vector<8x4096xf32>
    %select_n3A_2648 = arith.select %lt3A_2647, %add3A_2646, %select_n3A_2635 : vector<8x4096xi1>, vector<8x4096xf32>
    %jit3A_2649 = arith.constant 203 : i32
    %broadcast_in_dim3A_2650 = vector.broadcast %jit3A_2649 : i32 to vector<8x4096xi32>
    %select_n3A_2651 = arith.select %lt3A_2647, %broadcast_in_dim3A_2650, %select_n3A_2638 : vector<8x4096xi1>, vector<8x4096xi32>
    %get3A_2652 = arith.constant 1632 : index
    %get3A_2653 = arith.constant 0 : index
    %get3A_2654 = vector.load %arg5[%get3A_2652, %get3A_2653] : memref<2736x1xf32, #tpu.memory_space<vmem>>, vector<8x1xf32>
    %add3A_2655 = vector.broadcast %get3A_8 : vector<1x4096xf32> to vector<8x4096xf32>
    %add3A_2656 = vector.broadcast %get3A_2654 : vector<8x1xf32> to vector<8x4096xf32>
    %add3A_2657 = arith.addf %add3A_2655, %add3A_2656 : vector<8x4096xf32>
    %slice3A_2658 = vector.extract_strided_slice %dot_general3A_5 {offsets = [1632, 0], sizes = [8, 4096], strides = [1, 1]} : vector<2736x4096xf32> to vector<8x4096xf32>
    %add3A_2659 = arith.addf %add3A_2657, %slice3A_2658 : vector<8x4096xf32>
    %lt3A_2660 = arith.cmpf olt, %add3A_2659, %select_n3A_2648 : vector<8x4096xf32>
    %select_n3A_2661 = arith.select %lt3A_2660, %add3A_2659, %select_n3A_2648 : vector<8x4096xi1>, vector<8x4096xf32>
    %jit3A_2662 = arith.constant 204 : i32
    %broadcast_in_dim3A_2663 = vector.broadcast %jit3A_2662 : i32 to vector<8x4096xi32>
    %select_n3A_2664 = arith.select %lt3A_2660, %broadcast_in_dim3A_2663, %select_n3A_2651 : vector<8x4096xi1>, vector<8x4096xi32>
    %get3A_2665 = arith.constant 1640 : index
    %get3A_2666 = arith.constant 0 : index
    %get3A_2667 = vector.load %arg5[%get3A_2665, %get3A_2666] : memref<2736x1xf32, #tpu.memory_space<vmem>>, vector<8x1xf32>
    %add3A_2668 = vector.broadcast %get3A_8 : vector<1x4096xf32> to vector<8x4096xf32>
    %add3A_2669 = vector.broadcast %get3A_2667 : vector<8x1xf32> to vector<8x4096xf32>
    %add3A_2670 = arith.addf %add3A_2668, %add3A_2669 : vector<8x4096xf32>
    %slice3A_2671 = vector.extract_strided_slice %dot_general3A_5 {offsets = [1640, 0], sizes = [8, 4096], strides = [1, 1]} : vector<2736x4096xf32> to vector<8x4096xf32>
    %add3A_2672 = arith.addf %add3A_2670, %slice3A_2671 : vector<8x4096xf32>
    %lt3A_2673 = arith.cmpf olt, %add3A_2672, %select_n3A_2661 : vector<8x4096xf32>
    %select_n3A_2674 = arith.select %lt3A_2673, %add3A_2672, %select_n3A_2661 : vector<8x4096xi1>, vector<8x4096xf32>
    %jit3A_2675 = arith.constant 205 : i32
    %broadcast_in_dim3A_2676 = vector.broadcast %jit3A_2675 : i32 to vector<8x4096xi32>
    %select_n3A_2677 = arith.select %lt3A_2673, %broadcast_in_dim3A_2676, %select_n3A_2664 : vector<8x4096xi1>, vector<8x4096xi32>
    %get3A_2678 = arith.constant 1648 : index
    %get3A_2679 = arith.constant 0 : index
    %get3A_2680 = vector.load %arg5[%get3A_2678, %get3A_2679] : memref<2736x1xf32, #tpu.memory_space<vmem>>, vector<8x1xf32>
    %add3A_2681 = vector.broadcast %get3A_8 : vector<1x4096xf32> to vector<8x4096xf32>
    %add3A_2682 = vector.broadcast %get3A_2680 : vector<8x1xf32> to vector<8x4096xf32>
    %add3A_2683 = arith.addf %add3A_2681, %add3A_2682 : vector<8x4096xf32>
    %slice3A_2684 = vector.extract_strided_slice %dot_general3A_5 {offsets = [1648, 0], sizes = [8, 4096], strides = [1, 1]} : vector<2736x4096xf32> to vector<8x4096xf32>
    %add3A_2685 = arith.addf %add3A_2683, %slice3A_2684 : vector<8x4096xf32>
    %lt3A_2686 = arith.cmpf olt, %add3A_2685, %select_n3A_2674 : vector<8x4096xf32>
    %select_n3A_2687 = arith.select %lt3A_2686, %add3A_2685, %select_n3A_2674 : vector<8x4096xi1>, vector<8x4096xf32>
    %jit3A_2688 = arith.constant 206 : i32
    %broadcast_in_dim3A_2689 = vector.broadcast %jit3A_2688 : i32 to vector<8x4096xi32>
    %select_n3A_2690 = arith.select %lt3A_2686, %broadcast_in_dim3A_2689, %select_n3A_2677 : vector<8x4096xi1>, vector<8x4096xi32>
    %get3A_2691 = arith.constant 1656 : index
    %get3A_2692 = arith.constant 0 : index
    %get3A_2693 = vector.load %arg5[%get3A_2691, %get3A_2692] : memref<2736x1xf32, #tpu.memory_space<vmem>>, vector<8x1xf32>
    %add3A_2694 = vector.broadcast %get3A_8 : vector<1x4096xf32> to vector<8x4096xf32>
    %add3A_2695 = vector.broadcast %get3A_2693 : vector<8x1xf32> to vector<8x4096xf32>
    %add3A_2696 = arith.addf %add3A_2694, %add3A_2695 : vector<8x4096xf32>
    %slice3A_2697 = vector.extract_strided_slice %dot_general3A_5 {offsets = [1656, 0], sizes = [8, 4096], strides = [1, 1]} : vector<2736x4096xf32> to vector<8x4096xf32>
    %add3A_2698 = arith.addf %add3A_2696, %slice3A_2697 : vector<8x4096xf32>
    %lt3A_2699 = arith.cmpf olt, %add3A_2698, %select_n3A_2687 : vector<8x4096xf32>
    %select_n3A_2700 = arith.select %lt3A_2699, %add3A_2698, %select_n3A_2687 : vector<8x4096xi1>, vector<8x4096xf32>
    %jit3A_2701 = arith.constant 207 : i32
    %broadcast_in_dim3A_2702 = vector.broadcast %jit3A_2701 : i32 to vector<8x4096xi32>
    %select_n3A_2703 = arith.select %lt3A_2699, %broadcast_in_dim3A_2702, %select_n3A_2690 : vector<8x4096xi1>, vector<8x4096xi32>
    %get3A_2704 = arith.constant 1664 : index
    %get3A_2705 = arith.constant 0 : index
    %get3A_2706 = vector.load %arg5[%get3A_2704, %get3A_2705] : memref<2736x1xf32, #tpu.memory_space<vmem>>, vector<8x1xf32>
    %add3A_2707 = vector.broadcast %get3A_8 : vector<1x4096xf32> to vector<8x4096xf32>
    %add3A_2708 = vector.broadcast %get3A_2706 : vector<8x1xf32> to vector<8x4096xf32>
    %add3A_2709 = arith.addf %add3A_2707, %add3A_2708 : vector<8x4096xf32>
    %slice3A_2710 = vector.extract_strided_slice %dot_general3A_5 {offsets = [1664, 0], sizes = [8, 4096], strides = [1, 1]} : vector<2736x4096xf32> to vector<8x4096xf32>
    %add3A_2711 = arith.addf %add3A_2709, %slice3A_2710 : vector<8x4096xf32>
    %lt3A_2712 = arith.cmpf olt, %add3A_2711, %select_n3A_2700 : vector<8x4096xf32>
    %select_n3A_2713 = arith.select %lt3A_2712, %add3A_2711, %select_n3A_2700 : vector<8x4096xi1>, vector<8x4096xf32>
    %jit3A_2714 = arith.constant 208 : i32
    %broadcast_in_dim3A_2715 = vector.broadcast %jit3A_2714 : i32 to vector<8x4096xi32>
    %select_n3A_2716 = arith.select %lt3A_2712, %broadcast_in_dim3A_2715, %select_n3A_2703 : vector<8x4096xi1>, vector<8x4096xi32>
    %get3A_2717 = arith.constant 1672 : index
    %get3A_2718 = arith.constant 0 : index
    %get3A_2719 = vector.load %arg5[%get3A_2717, %get3A_2718] : memref<2736x1xf32, #tpu.memory_space<vmem>>, vector<8x1xf32>
    %add3A_2720 = vector.broadcast %get3A_8 : vector<1x4096xf32> to vector<8x4096xf32>
    %add3A_2721 = vector.broadcast %get3A_2719 : vector<8x1xf32> to vector<8x4096xf32>
    %add3A_2722 = arith.addf %add3A_2720, %add3A_2721 : vector<8x4096xf32>
    %slice3A_2723 = vector.extract_strided_slice %dot_general3A_5 {offsets = [1672, 0], sizes = [8, 4096], strides = [1, 1]} : vector<2736x4096xf32> to vector<8x4096xf32>
    %add3A_2724 = arith.addf %add3A_2722, %slice3A_2723 : vector<8x4096xf32>
    %lt3A_2725 = arith.cmpf olt, %add3A_2724, %select_n3A_2713 : vector<8x4096xf32>
    %select_n3A_2726 = arith.select %lt3A_2725, %add3A_2724, %select_n3A_2713 : vector<8x4096xi1>, vector<8x4096xf32>
    %jit3A_2727 = arith.constant 209 : i32
    %broadcast_in_dim3A_2728 = vector.broadcast %jit3A_2727 : i32 to vector<8x4096xi32>
    %select_n3A_2729 = arith.select %lt3A_2725, %broadcast_in_dim3A_2728, %select_n3A_2716 : vector<8x4096xi1>, vector<8x4096xi32>
    %get3A_2730 = arith.constant 1680 : index
    %get3A_2731 = arith.constant 0 : index
    %get3A_2732 = vector.load %arg5[%get3A_2730, %get3A_2731] : memref<2736x1xf32, #tpu.memory_space<vmem>>, vector<8x1xf32>
    %add3A_2733 = vector.broadcast %get3A_8 : vector<1x4096xf32> to vector<8x4096xf32>
    %add3A_2734 = vector.broadcast %get3A_2732 : vector<8x1xf32> to vector<8x4096xf32>
    %add3A_2735 = arith.addf %add3A_2733, %add3A_2734 : vector<8x4096xf32>
    %slice3A_2736 = vector.extract_strided_slice %dot_general3A_5 {offsets = [1680, 0], sizes = [8, 4096], strides = [1, 1]} : vector<2736x4096xf32> to vector<8x4096xf32>
    %add3A_2737 = arith.addf %add3A_2735, %slice3A_2736 : vector<8x4096xf32>
    %lt3A_2738 = arith.cmpf olt, %add3A_2737, %select_n3A_2726 : vector<8x4096xf32>
    %select_n3A_2739 = arith.select %lt3A_2738, %add3A_2737, %select_n3A_2726 : vector<8x4096xi1>, vector<8x4096xf32>
    %jit3A_2740 = arith.constant 210 : i32
    %broadcast_in_dim3A_2741 = vector.broadcast %jit3A_2740 : i32 to vector<8x4096xi32>
    %select_n3A_2742 = arith.select %lt3A_2738, %broadcast_in_dim3A_2741, %select_n3A_2729 : vector<8x4096xi1>, vector<8x4096xi32>
    %get3A_2743 = arith.constant 1688 : index
    %get3A_2744 = arith.constant 0 : index
    %get3A_2745 = vector.load %arg5[%get3A_2743, %get3A_2744] : memref<2736x1xf32, #tpu.memory_space<vmem>>, vector<8x1xf32>
    %add3A_2746 = vector.broadcast %get3A_8 : vector<1x4096xf32> to vector<8x4096xf32>
    %add3A_2747 = vector.broadcast %get3A_2745 : vector<8x1xf32> to vector<8x4096xf32>
    %add3A_2748 = arith.addf %add3A_2746, %add3A_2747 : vector<8x4096xf32>
    %slice3A_2749 = vector.extract_strided_slice %dot_general3A_5 {offsets = [1688, 0], sizes = [8, 4096], strides = [1, 1]} : vector<2736x4096xf32> to vector<8x4096xf32>
    %add3A_2750 = arith.addf %add3A_2748, %slice3A_2749 : vector<8x4096xf32>
    %lt3A_2751 = arith.cmpf olt, %add3A_2750, %select_n3A_2739 : vector<8x4096xf32>
    %select_n3A_2752 = arith.select %lt3A_2751, %add3A_2750, %select_n3A_2739 : vector<8x4096xi1>, vector<8x4096xf32>
    %jit3A_2753 = arith.constant 211 : i32
    %broadcast_in_dim3A_2754 = vector.broadcast %jit3A_2753 : i32 to vector<8x4096xi32>
    %select_n3A_2755 = arith.select %lt3A_2751, %broadcast_in_dim3A_2754, %select_n3A_2742 : vector<8x4096xi1>, vector<8x4096xi32>
    %get3A_2756 = arith.constant 1696 : index
    %get3A_2757 = arith.constant 0 : index
    %get3A_2758 = vector.load %arg5[%get3A_2756, %get3A_2757] : memref<2736x1xf32, #tpu.memory_space<vmem>>, vector<8x1xf32>
    %add3A_2759 = vector.broadcast %get3A_8 : vector<1x4096xf32> to vector<8x4096xf32>
    %add3A_2760 = vector.broadcast %get3A_2758 : vector<8x1xf32> to vector<8x4096xf32>
    %add3A_2761 = arith.addf %add3A_2759, %add3A_2760 : vector<8x4096xf32>
    %slice3A_2762 = vector.extract_strided_slice %dot_general3A_5 {offsets = [1696, 0], sizes = [8, 4096], strides = [1, 1]} : vector<2736x4096xf32> to vector<8x4096xf32>
    %add3A_2763 = arith.addf %add3A_2761, %slice3A_2762 : vector<8x4096xf32>
    %lt3A_2764 = arith.cmpf olt, %add3A_2763, %select_n3A_2752 : vector<8x4096xf32>
    %select_n3A_2765 = arith.select %lt3A_2764, %add3A_2763, %select_n3A_2752 : vector<8x4096xi1>, vector<8x4096xf32>
    %jit3A_2766 = arith.constant 212 : i32
    %broadcast_in_dim3A_2767 = vector.broadcast %jit3A_2766 : i32 to vector<8x4096xi32>
    %select_n3A_2768 = arith.select %lt3A_2764, %broadcast_in_dim3A_2767, %select_n3A_2755 : vector<8x4096xi1>, vector<8x4096xi32>
    %get3A_2769 = arith.constant 1704 : index
    %get3A_2770 = arith.constant 0 : index
    %get3A_2771 = vector.load %arg5[%get3A_2769, %get3A_2770] : memref<2736x1xf32, #tpu.memory_space<vmem>>, vector<8x1xf32>
    %add3A_2772 = vector.broadcast %get3A_8 : vector<1x4096xf32> to vector<8x4096xf32>
    %add3A_2773 = vector.broadcast %get3A_2771 : vector<8x1xf32> to vector<8x4096xf32>
    %add3A_2774 = arith.addf %add3A_2772, %add3A_2773 : vector<8x4096xf32>
    %slice3A_2775 = vector.extract_strided_slice %dot_general3A_5 {offsets = [1704, 0], sizes = [8, 4096], strides = [1, 1]} : vector<2736x4096xf32> to vector<8x4096xf32>
    %add3A_2776 = arith.addf %add3A_2774, %slice3A_2775 : vector<8x4096xf32>
    %lt3A_2777 = arith.cmpf olt, %add3A_2776, %select_n3A_2765 : vector<8x4096xf32>
    %select_n3A_2778 = arith.select %lt3A_2777, %add3A_2776, %select_n3A_2765 : vector<8x4096xi1>, vector<8x4096xf32>
    %jit3A_2779 = arith.constant 213 : i32
    %broadcast_in_dim3A_2780 = vector.broadcast %jit3A_2779 : i32 to vector<8x4096xi32>
    %select_n3A_2781 = arith.select %lt3A_2777, %broadcast_in_dim3A_2780, %select_n3A_2768 : vector<8x4096xi1>, vector<8x4096xi32>
    %get3A_2782 = arith.constant 1712 : index
    %get3A_2783 = arith.constant 0 : index
    %get3A_2784 = vector.load %arg5[%get3A_2782, %get3A_2783] : memref<2736x1xf32, #tpu.memory_space<vmem>>, vector<8x1xf32>
    %add3A_2785 = vector.broadcast %get3A_8 : vector<1x4096xf32> to vector<8x4096xf32>
    %add3A_2786 = vector.broadcast %get3A_2784 : vector<8x1xf32> to vector<8x4096xf32>
    %add3A_2787 = arith.addf %add3A_2785, %add3A_2786 : vector<8x4096xf32>
    %slice3A_2788 = vector.extract_strided_slice %dot_general3A_5 {offsets = [1712, 0], sizes = [8, 4096], strides = [1, 1]} : vector<2736x4096xf32> to vector<8x4096xf32>
    %add3A_2789 = arith.addf %add3A_2787, %slice3A_2788 : vector<8x4096xf32>
    %lt3A_2790 = arith.cmpf olt, %add3A_2789, %select_n3A_2778 : vector<8x4096xf32>
    %select_n3A_2791 = arith.select %lt3A_2790, %add3A_2789, %select_n3A_2778 : vector<8x4096xi1>, vector<8x4096xf32>
    %jit3A_2792 = arith.constant 214 : i32
    %broadcast_in_dim3A_2793 = vector.broadcast %jit3A_2792 : i32 to vector<8x4096xi32>
    %select_n3A_2794 = arith.select %lt3A_2790, %broadcast_in_dim3A_2793, %select_n3A_2781 : vector<8x4096xi1>, vector<8x4096xi32>
    %get3A_2795 = arith.constant 1720 : index
    %get3A_2796 = arith.constant 0 : index
    %get3A_2797 = vector.load %arg5[%get3A_2795, %get3A_2796] : memref<2736x1xf32, #tpu.memory_space<vmem>>, vector<8x1xf32>
    %add3A_2798 = vector.broadcast %get3A_8 : vector<1x4096xf32> to vector<8x4096xf32>
    %add3A_2799 = vector.broadcast %get3A_2797 : vector<8x1xf32> to vector<8x4096xf32>
    %add3A_2800 = arith.addf %add3A_2798, %add3A_2799 : vector<8x4096xf32>
    %slice3A_2801 = vector.extract_strided_slice %dot_general3A_5 {offsets = [1720, 0], sizes = [8, 4096], strides = [1, 1]} : vector<2736x4096xf32> to vector<8x4096xf32>
    %add3A_2802 = arith.addf %add3A_2800, %slice3A_2801 : vector<8x4096xf32>
    %lt3A_2803 = arith.cmpf olt, %add3A_2802, %select_n3A_2791 : vector<8x4096xf32>
    %select_n3A_2804 = arith.select %lt3A_2803, %add3A_2802, %select_n3A_2791 : vector<8x4096xi1>, vector<8x4096xf32>
    %jit3A_2805 = arith.constant 215 : i32
    %broadcast_in_dim3A_2806 = vector.broadcast %jit3A_2805 : i32 to vector<8x4096xi32>
    %select_n3A_2807 = arith.select %lt3A_2803, %broadcast_in_dim3A_2806, %select_n3A_2794 : vector<8x4096xi1>, vector<8x4096xi32>
    %get3A_2808 = arith.constant 1728 : index
    %get3A_2809 = arith.constant 0 : index
    %get3A_2810 = vector.load %arg5[%get3A_2808, %get3A_2809] : memref<2736x1xf32, #tpu.memory_space<vmem>>, vector<8x1xf32>
    %add3A_2811 = vector.broadcast %get3A_8 : vector<1x4096xf32> to vector<8x4096xf32>
    %add3A_2812 = vector.broadcast %get3A_2810 : vector<8x1xf32> to vector<8x4096xf32>
    %add3A_2813 = arith.addf %add3A_2811, %add3A_2812 : vector<8x4096xf32>
    %slice3A_2814 = vector.extract_strided_slice %dot_general3A_5 {offsets = [1728, 0], sizes = [8, 4096], strides = [1, 1]} : vector<2736x4096xf32> to vector<8x4096xf32>
    %add3A_2815 = arith.addf %add3A_2813, %slice3A_2814 : vector<8x4096xf32>
    %lt3A_2816 = arith.cmpf olt, %add3A_2815, %select_n3A_2804 : vector<8x4096xf32>
    %select_n3A_2817 = arith.select %lt3A_2816, %add3A_2815, %select_n3A_2804 : vector<8x4096xi1>, vector<8x4096xf32>
    %jit3A_2818 = arith.constant 216 : i32
    %broadcast_in_dim3A_2819 = vector.broadcast %jit3A_2818 : i32 to vector<8x4096xi32>
    %select_n3A_2820 = arith.select %lt3A_2816, %broadcast_in_dim3A_2819, %select_n3A_2807 : vector<8x4096xi1>, vector<8x4096xi32>
    %get3A_2821 = arith.constant 1736 : index
    %get3A_2822 = arith.constant 0 : index
    %get3A_2823 = vector.load %arg5[%get3A_2821, %get3A_2822] : memref<2736x1xf32, #tpu.memory_space<vmem>>, vector<8x1xf32>
    %add3A_2824 = vector.broadcast %get3A_8 : vector<1x4096xf32> to vector<8x4096xf32>
    %add3A_2825 = vector.broadcast %get3A_2823 : vector<8x1xf32> to vector<8x4096xf32>
    %add3A_2826 = arith.addf %add3A_2824, %add3A_2825 : vector<8x4096xf32>
    %slice3A_2827 = vector.extract_strided_slice %dot_general3A_5 {offsets = [1736, 0], sizes = [8, 4096], strides = [1, 1]} : vector<2736x4096xf32> to vector<8x4096xf32>
    %add3A_2828 = arith.addf %add3A_2826, %slice3A_2827 : vector<8x4096xf32>
    %lt3A_2829 = arith.cmpf olt, %add3A_2828, %select_n3A_2817 : vector<8x4096xf32>
    %select_n3A_2830 = arith.select %lt3A_2829, %add3A_2828, %select_n3A_2817 : vector<8x4096xi1>, vector<8x4096xf32>
    %jit3A_2831 = arith.constant 217 : i32
    %broadcast_in_dim3A_2832 = vector.broadcast %jit3A_2831 : i32 to vector<8x4096xi32>
    %select_n3A_2833 = arith.select %lt3A_2829, %broadcast_in_dim3A_2832, %select_n3A_2820 : vector<8x4096xi1>, vector<8x4096xi32>
    %get3A_2834 = arith.constant 1744 : index
    %get3A_2835 = arith.constant 0 : index
    %get3A_2836 = vector.load %arg5[%get3A_2834, %get3A_2835] : memref<2736x1xf32, #tpu.memory_space<vmem>>, vector<8x1xf32>
    %add3A_2837 = vector.broadcast %get3A_8 : vector<1x4096xf32> to vector<8x4096xf32>
    %add3A_2838 = vector.broadcast %get3A_2836 : vector<8x1xf32> to vector<8x4096xf32>
    %add3A_2839 = arith.addf %add3A_2837, %add3A_2838 : vector<8x4096xf32>
    %slice3A_2840 = vector.extract_strided_slice %dot_general3A_5 {offsets = [1744, 0], sizes = [8, 4096], strides = [1, 1]} : vector<2736x4096xf32> to vector<8x4096xf32>
    %add3A_2841 = arith.addf %add3A_2839, %slice3A_2840 : vector<8x4096xf32>
    %lt3A_2842 = arith.cmpf olt, %add3A_2841, %select_n3A_2830 : vector<8x4096xf32>
    %select_n3A_2843 = arith.select %lt3A_2842, %add3A_2841, %select_n3A_2830 : vector<8x4096xi1>, vector<8x4096xf32>
    %jit3A_2844 = arith.constant 218 : i32
    %broadcast_in_dim3A_2845 = vector.broadcast %jit3A_2844 : i32 to vector<8x4096xi32>
    %select_n3A_2846 = arith.select %lt3A_2842, %broadcast_in_dim3A_2845, %select_n3A_2833 : vector<8x4096xi1>, vector<8x4096xi32>
    %get3A_2847 = arith.constant 1752 : index
    %get3A_2848 = arith.constant 0 : index
    %get3A_2849 = vector.load %arg5[%get3A_2847, %get3A_2848] : memref<2736x1xf32, #tpu.memory_space<vmem>>, vector<8x1xf32>
    %add3A_2850 = vector.broadcast %get3A_8 : vector<1x4096xf32> to vector<8x4096xf32>
    %add3A_2851 = vector.broadcast %get3A_2849 : vector<8x1xf32> to vector<8x4096xf32>
    %add3A_2852 = arith.addf %add3A_2850, %add3A_2851 : vector<8x4096xf32>
    %slice3A_2853 = vector.extract_strided_slice %dot_general3A_5 {offsets = [1752, 0], sizes = [8, 4096], strides = [1, 1]} : vector<2736x4096xf32> to vector<8x4096xf32>
    %add3A_2854 = arith.addf %add3A_2852, %slice3A_2853 : vector<8x4096xf32>
    %lt3A_2855 = arith.cmpf olt, %add3A_2854, %select_n3A_2843 : vector<8x4096xf32>
    %select_n3A_2856 = arith.select %lt3A_2855, %add3A_2854, %select_n3A_2843 : vector<8x4096xi1>, vector<8x4096xf32>
    %jit3A_2857 = arith.constant 219 : i32
    %broadcast_in_dim3A_2858 = vector.broadcast %jit3A_2857 : i32 to vector<8x4096xi32>
    %select_n3A_2859 = arith.select %lt3A_2855, %broadcast_in_dim3A_2858, %select_n3A_2846 : vector<8x4096xi1>, vector<8x4096xi32>
    %get3A_2860 = arith.constant 1760 : index
    %get3A_2861 = arith.constant 0 : index
    %get3A_2862 = vector.load %arg5[%get3A_2860, %get3A_2861] : memref<2736x1xf32, #tpu.memory_space<vmem>>, vector<8x1xf32>
    %add3A_2863 = vector.broadcast %get3A_8 : vector<1x4096xf32> to vector<8x4096xf32>
    %add3A_2864 = vector.broadcast %get3A_2862 : vector<8x1xf32> to vector<8x4096xf32>
    %add3A_2865 = arith.addf %add3A_2863, %add3A_2864 : vector<8x4096xf32>
    %slice3A_2866 = vector.extract_strided_slice %dot_general3A_5 {offsets = [1760, 0], sizes = [8, 4096], strides = [1, 1]} : vector<2736x4096xf32> to vector<8x4096xf32>
    %add3A_2867 = arith.addf %add3A_2865, %slice3A_2866 : vector<8x4096xf32>
    %lt3A_2868 = arith.cmpf olt, %add3A_2867, %select_n3A_2856 : vector<8x4096xf32>
    %select_n3A_2869 = arith.select %lt3A_2868, %add3A_2867, %select_n3A_2856 : vector<8x4096xi1>, vector<8x4096xf32>
    %jit3A_2870 = arith.constant 220 : i32
    %broadcast_in_dim3A_2871 = vector.broadcast %jit3A_2870 : i32 to vector<8x4096xi32>
    %select_n3A_2872 = arith.select %lt3A_2868, %broadcast_in_dim3A_2871, %select_n3A_2859 : vector<8x4096xi1>, vector<8x4096xi32>
    %get3A_2873 = arith.constant 1768 : index
    %get3A_2874 = arith.constant 0 : index
    %get3A_2875 = vector.load %arg5[%get3A_2873, %get3A_2874] : memref<2736x1xf32, #tpu.memory_space<vmem>>, vector<8x1xf32>
    %add3A_2876 = vector.broadcast %get3A_8 : vector<1x4096xf32> to vector<8x4096xf32>
    %add3A_2877 = vector.broadcast %get3A_2875 : vector<8x1xf32> to vector<8x4096xf32>
    %add3A_2878 = arith.addf %add3A_2876, %add3A_2877 : vector<8x4096xf32>
    %slice3A_2879 = vector.extract_strided_slice %dot_general3A_5 {offsets = [1768, 0], sizes = [8, 4096], strides = [1, 1]} : vector<2736x4096xf32> to vector<8x4096xf32>
    %add3A_2880 = arith.addf %add3A_2878, %slice3A_2879 : vector<8x4096xf32>
    %lt3A_2881 = arith.cmpf olt, %add3A_2880, %select_n3A_2869 : vector<8x4096xf32>
    %select_n3A_2882 = arith.select %lt3A_2881, %add3A_2880, %select_n3A_2869 : vector<8x4096xi1>, vector<8x4096xf32>
    %jit3A_2883 = arith.constant 221 : i32
    %broadcast_in_dim3A_2884 = vector.broadcast %jit3A_2883 : i32 to vector<8x4096xi32>
    %select_n3A_2885 = arith.select %lt3A_2881, %broadcast_in_dim3A_2884, %select_n3A_2872 : vector<8x4096xi1>, vector<8x4096xi32>
    %get3A_2886 = arith.constant 1776 : index
    %get3A_2887 = arith.constant 0 : index
    %get3A_2888 = vector.load %arg5[%get3A_2886, %get3A_2887] : memref<2736x1xf32, #tpu.memory_space<vmem>>, vector<8x1xf32>
    %add3A_2889 = vector.broadcast %get3A_8 : vector<1x4096xf32> to vector<8x4096xf32>
    %add3A_2890 = vector.broadcast %get3A_2888 : vector<8x1xf32> to vector<8x4096xf32>
    %add3A_2891 = arith.addf %add3A_2889, %add3A_2890 : vector<8x4096xf32>
    %slice3A_2892 = vector.extract_strided_slice %dot_general3A_5 {offsets = [1776, 0], sizes = [8, 4096], strides = [1, 1]} : vector<2736x4096xf32> to vector<8x4096xf32>
    %add3A_2893 = arith.addf %add3A_2891, %slice3A_2892 : vector<8x4096xf32>
    %lt3A_2894 = arith.cmpf olt, %add3A_2893, %select_n3A_2882 : vector<8x4096xf32>
    %select_n3A_2895 = arith.select %lt3A_2894, %add3A_2893, %select_n3A_2882 : vector<8x4096xi1>, vector<8x4096xf32>
    %jit3A_2896 = arith.constant 222 : i32
    %broadcast_in_dim3A_2897 = vector.broadcast %jit3A_2896 : i32 to vector<8x4096xi32>
    %select_n3A_2898 = arith.select %lt3A_2894, %broadcast_in_dim3A_2897, %select_n3A_2885 : vector<8x4096xi1>, vector<8x4096xi32>
    %get3A_2899 = arith.constant 1784 : index
    %get3A_2900 = arith.constant 0 : index
    %get3A_2901 = vector.load %arg5[%get3A_2899, %get3A_2900] : memref<2736x1xf32, #tpu.memory_space<vmem>>, vector<8x1xf32>
    %add3A_2902 = vector.broadcast %get3A_8 : vector<1x4096xf32> to vector<8x4096xf32>
    %add3A_2903 = vector.broadcast %get3A_2901 : vector<8x1xf32> to vector<8x4096xf32>
    %add3A_2904 = arith.addf %add3A_2902, %add3A_2903 : vector<8x4096xf32>
    %slice3A_2905 = vector.extract_strided_slice %dot_general3A_5 {offsets = [1784, 0], sizes = [8, 4096], strides = [1, 1]} : vector<2736x4096xf32> to vector<8x4096xf32>
    %add3A_2906 = arith.addf %add3A_2904, %slice3A_2905 : vector<8x4096xf32>
    %lt3A_2907 = arith.cmpf olt, %add3A_2906, %select_n3A_2895 : vector<8x4096xf32>
    %select_n3A_2908 = arith.select %lt3A_2907, %add3A_2906, %select_n3A_2895 : vector<8x4096xi1>, vector<8x4096xf32>
    %jit3A_2909 = arith.constant 223 : i32
    %broadcast_in_dim3A_2910 = vector.broadcast %jit3A_2909 : i32 to vector<8x4096xi32>
    %select_n3A_2911 = arith.select %lt3A_2907, %broadcast_in_dim3A_2910, %select_n3A_2898 : vector<8x4096xi1>, vector<8x4096xi32>
    %get3A_2912 = arith.constant 1792 : index
    %get3A_2913 = arith.constant 0 : index
    %get3A_2914 = vector.load %arg5[%get3A_2912, %get3A_2913] : memref<2736x1xf32, #tpu.memory_space<vmem>>, vector<8x1xf32>
    %add3A_2915 = vector.broadcast %get3A_8 : vector<1x4096xf32> to vector<8x4096xf32>
    %add3A_2916 = vector.broadcast %get3A_2914 : vector<8x1xf32> to vector<8x4096xf32>
    %add3A_2917 = arith.addf %add3A_2915, %add3A_2916 : vector<8x4096xf32>
    %slice3A_2918 = vector.extract_strided_slice %dot_general3A_5 {offsets = [1792, 0], sizes = [8, 4096], strides = [1, 1]} : vector<2736x4096xf32> to vector<8x4096xf32>
    %add3A_2919 = arith.addf %add3A_2917, %slice3A_2918 : vector<8x4096xf32>
    %lt3A_2920 = arith.cmpf olt, %add3A_2919, %select_n3A_2908 : vector<8x4096xf32>
    %select_n3A_2921 = arith.select %lt3A_2920, %add3A_2919, %select_n3A_2908 : vector<8x4096xi1>, vector<8x4096xf32>
    %jit3A_2922 = arith.constant 224 : i32
    %broadcast_in_dim3A_2923 = vector.broadcast %jit3A_2922 : i32 to vector<8x4096xi32>
    %select_n3A_2924 = arith.select %lt3A_2920, %broadcast_in_dim3A_2923, %select_n3A_2911 : vector<8x4096xi1>, vector<8x4096xi32>
    %get3A_2925 = arith.constant 1800 : index
    %get3A_2926 = arith.constant 0 : index
    %get3A_2927 = vector.load %arg5[%get3A_2925, %get3A_2926] : memref<2736x1xf32, #tpu.memory_space<vmem>>, vector<8x1xf32>
    %add3A_2928 = vector.broadcast %get3A_8 : vector<1x4096xf32> to vector<8x4096xf32>
    %add3A_2929 = vector.broadcast %get3A_2927 : vector<8x1xf32> to vector<8x4096xf32>
    %add3A_2930 = arith.addf %add3A_2928, %add3A_2929 : vector<8x4096xf32>
    %slice3A_2931 = vector.extract_strided_slice %dot_general3A_5 {offsets = [1800, 0], sizes = [8, 4096], strides = [1, 1]} : vector<2736x4096xf32> to vector<8x4096xf32>
    %add3A_2932 = arith.addf %add3A_2930, %slice3A_2931 : vector<8x4096xf32>
    %lt3A_2933 = arith.cmpf olt, %add3A_2932, %select_n3A_2921 : vector<8x4096xf32>
    %select_n3A_2934 = arith.select %lt3A_2933, %add3A_2932, %select_n3A_2921 : vector<8x4096xi1>, vector<8x4096xf32>
    %jit3A_2935 = arith.constant 225 : i32
    %broadcast_in_dim3A_2936 = vector.broadcast %jit3A_2935 : i32 to vector<8x4096xi32>
    %select_n3A_2937 = arith.select %lt3A_2933, %broadcast_in_dim3A_2936, %select_n3A_2924 : vector<8x4096xi1>, vector<8x4096xi32>
    %get3A_2938 = arith.constant 1808 : index
    %get3A_2939 = arith.constant 0 : index
    %get3A_2940 = vector.load %arg5[%get3A_2938, %get3A_2939] : memref<2736x1xf32, #tpu.memory_space<vmem>>, vector<8x1xf32>
    %add3A_2941 = vector.broadcast %get3A_8 : vector<1x4096xf32> to vector<8x4096xf32>
    %add3A_2942 = vector.broadcast %get3A_2940 : vector<8x1xf32> to vector<8x4096xf32>
    %add3A_2943 = arith.addf %add3A_2941, %add3A_2942 : vector<8x4096xf32>
    %slice3A_2944 = vector.extract_strided_slice %dot_general3A_5 {offsets = [1808, 0], sizes = [8, 4096], strides = [1, 1]} : vector<2736x4096xf32> to vector<8x4096xf32>
    %add3A_2945 = arith.addf %add3A_2943, %slice3A_2944 : vector<8x4096xf32>
    %lt3A_2946 = arith.cmpf olt, %add3A_2945, %select_n3A_2934 : vector<8x4096xf32>
    %select_n3A_2947 = arith.select %lt3A_2946, %add3A_2945, %select_n3A_2934 : vector<8x4096xi1>, vector<8x4096xf32>
    %jit3A_2948 = arith.constant 226 : i32
    %broadcast_in_dim3A_2949 = vector.broadcast %jit3A_2948 : i32 to vector<8x4096xi32>
    %select_n3A_2950 = arith.select %lt3A_2946, %broadcast_in_dim3A_2949, %select_n3A_2937 : vector<8x4096xi1>, vector<8x4096xi32>
    %get3A_2951 = arith.constant 1816 : index
    %get3A_2952 = arith.constant 0 : index
    %get3A_2953 = vector.load %arg5[%get3A_2951, %get3A_2952] : memref<2736x1xf32, #tpu.memory_space<vmem>>, vector<8x1xf32>
    %add3A_2954 = vector.broadcast %get3A_8 : vector<1x4096xf32> to vector<8x4096xf32>
    %add3A_2955 = vector.broadcast %get3A_2953 : vector<8x1xf32> to vector<8x4096xf32>
    %add3A_2956 = arith.addf %add3A_2954, %add3A_2955 : vector<8x4096xf32>
    %slice3A_2957 = vector.extract_strided_slice %dot_general3A_5 {offsets = [1816, 0], sizes = [8, 4096], strides = [1, 1]} : vector<2736x4096xf32> to vector<8x4096xf32>
    %add3A_2958 = arith.addf %add3A_2956, %slice3A_2957 : vector<8x4096xf32>
    %lt3A_2959 = arith.cmpf olt, %add3A_2958, %select_n3A_2947 : vector<8x4096xf32>
    %select_n3A_2960 = arith.select %lt3A_2959, %add3A_2958, %select_n3A_2947 : vector<8x4096xi1>, vector<8x4096xf32>
    %jit3A_2961 = arith.constant 227 : i32
    %broadcast_in_dim3A_2962 = vector.broadcast %jit3A_2961 : i32 to vector<8x4096xi32>
    %select_n3A_2963 = arith.select %lt3A_2959, %broadcast_in_dim3A_2962, %select_n3A_2950 : vector<8x4096xi1>, vector<8x4096xi32>
    %get3A_2964 = arith.constant 1824 : index
    %get3A_2965 = arith.constant 0 : index
    %get3A_2966 = vector.load %arg5[%get3A_2964, %get3A_2965] : memref<2736x1xf32, #tpu.memory_space<vmem>>, vector<8x1xf32>
    %add3A_2967 = vector.broadcast %get3A_8 : vector<1x4096xf32> to vector<8x4096xf32>
    %add3A_2968 = vector.broadcast %get3A_2966 : vector<8x1xf32> to vector<8x4096xf32>
    %add3A_2969 = arith.addf %add3A_2967, %add3A_2968 : vector<8x4096xf32>
    %slice3A_2970 = vector.extract_strided_slice %dot_general3A_5 {offsets = [1824, 0], sizes = [8, 4096], strides = [1, 1]} : vector<2736x4096xf32> to vector<8x4096xf32>
    %add3A_2971 = arith.addf %add3A_2969, %slice3A_2970 : vector<8x4096xf32>
    %lt3A_2972 = arith.cmpf olt, %add3A_2971, %select_n3A_2960 : vector<8x4096xf32>
    %select_n3A_2973 = arith.select %lt3A_2972, %add3A_2971, %select_n3A_2960 : vector<8x4096xi1>, vector<8x4096xf32>
    %jit3A_2974 = arith.constant 228 : i32
    %broadcast_in_dim3A_2975 = vector.broadcast %jit3A_2974 : i32 to vector<8x4096xi32>
    %select_n3A_2976 = arith.select %lt3A_2972, %broadcast_in_dim3A_2975, %select_n3A_2963 : vector<8x4096xi1>, vector<8x4096xi32>
    %get3A_2977 = arith.constant 1832 : index
    %get3A_2978 = arith.constant 0 : index
    %get3A_2979 = vector.load %arg5[%get3A_2977, %get3A_2978] : memref<2736x1xf32, #tpu.memory_space<vmem>>, vector<8x1xf32>
    %add3A_2980 = vector.broadcast %get3A_8 : vector<1x4096xf32> to vector<8x4096xf32>
    %add3A_2981 = vector.broadcast %get3A_2979 : vector<8x1xf32> to vector<8x4096xf32>
    %add3A_2982 = arith.addf %add3A_2980, %add3A_2981 : vector<8x4096xf32>
    %slice3A_2983 = vector.extract_strided_slice %dot_general3A_5 {offsets = [1832, 0], sizes = [8, 4096], strides = [1, 1]} : vector<2736x4096xf32> to vector<8x4096xf32>
    %add3A_2984 = arith.addf %add3A_2982, %slice3A_2983 : vector<8x4096xf32>
    %lt3A_2985 = arith.cmpf olt, %add3A_2984, %select_n3A_2973 : vector<8x4096xf32>
    %select_n3A_2986 = arith.select %lt3A_2985, %add3A_2984, %select_n3A_2973 : vector<8x4096xi1>, vector<8x4096xf32>
    %jit3A_2987 = arith.constant 229 : i32
    %broadcast_in_dim3A_2988 = vector.broadcast %jit3A_2987 : i32 to vector<8x4096xi32>
    %select_n3A_2989 = arith.select %lt3A_2985, %broadcast_in_dim3A_2988, %select_n3A_2976 : vector<8x4096xi1>, vector<8x4096xi32>
    %get3A_2990 = arith.constant 1840 : index
    %get3A_2991 = arith.constant 0 : index
    %get3A_2992 = vector.load %arg5[%get3A_2990, %get3A_2991] : memref<2736x1xf32, #tpu.memory_space<vmem>>, vector<8x1xf32>
    %add3A_2993 = vector.broadcast %get3A_8 : vector<1x4096xf32> to vector<8x4096xf32>
    %add3A_2994 = vector.broadcast %get3A_2992 : vector<8x1xf32> to vector<8x4096xf32>
    %add3A_2995 = arith.addf %add3A_2993, %add3A_2994 : vector<8x4096xf32>
    %slice3A_2996 = vector.extract_strided_slice %dot_general3A_5 {offsets = [1840, 0], sizes = [8, 4096], strides = [1, 1]} : vector<2736x4096xf32> to vector<8x4096xf32>
    %add3A_2997 = arith.addf %add3A_2995, %slice3A_2996 : vector<8x4096xf32>
    %lt3A_2998 = arith.cmpf olt, %add3A_2997, %select_n3A_2986 : vector<8x4096xf32>
    %select_n3A_2999 = arith.select %lt3A_2998, %add3A_2997, %select_n3A_2986 : vector<8x4096xi1>, vector<8x4096xf32>
    %jit3A_3000 = arith.constant 230 : i32
    %broadcast_in_dim3A_3001 = vector.broadcast %jit3A_3000 : i32 to vector<8x4096xi32>
    %select_n3A_3002 = arith.select %lt3A_2998, %broadcast_in_dim3A_3001, %select_n3A_2989 : vector<8x4096xi1>, vector<8x4096xi32>
    %get3A_3003 = arith.constant 1848 : index
    %get3A_3004 = arith.constant 0 : index
    %get3A_3005 = vector.load %arg5[%get3A_3003, %get3A_3004] : memref<2736x1xf32, #tpu.memory_space<vmem>>, vector<8x1xf32>
    %add3A_3006 = vector.broadcast %get3A_8 : vector<1x4096xf32> to vector<8x4096xf32>
    %add3A_3007 = vector.broadcast %get3A_3005 : vector<8x1xf32> to vector<8x4096xf32>
    %add3A_3008 = arith.addf %add3A_3006, %add3A_3007 : vector<8x4096xf32>
    %slice3A_3009 = vector.extract_strided_slice %dot_general3A_5 {offsets = [1848, 0], sizes = [8, 4096], strides = [1, 1]} : vector<2736x4096xf32> to vector<8x4096xf32>
    %add3A_3010 = arith.addf %add3A_3008, %slice3A_3009 : vector<8x4096xf32>
    %lt3A_3011 = arith.cmpf olt, %add3A_3010, %select_n3A_2999 : vector<8x4096xf32>
    %select_n3A_3012 = arith.select %lt3A_3011, %add3A_3010, %select_n3A_2999 : vector<8x4096xi1>, vector<8x4096xf32>
    %jit3A_3013 = arith.constant 231 : i32
    %broadcast_in_dim3A_3014 = vector.broadcast %jit3A_3013 : i32 to vector<8x4096xi32>
    %select_n3A_3015 = arith.select %lt3A_3011, %broadcast_in_dim3A_3014, %select_n3A_3002 : vector<8x4096xi1>, vector<8x4096xi32>
    %get3A_3016 = arith.constant 1856 : index
    %get3A_3017 = arith.constant 0 : index
    %get3A_3018 = vector.load %arg5[%get3A_3016, %get3A_3017] : memref<2736x1xf32, #tpu.memory_space<vmem>>, vector<8x1xf32>
    %add3A_3019 = vector.broadcast %get3A_8 : vector<1x4096xf32> to vector<8x4096xf32>
    %add3A_3020 = vector.broadcast %get3A_3018 : vector<8x1xf32> to vector<8x4096xf32>
    %add3A_3021 = arith.addf %add3A_3019, %add3A_3020 : vector<8x4096xf32>
    %slice3A_3022 = vector.extract_strided_slice %dot_general3A_5 {offsets = [1856, 0], sizes = [8, 4096], strides = [1, 1]} : vector<2736x4096xf32> to vector<8x4096xf32>
    %add3A_3023 = arith.addf %add3A_3021, %slice3A_3022 : vector<8x4096xf32>
    %lt3A_3024 = arith.cmpf olt, %add3A_3023, %select_n3A_3012 : vector<8x4096xf32>
    %select_n3A_3025 = arith.select %lt3A_3024, %add3A_3023, %select_n3A_3012 : vector<8x4096xi1>, vector<8x4096xf32>
    %jit3A_3026 = arith.constant 232 : i32
    %broadcast_in_dim3A_3027 = vector.broadcast %jit3A_3026 : i32 to vector<8x4096xi32>
    %select_n3A_3028 = arith.select %lt3A_3024, %broadcast_in_dim3A_3027, %select_n3A_3015 : vector<8x4096xi1>, vector<8x4096xi32>
    %get3A_3029 = arith.constant 1864 : index
    %get3A_3030 = arith.constant 0 : index
    %get3A_3031 = vector.load %arg5[%get3A_3029, %get3A_3030] : memref<2736x1xf32, #tpu.memory_space<vmem>>, vector<8x1xf32>
    %add3A_3032 = vector.broadcast %get3A_8 : vector<1x4096xf32> to vector<8x4096xf32>
    %add3A_3033 = vector.broadcast %get3A_3031 : vector<8x1xf32> to vector<8x4096xf32>
    %add3A_3034 = arith.addf %add3A_3032, %add3A_3033 : vector<8x4096xf32>
    %slice3A_3035 = vector.extract_strided_slice %dot_general3A_5 {offsets = [1864, 0], sizes = [8, 4096], strides = [1, 1]} : vector<2736x4096xf32> to vector<8x4096xf32>
    %add3A_3036 = arith.addf %add3A_3034, %slice3A_3035 : vector<8x4096xf32>
    %lt3A_3037 = arith.cmpf olt, %add3A_3036, %select_n3A_3025 : vector<8x4096xf32>
    %select_n3A_3038 = arith.select %lt3A_3037, %add3A_3036, %select_n3A_3025 : vector<8x4096xi1>, vector<8x4096xf32>
    %jit3A_3039 = arith.constant 233 : i32
    %broadcast_in_dim3A_3040 = vector.broadcast %jit3A_3039 : i32 to vector<8x4096xi32>
    %select_n3A_3041 = arith.select %lt3A_3037, %broadcast_in_dim3A_3040, %select_n3A_3028 : vector<8x4096xi1>, vector<8x4096xi32>
    %get3A_3042 = arith.constant 1872 : index
    %get3A_3043 = arith.constant 0 : index
    %get3A_3044 = vector.load %arg5[%get3A_3042, %get3A_3043] : memref<2736x1xf32, #tpu.memory_space<vmem>>, vector<8x1xf32>
    %add3A_3045 = vector.broadcast %get3A_8 : vector<1x4096xf32> to vector<8x4096xf32>
    %add3A_3046 = vector.broadcast %get3A_3044 : vector<8x1xf32> to vector<8x4096xf32>
    %add3A_3047 = arith.addf %add3A_3045, %add3A_3046 : vector<8x4096xf32>
    %slice3A_3048 = vector.extract_strided_slice %dot_general3A_5 {offsets = [1872, 0], sizes = [8, 4096], strides = [1, 1]} : vector<2736x4096xf32> to vector<8x4096xf32>
    %add3A_3049 = arith.addf %add3A_3047, %slice3A_3048 : vector<8x4096xf32>
    %lt3A_3050 = arith.cmpf olt, %add3A_3049, %select_n3A_3038 : vector<8x4096xf32>
    %select_n3A_3051 = arith.select %lt3A_3050, %add3A_3049, %select_n3A_3038 : vector<8x4096xi1>, vector<8x4096xf32>
    %jit3A_3052 = arith.constant 234 : i32
    %broadcast_in_dim3A_3053 = vector.broadcast %jit3A_3052 : i32 to vector<8x4096xi32>
    %select_n3A_3054 = arith.select %lt3A_3050, %broadcast_in_dim3A_3053, %select_n3A_3041 : vector<8x4096xi1>, vector<8x4096xi32>
    %get3A_3055 = arith.constant 1880 : index
    %get3A_3056 = arith.constant 0 : index
    %get3A_3057 = vector.load %arg5[%get3A_3055, %get3A_3056] : memref<2736x1xf32, #tpu.memory_space<vmem>>, vector<8x1xf32>
    %add3A_3058 = vector.broadcast %get3A_8 : vector<1x4096xf32> to vector<8x4096xf32>
    %add3A_3059 = vector.broadcast %get3A_3057 : vector<8x1xf32> to vector<8x4096xf32>
    %add3A_3060 = arith.addf %add3A_3058, %add3A_3059 : vector<8x4096xf32>
    %slice3A_3061 = vector.extract_strided_slice %dot_general3A_5 {offsets = [1880, 0], sizes = [8, 4096], strides = [1, 1]} : vector<2736x4096xf32> to vector<8x4096xf32>
    %add3A_3062 = arith.addf %add3A_3060, %slice3A_3061 : vector<8x4096xf32>
    %lt3A_3063 = arith.cmpf olt, %add3A_3062, %select_n3A_3051 : vector<8x4096xf32>
    %select_n3A_3064 = arith.select %lt3A_3063, %add3A_3062, %select_n3A_3051 : vector<8x4096xi1>, vector<8x4096xf32>
    %jit3A_3065 = arith.constant 235 : i32
    %broadcast_in_dim3A_3066 = vector.broadcast %jit3A_3065 : i32 to vector<8x4096xi32>
    %select_n3A_3067 = arith.select %lt3A_3063, %broadcast_in_dim3A_3066, %select_n3A_3054 : vector<8x4096xi1>, vector<8x4096xi32>
    %get3A_3068 = arith.constant 1888 : index
    %get3A_3069 = arith.constant 0 : index
    %get3A_3070 = vector.load %arg5[%get3A_3068, %get3A_3069] : memref<2736x1xf32, #tpu.memory_space<vmem>>, vector<8x1xf32>
    %add3A_3071 = vector.broadcast %get3A_8 : vector<1x4096xf32> to vector<8x4096xf32>
    %add3A_3072 = vector.broadcast %get3A_3070 : vector<8x1xf32> to vector<8x4096xf32>
    %add3A_3073 = arith.addf %add3A_3071, %add3A_3072 : vector<8x4096xf32>
    %slice3A_3074 = vector.extract_strided_slice %dot_general3A_5 {offsets = [1888, 0], sizes = [8, 4096], strides = [1, 1]} : vector<2736x4096xf32> to vector<8x4096xf32>
    %add3A_3075 = arith.addf %add3A_3073, %slice3A_3074 : vector<8x4096xf32>
    %lt3A_3076 = arith.cmpf olt, %add3A_3075, %select_n3A_3064 : vector<8x4096xf32>
    %select_n3A_3077 = arith.select %lt3A_3076, %add3A_3075, %select_n3A_3064 : vector<8x4096xi1>, vector<8x4096xf32>
    %jit3A_3078 = arith.constant 236 : i32
    %broadcast_in_dim3A_3079 = vector.broadcast %jit3A_3078 : i32 to vector<8x4096xi32>
    %select_n3A_3080 = arith.select %lt3A_3076, %broadcast_in_dim3A_3079, %select_n3A_3067 : vector<8x4096xi1>, vector<8x4096xi32>
    %get3A_3081 = arith.constant 1896 : index
    %get3A_3082 = arith.constant 0 : index
    %get3A_3083 = vector.load %arg5[%get3A_3081, %get3A_3082] : memref<2736x1xf32, #tpu.memory_space<vmem>>, vector<8x1xf32>
    %add3A_3084 = vector.broadcast %get3A_8 : vector<1x4096xf32> to vector<8x4096xf32>
    %add3A_3085 = vector.broadcast %get3A_3083 : vector<8x1xf32> to vector<8x4096xf32>
    %add3A_3086 = arith.addf %add3A_3084, %add3A_3085 : vector<8x4096xf32>
    %slice3A_3087 = vector.extract_strided_slice %dot_general3A_5 {offsets = [1896, 0], sizes = [8, 4096], strides = [1, 1]} : vector<2736x4096xf32> to vector<8x4096xf32>
    %add3A_3088 = arith.addf %add3A_3086, %slice3A_3087 : vector<8x4096xf32>
    %lt3A_3089 = arith.cmpf olt, %add3A_3088, %select_n3A_3077 : vector<8x4096xf32>
    %select_n3A_3090 = arith.select %lt3A_3089, %add3A_3088, %select_n3A_3077 : vector<8x4096xi1>, vector<8x4096xf32>
    %jit3A_3091 = arith.constant 237 : i32
    %broadcast_in_dim3A_3092 = vector.broadcast %jit3A_3091 : i32 to vector<8x4096xi32>
    %select_n3A_3093 = arith.select %lt3A_3089, %broadcast_in_dim3A_3092, %select_n3A_3080 : vector<8x4096xi1>, vector<8x4096xi32>
    %get3A_3094 = arith.constant 1904 : index
    %get3A_3095 = arith.constant 0 : index
    %get3A_3096 = vector.load %arg5[%get3A_3094, %get3A_3095] : memref<2736x1xf32, #tpu.memory_space<vmem>>, vector<8x1xf32>
    %add3A_3097 = vector.broadcast %get3A_8 : vector<1x4096xf32> to vector<8x4096xf32>
    %add3A_3098 = vector.broadcast %get3A_3096 : vector<8x1xf32> to vector<8x4096xf32>
    %add3A_3099 = arith.addf %add3A_3097, %add3A_3098 : vector<8x4096xf32>
    %slice3A_3100 = vector.extract_strided_slice %dot_general3A_5 {offsets = [1904, 0], sizes = [8, 4096], strides = [1, 1]} : vector<2736x4096xf32> to vector<8x4096xf32>
    %add3A_3101 = arith.addf %add3A_3099, %slice3A_3100 : vector<8x4096xf32>
    %lt3A_3102 = arith.cmpf olt, %add3A_3101, %select_n3A_3090 : vector<8x4096xf32>
    %select_n3A_3103 = arith.select %lt3A_3102, %add3A_3101, %select_n3A_3090 : vector<8x4096xi1>, vector<8x4096xf32>
    %jit3A_3104 = arith.constant 238 : i32
    %broadcast_in_dim3A_3105 = vector.broadcast %jit3A_3104 : i32 to vector<8x4096xi32>
    %select_n3A_3106 = arith.select %lt3A_3102, %broadcast_in_dim3A_3105, %select_n3A_3093 : vector<8x4096xi1>, vector<8x4096xi32>
    %get3A_3107 = arith.constant 1912 : index
    %get3A_3108 = arith.constant 0 : index
    %get3A_3109 = vector.load %arg5[%get3A_3107, %get3A_3108] : memref<2736x1xf32, #tpu.memory_space<vmem>>, vector<8x1xf32>
    %add3A_3110 = vector.broadcast %get3A_8 : vector<1x4096xf32> to vector<8x4096xf32>
    %add3A_3111 = vector.broadcast %get3A_3109 : vector<8x1xf32> to vector<8x4096xf32>
    %add3A_3112 = arith.addf %add3A_3110, %add3A_3111 : vector<8x4096xf32>
    %slice3A_3113 = vector.extract_strided_slice %dot_general3A_5 {offsets = [1912, 0], sizes = [8, 4096], strides = [1, 1]} : vector<2736x4096xf32> to vector<8x4096xf32>
    %add3A_3114 = arith.addf %add3A_3112, %slice3A_3113 : vector<8x4096xf32>
    %lt3A_3115 = arith.cmpf olt, %add3A_3114, %select_n3A_3103 : vector<8x4096xf32>
    %select_n3A_3116 = arith.select %lt3A_3115, %add3A_3114, %select_n3A_3103 : vector<8x4096xi1>, vector<8x4096xf32>
    %jit3A_3117 = arith.constant 239 : i32
    %broadcast_in_dim3A_3118 = vector.broadcast %jit3A_3117 : i32 to vector<8x4096xi32>
    %select_n3A_3119 = arith.select %lt3A_3115, %broadcast_in_dim3A_3118, %select_n3A_3106 : vector<8x4096xi1>, vector<8x4096xi32>
    %get3A_3120 = arith.constant 1920 : index
    %get3A_3121 = arith.constant 0 : index
    %get3A_3122 = vector.load %arg5[%get3A_3120, %get3A_3121] : memref<2736x1xf32, #tpu.memory_space<vmem>>, vector<8x1xf32>
    %add3A_3123 = vector.broadcast %get3A_8 : vector<1x4096xf32> to vector<8x4096xf32>
    %add3A_3124 = vector.broadcast %get3A_3122 : vector<8x1xf32> to vector<8x4096xf32>
    %add3A_3125 = arith.addf %add3A_3123, %add3A_3124 : vector<8x4096xf32>
    %slice3A_3126 = vector.extract_strided_slice %dot_general3A_5 {offsets = [1920, 0], sizes = [8, 4096], strides = [1, 1]} : vector<2736x4096xf32> to vector<8x4096xf32>
    %add3A_3127 = arith.addf %add3A_3125, %slice3A_3126 : vector<8x4096xf32>
    %lt3A_3128 = arith.cmpf olt, %add3A_3127, %select_n3A_3116 : vector<8x4096xf32>
    %select_n3A_3129 = arith.select %lt3A_3128, %add3A_3127, %select_n3A_3116 : vector<8x4096xi1>, vector<8x4096xf32>
    %jit3A_3130 = arith.constant 240 : i32
    %broadcast_in_dim3A_3131 = vector.broadcast %jit3A_3130 : i32 to vector<8x4096xi32>
    %select_n3A_3132 = arith.select %lt3A_3128, %broadcast_in_dim3A_3131, %select_n3A_3119 : vector<8x4096xi1>, vector<8x4096xi32>
    %get3A_3133 = arith.constant 1928 : index
    %get3A_3134 = arith.constant 0 : index
    %get3A_3135 = vector.load %arg5[%get3A_3133, %get3A_3134] : memref<2736x1xf32, #tpu.memory_space<vmem>>, vector<8x1xf32>
    %add3A_3136 = vector.broadcast %get3A_8 : vector<1x4096xf32> to vector<8x4096xf32>
    %add3A_3137 = vector.broadcast %get3A_3135 : vector<8x1xf32> to vector<8x4096xf32>
    %add3A_3138 = arith.addf %add3A_3136, %add3A_3137 : vector<8x4096xf32>
    %slice3A_3139 = vector.extract_strided_slice %dot_general3A_5 {offsets = [1928, 0], sizes = [8, 4096], strides = [1, 1]} : vector<2736x4096xf32> to vector<8x4096xf32>
    %add3A_3140 = arith.addf %add3A_3138, %slice3A_3139 : vector<8x4096xf32>
    %lt3A_3141 = arith.cmpf olt, %add3A_3140, %select_n3A_3129 : vector<8x4096xf32>
    %select_n3A_3142 = arith.select %lt3A_3141, %add3A_3140, %select_n3A_3129 : vector<8x4096xi1>, vector<8x4096xf32>
    %jit3A_3143 = arith.constant 241 : i32
    %broadcast_in_dim3A_3144 = vector.broadcast %jit3A_3143 : i32 to vector<8x4096xi32>
    %select_n3A_3145 = arith.select %lt3A_3141, %broadcast_in_dim3A_3144, %select_n3A_3132 : vector<8x4096xi1>, vector<8x4096xi32>
    %get3A_3146 = arith.constant 1936 : index
    %get3A_3147 = arith.constant 0 : index
    %get3A_3148 = vector.load %arg5[%get3A_3146, %get3A_3147] : memref<2736x1xf32, #tpu.memory_space<vmem>>, vector<8x1xf32>
    %add3A_3149 = vector.broadcast %get3A_8 : vector<1x4096xf32> to vector<8x4096xf32>
    %add3A_3150 = vector.broadcast %get3A_3148 : vector<8x1xf32> to vector<8x4096xf32>
    %add3A_3151 = arith.addf %add3A_3149, %add3A_3150 : vector<8x4096xf32>
    %slice3A_3152 = vector.extract_strided_slice %dot_general3A_5 {offsets = [1936, 0], sizes = [8, 4096], strides = [1, 1]} : vector<2736x4096xf32> to vector<8x4096xf32>
    %add3A_3153 = arith.addf %add3A_3151, %slice3A_3152 : vector<8x4096xf32>
    %lt3A_3154 = arith.cmpf olt, %add3A_3153, %select_n3A_3142 : vector<8x4096xf32>
    %select_n3A_3155 = arith.select %lt3A_3154, %add3A_3153, %select_n3A_3142 : vector<8x4096xi1>, vector<8x4096xf32>
    %jit3A_3156 = arith.constant 242 : i32
    %broadcast_in_dim3A_3157 = vector.broadcast %jit3A_3156 : i32 to vector<8x4096xi32>
    %select_n3A_3158 = arith.select %lt3A_3154, %broadcast_in_dim3A_3157, %select_n3A_3145 : vector<8x4096xi1>, vector<8x4096xi32>
    %get3A_3159 = arith.constant 1944 : index
    %get3A_3160 = arith.constant 0 : index
    %get3A_3161 = vector.load %arg5[%get3A_3159, %get3A_3160] : memref<2736x1xf32, #tpu.memory_space<vmem>>, vector<8x1xf32>
    %add3A_3162 = vector.broadcast %get3A_8 : vector<1x4096xf32> to vector<8x4096xf32>
    %add3A_3163 = vector.broadcast %get3A_3161 : vector<8x1xf32> to vector<8x4096xf32>
    %add3A_3164 = arith.addf %add3A_3162, %add3A_3163 : vector<8x4096xf32>
    %slice3A_3165 = vector.extract_strided_slice %dot_general3A_5 {offsets = [1944, 0], sizes = [8, 4096], strides = [1, 1]} : vector<2736x4096xf32> to vector<8x4096xf32>
    %add3A_3166 = arith.addf %add3A_3164, %slice3A_3165 : vector<8x4096xf32>
    %lt3A_3167 = arith.cmpf olt, %add3A_3166, %select_n3A_3155 : vector<8x4096xf32>
    %select_n3A_3168 = arith.select %lt3A_3167, %add3A_3166, %select_n3A_3155 : vector<8x4096xi1>, vector<8x4096xf32>
    %jit3A_3169 = arith.constant 243 : i32
    %broadcast_in_dim3A_3170 = vector.broadcast %jit3A_3169 : i32 to vector<8x4096xi32>
    %select_n3A_3171 = arith.select %lt3A_3167, %broadcast_in_dim3A_3170, %select_n3A_3158 : vector<8x4096xi1>, vector<8x4096xi32>
    %get3A_3172 = arith.constant 1952 : index
    %get3A_3173 = arith.constant 0 : index
    %get3A_3174 = vector.load %arg5[%get3A_3172, %get3A_3173] : memref<2736x1xf32, #tpu.memory_space<vmem>>, vector<8x1xf32>
    %add3A_3175 = vector.broadcast %get3A_8 : vector<1x4096xf32> to vector<8x4096xf32>
    %add3A_3176 = vector.broadcast %get3A_3174 : vector<8x1xf32> to vector<8x4096xf32>
    %add3A_3177 = arith.addf %add3A_3175, %add3A_3176 : vector<8x4096xf32>
    %slice3A_3178 = vector.extract_strided_slice %dot_general3A_5 {offsets = [1952, 0], sizes = [8, 4096], strides = [1, 1]} : vector<2736x4096xf32> to vector<8x4096xf32>
    %add3A_3179 = arith.addf %add3A_3177, %slice3A_3178 : vector<8x4096xf32>
    %lt3A_3180 = arith.cmpf olt, %add3A_3179, %select_n3A_3168 : vector<8x4096xf32>
    %select_n3A_3181 = arith.select %lt3A_3180, %add3A_3179, %select_n3A_3168 : vector<8x4096xi1>, vector<8x4096xf32>
    %jit3A_3182 = arith.constant 244 : i32
    %broadcast_in_dim3A_3183 = vector.broadcast %jit3A_3182 : i32 to vector<8x4096xi32>
    %select_n3A_3184 = arith.select %lt3A_3180, %broadcast_in_dim3A_3183, %select_n3A_3171 : vector<8x4096xi1>, vector<8x4096xi32>
    %get3A_3185 = arith.constant 1960 : index
    %get3A_3186 = arith.constant 0 : index
    %get3A_3187 = vector.load %arg5[%get3A_3185, %get3A_3186] : memref<2736x1xf32, #tpu.memory_space<vmem>>, vector<8x1xf32>
    %add3A_3188 = vector.broadcast %get3A_8 : vector<1x4096xf32> to vector<8x4096xf32>
    %add3A_3189 = vector.broadcast %get3A_3187 : vector<8x1xf32> to vector<8x4096xf32>
    %add3A_3190 = arith.addf %add3A_3188, %add3A_3189 : vector<8x4096xf32>
    %slice3A_3191 = vector.extract_strided_slice %dot_general3A_5 {offsets = [1960, 0], sizes = [8, 4096], strides = [1, 1]} : vector<2736x4096xf32> to vector<8x4096xf32>
    %add3A_3192 = arith.addf %add3A_3190, %slice3A_3191 : vector<8x4096xf32>
    %lt3A_3193 = arith.cmpf olt, %add3A_3192, %select_n3A_3181 : vector<8x4096xf32>
    %select_n3A_3194 = arith.select %lt3A_3193, %add3A_3192, %select_n3A_3181 : vector<8x4096xi1>, vector<8x4096xf32>
    %jit3A_3195 = arith.constant 245 : i32
    %broadcast_in_dim3A_3196 = vector.broadcast %jit3A_3195 : i32 to vector<8x4096xi32>
    %select_n3A_3197 = arith.select %lt3A_3193, %broadcast_in_dim3A_3196, %select_n3A_3184 : vector<8x4096xi1>, vector<8x4096xi32>
    %get3A_3198 = arith.constant 1968 : index
    %get3A_3199 = arith.constant 0 : index
    %get3A_3200 = vector.load %arg5[%get3A_3198, %get3A_3199] : memref<2736x1xf32, #tpu.memory_space<vmem>>, vector<8x1xf32>
    %add3A_3201 = vector.broadcast %get3A_8 : vector<1x4096xf32> to vector<8x4096xf32>
    %add3A_3202 = vector.broadcast %get3A_3200 : vector<8x1xf32> to vector<8x4096xf32>
    %add3A_3203 = arith.addf %add3A_3201, %add3A_3202 : vector<8x4096xf32>
    %slice3A_3204 = vector.extract_strided_slice %dot_general3A_5 {offsets = [1968, 0], sizes = [8, 4096], strides = [1, 1]} : vector<2736x4096xf32> to vector<8x4096xf32>
    %add3A_3205 = arith.addf %add3A_3203, %slice3A_3204 : vector<8x4096xf32>
    %lt3A_3206 = arith.cmpf olt, %add3A_3205, %select_n3A_3194 : vector<8x4096xf32>
    %select_n3A_3207 = arith.select %lt3A_3206, %add3A_3205, %select_n3A_3194 : vector<8x4096xi1>, vector<8x4096xf32>
    %jit3A_3208 = arith.constant 246 : i32
    %broadcast_in_dim3A_3209 = vector.broadcast %jit3A_3208 : i32 to vector<8x4096xi32>
    %select_n3A_3210 = arith.select %lt3A_3206, %broadcast_in_dim3A_3209, %select_n3A_3197 : vector<8x4096xi1>, vector<8x4096xi32>
    %get3A_3211 = arith.constant 1976 : index
    %get3A_3212 = arith.constant 0 : index
    %get3A_3213 = vector.load %arg5[%get3A_3211, %get3A_3212] : memref<2736x1xf32, #tpu.memory_space<vmem>>, vector<8x1xf32>
    %add3A_3214 = vector.broadcast %get3A_8 : vector<1x4096xf32> to vector<8x4096xf32>
    %add3A_3215 = vector.broadcast %get3A_3213 : vector<8x1xf32> to vector<8x4096xf32>
    %add3A_3216 = arith.addf %add3A_3214, %add3A_3215 : vector<8x4096xf32>
    %slice3A_3217 = vector.extract_strided_slice %dot_general3A_5 {offsets = [1976, 0], sizes = [8, 4096], strides = [1, 1]} : vector<2736x4096xf32> to vector<8x4096xf32>
    %add3A_3218 = arith.addf %add3A_3216, %slice3A_3217 : vector<8x4096xf32>
    %lt3A_3219 = arith.cmpf olt, %add3A_3218, %select_n3A_3207 : vector<8x4096xf32>
    %select_n3A_3220 = arith.select %lt3A_3219, %add3A_3218, %select_n3A_3207 : vector<8x4096xi1>, vector<8x4096xf32>
    %jit3A_3221 = arith.constant 247 : i32
    %broadcast_in_dim3A_3222 = vector.broadcast %jit3A_3221 : i32 to vector<8x4096xi32>
    %select_n3A_3223 = arith.select %lt3A_3219, %broadcast_in_dim3A_3222, %select_n3A_3210 : vector<8x4096xi1>, vector<8x4096xi32>
    %get3A_3224 = arith.constant 1984 : index
    %get3A_3225 = arith.constant 0 : index
    %get3A_3226 = vector.load %arg5[%get3A_3224, %get3A_3225] : memref<2736x1xf32, #tpu.memory_space<vmem>>, vector<8x1xf32>
    %add3A_3227 = vector.broadcast %get3A_8 : vector<1x4096xf32> to vector<8x4096xf32>
    %add3A_3228 = vector.broadcast %get3A_3226 : vector<8x1xf32> to vector<8x4096xf32>
    %add3A_3229 = arith.addf %add3A_3227, %add3A_3228 : vector<8x4096xf32>
    %slice3A_3230 = vector.extract_strided_slice %dot_general3A_5 {offsets = [1984, 0], sizes = [8, 4096], strides = [1, 1]} : vector<2736x4096xf32> to vector<8x4096xf32>
    %add3A_3231 = arith.addf %add3A_3229, %slice3A_3230 : vector<8x4096xf32>
    %lt3A_3232 = arith.cmpf olt, %add3A_3231, %select_n3A_3220 : vector<8x4096xf32>
    %select_n3A_3233 = arith.select %lt3A_3232, %add3A_3231, %select_n3A_3220 : vector<8x4096xi1>, vector<8x4096xf32>
    %jit3A_3234 = arith.constant 248 : i32
    %broadcast_in_dim3A_3235 = vector.broadcast %jit3A_3234 : i32 to vector<8x4096xi32>
    %select_n3A_3236 = arith.select %lt3A_3232, %broadcast_in_dim3A_3235, %select_n3A_3223 : vector<8x4096xi1>, vector<8x4096xi32>
    %get3A_3237 = arith.constant 1992 : index
    %get3A_3238 = arith.constant 0 : index
    %get3A_3239 = vector.load %arg5[%get3A_3237, %get3A_3238] : memref<2736x1xf32, #tpu.memory_space<vmem>>, vector<8x1xf32>
    %add3A_3240 = vector.broadcast %get3A_8 : vector<1x4096xf32> to vector<8x4096xf32>
    %add3A_3241 = vector.broadcast %get3A_3239 : vector<8x1xf32> to vector<8x4096xf32>
    %add3A_3242 = arith.addf %add3A_3240, %add3A_3241 : vector<8x4096xf32>
    %slice3A_3243 = vector.extract_strided_slice %dot_general3A_5 {offsets = [1992, 0], sizes = [8, 4096], strides = [1, 1]} : vector<2736x4096xf32> to vector<8x4096xf32>
    %add3A_3244 = arith.addf %add3A_3242, %slice3A_3243 : vector<8x4096xf32>
    %lt3A_3245 = arith.cmpf olt, %add3A_3244, %select_n3A_3233 : vector<8x4096xf32>
    %select_n3A_3246 = arith.select %lt3A_3245, %add3A_3244, %select_n3A_3233 : vector<8x4096xi1>, vector<8x4096xf32>
    %jit3A_3247 = arith.constant 249 : i32
    %broadcast_in_dim3A_3248 = vector.broadcast %jit3A_3247 : i32 to vector<8x4096xi32>
    %select_n3A_3249 = arith.select %lt3A_3245, %broadcast_in_dim3A_3248, %select_n3A_3236 : vector<8x4096xi1>, vector<8x4096xi32>
    %get3A_3250 = arith.constant 2000 : index
    %get3A_3251 = arith.constant 0 : index
    %get3A_3252 = vector.load %arg5[%get3A_3250, %get3A_3251] : memref<2736x1xf32, #tpu.memory_space<vmem>>, vector<8x1xf32>
    %add3A_3253 = vector.broadcast %get3A_8 : vector<1x4096xf32> to vector<8x4096xf32>
    %add3A_3254 = vector.broadcast %get3A_3252 : vector<8x1xf32> to vector<8x4096xf32>
    %add3A_3255 = arith.addf %add3A_3253, %add3A_3254 : vector<8x4096xf32>
    %slice3A_3256 = vector.extract_strided_slice %dot_general3A_5 {offsets = [2000, 0], sizes = [8, 4096], strides = [1, 1]} : vector<2736x4096xf32> to vector<8x4096xf32>
    %add3A_3257 = arith.addf %add3A_3255, %slice3A_3256 : vector<8x4096xf32>
    %lt3A_3258 = arith.cmpf olt, %add3A_3257, %select_n3A_3246 : vector<8x4096xf32>
    %select_n3A_3259 = arith.select %lt3A_3258, %add3A_3257, %select_n3A_3246 : vector<8x4096xi1>, vector<8x4096xf32>
    %jit3A_3260 = arith.constant 250 : i32
    %broadcast_in_dim3A_3261 = vector.broadcast %jit3A_3260 : i32 to vector<8x4096xi32>
    %select_n3A_3262 = arith.select %lt3A_3258, %broadcast_in_dim3A_3261, %select_n3A_3249 : vector<8x4096xi1>, vector<8x4096xi32>
    %get3A_3263 = arith.constant 2008 : index
    %get3A_3264 = arith.constant 0 : index
    %get3A_3265 = vector.load %arg5[%get3A_3263, %get3A_3264] : memref<2736x1xf32, #tpu.memory_space<vmem>>, vector<8x1xf32>
    %add3A_3266 = vector.broadcast %get3A_8 : vector<1x4096xf32> to vector<8x4096xf32>
    %add3A_3267 = vector.broadcast %get3A_3265 : vector<8x1xf32> to vector<8x4096xf32>
    %add3A_3268 = arith.addf %add3A_3266, %add3A_3267 : vector<8x4096xf32>
    %slice3A_3269 = vector.extract_strided_slice %dot_general3A_5 {offsets = [2008, 0], sizes = [8, 4096], strides = [1, 1]} : vector<2736x4096xf32> to vector<8x4096xf32>
    %add3A_3270 = arith.addf %add3A_3268, %slice3A_3269 : vector<8x4096xf32>
    %lt3A_3271 = arith.cmpf olt, %add3A_3270, %select_n3A_3259 : vector<8x4096xf32>
    %select_n3A_3272 = arith.select %lt3A_3271, %add3A_3270, %select_n3A_3259 : vector<8x4096xi1>, vector<8x4096xf32>
    %jit3A_3273 = arith.constant 251 : i32
    %broadcast_in_dim3A_3274 = vector.broadcast %jit3A_3273 : i32 to vector<8x4096xi32>
    %select_n3A_3275 = arith.select %lt3A_3271, %broadcast_in_dim3A_3274, %select_n3A_3262 : vector<8x4096xi1>, vector<8x4096xi32>
    %get3A_3276 = arith.constant 2016 : index
    %get3A_3277 = arith.constant 0 : index
    %get3A_3278 = vector.load %arg5[%get3A_3276, %get3A_3277] : memref<2736x1xf32, #tpu.memory_space<vmem>>, vector<8x1xf32>
    %add3A_3279 = vector.broadcast %get3A_8 : vector<1x4096xf32> to vector<8x4096xf32>
    %add3A_3280 = vector.broadcast %get3A_3278 : vector<8x1xf32> to vector<8x4096xf32>
    %add3A_3281 = arith.addf %add3A_3279, %add3A_3280 : vector<8x4096xf32>
    %slice3A_3282 = vector.extract_strided_slice %dot_general3A_5 {offsets = [2016, 0], sizes = [8, 4096], strides = [1, 1]} : vector<2736x4096xf32> to vector<8x4096xf32>
    %add3A_3283 = arith.addf %add3A_3281, %slice3A_3282 : vector<8x4096xf32>
    %lt3A_3284 = arith.cmpf olt, %add3A_3283, %select_n3A_3272 : vector<8x4096xf32>
    %select_n3A_3285 = arith.select %lt3A_3284, %add3A_3283, %select_n3A_3272 : vector<8x4096xi1>, vector<8x4096xf32>
    %jit3A_3286 = arith.constant 252 : i32
    %broadcast_in_dim3A_3287 = vector.broadcast %jit3A_3286 : i32 to vector<8x4096xi32>
    %select_n3A_3288 = arith.select %lt3A_3284, %broadcast_in_dim3A_3287, %select_n3A_3275 : vector<8x4096xi1>, vector<8x4096xi32>
    %get3A_3289 = arith.constant 2024 : index
    %get3A_3290 = arith.constant 0 : index
    %get3A_3291 = vector.load %arg5[%get3A_3289, %get3A_3290] : memref<2736x1xf32, #tpu.memory_space<vmem>>, vector<8x1xf32>
    %add3A_3292 = vector.broadcast %get3A_8 : vector<1x4096xf32> to vector<8x4096xf32>
    %add3A_3293 = vector.broadcast %get3A_3291 : vector<8x1xf32> to vector<8x4096xf32>
    %add3A_3294 = arith.addf %add3A_3292, %add3A_3293 : vector<8x4096xf32>
    %slice3A_3295 = vector.extract_strided_slice %dot_general3A_5 {offsets = [2024, 0], sizes = [8, 4096], strides = [1, 1]} : vector<2736x4096xf32> to vector<8x4096xf32>
    %add3A_3296 = arith.addf %add3A_3294, %slice3A_3295 : vector<8x4096xf32>
    %lt3A_3297 = arith.cmpf olt, %add3A_3296, %select_n3A_3285 : vector<8x4096xf32>
    %select_n3A_3298 = arith.select %lt3A_3297, %add3A_3296, %select_n3A_3285 : vector<8x4096xi1>, vector<8x4096xf32>
    %jit3A_3299 = arith.constant 253 : i32
    %broadcast_in_dim3A_3300 = vector.broadcast %jit3A_3299 : i32 to vector<8x4096xi32>
    %select_n3A_3301 = arith.select %lt3A_3297, %broadcast_in_dim3A_3300, %select_n3A_3288 : vector<8x4096xi1>, vector<8x4096xi32>
    %get3A_3302 = arith.constant 2032 : index
    %get3A_3303 = arith.constant 0 : index
    %get3A_3304 = vector.load %arg5[%get3A_3302, %get3A_3303] : memref<2736x1xf32, #tpu.memory_space<vmem>>, vector<8x1xf32>
    %add3A_3305 = vector.broadcast %get3A_8 : vector<1x4096xf32> to vector<8x4096xf32>
    %add3A_3306 = vector.broadcast %get3A_3304 : vector<8x1xf32> to vector<8x4096xf32>
    %add3A_3307 = arith.addf %add3A_3305, %add3A_3306 : vector<8x4096xf32>
    %slice3A_3308 = vector.extract_strided_slice %dot_general3A_5 {offsets = [2032, 0], sizes = [8, 4096], strides = [1, 1]} : vector<2736x4096xf32> to vector<8x4096xf32>
    %add3A_3309 = arith.addf %add3A_3307, %slice3A_3308 : vector<8x4096xf32>
    %lt3A_3310 = arith.cmpf olt, %add3A_3309, %select_n3A_3298 : vector<8x4096xf32>
    %select_n3A_3311 = arith.select %lt3A_3310, %add3A_3309, %select_n3A_3298 : vector<8x4096xi1>, vector<8x4096xf32>
    %jit3A_3312 = arith.constant 254 : i32
    %broadcast_in_dim3A_3313 = vector.broadcast %jit3A_3312 : i32 to vector<8x4096xi32>
    %select_n3A_3314 = arith.select %lt3A_3310, %broadcast_in_dim3A_3313, %select_n3A_3301 : vector<8x4096xi1>, vector<8x4096xi32>
    %get3A_3315 = arith.constant 2040 : index
    %get3A_3316 = arith.constant 0 : index
    %get3A_3317 = vector.load %arg5[%get3A_3315, %get3A_3316] : memref<2736x1xf32, #tpu.memory_space<vmem>>, vector<8x1xf32>
    %add3A_3318 = vector.broadcast %get3A_8 : vector<1x4096xf32> to vector<8x4096xf32>
    %add3A_3319 = vector.broadcast %get3A_3317 : vector<8x1xf32> to vector<8x4096xf32>
    %add3A_3320 = arith.addf %add3A_3318, %add3A_3319 : vector<8x4096xf32>
    %slice3A_3321 = vector.extract_strided_slice %dot_general3A_5 {offsets = [2040, 0], sizes = [8, 4096], strides = [1, 1]} : vector<2736x4096xf32> to vector<8x4096xf32>
    %add3A_3322 = arith.addf %add3A_3320, %slice3A_3321 : vector<8x4096xf32>
    %lt3A_3323 = arith.cmpf olt, %add3A_3322, %select_n3A_3311 : vector<8x4096xf32>
    %select_n3A_3324 = arith.select %lt3A_3323, %add3A_3322, %select_n3A_3311 : vector<8x4096xi1>, vector<8x4096xf32>
    %jit3A_3325 = arith.constant 255 : i32
    %broadcast_in_dim3A_3326 = vector.broadcast %jit3A_3325 : i32 to vector<8x4096xi32>
    %select_n3A_3327 = arith.select %lt3A_3323, %broadcast_in_dim3A_3326, %select_n3A_3314 : vector<8x4096xi1>, vector<8x4096xi32>
    %get3A_3328 = arith.constant 2048 : index
    %get3A_3329 = arith.constant 0 : index
    %get3A_3330 = vector.load %arg5[%get3A_3328, %get3A_3329] : memref<2736x1xf32, #tpu.memory_space<vmem>>, vector<8x1xf32>
    %add3A_3331 = vector.broadcast %get3A_8 : vector<1x4096xf32> to vector<8x4096xf32>
    %add3A_3332 = vector.broadcast %get3A_3330 : vector<8x1xf32> to vector<8x4096xf32>
    %add3A_3333 = arith.addf %add3A_3331, %add3A_3332 : vector<8x4096xf32>
    %slice3A_3334 = vector.extract_strided_slice %dot_general3A_5 {offsets = [2048, 0], sizes = [8, 4096], strides = [1, 1]} : vector<2736x4096xf32> to vector<8x4096xf32>
    %add3A_3335 = arith.addf %add3A_3333, %slice3A_3334 : vector<8x4096xf32>
    %lt3A_3336 = arith.cmpf olt, %add3A_3335, %select_n3A_3324 : vector<8x4096xf32>
    %select_n3A_3337 = arith.select %lt3A_3336, %add3A_3335, %select_n3A_3324 : vector<8x4096xi1>, vector<8x4096xf32>
    %jit3A_3338 = arith.constant 256 : i32
    %broadcast_in_dim3A_3339 = vector.broadcast %jit3A_3338 : i32 to vector<8x4096xi32>
    %select_n3A_3340 = arith.select %lt3A_3336, %broadcast_in_dim3A_3339, %select_n3A_3327 : vector<8x4096xi1>, vector<8x4096xi32>
    %get3A_3341 = arith.constant 2056 : index
    %get3A_3342 = arith.constant 0 : index
    %get3A_3343 = vector.load %arg5[%get3A_3341, %get3A_3342] : memref<2736x1xf32, #tpu.memory_space<vmem>>, vector<8x1xf32>
    %add3A_3344 = vector.broadcast %get3A_8 : vector<1x4096xf32> to vector<8x4096xf32>
    %add3A_3345 = vector.broadcast %get3A_3343 : vector<8x1xf32> to vector<8x4096xf32>
    %add3A_3346 = arith.addf %add3A_3344, %add3A_3345 : vector<8x4096xf32>
    %slice3A_3347 = vector.extract_strided_slice %dot_general3A_5 {offsets = [2056, 0], sizes = [8, 4096], strides = [1, 1]} : vector<2736x4096xf32> to vector<8x4096xf32>
    %add3A_3348 = arith.addf %add3A_3346, %slice3A_3347 : vector<8x4096xf32>
    %lt3A_3349 = arith.cmpf olt, %add3A_3348, %select_n3A_3337 : vector<8x4096xf32>
    %select_n3A_3350 = arith.select %lt3A_3349, %add3A_3348, %select_n3A_3337 : vector<8x4096xi1>, vector<8x4096xf32>
    %jit3A_3351 = arith.constant 257 : i32
    %broadcast_in_dim3A_3352 = vector.broadcast %jit3A_3351 : i32 to vector<8x4096xi32>
    %select_n3A_3353 = arith.select %lt3A_3349, %broadcast_in_dim3A_3352, %select_n3A_3340 : vector<8x4096xi1>, vector<8x4096xi32>
    %get3A_3354 = arith.constant 2064 : index
    %get3A_3355 = arith.constant 0 : index
    %get3A_3356 = vector.load %arg5[%get3A_3354, %get3A_3355] : memref<2736x1xf32, #tpu.memory_space<vmem>>, vector<8x1xf32>
    %add3A_3357 = vector.broadcast %get3A_8 : vector<1x4096xf32> to vector<8x4096xf32>
    %add3A_3358 = vector.broadcast %get3A_3356 : vector<8x1xf32> to vector<8x4096xf32>
    %add3A_3359 = arith.addf %add3A_3357, %add3A_3358 : vector<8x4096xf32>
    %slice3A_3360 = vector.extract_strided_slice %dot_general3A_5 {offsets = [2064, 0], sizes = [8, 4096], strides = [1, 1]} : vector<2736x4096xf32> to vector<8x4096xf32>
    %add3A_3361 = arith.addf %add3A_3359, %slice3A_3360 : vector<8x4096xf32>
    %lt3A_3362 = arith.cmpf olt, %add3A_3361, %select_n3A_3350 : vector<8x4096xf32>
    %select_n3A_3363 = arith.select %lt3A_3362, %add3A_3361, %select_n3A_3350 : vector<8x4096xi1>, vector<8x4096xf32>
    %jit3A_3364 = arith.constant 258 : i32
    %broadcast_in_dim3A_3365 = vector.broadcast %jit3A_3364 : i32 to vector<8x4096xi32>
    %select_n3A_3366 = arith.select %lt3A_3362, %broadcast_in_dim3A_3365, %select_n3A_3353 : vector<8x4096xi1>, vector<8x4096xi32>
    %get3A_3367 = arith.constant 2072 : index
    %get3A_3368 = arith.constant 0 : index
    %get3A_3369 = vector.load %arg5[%get3A_3367, %get3A_3368] : memref<2736x1xf32, #tpu.memory_space<vmem>>, vector<8x1xf32>
    %add3A_3370 = vector.broadcast %get3A_8 : vector<1x4096xf32> to vector<8x4096xf32>
    %add3A_3371 = vector.broadcast %get3A_3369 : vector<8x1xf32> to vector<8x4096xf32>
    %add3A_3372 = arith.addf %add3A_3370, %add3A_3371 : vector<8x4096xf32>
    %slice3A_3373 = vector.extract_strided_slice %dot_general3A_5 {offsets = [2072, 0], sizes = [8, 4096], strides = [1, 1]} : vector<2736x4096xf32> to vector<8x4096xf32>
    %add3A_3374 = arith.addf %add3A_3372, %slice3A_3373 : vector<8x4096xf32>
    %lt3A_3375 = arith.cmpf olt, %add3A_3374, %select_n3A_3363 : vector<8x4096xf32>
    %select_n3A_3376 = arith.select %lt3A_3375, %add3A_3374, %select_n3A_3363 : vector<8x4096xi1>, vector<8x4096xf32>
    %jit3A_3377 = arith.constant 259 : i32
    %broadcast_in_dim3A_3378 = vector.broadcast %jit3A_3377 : i32 to vector<8x4096xi32>
    %select_n3A_3379 = arith.select %lt3A_3375, %broadcast_in_dim3A_3378, %select_n3A_3366 : vector<8x4096xi1>, vector<8x4096xi32>
    %get3A_3380 = arith.constant 2080 : index
    %get3A_3381 = arith.constant 0 : index
    %get3A_3382 = vector.load %arg5[%get3A_3380, %get3A_3381] : memref<2736x1xf32, #tpu.memory_space<vmem>>, vector<8x1xf32>
    %add3A_3383 = vector.broadcast %get3A_8 : vector<1x4096xf32> to vector<8x4096xf32>
    %add3A_3384 = vector.broadcast %get3A_3382 : vector<8x1xf32> to vector<8x4096xf32>
    %add3A_3385 = arith.addf %add3A_3383, %add3A_3384 : vector<8x4096xf32>
    %slice3A_3386 = vector.extract_strided_slice %dot_general3A_5 {offsets = [2080, 0], sizes = [8, 4096], strides = [1, 1]} : vector<2736x4096xf32> to vector<8x4096xf32>
    %add3A_3387 = arith.addf %add3A_3385, %slice3A_3386 : vector<8x4096xf32>
    %lt3A_3388 = arith.cmpf olt, %add3A_3387, %select_n3A_3376 : vector<8x4096xf32>
    %select_n3A_3389 = arith.select %lt3A_3388, %add3A_3387, %select_n3A_3376 : vector<8x4096xi1>, vector<8x4096xf32>
    %jit3A_3390 = arith.constant 260 : i32
    %broadcast_in_dim3A_3391 = vector.broadcast %jit3A_3390 : i32 to vector<8x4096xi32>
    %select_n3A_3392 = arith.select %lt3A_3388, %broadcast_in_dim3A_3391, %select_n3A_3379 : vector<8x4096xi1>, vector<8x4096xi32>
    %get3A_3393 = arith.constant 2088 : index
    %get3A_3394 = arith.constant 0 : index
    %get3A_3395 = vector.load %arg5[%get3A_3393, %get3A_3394] : memref<2736x1xf32, #tpu.memory_space<vmem>>, vector<8x1xf32>
    %add3A_3396 = vector.broadcast %get3A_8 : vector<1x4096xf32> to vector<8x4096xf32>
    %add3A_3397 = vector.broadcast %get3A_3395 : vector<8x1xf32> to vector<8x4096xf32>
    %add3A_3398 = arith.addf %add3A_3396, %add3A_3397 : vector<8x4096xf32>
    %slice3A_3399 = vector.extract_strided_slice %dot_general3A_5 {offsets = [2088, 0], sizes = [8, 4096], strides = [1, 1]} : vector<2736x4096xf32> to vector<8x4096xf32>
    %add3A_3400 = arith.addf %add3A_3398, %slice3A_3399 : vector<8x4096xf32>
    %lt3A_3401 = arith.cmpf olt, %add3A_3400, %select_n3A_3389 : vector<8x4096xf32>
    %select_n3A_3402 = arith.select %lt3A_3401, %add3A_3400, %select_n3A_3389 : vector<8x4096xi1>, vector<8x4096xf32>
    %jit3A_3403 = arith.constant 261 : i32
    %broadcast_in_dim3A_3404 = vector.broadcast %jit3A_3403 : i32 to vector<8x4096xi32>
    %select_n3A_3405 = arith.select %lt3A_3401, %broadcast_in_dim3A_3404, %select_n3A_3392 : vector<8x4096xi1>, vector<8x4096xi32>
    %get3A_3406 = arith.constant 2096 : index
    %get3A_3407 = arith.constant 0 : index
    %get3A_3408 = vector.load %arg5[%get3A_3406, %get3A_3407] : memref<2736x1xf32, #tpu.memory_space<vmem>>, vector<8x1xf32>
    %add3A_3409 = vector.broadcast %get3A_8 : vector<1x4096xf32> to vector<8x4096xf32>
    %add3A_3410 = vector.broadcast %get3A_3408 : vector<8x1xf32> to vector<8x4096xf32>
    %add3A_3411 = arith.addf %add3A_3409, %add3A_3410 : vector<8x4096xf32>
    %slice3A_3412 = vector.extract_strided_slice %dot_general3A_5 {offsets = [2096, 0], sizes = [8, 4096], strides = [1, 1]} : vector<2736x4096xf32> to vector<8x4096xf32>
    %add3A_3413 = arith.addf %add3A_3411, %slice3A_3412 : vector<8x4096xf32>
    %lt3A_3414 = arith.cmpf olt, %add3A_3413, %select_n3A_3402 : vector<8x4096xf32>
    %select_n3A_3415 = arith.select %lt3A_3414, %add3A_3413, %select_n3A_3402 : vector<8x4096xi1>, vector<8x4096xf32>
    %jit3A_3416 = arith.constant 262 : i32
    %broadcast_in_dim3A_3417 = vector.broadcast %jit3A_3416 : i32 to vector<8x4096xi32>
    %select_n3A_3418 = arith.select %lt3A_3414, %broadcast_in_dim3A_3417, %select_n3A_3405 : vector<8x4096xi1>, vector<8x4096xi32>
    %get3A_3419 = arith.constant 2104 : index
    %get3A_3420 = arith.constant 0 : index
    %get3A_3421 = vector.load %arg5[%get3A_3419, %get3A_3420] : memref<2736x1xf32, #tpu.memory_space<vmem>>, vector<8x1xf32>
    %add3A_3422 = vector.broadcast %get3A_8 : vector<1x4096xf32> to vector<8x4096xf32>
    %add3A_3423 = vector.broadcast %get3A_3421 : vector<8x1xf32> to vector<8x4096xf32>
    %add3A_3424 = arith.addf %add3A_3422, %add3A_3423 : vector<8x4096xf32>
    %slice3A_3425 = vector.extract_strided_slice %dot_general3A_5 {offsets = [2104, 0], sizes = [8, 4096], strides = [1, 1]} : vector<2736x4096xf32> to vector<8x4096xf32>
    %add3A_3426 = arith.addf %add3A_3424, %slice3A_3425 : vector<8x4096xf32>
    %lt3A_3427 = arith.cmpf olt, %add3A_3426, %select_n3A_3415 : vector<8x4096xf32>
    %select_n3A_3428 = arith.select %lt3A_3427, %add3A_3426, %select_n3A_3415 : vector<8x4096xi1>, vector<8x4096xf32>
    %jit3A_3429 = arith.constant 263 : i32
    %broadcast_in_dim3A_3430 = vector.broadcast %jit3A_3429 : i32 to vector<8x4096xi32>
    %select_n3A_3431 = arith.select %lt3A_3427, %broadcast_in_dim3A_3430, %select_n3A_3418 : vector<8x4096xi1>, vector<8x4096xi32>
    %get3A_3432 = arith.constant 2112 : index
    %get3A_3433 = arith.constant 0 : index
    %get3A_3434 = vector.load %arg5[%get3A_3432, %get3A_3433] : memref<2736x1xf32, #tpu.memory_space<vmem>>, vector<8x1xf32>
    %add3A_3435 = vector.broadcast %get3A_8 : vector<1x4096xf32> to vector<8x4096xf32>
    %add3A_3436 = vector.broadcast %get3A_3434 : vector<8x1xf32> to vector<8x4096xf32>
    %add3A_3437 = arith.addf %add3A_3435, %add3A_3436 : vector<8x4096xf32>
    %slice3A_3438 = vector.extract_strided_slice %dot_general3A_5 {offsets = [2112, 0], sizes = [8, 4096], strides = [1, 1]} : vector<2736x4096xf32> to vector<8x4096xf32>
    %add3A_3439 = arith.addf %add3A_3437, %slice3A_3438 : vector<8x4096xf32>
    %lt3A_3440 = arith.cmpf olt, %add3A_3439, %select_n3A_3428 : vector<8x4096xf32>
    %select_n3A_3441 = arith.select %lt3A_3440, %add3A_3439, %select_n3A_3428 : vector<8x4096xi1>, vector<8x4096xf32>
    %jit3A_3442 = arith.constant 264 : i32
    %broadcast_in_dim3A_3443 = vector.broadcast %jit3A_3442 : i32 to vector<8x4096xi32>
    %select_n3A_3444 = arith.select %lt3A_3440, %broadcast_in_dim3A_3443, %select_n3A_3431 : vector<8x4096xi1>, vector<8x4096xi32>
    %get3A_3445 = arith.constant 2120 : index
    %get3A_3446 = arith.constant 0 : index
    %get3A_3447 = vector.load %arg5[%get3A_3445, %get3A_3446] : memref<2736x1xf32, #tpu.memory_space<vmem>>, vector<8x1xf32>
    %add3A_3448 = vector.broadcast %get3A_8 : vector<1x4096xf32> to vector<8x4096xf32>
    %add3A_3449 = vector.broadcast %get3A_3447 : vector<8x1xf32> to vector<8x4096xf32>
    %add3A_3450 = arith.addf %add3A_3448, %add3A_3449 : vector<8x4096xf32>
    %slice3A_3451 = vector.extract_strided_slice %dot_general3A_5 {offsets = [2120, 0], sizes = [8, 4096], strides = [1, 1]} : vector<2736x4096xf32> to vector<8x4096xf32>
    %add3A_3452 = arith.addf %add3A_3450, %slice3A_3451 : vector<8x4096xf32>
    %lt3A_3453 = arith.cmpf olt, %add3A_3452, %select_n3A_3441 : vector<8x4096xf32>
    %select_n3A_3454 = arith.select %lt3A_3453, %add3A_3452, %select_n3A_3441 : vector<8x4096xi1>, vector<8x4096xf32>
    %jit3A_3455 = arith.constant 265 : i32
    %broadcast_in_dim3A_3456 = vector.broadcast %jit3A_3455 : i32 to vector<8x4096xi32>
    %select_n3A_3457 = arith.select %lt3A_3453, %broadcast_in_dim3A_3456, %select_n3A_3444 : vector<8x4096xi1>, vector<8x4096xi32>
    %get3A_3458 = arith.constant 2128 : index
    %get3A_3459 = arith.constant 0 : index
    %get3A_3460 = vector.load %arg5[%get3A_3458, %get3A_3459] : memref<2736x1xf32, #tpu.memory_space<vmem>>, vector<8x1xf32>
    %add3A_3461 = vector.broadcast %get3A_8 : vector<1x4096xf32> to vector<8x4096xf32>
    %add3A_3462 = vector.broadcast %get3A_3460 : vector<8x1xf32> to vector<8x4096xf32>
    %add3A_3463 = arith.addf %add3A_3461, %add3A_3462 : vector<8x4096xf32>
    %slice3A_3464 = vector.extract_strided_slice %dot_general3A_5 {offsets = [2128, 0], sizes = [8, 4096], strides = [1, 1]} : vector<2736x4096xf32> to vector<8x4096xf32>
    %add3A_3465 = arith.addf %add3A_3463, %slice3A_3464 : vector<8x4096xf32>
    %lt3A_3466 = arith.cmpf olt, %add3A_3465, %select_n3A_3454 : vector<8x4096xf32>
    %select_n3A_3467 = arith.select %lt3A_3466, %add3A_3465, %select_n3A_3454 : vector<8x4096xi1>, vector<8x4096xf32>
    %jit3A_3468 = arith.constant 266 : i32
    %broadcast_in_dim3A_3469 = vector.broadcast %jit3A_3468 : i32 to vector<8x4096xi32>
    %select_n3A_3470 = arith.select %lt3A_3466, %broadcast_in_dim3A_3469, %select_n3A_3457 : vector<8x4096xi1>, vector<8x4096xi32>
    %get3A_3471 = arith.constant 2136 : index
    %get3A_3472 = arith.constant 0 : index
    %get3A_3473 = vector.load %arg5[%get3A_3471, %get3A_3472] : memref<2736x1xf32, #tpu.memory_space<vmem>>, vector<8x1xf32>
    %add3A_3474 = vector.broadcast %get3A_8 : vector<1x4096xf32> to vector<8x4096xf32>
    %add3A_3475 = vector.broadcast %get3A_3473 : vector<8x1xf32> to vector<8x4096xf32>
    %add3A_3476 = arith.addf %add3A_3474, %add3A_3475 : vector<8x4096xf32>
    %slice3A_3477 = vector.extract_strided_slice %dot_general3A_5 {offsets = [2136, 0], sizes = [8, 4096], strides = [1, 1]} : vector<2736x4096xf32> to vector<8x4096xf32>
    %add3A_3478 = arith.addf %add3A_3476, %slice3A_3477 : vector<8x4096xf32>
    %lt3A_3479 = arith.cmpf olt, %add3A_3478, %select_n3A_3467 : vector<8x4096xf32>
    %select_n3A_3480 = arith.select %lt3A_3479, %add3A_3478, %select_n3A_3467 : vector<8x4096xi1>, vector<8x4096xf32>
    %jit3A_3481 = arith.constant 267 : i32
    %broadcast_in_dim3A_3482 = vector.broadcast %jit3A_3481 : i32 to vector<8x4096xi32>
    %select_n3A_3483 = arith.select %lt3A_3479, %broadcast_in_dim3A_3482, %select_n3A_3470 : vector<8x4096xi1>, vector<8x4096xi32>
    %get3A_3484 = arith.constant 2144 : index
    %get3A_3485 = arith.constant 0 : index
    %get3A_3486 = vector.load %arg5[%get3A_3484, %get3A_3485] : memref<2736x1xf32, #tpu.memory_space<vmem>>, vector<8x1xf32>
    %add3A_3487 = vector.broadcast %get3A_8 : vector<1x4096xf32> to vector<8x4096xf32>
    %add3A_3488 = vector.broadcast %get3A_3486 : vector<8x1xf32> to vector<8x4096xf32>
    %add3A_3489 = arith.addf %add3A_3487, %add3A_3488 : vector<8x4096xf32>
    %slice3A_3490 = vector.extract_strided_slice %dot_general3A_5 {offsets = [2144, 0], sizes = [8, 4096], strides = [1, 1]} : vector<2736x4096xf32> to vector<8x4096xf32>
    %add3A_3491 = arith.addf %add3A_3489, %slice3A_3490 : vector<8x4096xf32>
    %lt3A_3492 = arith.cmpf olt, %add3A_3491, %select_n3A_3480 : vector<8x4096xf32>
    %select_n3A_3493 = arith.select %lt3A_3492, %add3A_3491, %select_n3A_3480 : vector<8x4096xi1>, vector<8x4096xf32>
    %jit3A_3494 = arith.constant 268 : i32
    %broadcast_in_dim3A_3495 = vector.broadcast %jit3A_3494 : i32 to vector<8x4096xi32>
    %select_n3A_3496 = arith.select %lt3A_3492, %broadcast_in_dim3A_3495, %select_n3A_3483 : vector<8x4096xi1>, vector<8x4096xi32>
    %get3A_3497 = arith.constant 2152 : index
    %get3A_3498 = arith.constant 0 : index
    %get3A_3499 = vector.load %arg5[%get3A_3497, %get3A_3498] : memref<2736x1xf32, #tpu.memory_space<vmem>>, vector<8x1xf32>
    %add3A_3500 = vector.broadcast %get3A_8 : vector<1x4096xf32> to vector<8x4096xf32>
    %add3A_3501 = vector.broadcast %get3A_3499 : vector<8x1xf32> to vector<8x4096xf32>
    %add3A_3502 = arith.addf %add3A_3500, %add3A_3501 : vector<8x4096xf32>
    %slice3A_3503 = vector.extract_strided_slice %dot_general3A_5 {offsets = [2152, 0], sizes = [8, 4096], strides = [1, 1]} : vector<2736x4096xf32> to vector<8x4096xf32>
    %add3A_3504 = arith.addf %add3A_3502, %slice3A_3503 : vector<8x4096xf32>
    %lt3A_3505 = arith.cmpf olt, %add3A_3504, %select_n3A_3493 : vector<8x4096xf32>
    %select_n3A_3506 = arith.select %lt3A_3505, %add3A_3504, %select_n3A_3493 : vector<8x4096xi1>, vector<8x4096xf32>
    %jit3A_3507 = arith.constant 269 : i32
    %broadcast_in_dim3A_3508 = vector.broadcast %jit3A_3507 : i32 to vector<8x4096xi32>
    %select_n3A_3509 = arith.select %lt3A_3505, %broadcast_in_dim3A_3508, %select_n3A_3496 : vector<8x4096xi1>, vector<8x4096xi32>
    %get3A_3510 = arith.constant 2160 : index
    %get3A_3511 = arith.constant 0 : index
    %get3A_3512 = vector.load %arg5[%get3A_3510, %get3A_3511] : memref<2736x1xf32, #tpu.memory_space<vmem>>, vector<8x1xf32>
    %add3A_3513 = vector.broadcast %get3A_8 : vector<1x4096xf32> to vector<8x4096xf32>
    %add3A_3514 = vector.broadcast %get3A_3512 : vector<8x1xf32> to vector<8x4096xf32>
    %add3A_3515 = arith.addf %add3A_3513, %add3A_3514 : vector<8x4096xf32>
    %slice3A_3516 = vector.extract_strided_slice %dot_general3A_5 {offsets = [2160, 0], sizes = [8, 4096], strides = [1, 1]} : vector<2736x4096xf32> to vector<8x4096xf32>
    %add3A_3517 = arith.addf %add3A_3515, %slice3A_3516 : vector<8x4096xf32>
    %lt3A_3518 = arith.cmpf olt, %add3A_3517, %select_n3A_3506 : vector<8x4096xf32>
    %select_n3A_3519 = arith.select %lt3A_3518, %add3A_3517, %select_n3A_3506 : vector<8x4096xi1>, vector<8x4096xf32>
    %jit3A_3520 = arith.constant 270 : i32
    %broadcast_in_dim3A_3521 = vector.broadcast %jit3A_3520 : i32 to vector<8x4096xi32>
    %select_n3A_3522 = arith.select %lt3A_3518, %broadcast_in_dim3A_3521, %select_n3A_3509 : vector<8x4096xi1>, vector<8x4096xi32>
    %get3A_3523 = arith.constant 2168 : index
    %get3A_3524 = arith.constant 0 : index
    %get3A_3525 = vector.load %arg5[%get3A_3523, %get3A_3524] : memref<2736x1xf32, #tpu.memory_space<vmem>>, vector<8x1xf32>
    %add3A_3526 = vector.broadcast %get3A_8 : vector<1x4096xf32> to vector<8x4096xf32>
    %add3A_3527 = vector.broadcast %get3A_3525 : vector<8x1xf32> to vector<8x4096xf32>
    %add3A_3528 = arith.addf %add3A_3526, %add3A_3527 : vector<8x4096xf32>
    %slice3A_3529 = vector.extract_strided_slice %dot_general3A_5 {offsets = [2168, 0], sizes = [8, 4096], strides = [1, 1]} : vector<2736x4096xf32> to vector<8x4096xf32>
    %add3A_3530 = arith.addf %add3A_3528, %slice3A_3529 : vector<8x4096xf32>
    %lt3A_3531 = arith.cmpf olt, %add3A_3530, %select_n3A_3519 : vector<8x4096xf32>
    %select_n3A_3532 = arith.select %lt3A_3531, %add3A_3530, %select_n3A_3519 : vector<8x4096xi1>, vector<8x4096xf32>
    %jit3A_3533 = arith.constant 271 : i32
    %broadcast_in_dim3A_3534 = vector.broadcast %jit3A_3533 : i32 to vector<8x4096xi32>
    %select_n3A_3535 = arith.select %lt3A_3531, %broadcast_in_dim3A_3534, %select_n3A_3522 : vector<8x4096xi1>, vector<8x4096xi32>
    %get3A_3536 = arith.constant 2176 : index
    %get3A_3537 = arith.constant 0 : index
    %get3A_3538 = vector.load %arg5[%get3A_3536, %get3A_3537] : memref<2736x1xf32, #tpu.memory_space<vmem>>, vector<8x1xf32>
    %add3A_3539 = vector.broadcast %get3A_8 : vector<1x4096xf32> to vector<8x4096xf32>
    %add3A_3540 = vector.broadcast %get3A_3538 : vector<8x1xf32> to vector<8x4096xf32>
    %add3A_3541 = arith.addf %add3A_3539, %add3A_3540 : vector<8x4096xf32>
    %slice3A_3542 = vector.extract_strided_slice %dot_general3A_5 {offsets = [2176, 0], sizes = [8, 4096], strides = [1, 1]} : vector<2736x4096xf32> to vector<8x4096xf32>
    %add3A_3543 = arith.addf %add3A_3541, %slice3A_3542 : vector<8x4096xf32>
    %lt3A_3544 = arith.cmpf olt, %add3A_3543, %select_n3A_3532 : vector<8x4096xf32>
    %select_n3A_3545 = arith.select %lt3A_3544, %add3A_3543, %select_n3A_3532 : vector<8x4096xi1>, vector<8x4096xf32>
    %jit3A_3546 = arith.constant 272 : i32
    %broadcast_in_dim3A_3547 = vector.broadcast %jit3A_3546 : i32 to vector<8x4096xi32>
    %select_n3A_3548 = arith.select %lt3A_3544, %broadcast_in_dim3A_3547, %select_n3A_3535 : vector<8x4096xi1>, vector<8x4096xi32>
    %get3A_3549 = arith.constant 2184 : index
    %get3A_3550 = arith.constant 0 : index
    %get3A_3551 = vector.load %arg5[%get3A_3549, %get3A_3550] : memref<2736x1xf32, #tpu.memory_space<vmem>>, vector<8x1xf32>
    %add3A_3552 = vector.broadcast %get3A_8 : vector<1x4096xf32> to vector<8x4096xf32>
    %add3A_3553 = vector.broadcast %get3A_3551 : vector<8x1xf32> to vector<8x4096xf32>
    %add3A_3554 = arith.addf %add3A_3552, %add3A_3553 : vector<8x4096xf32>
    %slice3A_3555 = vector.extract_strided_slice %dot_general3A_5 {offsets = [2184, 0], sizes = [8, 4096], strides = [1, 1]} : vector<2736x4096xf32> to vector<8x4096xf32>
    %add3A_3556 = arith.addf %add3A_3554, %slice3A_3555 : vector<8x4096xf32>
    %lt3A_3557 = arith.cmpf olt, %add3A_3556, %select_n3A_3545 : vector<8x4096xf32>
    %select_n3A_3558 = arith.select %lt3A_3557, %add3A_3556, %select_n3A_3545 : vector<8x4096xi1>, vector<8x4096xf32>
    %jit3A_3559 = arith.constant 273 : i32
    %broadcast_in_dim3A_3560 = vector.broadcast %jit3A_3559 : i32 to vector<8x4096xi32>
    %select_n3A_3561 = arith.select %lt3A_3557, %broadcast_in_dim3A_3560, %select_n3A_3548 : vector<8x4096xi1>, vector<8x4096xi32>
    %get3A_3562 = arith.constant 2192 : index
    %get3A_3563 = arith.constant 0 : index
    %get3A_3564 = vector.load %arg5[%get3A_3562, %get3A_3563] : memref<2736x1xf32, #tpu.memory_space<vmem>>, vector<8x1xf32>
    %add3A_3565 = vector.broadcast %get3A_8 : vector<1x4096xf32> to vector<8x4096xf32>
    %add3A_3566 = vector.broadcast %get3A_3564 : vector<8x1xf32> to vector<8x4096xf32>
    %add3A_3567 = arith.addf %add3A_3565, %add3A_3566 : vector<8x4096xf32>
    %slice3A_3568 = vector.extract_strided_slice %dot_general3A_5 {offsets = [2192, 0], sizes = [8, 4096], strides = [1, 1]} : vector<2736x4096xf32> to vector<8x4096xf32>
    %add3A_3569 = arith.addf %add3A_3567, %slice3A_3568 : vector<8x4096xf32>
    %lt3A_3570 = arith.cmpf olt, %add3A_3569, %select_n3A_3558 : vector<8x4096xf32>
    %select_n3A_3571 = arith.select %lt3A_3570, %add3A_3569, %select_n3A_3558 : vector<8x4096xi1>, vector<8x4096xf32>
    %jit3A_3572 = arith.constant 274 : i32
    %broadcast_in_dim3A_3573 = vector.broadcast %jit3A_3572 : i32 to vector<8x4096xi32>
    %select_n3A_3574 = arith.select %lt3A_3570, %broadcast_in_dim3A_3573, %select_n3A_3561 : vector<8x4096xi1>, vector<8x4096xi32>
    %get3A_3575 = arith.constant 2200 : index
    %get3A_3576 = arith.constant 0 : index
    %get3A_3577 = vector.load %arg5[%get3A_3575, %get3A_3576] : memref<2736x1xf32, #tpu.memory_space<vmem>>, vector<8x1xf32>
    %add3A_3578 = vector.broadcast %get3A_8 : vector<1x4096xf32> to vector<8x4096xf32>
    %add3A_3579 = vector.broadcast %get3A_3577 : vector<8x1xf32> to vector<8x4096xf32>
    %add3A_3580 = arith.addf %add3A_3578, %add3A_3579 : vector<8x4096xf32>
    %slice3A_3581 = vector.extract_strided_slice %dot_general3A_5 {offsets = [2200, 0], sizes = [8, 4096], strides = [1, 1]} : vector<2736x4096xf32> to vector<8x4096xf32>
    %add3A_3582 = arith.addf %add3A_3580, %slice3A_3581 : vector<8x4096xf32>
    %lt3A_3583 = arith.cmpf olt, %add3A_3582, %select_n3A_3571 : vector<8x4096xf32>
    %select_n3A_3584 = arith.select %lt3A_3583, %add3A_3582, %select_n3A_3571 : vector<8x4096xi1>, vector<8x4096xf32>
    %jit3A_3585 = arith.constant 275 : i32
    %broadcast_in_dim3A_3586 = vector.broadcast %jit3A_3585 : i32 to vector<8x4096xi32>
    %select_n3A_3587 = arith.select %lt3A_3583, %broadcast_in_dim3A_3586, %select_n3A_3574 : vector<8x4096xi1>, vector<8x4096xi32>
    %get3A_3588 = arith.constant 2208 : index
    %get3A_3589 = arith.constant 0 : index
    %get3A_3590 = vector.load %arg5[%get3A_3588, %get3A_3589] : memref<2736x1xf32, #tpu.memory_space<vmem>>, vector<8x1xf32>
    %add3A_3591 = vector.broadcast %get3A_8 : vector<1x4096xf32> to vector<8x4096xf32>
    %add3A_3592 = vector.broadcast %get3A_3590 : vector<8x1xf32> to vector<8x4096xf32>
    %add3A_3593 = arith.addf %add3A_3591, %add3A_3592 : vector<8x4096xf32>
    %slice3A_3594 = vector.extract_strided_slice %dot_general3A_5 {offsets = [2208, 0], sizes = [8, 4096], strides = [1, 1]} : vector<2736x4096xf32> to vector<8x4096xf32>
    %add3A_3595 = arith.addf %add3A_3593, %slice3A_3594 : vector<8x4096xf32>
    %lt3A_3596 = arith.cmpf olt, %add3A_3595, %select_n3A_3584 : vector<8x4096xf32>
    %select_n3A_3597 = arith.select %lt3A_3596, %add3A_3595, %select_n3A_3584 : vector<8x4096xi1>, vector<8x4096xf32>
    %jit3A_3598 = arith.constant 276 : i32
    %broadcast_in_dim3A_3599 = vector.broadcast %jit3A_3598 : i32 to vector<8x4096xi32>
    %select_n3A_3600 = arith.select %lt3A_3596, %broadcast_in_dim3A_3599, %select_n3A_3587 : vector<8x4096xi1>, vector<8x4096xi32>
    %get3A_3601 = arith.constant 2216 : index
    %get3A_3602 = arith.constant 0 : index
    %get3A_3603 = vector.load %arg5[%get3A_3601, %get3A_3602] : memref<2736x1xf32, #tpu.memory_space<vmem>>, vector<8x1xf32>
    %add3A_3604 = vector.broadcast %get3A_8 : vector<1x4096xf32> to vector<8x4096xf32>
    %add3A_3605 = vector.broadcast %get3A_3603 : vector<8x1xf32> to vector<8x4096xf32>
    %add3A_3606 = arith.addf %add3A_3604, %add3A_3605 : vector<8x4096xf32>
    %slice3A_3607 = vector.extract_strided_slice %dot_general3A_5 {offsets = [2216, 0], sizes = [8, 4096], strides = [1, 1]} : vector<2736x4096xf32> to vector<8x4096xf32>
    %add3A_3608 = arith.addf %add3A_3606, %slice3A_3607 : vector<8x4096xf32>
    %lt3A_3609 = arith.cmpf olt, %add3A_3608, %select_n3A_3597 : vector<8x4096xf32>
    %select_n3A_3610 = arith.select %lt3A_3609, %add3A_3608, %select_n3A_3597 : vector<8x4096xi1>, vector<8x4096xf32>
    %jit3A_3611 = arith.constant 277 : i32
    %broadcast_in_dim3A_3612 = vector.broadcast %jit3A_3611 : i32 to vector<8x4096xi32>
    %select_n3A_3613 = arith.select %lt3A_3609, %broadcast_in_dim3A_3612, %select_n3A_3600 : vector<8x4096xi1>, vector<8x4096xi32>
    %get3A_3614 = arith.constant 2224 : index
    %get3A_3615 = arith.constant 0 : index
    %get3A_3616 = vector.load %arg5[%get3A_3614, %get3A_3615] : memref<2736x1xf32, #tpu.memory_space<vmem>>, vector<8x1xf32>
    %add3A_3617 = vector.broadcast %get3A_8 : vector<1x4096xf32> to vector<8x4096xf32>
    %add3A_3618 = vector.broadcast %get3A_3616 : vector<8x1xf32> to vector<8x4096xf32>
    %add3A_3619 = arith.addf %add3A_3617, %add3A_3618 : vector<8x4096xf32>
    %slice3A_3620 = vector.extract_strided_slice %dot_general3A_5 {offsets = [2224, 0], sizes = [8, 4096], strides = [1, 1]} : vector<2736x4096xf32> to vector<8x4096xf32>
    %add3A_3621 = arith.addf %add3A_3619, %slice3A_3620 : vector<8x4096xf32>
    %lt3A_3622 = arith.cmpf olt, %add3A_3621, %select_n3A_3610 : vector<8x4096xf32>
    %select_n3A_3623 = arith.select %lt3A_3622, %add3A_3621, %select_n3A_3610 : vector<8x4096xi1>, vector<8x4096xf32>
    %jit3A_3624 = arith.constant 278 : i32
    %broadcast_in_dim3A_3625 = vector.broadcast %jit3A_3624 : i32 to vector<8x4096xi32>
    %select_n3A_3626 = arith.select %lt3A_3622, %broadcast_in_dim3A_3625, %select_n3A_3613 : vector<8x4096xi1>, vector<8x4096xi32>
    %get3A_3627 = arith.constant 2232 : index
    %get3A_3628 = arith.constant 0 : index
    %get3A_3629 = vector.load %arg5[%get3A_3627, %get3A_3628] : memref<2736x1xf32, #tpu.memory_space<vmem>>, vector<8x1xf32>
    %add3A_3630 = vector.broadcast %get3A_8 : vector<1x4096xf32> to vector<8x4096xf32>
    %add3A_3631 = vector.broadcast %get3A_3629 : vector<8x1xf32> to vector<8x4096xf32>
    %add3A_3632 = arith.addf %add3A_3630, %add3A_3631 : vector<8x4096xf32>
    %slice3A_3633 = vector.extract_strided_slice %dot_general3A_5 {offsets = [2232, 0], sizes = [8, 4096], strides = [1, 1]} : vector<2736x4096xf32> to vector<8x4096xf32>
    %add3A_3634 = arith.addf %add3A_3632, %slice3A_3633 : vector<8x4096xf32>
    %lt3A_3635 = arith.cmpf olt, %add3A_3634, %select_n3A_3623 : vector<8x4096xf32>
    %select_n3A_3636 = arith.select %lt3A_3635, %add3A_3634, %select_n3A_3623 : vector<8x4096xi1>, vector<8x4096xf32>
    %jit3A_3637 = arith.constant 279 : i32
    %broadcast_in_dim3A_3638 = vector.broadcast %jit3A_3637 : i32 to vector<8x4096xi32>
    %select_n3A_3639 = arith.select %lt3A_3635, %broadcast_in_dim3A_3638, %select_n3A_3626 : vector<8x4096xi1>, vector<8x4096xi32>
    %get3A_3640 = arith.constant 2240 : index
    %get3A_3641 = arith.constant 0 : index
    %get3A_3642 = vector.load %arg5[%get3A_3640, %get3A_3641] : memref<2736x1xf32, #tpu.memory_space<vmem>>, vector<8x1xf32>
    %add3A_3643 = vector.broadcast %get3A_8 : vector<1x4096xf32> to vector<8x4096xf32>
    %add3A_3644 = vector.broadcast %get3A_3642 : vector<8x1xf32> to vector<8x4096xf32>
    %add3A_3645 = arith.addf %add3A_3643, %add3A_3644 : vector<8x4096xf32>
    %slice3A_3646 = vector.extract_strided_slice %dot_general3A_5 {offsets = [2240, 0], sizes = [8, 4096], strides = [1, 1]} : vector<2736x4096xf32> to vector<8x4096xf32>
    %add3A_3647 = arith.addf %add3A_3645, %slice3A_3646 : vector<8x4096xf32>
    %lt3A_3648 = arith.cmpf olt, %add3A_3647, %select_n3A_3636 : vector<8x4096xf32>
    %select_n3A_3649 = arith.select %lt3A_3648, %add3A_3647, %select_n3A_3636 : vector<8x4096xi1>, vector<8x4096xf32>
    %jit3A_3650 = arith.constant 280 : i32
    %broadcast_in_dim3A_3651 = vector.broadcast %jit3A_3650 : i32 to vector<8x4096xi32>
    %select_n3A_3652 = arith.select %lt3A_3648, %broadcast_in_dim3A_3651, %select_n3A_3639 : vector<8x4096xi1>, vector<8x4096xi32>
    %get3A_3653 = arith.constant 2248 : index
    %get3A_3654 = arith.constant 0 : index
    %get3A_3655 = vector.load %arg5[%get3A_3653, %get3A_3654] : memref<2736x1xf32, #tpu.memory_space<vmem>>, vector<8x1xf32>
    %add3A_3656 = vector.broadcast %get3A_8 : vector<1x4096xf32> to vector<8x4096xf32>
    %add3A_3657 = vector.broadcast %get3A_3655 : vector<8x1xf32> to vector<8x4096xf32>
    %add3A_3658 = arith.addf %add3A_3656, %add3A_3657 : vector<8x4096xf32>
    %slice3A_3659 = vector.extract_strided_slice %dot_general3A_5 {offsets = [2248, 0], sizes = [8, 4096], strides = [1, 1]} : vector<2736x4096xf32> to vector<8x4096xf32>
    %add3A_3660 = arith.addf %add3A_3658, %slice3A_3659 : vector<8x4096xf32>
    %lt3A_3661 = arith.cmpf olt, %add3A_3660, %select_n3A_3649 : vector<8x4096xf32>
    %select_n3A_3662 = arith.select %lt3A_3661, %add3A_3660, %select_n3A_3649 : vector<8x4096xi1>, vector<8x4096xf32>
    %jit3A_3663 = arith.constant 281 : i32
    %broadcast_in_dim3A_3664 = vector.broadcast %jit3A_3663 : i32 to vector<8x4096xi32>
    %select_n3A_3665 = arith.select %lt3A_3661, %broadcast_in_dim3A_3664, %select_n3A_3652 : vector<8x4096xi1>, vector<8x4096xi32>
    %get3A_3666 = arith.constant 2256 : index
    %get3A_3667 = arith.constant 0 : index
    %get3A_3668 = vector.load %arg5[%get3A_3666, %get3A_3667] : memref<2736x1xf32, #tpu.memory_space<vmem>>, vector<8x1xf32>
    %add3A_3669 = vector.broadcast %get3A_8 : vector<1x4096xf32> to vector<8x4096xf32>
    %add3A_3670 = vector.broadcast %get3A_3668 : vector<8x1xf32> to vector<8x4096xf32>
    %add3A_3671 = arith.addf %add3A_3669, %add3A_3670 : vector<8x4096xf32>
    %slice3A_3672 = vector.extract_strided_slice %dot_general3A_5 {offsets = [2256, 0], sizes = [8, 4096], strides = [1, 1]} : vector<2736x4096xf32> to vector<8x4096xf32>
    %add3A_3673 = arith.addf %add3A_3671, %slice3A_3672 : vector<8x4096xf32>
    %lt3A_3674 = arith.cmpf olt, %add3A_3673, %select_n3A_3662 : vector<8x4096xf32>
    %select_n3A_3675 = arith.select %lt3A_3674, %add3A_3673, %select_n3A_3662 : vector<8x4096xi1>, vector<8x4096xf32>
    %jit3A_3676 = arith.constant 282 : i32
    %broadcast_in_dim3A_3677 = vector.broadcast %jit3A_3676 : i32 to vector<8x4096xi32>
    %select_n3A_3678 = arith.select %lt3A_3674, %broadcast_in_dim3A_3677, %select_n3A_3665 : vector<8x4096xi1>, vector<8x4096xi32>
    %get3A_3679 = arith.constant 2264 : index
    %get3A_3680 = arith.constant 0 : index
    %get3A_3681 = vector.load %arg5[%get3A_3679, %get3A_3680] : memref<2736x1xf32, #tpu.memory_space<vmem>>, vector<8x1xf32>
    %add3A_3682 = vector.broadcast %get3A_8 : vector<1x4096xf32> to vector<8x4096xf32>
    %add3A_3683 = vector.broadcast %get3A_3681 : vector<8x1xf32> to vector<8x4096xf32>
    %add3A_3684 = arith.addf %add3A_3682, %add3A_3683 : vector<8x4096xf32>
    %slice3A_3685 = vector.extract_strided_slice %dot_general3A_5 {offsets = [2264, 0], sizes = [8, 4096], strides = [1, 1]} : vector<2736x4096xf32> to vector<8x4096xf32>
    %add3A_3686 = arith.addf %add3A_3684, %slice3A_3685 : vector<8x4096xf32>
    %lt3A_3687 = arith.cmpf olt, %add3A_3686, %select_n3A_3675 : vector<8x4096xf32>
    %select_n3A_3688 = arith.select %lt3A_3687, %add3A_3686, %select_n3A_3675 : vector<8x4096xi1>, vector<8x4096xf32>
    %jit3A_3689 = arith.constant 283 : i32
    %broadcast_in_dim3A_3690 = vector.broadcast %jit3A_3689 : i32 to vector<8x4096xi32>
    %select_n3A_3691 = arith.select %lt3A_3687, %broadcast_in_dim3A_3690, %select_n3A_3678 : vector<8x4096xi1>, vector<8x4096xi32>
    %get3A_3692 = arith.constant 2272 : index
    %get3A_3693 = arith.constant 0 : index
    %get3A_3694 = vector.load %arg5[%get3A_3692, %get3A_3693] : memref<2736x1xf32, #tpu.memory_space<vmem>>, vector<8x1xf32>
    %add3A_3695 = vector.broadcast %get3A_8 : vector<1x4096xf32> to vector<8x4096xf32>
    %add3A_3696 = vector.broadcast %get3A_3694 : vector<8x1xf32> to vector<8x4096xf32>
    %add3A_3697 = arith.addf %add3A_3695, %add3A_3696 : vector<8x4096xf32>
    %slice3A_3698 = vector.extract_strided_slice %dot_general3A_5 {offsets = [2272, 0], sizes = [8, 4096], strides = [1, 1]} : vector<2736x4096xf32> to vector<8x4096xf32>
    %add3A_3699 = arith.addf %add3A_3697, %slice3A_3698 : vector<8x4096xf32>
    %lt3A_3700 = arith.cmpf olt, %add3A_3699, %select_n3A_3688 : vector<8x4096xf32>
    %select_n3A_3701 = arith.select %lt3A_3700, %add3A_3699, %select_n3A_3688 : vector<8x4096xi1>, vector<8x4096xf32>
    %jit3A_3702 = arith.constant 284 : i32
    %broadcast_in_dim3A_3703 = vector.broadcast %jit3A_3702 : i32 to vector<8x4096xi32>
    %select_n3A_3704 = arith.select %lt3A_3700, %broadcast_in_dim3A_3703, %select_n3A_3691 : vector<8x4096xi1>, vector<8x4096xi32>
    %get3A_3705 = arith.constant 2280 : index
    %get3A_3706 = arith.constant 0 : index
    %get3A_3707 = vector.load %arg5[%get3A_3705, %get3A_3706] : memref<2736x1xf32, #tpu.memory_space<vmem>>, vector<8x1xf32>
    %add3A_3708 = vector.broadcast %get3A_8 : vector<1x4096xf32> to vector<8x4096xf32>
    %add3A_3709 = vector.broadcast %get3A_3707 : vector<8x1xf32> to vector<8x4096xf32>
    %add3A_3710 = arith.addf %add3A_3708, %add3A_3709 : vector<8x4096xf32>
    %slice3A_3711 = vector.extract_strided_slice %dot_general3A_5 {offsets = [2280, 0], sizes = [8, 4096], strides = [1, 1]} : vector<2736x4096xf32> to vector<8x4096xf32>
    %add3A_3712 = arith.addf %add3A_3710, %slice3A_3711 : vector<8x4096xf32>
    %lt3A_3713 = arith.cmpf olt, %add3A_3712, %select_n3A_3701 : vector<8x4096xf32>
    %select_n3A_3714 = arith.select %lt3A_3713, %add3A_3712, %select_n3A_3701 : vector<8x4096xi1>, vector<8x4096xf32>
    %jit3A_3715 = arith.constant 285 : i32
    %broadcast_in_dim3A_3716 = vector.broadcast %jit3A_3715 : i32 to vector<8x4096xi32>
    %select_n3A_3717 = arith.select %lt3A_3713, %broadcast_in_dim3A_3716, %select_n3A_3704 : vector<8x4096xi1>, vector<8x4096xi32>
    %get3A_3718 = arith.constant 2288 : index
    %get3A_3719 = arith.constant 0 : index
    %get3A_3720 = vector.load %arg5[%get3A_3718, %get3A_3719] : memref<2736x1xf32, #tpu.memory_space<vmem>>, vector<8x1xf32>
    %add3A_3721 = vector.broadcast %get3A_8 : vector<1x4096xf32> to vector<8x4096xf32>
    %add3A_3722 = vector.broadcast %get3A_3720 : vector<8x1xf32> to vector<8x4096xf32>
    %add3A_3723 = arith.addf %add3A_3721, %add3A_3722 : vector<8x4096xf32>
    %slice3A_3724 = vector.extract_strided_slice %dot_general3A_5 {offsets = [2288, 0], sizes = [8, 4096], strides = [1, 1]} : vector<2736x4096xf32> to vector<8x4096xf32>
    %add3A_3725 = arith.addf %add3A_3723, %slice3A_3724 : vector<8x4096xf32>
    %lt3A_3726 = arith.cmpf olt, %add3A_3725, %select_n3A_3714 : vector<8x4096xf32>
    %select_n3A_3727 = arith.select %lt3A_3726, %add3A_3725, %select_n3A_3714 : vector<8x4096xi1>, vector<8x4096xf32>
    %jit3A_3728 = arith.constant 286 : i32
    %broadcast_in_dim3A_3729 = vector.broadcast %jit3A_3728 : i32 to vector<8x4096xi32>
    %select_n3A_3730 = arith.select %lt3A_3726, %broadcast_in_dim3A_3729, %select_n3A_3717 : vector<8x4096xi1>, vector<8x4096xi32>
    %get3A_3731 = arith.constant 2296 : index
    %get3A_3732 = arith.constant 0 : index
    %get3A_3733 = vector.load %arg5[%get3A_3731, %get3A_3732] : memref<2736x1xf32, #tpu.memory_space<vmem>>, vector<8x1xf32>
    %add3A_3734 = vector.broadcast %get3A_8 : vector<1x4096xf32> to vector<8x4096xf32>
    %add3A_3735 = vector.broadcast %get3A_3733 : vector<8x1xf32> to vector<8x4096xf32>
    %add3A_3736 = arith.addf %add3A_3734, %add3A_3735 : vector<8x4096xf32>
    %slice3A_3737 = vector.extract_strided_slice %dot_general3A_5 {offsets = [2296, 0], sizes = [8, 4096], strides = [1, 1]} : vector<2736x4096xf32> to vector<8x4096xf32>
    %add3A_3738 = arith.addf %add3A_3736, %slice3A_3737 : vector<8x4096xf32>
    %lt3A_3739 = arith.cmpf olt, %add3A_3738, %select_n3A_3727 : vector<8x4096xf32>
    %select_n3A_3740 = arith.select %lt3A_3739, %add3A_3738, %select_n3A_3727 : vector<8x4096xi1>, vector<8x4096xf32>
    %jit3A_3741 = arith.constant 287 : i32
    %broadcast_in_dim3A_3742 = vector.broadcast %jit3A_3741 : i32 to vector<8x4096xi32>
    %select_n3A_3743 = arith.select %lt3A_3739, %broadcast_in_dim3A_3742, %select_n3A_3730 : vector<8x4096xi1>, vector<8x4096xi32>
    %get3A_3744 = arith.constant 2304 : index
    %get3A_3745 = arith.constant 0 : index
    %get3A_3746 = vector.load %arg5[%get3A_3744, %get3A_3745] : memref<2736x1xf32, #tpu.memory_space<vmem>>, vector<8x1xf32>
    %add3A_3747 = vector.broadcast %get3A_8 : vector<1x4096xf32> to vector<8x4096xf32>
    %add3A_3748 = vector.broadcast %get3A_3746 : vector<8x1xf32> to vector<8x4096xf32>
    %add3A_3749 = arith.addf %add3A_3747, %add3A_3748 : vector<8x4096xf32>
    %slice3A_3750 = vector.extract_strided_slice %dot_general3A_5 {offsets = [2304, 0], sizes = [8, 4096], strides = [1, 1]} : vector<2736x4096xf32> to vector<8x4096xf32>
    %add3A_3751 = arith.addf %add3A_3749, %slice3A_3750 : vector<8x4096xf32>
    %lt3A_3752 = arith.cmpf olt, %add3A_3751, %select_n3A_3740 : vector<8x4096xf32>
    %select_n3A_3753 = arith.select %lt3A_3752, %add3A_3751, %select_n3A_3740 : vector<8x4096xi1>, vector<8x4096xf32>
    %jit3A_3754 = arith.constant 288 : i32
    %broadcast_in_dim3A_3755 = vector.broadcast %jit3A_3754 : i32 to vector<8x4096xi32>
    %select_n3A_3756 = arith.select %lt3A_3752, %broadcast_in_dim3A_3755, %select_n3A_3743 : vector<8x4096xi1>, vector<8x4096xi32>
    %get3A_3757 = arith.constant 2312 : index
    %get3A_3758 = arith.constant 0 : index
    %get3A_3759 = vector.load %arg5[%get3A_3757, %get3A_3758] : memref<2736x1xf32, #tpu.memory_space<vmem>>, vector<8x1xf32>
    %add3A_3760 = vector.broadcast %get3A_8 : vector<1x4096xf32> to vector<8x4096xf32>
    %add3A_3761 = vector.broadcast %get3A_3759 : vector<8x1xf32> to vector<8x4096xf32>
    %add3A_3762 = arith.addf %add3A_3760, %add3A_3761 : vector<8x4096xf32>
    %slice3A_3763 = vector.extract_strided_slice %dot_general3A_5 {offsets = [2312, 0], sizes = [8, 4096], strides = [1, 1]} : vector<2736x4096xf32> to vector<8x4096xf32>
    %add3A_3764 = arith.addf %add3A_3762, %slice3A_3763 : vector<8x4096xf32>
    %lt3A_3765 = arith.cmpf olt, %add3A_3764, %select_n3A_3753 : vector<8x4096xf32>
    %select_n3A_3766 = arith.select %lt3A_3765, %add3A_3764, %select_n3A_3753 : vector<8x4096xi1>, vector<8x4096xf32>
    %jit3A_3767 = arith.constant 289 : i32
    %broadcast_in_dim3A_3768 = vector.broadcast %jit3A_3767 : i32 to vector<8x4096xi32>
    %select_n3A_3769 = arith.select %lt3A_3765, %broadcast_in_dim3A_3768, %select_n3A_3756 : vector<8x4096xi1>, vector<8x4096xi32>
    %get3A_3770 = arith.constant 2320 : index
    %get3A_3771 = arith.constant 0 : index
    %get3A_3772 = vector.load %arg5[%get3A_3770, %get3A_3771] : memref<2736x1xf32, #tpu.memory_space<vmem>>, vector<8x1xf32>
    %add3A_3773 = vector.broadcast %get3A_8 : vector<1x4096xf32> to vector<8x4096xf32>
    %add3A_3774 = vector.broadcast %get3A_3772 : vector<8x1xf32> to vector<8x4096xf32>
    %add3A_3775 = arith.addf %add3A_3773, %add3A_3774 : vector<8x4096xf32>
    %slice3A_3776 = vector.extract_strided_slice %dot_general3A_5 {offsets = [2320, 0], sizes = [8, 4096], strides = [1, 1]} : vector<2736x4096xf32> to vector<8x4096xf32>
    %add3A_3777 = arith.addf %add3A_3775, %slice3A_3776 : vector<8x4096xf32>
    %lt3A_3778 = arith.cmpf olt, %add3A_3777, %select_n3A_3766 : vector<8x4096xf32>
    %select_n3A_3779 = arith.select %lt3A_3778, %add3A_3777, %select_n3A_3766 : vector<8x4096xi1>, vector<8x4096xf32>
    %jit3A_3780 = arith.constant 290 : i32
    %broadcast_in_dim3A_3781 = vector.broadcast %jit3A_3780 : i32 to vector<8x4096xi32>
    %select_n3A_3782 = arith.select %lt3A_3778, %broadcast_in_dim3A_3781, %select_n3A_3769 : vector<8x4096xi1>, vector<8x4096xi32>
    %get3A_3783 = arith.constant 2328 : index
    %get3A_3784 = arith.constant 0 : index
    %get3A_3785 = vector.load %arg5[%get3A_3783, %get3A_3784] : memref<2736x1xf32, #tpu.memory_space<vmem>>, vector<8x1xf32>
    %add3A_3786 = vector.broadcast %get3A_8 : vector<1x4096xf32> to vector<8x4096xf32>
    %add3A_3787 = vector.broadcast %get3A_3785 : vector<8x1xf32> to vector<8x4096xf32>
    %add3A_3788 = arith.addf %add3A_3786, %add3A_3787 : vector<8x4096xf32>
    %slice3A_3789 = vector.extract_strided_slice %dot_general3A_5 {offsets = [2328, 0], sizes = [8, 4096], strides = [1, 1]} : vector<2736x4096xf32> to vector<8x4096xf32>
    %add3A_3790 = arith.addf %add3A_3788, %slice3A_3789 : vector<8x4096xf32>
    %lt3A_3791 = arith.cmpf olt, %add3A_3790, %select_n3A_3779 : vector<8x4096xf32>
    %select_n3A_3792 = arith.select %lt3A_3791, %add3A_3790, %select_n3A_3779 : vector<8x4096xi1>, vector<8x4096xf32>
    %jit3A_3793 = arith.constant 291 : i32
    %broadcast_in_dim3A_3794 = vector.broadcast %jit3A_3793 : i32 to vector<8x4096xi32>
    %select_n3A_3795 = arith.select %lt3A_3791, %broadcast_in_dim3A_3794, %select_n3A_3782 : vector<8x4096xi1>, vector<8x4096xi32>
    %get3A_3796 = arith.constant 2336 : index
    %get3A_3797 = arith.constant 0 : index
    %get3A_3798 = vector.load %arg5[%get3A_3796, %get3A_3797] : memref<2736x1xf32, #tpu.memory_space<vmem>>, vector<8x1xf32>
    %add3A_3799 = vector.broadcast %get3A_8 : vector<1x4096xf32> to vector<8x4096xf32>
    %add3A_3800 = vector.broadcast %get3A_3798 : vector<8x1xf32> to vector<8x4096xf32>
    %add3A_3801 = arith.addf %add3A_3799, %add3A_3800 : vector<8x4096xf32>
    %slice3A_3802 = vector.extract_strided_slice %dot_general3A_5 {offsets = [2336, 0], sizes = [8, 4096], strides = [1, 1]} : vector<2736x4096xf32> to vector<8x4096xf32>
    %add3A_3803 = arith.addf %add3A_3801, %slice3A_3802 : vector<8x4096xf32>
    %lt3A_3804 = arith.cmpf olt, %add3A_3803, %select_n3A_3792 : vector<8x4096xf32>
    %select_n3A_3805 = arith.select %lt3A_3804, %add3A_3803, %select_n3A_3792 : vector<8x4096xi1>, vector<8x4096xf32>
    %jit3A_3806 = arith.constant 292 : i32
    %broadcast_in_dim3A_3807 = vector.broadcast %jit3A_3806 : i32 to vector<8x4096xi32>
    %select_n3A_3808 = arith.select %lt3A_3804, %broadcast_in_dim3A_3807, %select_n3A_3795 : vector<8x4096xi1>, vector<8x4096xi32>
    %get3A_3809 = arith.constant 2344 : index
    %get3A_3810 = arith.constant 0 : index
    %get3A_3811 = vector.load %arg5[%get3A_3809, %get3A_3810] : memref<2736x1xf32, #tpu.memory_space<vmem>>, vector<8x1xf32>
    %add3A_3812 = vector.broadcast %get3A_8 : vector<1x4096xf32> to vector<8x4096xf32>
    %add3A_3813 = vector.broadcast %get3A_3811 : vector<8x1xf32> to vector<8x4096xf32>
    %add3A_3814 = arith.addf %add3A_3812, %add3A_3813 : vector<8x4096xf32>
    %slice3A_3815 = vector.extract_strided_slice %dot_general3A_5 {offsets = [2344, 0], sizes = [8, 4096], strides = [1, 1]} : vector<2736x4096xf32> to vector<8x4096xf32>
    %add3A_3816 = arith.addf %add3A_3814, %slice3A_3815 : vector<8x4096xf32>
    %lt3A_3817 = arith.cmpf olt, %add3A_3816, %select_n3A_3805 : vector<8x4096xf32>
    %select_n3A_3818 = arith.select %lt3A_3817, %add3A_3816, %select_n3A_3805 : vector<8x4096xi1>, vector<8x4096xf32>
    %jit3A_3819 = arith.constant 293 : i32
    %broadcast_in_dim3A_3820 = vector.broadcast %jit3A_3819 : i32 to vector<8x4096xi32>
    %select_n3A_3821 = arith.select %lt3A_3817, %broadcast_in_dim3A_3820, %select_n3A_3808 : vector<8x4096xi1>, vector<8x4096xi32>
    %get3A_3822 = arith.constant 2352 : index
    %get3A_3823 = arith.constant 0 : index
    %get3A_3824 = vector.load %arg5[%get3A_3822, %get3A_3823] : memref<2736x1xf32, #tpu.memory_space<vmem>>, vector<8x1xf32>
    %add3A_3825 = vector.broadcast %get3A_8 : vector<1x4096xf32> to vector<8x4096xf32>
    %add3A_3826 = vector.broadcast %get3A_3824 : vector<8x1xf32> to vector<8x4096xf32>
    %add3A_3827 = arith.addf %add3A_3825, %add3A_3826 : vector<8x4096xf32>
    %slice3A_3828 = vector.extract_strided_slice %dot_general3A_5 {offsets = [2352, 0], sizes = [8, 4096], strides = [1, 1]} : vector<2736x4096xf32> to vector<8x4096xf32>
    %add3A_3829 = arith.addf %add3A_3827, %slice3A_3828 : vector<8x4096xf32>
    %lt3A_3830 = arith.cmpf olt, %add3A_3829, %select_n3A_3818 : vector<8x4096xf32>
    %select_n3A_3831 = arith.select %lt3A_3830, %add3A_3829, %select_n3A_3818 : vector<8x4096xi1>, vector<8x4096xf32>
    %jit3A_3832 = arith.constant 294 : i32
    %broadcast_in_dim3A_3833 = vector.broadcast %jit3A_3832 : i32 to vector<8x4096xi32>
    %select_n3A_3834 = arith.select %lt3A_3830, %broadcast_in_dim3A_3833, %select_n3A_3821 : vector<8x4096xi1>, vector<8x4096xi32>
    %get3A_3835 = arith.constant 2360 : index
    %get3A_3836 = arith.constant 0 : index
    %get3A_3837 = vector.load %arg5[%get3A_3835, %get3A_3836] : memref<2736x1xf32, #tpu.memory_space<vmem>>, vector<8x1xf32>
    %add3A_3838 = vector.broadcast %get3A_8 : vector<1x4096xf32> to vector<8x4096xf32>
    %add3A_3839 = vector.broadcast %get3A_3837 : vector<8x1xf32> to vector<8x4096xf32>
    %add3A_3840 = arith.addf %add3A_3838, %add3A_3839 : vector<8x4096xf32>
    %slice3A_3841 = vector.extract_strided_slice %dot_general3A_5 {offsets = [2360, 0], sizes = [8, 4096], strides = [1, 1]} : vector<2736x4096xf32> to vector<8x4096xf32>
    %add3A_3842 = arith.addf %add3A_3840, %slice3A_3841 : vector<8x4096xf32>
    %lt3A_3843 = arith.cmpf olt, %add3A_3842, %select_n3A_3831 : vector<8x4096xf32>
    %select_n3A_3844 = arith.select %lt3A_3843, %add3A_3842, %select_n3A_3831 : vector<8x4096xi1>, vector<8x4096xf32>
    %jit3A_3845 = arith.constant 295 : i32
    %broadcast_in_dim3A_3846 = vector.broadcast %jit3A_3845 : i32 to vector<8x4096xi32>
    %select_n3A_3847 = arith.select %lt3A_3843, %broadcast_in_dim3A_3846, %select_n3A_3834 : vector<8x4096xi1>, vector<8x4096xi32>
    %get3A_3848 = arith.constant 2368 : index
    %get3A_3849 = arith.constant 0 : index
    %get3A_3850 = vector.load %arg5[%get3A_3848, %get3A_3849] : memref<2736x1xf32, #tpu.memory_space<vmem>>, vector<8x1xf32>
    %add3A_3851 = vector.broadcast %get3A_8 : vector<1x4096xf32> to vector<8x4096xf32>
    %add3A_3852 = vector.broadcast %get3A_3850 : vector<8x1xf32> to vector<8x4096xf32>
    %add3A_3853 = arith.addf %add3A_3851, %add3A_3852 : vector<8x4096xf32>
    %slice3A_3854 = vector.extract_strided_slice %dot_general3A_5 {offsets = [2368, 0], sizes = [8, 4096], strides = [1, 1]} : vector<2736x4096xf32> to vector<8x4096xf32>
    %add3A_3855 = arith.addf %add3A_3853, %slice3A_3854 : vector<8x4096xf32>
    %lt3A_3856 = arith.cmpf olt, %add3A_3855, %select_n3A_3844 : vector<8x4096xf32>
    %select_n3A_3857 = arith.select %lt3A_3856, %add3A_3855, %select_n3A_3844 : vector<8x4096xi1>, vector<8x4096xf32>
    %jit3A_3858 = arith.constant 296 : i32
    %broadcast_in_dim3A_3859 = vector.broadcast %jit3A_3858 : i32 to vector<8x4096xi32>
    %select_n3A_3860 = arith.select %lt3A_3856, %broadcast_in_dim3A_3859, %select_n3A_3847 : vector<8x4096xi1>, vector<8x4096xi32>
    %get3A_3861 = arith.constant 2376 : index
    %get3A_3862 = arith.constant 0 : index
    %get3A_3863 = vector.load %arg5[%get3A_3861, %get3A_3862] : memref<2736x1xf32, #tpu.memory_space<vmem>>, vector<8x1xf32>
    %add3A_3864 = vector.broadcast %get3A_8 : vector<1x4096xf32> to vector<8x4096xf32>
    %add3A_3865 = vector.broadcast %get3A_3863 : vector<8x1xf32> to vector<8x4096xf32>
    %add3A_3866 = arith.addf %add3A_3864, %add3A_3865 : vector<8x4096xf32>
    %slice3A_3867 = vector.extract_strided_slice %dot_general3A_5 {offsets = [2376, 0], sizes = [8, 4096], strides = [1, 1]} : vector<2736x4096xf32> to vector<8x4096xf32>
    %add3A_3868 = arith.addf %add3A_3866, %slice3A_3867 : vector<8x4096xf32>
    %lt3A_3869 = arith.cmpf olt, %add3A_3868, %select_n3A_3857 : vector<8x4096xf32>
    %select_n3A_3870 = arith.select %lt3A_3869, %add3A_3868, %select_n3A_3857 : vector<8x4096xi1>, vector<8x4096xf32>
    %jit3A_3871 = arith.constant 297 : i32
    %broadcast_in_dim3A_3872 = vector.broadcast %jit3A_3871 : i32 to vector<8x4096xi32>
    %select_n3A_3873 = arith.select %lt3A_3869, %broadcast_in_dim3A_3872, %select_n3A_3860 : vector<8x4096xi1>, vector<8x4096xi32>
    %get3A_3874 = arith.constant 2384 : index
    %get3A_3875 = arith.constant 0 : index
    %get3A_3876 = vector.load %arg5[%get3A_3874, %get3A_3875] : memref<2736x1xf32, #tpu.memory_space<vmem>>, vector<8x1xf32>
    %add3A_3877 = vector.broadcast %get3A_8 : vector<1x4096xf32> to vector<8x4096xf32>
    %add3A_3878 = vector.broadcast %get3A_3876 : vector<8x1xf32> to vector<8x4096xf32>
    %add3A_3879 = arith.addf %add3A_3877, %add3A_3878 : vector<8x4096xf32>
    %slice3A_3880 = vector.extract_strided_slice %dot_general3A_5 {offsets = [2384, 0], sizes = [8, 4096], strides = [1, 1]} : vector<2736x4096xf32> to vector<8x4096xf32>
    %add3A_3881 = arith.addf %add3A_3879, %slice3A_3880 : vector<8x4096xf32>
    %lt3A_3882 = arith.cmpf olt, %add3A_3881, %select_n3A_3870 : vector<8x4096xf32>
    %select_n3A_3883 = arith.select %lt3A_3882, %add3A_3881, %select_n3A_3870 : vector<8x4096xi1>, vector<8x4096xf32>
    %jit3A_3884 = arith.constant 298 : i32
    %broadcast_in_dim3A_3885 = vector.broadcast %jit3A_3884 : i32 to vector<8x4096xi32>
    %select_n3A_3886 = arith.select %lt3A_3882, %broadcast_in_dim3A_3885, %select_n3A_3873 : vector<8x4096xi1>, vector<8x4096xi32>
    %get3A_3887 = arith.constant 2392 : index
    %get3A_3888 = arith.constant 0 : index
    %get3A_3889 = vector.load %arg5[%get3A_3887, %get3A_3888] : memref<2736x1xf32, #tpu.memory_space<vmem>>, vector<8x1xf32>
    %add3A_3890 = vector.broadcast %get3A_8 : vector<1x4096xf32> to vector<8x4096xf32>
    %add3A_3891 = vector.broadcast %get3A_3889 : vector<8x1xf32> to vector<8x4096xf32>
    %add3A_3892 = arith.addf %add3A_3890, %add3A_3891 : vector<8x4096xf32>
    %slice3A_3893 = vector.extract_strided_slice %dot_general3A_5 {offsets = [2392, 0], sizes = [8, 4096], strides = [1, 1]} : vector<2736x4096xf32> to vector<8x4096xf32>
    %add3A_3894 = arith.addf %add3A_3892, %slice3A_3893 : vector<8x4096xf32>
    %lt3A_3895 = arith.cmpf olt, %add3A_3894, %select_n3A_3883 : vector<8x4096xf32>
    %select_n3A_3896 = arith.select %lt3A_3895, %add3A_3894, %select_n3A_3883 : vector<8x4096xi1>, vector<8x4096xf32>
    %jit3A_3897 = arith.constant 299 : i32
    %broadcast_in_dim3A_3898 = vector.broadcast %jit3A_3897 : i32 to vector<8x4096xi32>
    %select_n3A_3899 = arith.select %lt3A_3895, %broadcast_in_dim3A_3898, %select_n3A_3886 : vector<8x4096xi1>, vector<8x4096xi32>
    %get3A_3900 = arith.constant 2400 : index
    %get3A_3901 = arith.constant 0 : index
    %get3A_3902 = vector.load %arg5[%get3A_3900, %get3A_3901] : memref<2736x1xf32, #tpu.memory_space<vmem>>, vector<8x1xf32>
    %add3A_3903 = vector.broadcast %get3A_8 : vector<1x4096xf32> to vector<8x4096xf32>
    %add3A_3904 = vector.broadcast %get3A_3902 : vector<8x1xf32> to vector<8x4096xf32>
    %add3A_3905 = arith.addf %add3A_3903, %add3A_3904 : vector<8x4096xf32>
    %slice3A_3906 = vector.extract_strided_slice %dot_general3A_5 {offsets = [2400, 0], sizes = [8, 4096], strides = [1, 1]} : vector<2736x4096xf32> to vector<8x4096xf32>
    %add3A_3907 = arith.addf %add3A_3905, %slice3A_3906 : vector<8x4096xf32>
    %lt3A_3908 = arith.cmpf olt, %add3A_3907, %select_n3A_3896 : vector<8x4096xf32>
    %select_n3A_3909 = arith.select %lt3A_3908, %add3A_3907, %select_n3A_3896 : vector<8x4096xi1>, vector<8x4096xf32>
    %jit3A_3910 = arith.constant 300 : i32
    %broadcast_in_dim3A_3911 = vector.broadcast %jit3A_3910 : i32 to vector<8x4096xi32>
    %select_n3A_3912 = arith.select %lt3A_3908, %broadcast_in_dim3A_3911, %select_n3A_3899 : vector<8x4096xi1>, vector<8x4096xi32>
    %get3A_3913 = arith.constant 2408 : index
    %get3A_3914 = arith.constant 0 : index
    %get3A_3915 = vector.load %arg5[%get3A_3913, %get3A_3914] : memref<2736x1xf32, #tpu.memory_space<vmem>>, vector<8x1xf32>
    %add3A_3916 = vector.broadcast %get3A_8 : vector<1x4096xf32> to vector<8x4096xf32>
    %add3A_3917 = vector.broadcast %get3A_3915 : vector<8x1xf32> to vector<8x4096xf32>
    %add3A_3918 = arith.addf %add3A_3916, %add3A_3917 : vector<8x4096xf32>
    %slice3A_3919 = vector.extract_strided_slice %dot_general3A_5 {offsets = [2408, 0], sizes = [8, 4096], strides = [1, 1]} : vector<2736x4096xf32> to vector<8x4096xf32>
    %add3A_3920 = arith.addf %add3A_3918, %slice3A_3919 : vector<8x4096xf32>
    %lt3A_3921 = arith.cmpf olt, %add3A_3920, %select_n3A_3909 : vector<8x4096xf32>
    %select_n3A_3922 = arith.select %lt3A_3921, %add3A_3920, %select_n3A_3909 : vector<8x4096xi1>, vector<8x4096xf32>
    %jit3A_3923 = arith.constant 301 : i32
    %broadcast_in_dim3A_3924 = vector.broadcast %jit3A_3923 : i32 to vector<8x4096xi32>
    %select_n3A_3925 = arith.select %lt3A_3921, %broadcast_in_dim3A_3924, %select_n3A_3912 : vector<8x4096xi1>, vector<8x4096xi32>
    %get3A_3926 = arith.constant 2416 : index
    %get3A_3927 = arith.constant 0 : index
    %get3A_3928 = vector.load %arg5[%get3A_3926, %get3A_3927] : memref<2736x1xf32, #tpu.memory_space<vmem>>, vector<8x1xf32>
    %add3A_3929 = vector.broadcast %get3A_8 : vector<1x4096xf32> to vector<8x4096xf32>
    %add3A_3930 = vector.broadcast %get3A_3928 : vector<8x1xf32> to vector<8x4096xf32>
    %add3A_3931 = arith.addf %add3A_3929, %add3A_3930 : vector<8x4096xf32>
    %slice3A_3932 = vector.extract_strided_slice %dot_general3A_5 {offsets = [2416, 0], sizes = [8, 4096], strides = [1, 1]} : vector<2736x4096xf32> to vector<8x4096xf32>
    %add3A_3933 = arith.addf %add3A_3931, %slice3A_3932 : vector<8x4096xf32>
    %lt3A_3934 = arith.cmpf olt, %add3A_3933, %select_n3A_3922 : vector<8x4096xf32>
    %select_n3A_3935 = arith.select %lt3A_3934, %add3A_3933, %select_n3A_3922 : vector<8x4096xi1>, vector<8x4096xf32>
    %jit3A_3936 = arith.constant 302 : i32
    %broadcast_in_dim3A_3937 = vector.broadcast %jit3A_3936 : i32 to vector<8x4096xi32>
    %select_n3A_3938 = arith.select %lt3A_3934, %broadcast_in_dim3A_3937, %select_n3A_3925 : vector<8x4096xi1>, vector<8x4096xi32>
    %get3A_3939 = arith.constant 2424 : index
    %get3A_3940 = arith.constant 0 : index
    %get3A_3941 = vector.load %arg5[%get3A_3939, %get3A_3940] : memref<2736x1xf32, #tpu.memory_space<vmem>>, vector<8x1xf32>
    %add3A_3942 = vector.broadcast %get3A_8 : vector<1x4096xf32> to vector<8x4096xf32>
    %add3A_3943 = vector.broadcast %get3A_3941 : vector<8x1xf32> to vector<8x4096xf32>
    %add3A_3944 = arith.addf %add3A_3942, %add3A_3943 : vector<8x4096xf32>
    %slice3A_3945 = vector.extract_strided_slice %dot_general3A_5 {offsets = [2424, 0], sizes = [8, 4096], strides = [1, 1]} : vector<2736x4096xf32> to vector<8x4096xf32>
    %add3A_3946 = arith.addf %add3A_3944, %slice3A_3945 : vector<8x4096xf32>
    %lt3A_3947 = arith.cmpf olt, %add3A_3946, %select_n3A_3935 : vector<8x4096xf32>
    %select_n3A_3948 = arith.select %lt3A_3947, %add3A_3946, %select_n3A_3935 : vector<8x4096xi1>, vector<8x4096xf32>
    %jit3A_3949 = arith.constant 303 : i32
    %broadcast_in_dim3A_3950 = vector.broadcast %jit3A_3949 : i32 to vector<8x4096xi32>
    %select_n3A_3951 = arith.select %lt3A_3947, %broadcast_in_dim3A_3950, %select_n3A_3938 : vector<8x4096xi1>, vector<8x4096xi32>
    %get3A_3952 = arith.constant 2432 : index
    %get3A_3953 = arith.constant 0 : index
    %get3A_3954 = vector.load %arg5[%get3A_3952, %get3A_3953] : memref<2736x1xf32, #tpu.memory_space<vmem>>, vector<8x1xf32>
    %add3A_3955 = vector.broadcast %get3A_8 : vector<1x4096xf32> to vector<8x4096xf32>
    %add3A_3956 = vector.broadcast %get3A_3954 : vector<8x1xf32> to vector<8x4096xf32>
    %add3A_3957 = arith.addf %add3A_3955, %add3A_3956 : vector<8x4096xf32>
    %slice3A_3958 = vector.extract_strided_slice %dot_general3A_5 {offsets = [2432, 0], sizes = [8, 4096], strides = [1, 1]} : vector<2736x4096xf32> to vector<8x4096xf32>
    %add3A_3959 = arith.addf %add3A_3957, %slice3A_3958 : vector<8x4096xf32>
    %lt3A_3960 = arith.cmpf olt, %add3A_3959, %select_n3A_3948 : vector<8x4096xf32>
    %select_n3A_3961 = arith.select %lt3A_3960, %add3A_3959, %select_n3A_3948 : vector<8x4096xi1>, vector<8x4096xf32>
    %jit3A_3962 = arith.constant 304 : i32
    %broadcast_in_dim3A_3963 = vector.broadcast %jit3A_3962 : i32 to vector<8x4096xi32>
    %select_n3A_3964 = arith.select %lt3A_3960, %broadcast_in_dim3A_3963, %select_n3A_3951 : vector<8x4096xi1>, vector<8x4096xi32>
    %get3A_3965 = arith.constant 2440 : index
    %get3A_3966 = arith.constant 0 : index
    %get3A_3967 = vector.load %arg5[%get3A_3965, %get3A_3966] : memref<2736x1xf32, #tpu.memory_space<vmem>>, vector<8x1xf32>
    %add3A_3968 = vector.broadcast %get3A_8 : vector<1x4096xf32> to vector<8x4096xf32>
    %add3A_3969 = vector.broadcast %get3A_3967 : vector<8x1xf32> to vector<8x4096xf32>
    %add3A_3970 = arith.addf %add3A_3968, %add3A_3969 : vector<8x4096xf32>
    %slice3A_3971 = vector.extract_strided_slice %dot_general3A_5 {offsets = [2440, 0], sizes = [8, 4096], strides = [1, 1]} : vector<2736x4096xf32> to vector<8x4096xf32>
    %add3A_3972 = arith.addf %add3A_3970, %slice3A_3971 : vector<8x4096xf32>
    %lt3A_3973 = arith.cmpf olt, %add3A_3972, %select_n3A_3961 : vector<8x4096xf32>
    %select_n3A_3974 = arith.select %lt3A_3973, %add3A_3972, %select_n3A_3961 : vector<8x4096xi1>, vector<8x4096xf32>
    %jit3A_3975 = arith.constant 305 : i32
    %broadcast_in_dim3A_3976 = vector.broadcast %jit3A_3975 : i32 to vector<8x4096xi32>
    %select_n3A_3977 = arith.select %lt3A_3973, %broadcast_in_dim3A_3976, %select_n3A_3964 : vector<8x4096xi1>, vector<8x4096xi32>
    %get3A_3978 = arith.constant 2448 : index
    %get3A_3979 = arith.constant 0 : index
    %get3A_3980 = vector.load %arg5[%get3A_3978, %get3A_3979] : memref<2736x1xf32, #tpu.memory_space<vmem>>, vector<8x1xf32>
    %add3A_3981 = vector.broadcast %get3A_8 : vector<1x4096xf32> to vector<8x4096xf32>
    %add3A_3982 = vector.broadcast %get3A_3980 : vector<8x1xf32> to vector<8x4096xf32>
    %add3A_3983 = arith.addf %add3A_3981, %add3A_3982 : vector<8x4096xf32>
    %slice3A_3984 = vector.extract_strided_slice %dot_general3A_5 {offsets = [2448, 0], sizes = [8, 4096], strides = [1, 1]} : vector<2736x4096xf32> to vector<8x4096xf32>
    %add3A_3985 = arith.addf %add3A_3983, %slice3A_3984 : vector<8x4096xf32>
    %lt3A_3986 = arith.cmpf olt, %add3A_3985, %select_n3A_3974 : vector<8x4096xf32>
    %select_n3A_3987 = arith.select %lt3A_3986, %add3A_3985, %select_n3A_3974 : vector<8x4096xi1>, vector<8x4096xf32>
    %jit3A_3988 = arith.constant 306 : i32
    %broadcast_in_dim3A_3989 = vector.broadcast %jit3A_3988 : i32 to vector<8x4096xi32>
    %select_n3A_3990 = arith.select %lt3A_3986, %broadcast_in_dim3A_3989, %select_n3A_3977 : vector<8x4096xi1>, vector<8x4096xi32>
    %get3A_3991 = arith.constant 2456 : index
    %get3A_3992 = arith.constant 0 : index
    %get3A_3993 = vector.load %arg5[%get3A_3991, %get3A_3992] : memref<2736x1xf32, #tpu.memory_space<vmem>>, vector<8x1xf32>
    %add3A_3994 = vector.broadcast %get3A_8 : vector<1x4096xf32> to vector<8x4096xf32>
    %add3A_3995 = vector.broadcast %get3A_3993 : vector<8x1xf32> to vector<8x4096xf32>
    %add3A_3996 = arith.addf %add3A_3994, %add3A_3995 : vector<8x4096xf32>
    %slice3A_3997 = vector.extract_strided_slice %dot_general3A_5 {offsets = [2456, 0], sizes = [8, 4096], strides = [1, 1]} : vector<2736x4096xf32> to vector<8x4096xf32>
    %add3A_3998 = arith.addf %add3A_3996, %slice3A_3997 : vector<8x4096xf32>
    %lt3A_3999 = arith.cmpf olt, %add3A_3998, %select_n3A_3987 : vector<8x4096xf32>
    %select_n3A_4000 = arith.select %lt3A_3999, %add3A_3998, %select_n3A_3987 : vector<8x4096xi1>, vector<8x4096xf32>
    %jit3A_4001 = arith.constant 307 : i32
    %broadcast_in_dim3A_4002 = vector.broadcast %jit3A_4001 : i32 to vector<8x4096xi32>
    %select_n3A_4003 = arith.select %lt3A_3999, %broadcast_in_dim3A_4002, %select_n3A_3990 : vector<8x4096xi1>, vector<8x4096xi32>
    %get3A_4004 = arith.constant 2464 : index
    %get3A_4005 = arith.constant 0 : index
    %get3A_4006 = vector.load %arg5[%get3A_4004, %get3A_4005] : memref<2736x1xf32, #tpu.memory_space<vmem>>, vector<8x1xf32>
    %add3A_4007 = vector.broadcast %get3A_8 : vector<1x4096xf32> to vector<8x4096xf32>
    %add3A_4008 = vector.broadcast %get3A_4006 : vector<8x1xf32> to vector<8x4096xf32>
    %add3A_4009 = arith.addf %add3A_4007, %add3A_4008 : vector<8x4096xf32>
    %slice3A_4010 = vector.extract_strided_slice %dot_general3A_5 {offsets = [2464, 0], sizes = [8, 4096], strides = [1, 1]} : vector<2736x4096xf32> to vector<8x4096xf32>
    %add3A_4011 = arith.addf %add3A_4009, %slice3A_4010 : vector<8x4096xf32>
    %lt3A_4012 = arith.cmpf olt, %add3A_4011, %select_n3A_4000 : vector<8x4096xf32>
    %select_n3A_4013 = arith.select %lt3A_4012, %add3A_4011, %select_n3A_4000 : vector<8x4096xi1>, vector<8x4096xf32>
    %jit3A_4014 = arith.constant 308 : i32
    %broadcast_in_dim3A_4015 = vector.broadcast %jit3A_4014 : i32 to vector<8x4096xi32>
    %select_n3A_4016 = arith.select %lt3A_4012, %broadcast_in_dim3A_4015, %select_n3A_4003 : vector<8x4096xi1>, vector<8x4096xi32>
    %get3A_4017 = arith.constant 2472 : index
    %get3A_4018 = arith.constant 0 : index
    %get3A_4019 = vector.load %arg5[%get3A_4017, %get3A_4018] : memref<2736x1xf32, #tpu.memory_space<vmem>>, vector<8x1xf32>
    %add3A_4020 = vector.broadcast %get3A_8 : vector<1x4096xf32> to vector<8x4096xf32>
    %add3A_4021 = vector.broadcast %get3A_4019 : vector<8x1xf32> to vector<8x4096xf32>
    %add3A_4022 = arith.addf %add3A_4020, %add3A_4021 : vector<8x4096xf32>
    %slice3A_4023 = vector.extract_strided_slice %dot_general3A_5 {offsets = [2472, 0], sizes = [8, 4096], strides = [1, 1]} : vector<2736x4096xf32> to vector<8x4096xf32>
    %add3A_4024 = arith.addf %add3A_4022, %slice3A_4023 : vector<8x4096xf32>
    %lt3A_4025 = arith.cmpf olt, %add3A_4024, %select_n3A_4013 : vector<8x4096xf32>
    %select_n3A_4026 = arith.select %lt3A_4025, %add3A_4024, %select_n3A_4013 : vector<8x4096xi1>, vector<8x4096xf32>
    %jit3A_4027 = arith.constant 309 : i32
    %broadcast_in_dim3A_4028 = vector.broadcast %jit3A_4027 : i32 to vector<8x4096xi32>
    %select_n3A_4029 = arith.select %lt3A_4025, %broadcast_in_dim3A_4028, %select_n3A_4016 : vector<8x4096xi1>, vector<8x4096xi32>
    %get3A_4030 = arith.constant 2480 : index
    %get3A_4031 = arith.constant 0 : index
    %get3A_4032 = vector.load %arg5[%get3A_4030, %get3A_4031] : memref<2736x1xf32, #tpu.memory_space<vmem>>, vector<8x1xf32>
    %add3A_4033 = vector.broadcast %get3A_8 : vector<1x4096xf32> to vector<8x4096xf32>
    %add3A_4034 = vector.broadcast %get3A_4032 : vector<8x1xf32> to vector<8x4096xf32>
    %add3A_4035 = arith.addf %add3A_4033, %add3A_4034 : vector<8x4096xf32>
    %slice3A_4036 = vector.extract_strided_slice %dot_general3A_5 {offsets = [2480, 0], sizes = [8, 4096], strides = [1, 1]} : vector<2736x4096xf32> to vector<8x4096xf32>
    %add3A_4037 = arith.addf %add3A_4035, %slice3A_4036 : vector<8x4096xf32>
    %lt3A_4038 = arith.cmpf olt, %add3A_4037, %select_n3A_4026 : vector<8x4096xf32>
    %select_n3A_4039 = arith.select %lt3A_4038, %add3A_4037, %select_n3A_4026 : vector<8x4096xi1>, vector<8x4096xf32>
    %jit3A_4040 = arith.constant 310 : i32
    %broadcast_in_dim3A_4041 = vector.broadcast %jit3A_4040 : i32 to vector<8x4096xi32>
    %select_n3A_4042 = arith.select %lt3A_4038, %broadcast_in_dim3A_4041, %select_n3A_4029 : vector<8x4096xi1>, vector<8x4096xi32>
    %get3A_4043 = arith.constant 2488 : index
    %get3A_4044 = arith.constant 0 : index
    %get3A_4045 = vector.load %arg5[%get3A_4043, %get3A_4044] : memref<2736x1xf32, #tpu.memory_space<vmem>>, vector<8x1xf32>
    %add3A_4046 = vector.broadcast %get3A_8 : vector<1x4096xf32> to vector<8x4096xf32>
    %add3A_4047 = vector.broadcast %get3A_4045 : vector<8x1xf32> to vector<8x4096xf32>
    %add3A_4048 = arith.addf %add3A_4046, %add3A_4047 : vector<8x4096xf32>
    %slice3A_4049 = vector.extract_strided_slice %dot_general3A_5 {offsets = [2488, 0], sizes = [8, 4096], strides = [1, 1]} : vector<2736x4096xf32> to vector<8x4096xf32>
    %add3A_4050 = arith.addf %add3A_4048, %slice3A_4049 : vector<8x4096xf32>
    %lt3A_4051 = arith.cmpf olt, %add3A_4050, %select_n3A_4039 : vector<8x4096xf32>
    %select_n3A_4052 = arith.select %lt3A_4051, %add3A_4050, %select_n3A_4039 : vector<8x4096xi1>, vector<8x4096xf32>
    %jit3A_4053 = arith.constant 311 : i32
    %broadcast_in_dim3A_4054 = vector.broadcast %jit3A_4053 : i32 to vector<8x4096xi32>
    %select_n3A_4055 = arith.select %lt3A_4051, %broadcast_in_dim3A_4054, %select_n3A_4042 : vector<8x4096xi1>, vector<8x4096xi32>
    %get3A_4056 = arith.constant 2496 : index
    %get3A_4057 = arith.constant 0 : index
    %get3A_4058 = vector.load %arg5[%get3A_4056, %get3A_4057] : memref<2736x1xf32, #tpu.memory_space<vmem>>, vector<8x1xf32>
    %add3A_4059 = vector.broadcast %get3A_8 : vector<1x4096xf32> to vector<8x4096xf32>
    %add3A_4060 = vector.broadcast %get3A_4058 : vector<8x1xf32> to vector<8x4096xf32>
    %add3A_4061 = arith.addf %add3A_4059, %add3A_4060 : vector<8x4096xf32>
    %slice3A_4062 = vector.extract_strided_slice %dot_general3A_5 {offsets = [2496, 0], sizes = [8, 4096], strides = [1, 1]} : vector<2736x4096xf32> to vector<8x4096xf32>
    %add3A_4063 = arith.addf %add3A_4061, %slice3A_4062 : vector<8x4096xf32>
    %lt3A_4064 = arith.cmpf olt, %add3A_4063, %select_n3A_4052 : vector<8x4096xf32>
    %select_n3A_4065 = arith.select %lt3A_4064, %add3A_4063, %select_n3A_4052 : vector<8x4096xi1>, vector<8x4096xf32>
    %jit3A_4066 = arith.constant 312 : i32
    %broadcast_in_dim3A_4067 = vector.broadcast %jit3A_4066 : i32 to vector<8x4096xi32>
    %select_n3A_4068 = arith.select %lt3A_4064, %broadcast_in_dim3A_4067, %select_n3A_4055 : vector<8x4096xi1>, vector<8x4096xi32>
    %get3A_4069 = arith.constant 2504 : index
    %get3A_4070 = arith.constant 0 : index
    %get3A_4071 = vector.load %arg5[%get3A_4069, %get3A_4070] : memref<2736x1xf32, #tpu.memory_space<vmem>>, vector<8x1xf32>
    %add3A_4072 = vector.broadcast %get3A_8 : vector<1x4096xf32> to vector<8x4096xf32>
    %add3A_4073 = vector.broadcast %get3A_4071 : vector<8x1xf32> to vector<8x4096xf32>
    %add3A_4074 = arith.addf %add3A_4072, %add3A_4073 : vector<8x4096xf32>
    %slice3A_4075 = vector.extract_strided_slice %dot_general3A_5 {offsets = [2504, 0], sizes = [8, 4096], strides = [1, 1]} : vector<2736x4096xf32> to vector<8x4096xf32>
    %add3A_4076 = arith.addf %add3A_4074, %slice3A_4075 : vector<8x4096xf32>
    %lt3A_4077 = arith.cmpf olt, %add3A_4076, %select_n3A_4065 : vector<8x4096xf32>
    %select_n3A_4078 = arith.select %lt3A_4077, %add3A_4076, %select_n3A_4065 : vector<8x4096xi1>, vector<8x4096xf32>
    %jit3A_4079 = arith.constant 313 : i32
    %broadcast_in_dim3A_4080 = vector.broadcast %jit3A_4079 : i32 to vector<8x4096xi32>
    %select_n3A_4081 = arith.select %lt3A_4077, %broadcast_in_dim3A_4080, %select_n3A_4068 : vector<8x4096xi1>, vector<8x4096xi32>
    %get3A_4082 = arith.constant 2512 : index
    %get3A_4083 = arith.constant 0 : index
    %get3A_4084 = vector.load %arg5[%get3A_4082, %get3A_4083] : memref<2736x1xf32, #tpu.memory_space<vmem>>, vector<8x1xf32>
    %add3A_4085 = vector.broadcast %get3A_8 : vector<1x4096xf32> to vector<8x4096xf32>
    %add3A_4086 = vector.broadcast %get3A_4084 : vector<8x1xf32> to vector<8x4096xf32>
    %add3A_4087 = arith.addf %add3A_4085, %add3A_4086 : vector<8x4096xf32>
    %slice3A_4088 = vector.extract_strided_slice %dot_general3A_5 {offsets = [2512, 0], sizes = [8, 4096], strides = [1, 1]} : vector<2736x4096xf32> to vector<8x4096xf32>
    %add3A_4089 = arith.addf %add3A_4087, %slice3A_4088 : vector<8x4096xf32>
    %lt3A_4090 = arith.cmpf olt, %add3A_4089, %select_n3A_4078 : vector<8x4096xf32>
    %select_n3A_4091 = arith.select %lt3A_4090, %add3A_4089, %select_n3A_4078 : vector<8x4096xi1>, vector<8x4096xf32>
    %jit3A_4092 = arith.constant 314 : i32
    %broadcast_in_dim3A_4093 = vector.broadcast %jit3A_4092 : i32 to vector<8x4096xi32>
    %select_n3A_4094 = arith.select %lt3A_4090, %broadcast_in_dim3A_4093, %select_n3A_4081 : vector<8x4096xi1>, vector<8x4096xi32>
    %get3A_4095 = arith.constant 2520 : index
    %get3A_4096 = arith.constant 0 : index
    %get3A_4097 = vector.load %arg5[%get3A_4095, %get3A_4096] : memref<2736x1xf32, #tpu.memory_space<vmem>>, vector<8x1xf32>
    %add3A_4098 = vector.broadcast %get3A_8 : vector<1x4096xf32> to vector<8x4096xf32>
    %add3A_4099 = vector.broadcast %get3A_4097 : vector<8x1xf32> to vector<8x4096xf32>
    %add3A_4100 = arith.addf %add3A_4098, %add3A_4099 : vector<8x4096xf32>
    %slice3A_4101 = vector.extract_strided_slice %dot_general3A_5 {offsets = [2520, 0], sizes = [8, 4096], strides = [1, 1]} : vector<2736x4096xf32> to vector<8x4096xf32>
    %add3A_4102 = arith.addf %add3A_4100, %slice3A_4101 : vector<8x4096xf32>
    %lt3A_4103 = arith.cmpf olt, %add3A_4102, %select_n3A_4091 : vector<8x4096xf32>
    %select_n3A_4104 = arith.select %lt3A_4103, %add3A_4102, %select_n3A_4091 : vector<8x4096xi1>, vector<8x4096xf32>
    %jit3A_4105 = arith.constant 315 : i32
    %broadcast_in_dim3A_4106 = vector.broadcast %jit3A_4105 : i32 to vector<8x4096xi32>
    %select_n3A_4107 = arith.select %lt3A_4103, %broadcast_in_dim3A_4106, %select_n3A_4094 : vector<8x4096xi1>, vector<8x4096xi32>
    %get3A_4108 = arith.constant 2528 : index
    %get3A_4109 = arith.constant 0 : index
    %get3A_4110 = vector.load %arg5[%get3A_4108, %get3A_4109] : memref<2736x1xf32, #tpu.memory_space<vmem>>, vector<8x1xf32>
    %add3A_4111 = vector.broadcast %get3A_8 : vector<1x4096xf32> to vector<8x4096xf32>
    %add3A_4112 = vector.broadcast %get3A_4110 : vector<8x1xf32> to vector<8x4096xf32>
    %add3A_4113 = arith.addf %add3A_4111, %add3A_4112 : vector<8x4096xf32>
    %slice3A_4114 = vector.extract_strided_slice %dot_general3A_5 {offsets = [2528, 0], sizes = [8, 4096], strides = [1, 1]} : vector<2736x4096xf32> to vector<8x4096xf32>
    %add3A_4115 = arith.addf %add3A_4113, %slice3A_4114 : vector<8x4096xf32>
    %lt3A_4116 = arith.cmpf olt, %add3A_4115, %select_n3A_4104 : vector<8x4096xf32>
    %select_n3A_4117 = arith.select %lt3A_4116, %add3A_4115, %select_n3A_4104 : vector<8x4096xi1>, vector<8x4096xf32>
    %jit3A_4118 = arith.constant 316 : i32
    %broadcast_in_dim3A_4119 = vector.broadcast %jit3A_4118 : i32 to vector<8x4096xi32>
    %select_n3A_4120 = arith.select %lt3A_4116, %broadcast_in_dim3A_4119, %select_n3A_4107 : vector<8x4096xi1>, vector<8x4096xi32>
    %get3A_4121 = arith.constant 2536 : index
    %get3A_4122 = arith.constant 0 : index
    %get3A_4123 = vector.load %arg5[%get3A_4121, %get3A_4122] : memref<2736x1xf32, #tpu.memory_space<vmem>>, vector<8x1xf32>
    %add3A_4124 = vector.broadcast %get3A_8 : vector<1x4096xf32> to vector<8x4096xf32>
    %add3A_4125 = vector.broadcast %get3A_4123 : vector<8x1xf32> to vector<8x4096xf32>
    %add3A_4126 = arith.addf %add3A_4124, %add3A_4125 : vector<8x4096xf32>
    %slice3A_4127 = vector.extract_strided_slice %dot_general3A_5 {offsets = [2536, 0], sizes = [8, 4096], strides = [1, 1]} : vector<2736x4096xf32> to vector<8x4096xf32>
    %add3A_4128 = arith.addf %add3A_4126, %slice3A_4127 : vector<8x4096xf32>
    %lt3A_4129 = arith.cmpf olt, %add3A_4128, %select_n3A_4117 : vector<8x4096xf32>
    %select_n3A_4130 = arith.select %lt3A_4129, %add3A_4128, %select_n3A_4117 : vector<8x4096xi1>, vector<8x4096xf32>
    %jit3A_4131 = arith.constant 317 : i32
    %broadcast_in_dim3A_4132 = vector.broadcast %jit3A_4131 : i32 to vector<8x4096xi32>
    %select_n3A_4133 = arith.select %lt3A_4129, %broadcast_in_dim3A_4132, %select_n3A_4120 : vector<8x4096xi1>, vector<8x4096xi32>
    %get3A_4134 = arith.constant 2544 : index
    %get3A_4135 = arith.constant 0 : index
    %get3A_4136 = vector.load %arg5[%get3A_4134, %get3A_4135] : memref<2736x1xf32, #tpu.memory_space<vmem>>, vector<8x1xf32>
    %add3A_4137 = vector.broadcast %get3A_8 : vector<1x4096xf32> to vector<8x4096xf32>
    %add3A_4138 = vector.broadcast %get3A_4136 : vector<8x1xf32> to vector<8x4096xf32>
    %add3A_4139 = arith.addf %add3A_4137, %add3A_4138 : vector<8x4096xf32>
    %slice3A_4140 = vector.extract_strided_slice %dot_general3A_5 {offsets = [2544, 0], sizes = [8, 4096], strides = [1, 1]} : vector<2736x4096xf32> to vector<8x4096xf32>
    %add3A_4141 = arith.addf %add3A_4139, %slice3A_4140 : vector<8x4096xf32>
    %lt3A_4142 = arith.cmpf olt, %add3A_4141, %select_n3A_4130 : vector<8x4096xf32>
    %select_n3A_4143 = arith.select %lt3A_4142, %add3A_4141, %select_n3A_4130 : vector<8x4096xi1>, vector<8x4096xf32>
    %jit3A_4144 = arith.constant 318 : i32
    %broadcast_in_dim3A_4145 = vector.broadcast %jit3A_4144 : i32 to vector<8x4096xi32>
    %select_n3A_4146 = arith.select %lt3A_4142, %broadcast_in_dim3A_4145, %select_n3A_4133 : vector<8x4096xi1>, vector<8x4096xi32>
    %get3A_4147 = arith.constant 2552 : index
    %get3A_4148 = arith.constant 0 : index
    %get3A_4149 = vector.load %arg5[%get3A_4147, %get3A_4148] : memref<2736x1xf32, #tpu.memory_space<vmem>>, vector<8x1xf32>
    %add3A_4150 = vector.broadcast %get3A_8 : vector<1x4096xf32> to vector<8x4096xf32>
    %add3A_4151 = vector.broadcast %get3A_4149 : vector<8x1xf32> to vector<8x4096xf32>
    %add3A_4152 = arith.addf %add3A_4150, %add3A_4151 : vector<8x4096xf32>
    %slice3A_4153 = vector.extract_strided_slice %dot_general3A_5 {offsets = [2552, 0], sizes = [8, 4096], strides = [1, 1]} : vector<2736x4096xf32> to vector<8x4096xf32>
    %add3A_4154 = arith.addf %add3A_4152, %slice3A_4153 : vector<8x4096xf32>
    %lt3A_4155 = arith.cmpf olt, %add3A_4154, %select_n3A_4143 : vector<8x4096xf32>
    %select_n3A_4156 = arith.select %lt3A_4155, %add3A_4154, %select_n3A_4143 : vector<8x4096xi1>, vector<8x4096xf32>
    %jit3A_4157 = arith.constant 319 : i32
    %broadcast_in_dim3A_4158 = vector.broadcast %jit3A_4157 : i32 to vector<8x4096xi32>
    %select_n3A_4159 = arith.select %lt3A_4155, %broadcast_in_dim3A_4158, %select_n3A_4146 : vector<8x4096xi1>, vector<8x4096xi32>
    %get3A_4160 = arith.constant 2560 : index
    %get3A_4161 = arith.constant 0 : index
    %get3A_4162 = vector.load %arg5[%get3A_4160, %get3A_4161] : memref<2736x1xf32, #tpu.memory_space<vmem>>, vector<8x1xf32>
    %add3A_4163 = vector.broadcast %get3A_8 : vector<1x4096xf32> to vector<8x4096xf32>
    %add3A_4164 = vector.broadcast %get3A_4162 : vector<8x1xf32> to vector<8x4096xf32>
    %add3A_4165 = arith.addf %add3A_4163, %add3A_4164 : vector<8x4096xf32>
    %slice3A_4166 = vector.extract_strided_slice %dot_general3A_5 {offsets = [2560, 0], sizes = [8, 4096], strides = [1, 1]} : vector<2736x4096xf32> to vector<8x4096xf32>
    %add3A_4167 = arith.addf %add3A_4165, %slice3A_4166 : vector<8x4096xf32>
    %lt3A_4168 = arith.cmpf olt, %add3A_4167, %select_n3A_4156 : vector<8x4096xf32>
    %select_n3A_4169 = arith.select %lt3A_4168, %add3A_4167, %select_n3A_4156 : vector<8x4096xi1>, vector<8x4096xf32>
    %jit3A_4170 = arith.constant 320 : i32
    %broadcast_in_dim3A_4171 = vector.broadcast %jit3A_4170 : i32 to vector<8x4096xi32>
    %select_n3A_4172 = arith.select %lt3A_4168, %broadcast_in_dim3A_4171, %select_n3A_4159 : vector<8x4096xi1>, vector<8x4096xi32>
    %get3A_4173 = arith.constant 2568 : index
    %get3A_4174 = arith.constant 0 : index
    %get3A_4175 = vector.load %arg5[%get3A_4173, %get3A_4174] : memref<2736x1xf32, #tpu.memory_space<vmem>>, vector<8x1xf32>
    %add3A_4176 = vector.broadcast %get3A_8 : vector<1x4096xf32> to vector<8x4096xf32>
    %add3A_4177 = vector.broadcast %get3A_4175 : vector<8x1xf32> to vector<8x4096xf32>
    %add3A_4178 = arith.addf %add3A_4176, %add3A_4177 : vector<8x4096xf32>
    %slice3A_4179 = vector.extract_strided_slice %dot_general3A_5 {offsets = [2568, 0], sizes = [8, 4096], strides = [1, 1]} : vector<2736x4096xf32> to vector<8x4096xf32>
    %add3A_4180 = arith.addf %add3A_4178, %slice3A_4179 : vector<8x4096xf32>
    %lt3A_4181 = arith.cmpf olt, %add3A_4180, %select_n3A_4169 : vector<8x4096xf32>
    %select_n3A_4182 = arith.select %lt3A_4181, %add3A_4180, %select_n3A_4169 : vector<8x4096xi1>, vector<8x4096xf32>
    %jit3A_4183 = arith.constant 321 : i32
    %broadcast_in_dim3A_4184 = vector.broadcast %jit3A_4183 : i32 to vector<8x4096xi32>
    %select_n3A_4185 = arith.select %lt3A_4181, %broadcast_in_dim3A_4184, %select_n3A_4172 : vector<8x4096xi1>, vector<8x4096xi32>
    %get3A_4186 = arith.constant 2576 : index
    %get3A_4187 = arith.constant 0 : index
    %get3A_4188 = vector.load %arg5[%get3A_4186, %get3A_4187] : memref<2736x1xf32, #tpu.memory_space<vmem>>, vector<8x1xf32>
    %add3A_4189 = vector.broadcast %get3A_8 : vector<1x4096xf32> to vector<8x4096xf32>
    %add3A_4190 = vector.broadcast %get3A_4188 : vector<8x1xf32> to vector<8x4096xf32>
    %add3A_4191 = arith.addf %add3A_4189, %add3A_4190 : vector<8x4096xf32>
    %slice3A_4192 = vector.extract_strided_slice %dot_general3A_5 {offsets = [2576, 0], sizes = [8, 4096], strides = [1, 1]} : vector<2736x4096xf32> to vector<8x4096xf32>
    %add3A_4193 = arith.addf %add3A_4191, %slice3A_4192 : vector<8x4096xf32>
    %lt3A_4194 = arith.cmpf olt, %add3A_4193, %select_n3A_4182 : vector<8x4096xf32>
    %select_n3A_4195 = arith.select %lt3A_4194, %add3A_4193, %select_n3A_4182 : vector<8x4096xi1>, vector<8x4096xf32>
    %jit3A_4196 = arith.constant 322 : i32
    %broadcast_in_dim3A_4197 = vector.broadcast %jit3A_4196 : i32 to vector<8x4096xi32>
    %select_n3A_4198 = arith.select %lt3A_4194, %broadcast_in_dim3A_4197, %select_n3A_4185 : vector<8x4096xi1>, vector<8x4096xi32>
    %get3A_4199 = arith.constant 2584 : index
    %get3A_4200 = arith.constant 0 : index
    %get3A_4201 = vector.load %arg5[%get3A_4199, %get3A_4200] : memref<2736x1xf32, #tpu.memory_space<vmem>>, vector<8x1xf32>
    %add3A_4202 = vector.broadcast %get3A_8 : vector<1x4096xf32> to vector<8x4096xf32>
    %add3A_4203 = vector.broadcast %get3A_4201 : vector<8x1xf32> to vector<8x4096xf32>
    %add3A_4204 = arith.addf %add3A_4202, %add3A_4203 : vector<8x4096xf32>
    %slice3A_4205 = vector.extract_strided_slice %dot_general3A_5 {offsets = [2584, 0], sizes = [8, 4096], strides = [1, 1]} : vector<2736x4096xf32> to vector<8x4096xf32>
    %add3A_4206 = arith.addf %add3A_4204, %slice3A_4205 : vector<8x4096xf32>
    %lt3A_4207 = arith.cmpf olt, %add3A_4206, %select_n3A_4195 : vector<8x4096xf32>
    %select_n3A_4208 = arith.select %lt3A_4207, %add3A_4206, %select_n3A_4195 : vector<8x4096xi1>, vector<8x4096xf32>
    %jit3A_4209 = arith.constant 323 : i32
    %broadcast_in_dim3A_4210 = vector.broadcast %jit3A_4209 : i32 to vector<8x4096xi32>
    %select_n3A_4211 = arith.select %lt3A_4207, %broadcast_in_dim3A_4210, %select_n3A_4198 : vector<8x4096xi1>, vector<8x4096xi32>
    %get3A_4212 = arith.constant 2592 : index
    %get3A_4213 = arith.constant 0 : index
    %get3A_4214 = vector.load %arg5[%get3A_4212, %get3A_4213] : memref<2736x1xf32, #tpu.memory_space<vmem>>, vector<8x1xf32>
    %add3A_4215 = vector.broadcast %get3A_8 : vector<1x4096xf32> to vector<8x4096xf32>
    %add3A_4216 = vector.broadcast %get3A_4214 : vector<8x1xf32> to vector<8x4096xf32>
    %add3A_4217 = arith.addf %add3A_4215, %add3A_4216 : vector<8x4096xf32>
    %slice3A_4218 = vector.extract_strided_slice %dot_general3A_5 {offsets = [2592, 0], sizes = [8, 4096], strides = [1, 1]} : vector<2736x4096xf32> to vector<8x4096xf32>
    %add3A_4219 = arith.addf %add3A_4217, %slice3A_4218 : vector<8x4096xf32>
    %lt3A_4220 = arith.cmpf olt, %add3A_4219, %select_n3A_4208 : vector<8x4096xf32>
    %select_n3A_4221 = arith.select %lt3A_4220, %add3A_4219, %select_n3A_4208 : vector<8x4096xi1>, vector<8x4096xf32>
    %jit3A_4222 = arith.constant 324 : i32
    %broadcast_in_dim3A_4223 = vector.broadcast %jit3A_4222 : i32 to vector<8x4096xi32>
    %select_n3A_4224 = arith.select %lt3A_4220, %broadcast_in_dim3A_4223, %select_n3A_4211 : vector<8x4096xi1>, vector<8x4096xi32>
    %get3A_4225 = arith.constant 2600 : index
    %get3A_4226 = arith.constant 0 : index
    %get3A_4227 = vector.load %arg5[%get3A_4225, %get3A_4226] : memref<2736x1xf32, #tpu.memory_space<vmem>>, vector<8x1xf32>
    %add3A_4228 = vector.broadcast %get3A_8 : vector<1x4096xf32> to vector<8x4096xf32>
    %add3A_4229 = vector.broadcast %get3A_4227 : vector<8x1xf32> to vector<8x4096xf32>
    %add3A_4230 = arith.addf %add3A_4228, %add3A_4229 : vector<8x4096xf32>
    %slice3A_4231 = vector.extract_strided_slice %dot_general3A_5 {offsets = [2600, 0], sizes = [8, 4096], strides = [1, 1]} : vector<2736x4096xf32> to vector<8x4096xf32>
    %add3A_4232 = arith.addf %add3A_4230, %slice3A_4231 : vector<8x4096xf32>
    %lt3A_4233 = arith.cmpf olt, %add3A_4232, %select_n3A_4221 : vector<8x4096xf32>
    %select_n3A_4234 = arith.select %lt3A_4233, %add3A_4232, %select_n3A_4221 : vector<8x4096xi1>, vector<8x4096xf32>
    %jit3A_4235 = arith.constant 325 : i32
    %broadcast_in_dim3A_4236 = vector.broadcast %jit3A_4235 : i32 to vector<8x4096xi32>
    %select_n3A_4237 = arith.select %lt3A_4233, %broadcast_in_dim3A_4236, %select_n3A_4224 : vector<8x4096xi1>, vector<8x4096xi32>
    %get3A_4238 = arith.constant 2608 : index
    %get3A_4239 = arith.constant 0 : index
    %get3A_4240 = vector.load %arg5[%get3A_4238, %get3A_4239] : memref<2736x1xf32, #tpu.memory_space<vmem>>, vector<8x1xf32>
    %add3A_4241 = vector.broadcast %get3A_8 : vector<1x4096xf32> to vector<8x4096xf32>
    %add3A_4242 = vector.broadcast %get3A_4240 : vector<8x1xf32> to vector<8x4096xf32>
    %add3A_4243 = arith.addf %add3A_4241, %add3A_4242 : vector<8x4096xf32>
    %slice3A_4244 = vector.extract_strided_slice %dot_general3A_5 {offsets = [2608, 0], sizes = [8, 4096], strides = [1, 1]} : vector<2736x4096xf32> to vector<8x4096xf32>
    %add3A_4245 = arith.addf %add3A_4243, %slice3A_4244 : vector<8x4096xf32>
    %lt3A_4246 = arith.cmpf olt, %add3A_4245, %select_n3A_4234 : vector<8x4096xf32>
    %select_n3A_4247 = arith.select %lt3A_4246, %add3A_4245, %select_n3A_4234 : vector<8x4096xi1>, vector<8x4096xf32>
    %jit3A_4248 = arith.constant 326 : i32
    %broadcast_in_dim3A_4249 = vector.broadcast %jit3A_4248 : i32 to vector<8x4096xi32>
    %select_n3A_4250 = arith.select %lt3A_4246, %broadcast_in_dim3A_4249, %select_n3A_4237 : vector<8x4096xi1>, vector<8x4096xi32>
    %get3A_4251 = arith.constant 2616 : index
    %get3A_4252 = arith.constant 0 : index
    %get3A_4253 = vector.load %arg5[%get3A_4251, %get3A_4252] : memref<2736x1xf32, #tpu.memory_space<vmem>>, vector<8x1xf32>
    %add3A_4254 = vector.broadcast %get3A_8 : vector<1x4096xf32> to vector<8x4096xf32>
    %add3A_4255 = vector.broadcast %get3A_4253 : vector<8x1xf32> to vector<8x4096xf32>
    %add3A_4256 = arith.addf %add3A_4254, %add3A_4255 : vector<8x4096xf32>
    %slice3A_4257 = vector.extract_strided_slice %dot_general3A_5 {offsets = [2616, 0], sizes = [8, 4096], strides = [1, 1]} : vector<2736x4096xf32> to vector<8x4096xf32>
    %add3A_4258 = arith.addf %add3A_4256, %slice3A_4257 : vector<8x4096xf32>
    %lt3A_4259 = arith.cmpf olt, %add3A_4258, %select_n3A_4247 : vector<8x4096xf32>
    %select_n3A_4260 = arith.select %lt3A_4259, %add3A_4258, %select_n3A_4247 : vector<8x4096xi1>, vector<8x4096xf32>
    %jit3A_4261 = arith.constant 327 : i32
    %broadcast_in_dim3A_4262 = vector.broadcast %jit3A_4261 : i32 to vector<8x4096xi32>
    %select_n3A_4263 = arith.select %lt3A_4259, %broadcast_in_dim3A_4262, %select_n3A_4250 : vector<8x4096xi1>, vector<8x4096xi32>
    %get3A_4264 = arith.constant 2624 : index
    %get3A_4265 = arith.constant 0 : index
    %get3A_4266 = vector.load %arg5[%get3A_4264, %get3A_4265] : memref<2736x1xf32, #tpu.memory_space<vmem>>, vector<8x1xf32>
    %add3A_4267 = vector.broadcast %get3A_8 : vector<1x4096xf32> to vector<8x4096xf32>
    %add3A_4268 = vector.broadcast %get3A_4266 : vector<8x1xf32> to vector<8x4096xf32>
    %add3A_4269 = arith.addf %add3A_4267, %add3A_4268 : vector<8x4096xf32>
    %slice3A_4270 = vector.extract_strided_slice %dot_general3A_5 {offsets = [2624, 0], sizes = [8, 4096], strides = [1, 1]} : vector<2736x4096xf32> to vector<8x4096xf32>
    %add3A_4271 = arith.addf %add3A_4269, %slice3A_4270 : vector<8x4096xf32>
    %lt3A_4272 = arith.cmpf olt, %add3A_4271, %select_n3A_4260 : vector<8x4096xf32>
    %select_n3A_4273 = arith.select %lt3A_4272, %add3A_4271, %select_n3A_4260 : vector<8x4096xi1>, vector<8x4096xf32>
    %jit3A_4274 = arith.constant 328 : i32
    %broadcast_in_dim3A_4275 = vector.broadcast %jit3A_4274 : i32 to vector<8x4096xi32>
    %select_n3A_4276 = arith.select %lt3A_4272, %broadcast_in_dim3A_4275, %select_n3A_4263 : vector<8x4096xi1>, vector<8x4096xi32>
    %get3A_4277 = arith.constant 2632 : index
    %get3A_4278 = arith.constant 0 : index
    %get3A_4279 = vector.load %arg5[%get3A_4277, %get3A_4278] : memref<2736x1xf32, #tpu.memory_space<vmem>>, vector<8x1xf32>
    %add3A_4280 = vector.broadcast %get3A_8 : vector<1x4096xf32> to vector<8x4096xf32>
    %add3A_4281 = vector.broadcast %get3A_4279 : vector<8x1xf32> to vector<8x4096xf32>
    %add3A_4282 = arith.addf %add3A_4280, %add3A_4281 : vector<8x4096xf32>
    %slice3A_4283 = vector.extract_strided_slice %dot_general3A_5 {offsets = [2632, 0], sizes = [8, 4096], strides = [1, 1]} : vector<2736x4096xf32> to vector<8x4096xf32>
    %add3A_4284 = arith.addf %add3A_4282, %slice3A_4283 : vector<8x4096xf32>
    %lt3A_4285 = arith.cmpf olt, %add3A_4284, %select_n3A_4273 : vector<8x4096xf32>
    %select_n3A_4286 = arith.select %lt3A_4285, %add3A_4284, %select_n3A_4273 : vector<8x4096xi1>, vector<8x4096xf32>
    %jit3A_4287 = arith.constant 329 : i32
    %broadcast_in_dim3A_4288 = vector.broadcast %jit3A_4287 : i32 to vector<8x4096xi32>
    %select_n3A_4289 = arith.select %lt3A_4285, %broadcast_in_dim3A_4288, %select_n3A_4276 : vector<8x4096xi1>, vector<8x4096xi32>
    %get3A_4290 = arith.constant 2640 : index
    %get3A_4291 = arith.constant 0 : index
    %get3A_4292 = vector.load %arg5[%get3A_4290, %get3A_4291] : memref<2736x1xf32, #tpu.memory_space<vmem>>, vector<8x1xf32>
    %add3A_4293 = vector.broadcast %get3A_8 : vector<1x4096xf32> to vector<8x4096xf32>
    %add3A_4294 = vector.broadcast %get3A_4292 : vector<8x1xf32> to vector<8x4096xf32>
    %add3A_4295 = arith.addf %add3A_4293, %add3A_4294 : vector<8x4096xf32>
    %slice3A_4296 = vector.extract_strided_slice %dot_general3A_5 {offsets = [2640, 0], sizes = [8, 4096], strides = [1, 1]} : vector<2736x4096xf32> to vector<8x4096xf32>
    %add3A_4297 = arith.addf %add3A_4295, %slice3A_4296 : vector<8x4096xf32>
    %lt3A_4298 = arith.cmpf olt, %add3A_4297, %select_n3A_4286 : vector<8x4096xf32>
    %select_n3A_4299 = arith.select %lt3A_4298, %add3A_4297, %select_n3A_4286 : vector<8x4096xi1>, vector<8x4096xf32>
    %jit3A_4300 = arith.constant 330 : i32
    %broadcast_in_dim3A_4301 = vector.broadcast %jit3A_4300 : i32 to vector<8x4096xi32>
    %select_n3A_4302 = arith.select %lt3A_4298, %broadcast_in_dim3A_4301, %select_n3A_4289 : vector<8x4096xi1>, vector<8x4096xi32>
    %get3A_4303 = arith.constant 2648 : index
    %get3A_4304 = arith.constant 0 : index
    %get3A_4305 = vector.load %arg5[%get3A_4303, %get3A_4304] : memref<2736x1xf32, #tpu.memory_space<vmem>>, vector<8x1xf32>
    %add3A_4306 = vector.broadcast %get3A_8 : vector<1x4096xf32> to vector<8x4096xf32>
    %add3A_4307 = vector.broadcast %get3A_4305 : vector<8x1xf32> to vector<8x4096xf32>
    %add3A_4308 = arith.addf %add3A_4306, %add3A_4307 : vector<8x4096xf32>
    %slice3A_4309 = vector.extract_strided_slice %dot_general3A_5 {offsets = [2648, 0], sizes = [8, 4096], strides = [1, 1]} : vector<2736x4096xf32> to vector<8x4096xf32>
    %add3A_4310 = arith.addf %add3A_4308, %slice3A_4309 : vector<8x4096xf32>
    %lt3A_4311 = arith.cmpf olt, %add3A_4310, %select_n3A_4299 : vector<8x4096xf32>
    %select_n3A_4312 = arith.select %lt3A_4311, %add3A_4310, %select_n3A_4299 : vector<8x4096xi1>, vector<8x4096xf32>
    %jit3A_4313 = arith.constant 331 : i32
    %broadcast_in_dim3A_4314 = vector.broadcast %jit3A_4313 : i32 to vector<8x4096xi32>
    %select_n3A_4315 = arith.select %lt3A_4311, %broadcast_in_dim3A_4314, %select_n3A_4302 : vector<8x4096xi1>, vector<8x4096xi32>
    %get3A_4316 = arith.constant 2656 : index
    %get3A_4317 = arith.constant 0 : index
    %get3A_4318 = vector.load %arg5[%get3A_4316, %get3A_4317] : memref<2736x1xf32, #tpu.memory_space<vmem>>, vector<8x1xf32>
    %add3A_4319 = vector.broadcast %get3A_8 : vector<1x4096xf32> to vector<8x4096xf32>
    %add3A_4320 = vector.broadcast %get3A_4318 : vector<8x1xf32> to vector<8x4096xf32>
    %add3A_4321 = arith.addf %add3A_4319, %add3A_4320 : vector<8x4096xf32>
    %slice3A_4322 = vector.extract_strided_slice %dot_general3A_5 {offsets = [2656, 0], sizes = [8, 4096], strides = [1, 1]} : vector<2736x4096xf32> to vector<8x4096xf32>
    %add3A_4323 = arith.addf %add3A_4321, %slice3A_4322 : vector<8x4096xf32>
    %lt3A_4324 = arith.cmpf olt, %add3A_4323, %select_n3A_4312 : vector<8x4096xf32>
    %select_n3A_4325 = arith.select %lt3A_4324, %add3A_4323, %select_n3A_4312 : vector<8x4096xi1>, vector<8x4096xf32>
    %jit3A_4326 = arith.constant 332 : i32
    %broadcast_in_dim3A_4327 = vector.broadcast %jit3A_4326 : i32 to vector<8x4096xi32>
    %select_n3A_4328 = arith.select %lt3A_4324, %broadcast_in_dim3A_4327, %select_n3A_4315 : vector<8x4096xi1>, vector<8x4096xi32>
    %get3A_4329 = arith.constant 2664 : index
    %get3A_4330 = arith.constant 0 : index
    %get3A_4331 = vector.load %arg5[%get3A_4329, %get3A_4330] : memref<2736x1xf32, #tpu.memory_space<vmem>>, vector<8x1xf32>
    %add3A_4332 = vector.broadcast %get3A_8 : vector<1x4096xf32> to vector<8x4096xf32>
    %add3A_4333 = vector.broadcast %get3A_4331 : vector<8x1xf32> to vector<8x4096xf32>
    %add3A_4334 = arith.addf %add3A_4332, %add3A_4333 : vector<8x4096xf32>
    %slice3A_4335 = vector.extract_strided_slice %dot_general3A_5 {offsets = [2664, 0], sizes = [8, 4096], strides = [1, 1]} : vector<2736x4096xf32> to vector<8x4096xf32>
    %add3A_4336 = arith.addf %add3A_4334, %slice3A_4335 : vector<8x4096xf32>
    %lt3A_4337 = arith.cmpf olt, %add3A_4336, %select_n3A_4325 : vector<8x4096xf32>
    %select_n3A_4338 = arith.select %lt3A_4337, %add3A_4336, %select_n3A_4325 : vector<8x4096xi1>, vector<8x4096xf32>
    %jit3A_4339 = arith.constant 333 : i32
    %broadcast_in_dim3A_4340 = vector.broadcast %jit3A_4339 : i32 to vector<8x4096xi32>
    %select_n3A_4341 = arith.select %lt3A_4337, %broadcast_in_dim3A_4340, %select_n3A_4328 : vector<8x4096xi1>, vector<8x4096xi32>
    %get3A_4342 = arith.constant 2672 : index
    %get3A_4343 = arith.constant 0 : index
    %get3A_4344 = vector.load %arg5[%get3A_4342, %get3A_4343] : memref<2736x1xf32, #tpu.memory_space<vmem>>, vector<8x1xf32>
    %add3A_4345 = vector.broadcast %get3A_8 : vector<1x4096xf32> to vector<8x4096xf32>
    %add3A_4346 = vector.broadcast %get3A_4344 : vector<8x1xf32> to vector<8x4096xf32>
    %add3A_4347 = arith.addf %add3A_4345, %add3A_4346 : vector<8x4096xf32>
    %slice3A_4348 = vector.extract_strided_slice %dot_general3A_5 {offsets = [2672, 0], sizes = [8, 4096], strides = [1, 1]} : vector<2736x4096xf32> to vector<8x4096xf32>
    %add3A_4349 = arith.addf %add3A_4347, %slice3A_4348 : vector<8x4096xf32>
    %lt3A_4350 = arith.cmpf olt, %add3A_4349, %select_n3A_4338 : vector<8x4096xf32>
    %select_n3A_4351 = arith.select %lt3A_4350, %add3A_4349, %select_n3A_4338 : vector<8x4096xi1>, vector<8x4096xf32>
    %jit3A_4352 = arith.constant 334 : i32
    %broadcast_in_dim3A_4353 = vector.broadcast %jit3A_4352 : i32 to vector<8x4096xi32>
    %select_n3A_4354 = arith.select %lt3A_4350, %broadcast_in_dim3A_4353, %select_n3A_4341 : vector<8x4096xi1>, vector<8x4096xi32>
    %get3A_4355 = arith.constant 2680 : index
    %get3A_4356 = arith.constant 0 : index
    %get3A_4357 = vector.load %arg5[%get3A_4355, %get3A_4356] : memref<2736x1xf32, #tpu.memory_space<vmem>>, vector<8x1xf32>
    %add3A_4358 = vector.broadcast %get3A_8 : vector<1x4096xf32> to vector<8x4096xf32>
    %add3A_4359 = vector.broadcast %get3A_4357 : vector<8x1xf32> to vector<8x4096xf32>
    %add3A_4360 = arith.addf %add3A_4358, %add3A_4359 : vector<8x4096xf32>
    %slice3A_4361 = vector.extract_strided_slice %dot_general3A_5 {offsets = [2680, 0], sizes = [8, 4096], strides = [1, 1]} : vector<2736x4096xf32> to vector<8x4096xf32>
    %add3A_4362 = arith.addf %add3A_4360, %slice3A_4361 : vector<8x4096xf32>
    %lt3A_4363 = arith.cmpf olt, %add3A_4362, %select_n3A_4351 : vector<8x4096xf32>
    %select_n3A_4364 = arith.select %lt3A_4363, %add3A_4362, %select_n3A_4351 : vector<8x4096xi1>, vector<8x4096xf32>
    %jit3A_4365 = arith.constant 335 : i32
    %broadcast_in_dim3A_4366 = vector.broadcast %jit3A_4365 : i32 to vector<8x4096xi32>
    %select_n3A_4367 = arith.select %lt3A_4363, %broadcast_in_dim3A_4366, %select_n3A_4354 : vector<8x4096xi1>, vector<8x4096xi32>
    %get3A_4368 = arith.constant 2688 : index
    %get3A_4369 = arith.constant 0 : index
    %get3A_4370 = vector.load %arg5[%get3A_4368, %get3A_4369] : memref<2736x1xf32, #tpu.memory_space<vmem>>, vector<8x1xf32>
    %add3A_4371 = vector.broadcast %get3A_8 : vector<1x4096xf32> to vector<8x4096xf32>
    %add3A_4372 = vector.broadcast %get3A_4370 : vector<8x1xf32> to vector<8x4096xf32>
    %add3A_4373 = arith.addf %add3A_4371, %add3A_4372 : vector<8x4096xf32>
    %slice3A_4374 = vector.extract_strided_slice %dot_general3A_5 {offsets = [2688, 0], sizes = [8, 4096], strides = [1, 1]} : vector<2736x4096xf32> to vector<8x4096xf32>
    %add3A_4375 = arith.addf %add3A_4373, %slice3A_4374 : vector<8x4096xf32>
    %lt3A_4376 = arith.cmpf olt, %add3A_4375, %select_n3A_4364 : vector<8x4096xf32>
    %select_n3A_4377 = arith.select %lt3A_4376, %add3A_4375, %select_n3A_4364 : vector<8x4096xi1>, vector<8x4096xf32>
    %jit3A_4378 = arith.constant 336 : i32
    %broadcast_in_dim3A_4379 = vector.broadcast %jit3A_4378 : i32 to vector<8x4096xi32>
    %select_n3A_4380 = arith.select %lt3A_4376, %broadcast_in_dim3A_4379, %select_n3A_4367 : vector<8x4096xi1>, vector<8x4096xi32>
    %get3A_4381 = arith.constant 2696 : index
    %get3A_4382 = arith.constant 0 : index
    %get3A_4383 = vector.load %arg5[%get3A_4381, %get3A_4382] : memref<2736x1xf32, #tpu.memory_space<vmem>>, vector<8x1xf32>
    %add3A_4384 = vector.broadcast %get3A_8 : vector<1x4096xf32> to vector<8x4096xf32>
    %add3A_4385 = vector.broadcast %get3A_4383 : vector<8x1xf32> to vector<8x4096xf32>
    %add3A_4386 = arith.addf %add3A_4384, %add3A_4385 : vector<8x4096xf32>
    %slice3A_4387 = vector.extract_strided_slice %dot_general3A_5 {offsets = [2696, 0], sizes = [8, 4096], strides = [1, 1]} : vector<2736x4096xf32> to vector<8x4096xf32>
    %add3A_4388 = arith.addf %add3A_4386, %slice3A_4387 : vector<8x4096xf32>
    %lt3A_4389 = arith.cmpf olt, %add3A_4388, %select_n3A_4377 : vector<8x4096xf32>
    %select_n3A_4390 = arith.select %lt3A_4389, %add3A_4388, %select_n3A_4377 : vector<8x4096xi1>, vector<8x4096xf32>
    %jit3A_4391 = arith.constant 337 : i32
    %broadcast_in_dim3A_4392 = vector.broadcast %jit3A_4391 : i32 to vector<8x4096xi32>
    %select_n3A_4393 = arith.select %lt3A_4389, %broadcast_in_dim3A_4392, %select_n3A_4380 : vector<8x4096xi1>, vector<8x4096xi32>
    %get3A_4394 = arith.constant 2704 : index
    %get3A_4395 = arith.constant 0 : index
    %get3A_4396 = vector.load %arg5[%get3A_4394, %get3A_4395] : memref<2736x1xf32, #tpu.memory_space<vmem>>, vector<8x1xf32>
    %add3A_4397 = vector.broadcast %get3A_8 : vector<1x4096xf32> to vector<8x4096xf32>
    %add3A_4398 = vector.broadcast %get3A_4396 : vector<8x1xf32> to vector<8x4096xf32>
    %add3A_4399 = arith.addf %add3A_4397, %add3A_4398 : vector<8x4096xf32>
    %slice3A_4400 = vector.extract_strided_slice %dot_general3A_5 {offsets = [2704, 0], sizes = [8, 4096], strides = [1, 1]} : vector<2736x4096xf32> to vector<8x4096xf32>
    %add3A_4401 = arith.addf %add3A_4399, %slice3A_4400 : vector<8x4096xf32>
    %lt3A_4402 = arith.cmpf olt, %add3A_4401, %select_n3A_4390 : vector<8x4096xf32>
    %select_n3A_4403 = arith.select %lt3A_4402, %add3A_4401, %select_n3A_4390 : vector<8x4096xi1>, vector<8x4096xf32>
    %jit3A_4404 = arith.constant 338 : i32
    %broadcast_in_dim3A_4405 = vector.broadcast %jit3A_4404 : i32 to vector<8x4096xi32>
    %select_n3A_4406 = arith.select %lt3A_4402, %broadcast_in_dim3A_4405, %select_n3A_4393 : vector<8x4096xi1>, vector<8x4096xi32>
    %get3A_4407 = arith.constant 2712 : index
    %get3A_4408 = arith.constant 0 : index
    %get3A_4409 = vector.load %arg5[%get3A_4407, %get3A_4408] : memref<2736x1xf32, #tpu.memory_space<vmem>>, vector<8x1xf32>
    %add3A_4410 = vector.broadcast %get3A_8 : vector<1x4096xf32> to vector<8x4096xf32>
    %add3A_4411 = vector.broadcast %get3A_4409 : vector<8x1xf32> to vector<8x4096xf32>
    %add3A_4412 = arith.addf %add3A_4410, %add3A_4411 : vector<8x4096xf32>
    %slice3A_4413 = vector.extract_strided_slice %dot_general3A_5 {offsets = [2712, 0], sizes = [8, 4096], strides = [1, 1]} : vector<2736x4096xf32> to vector<8x4096xf32>
    %add3A_4414 = arith.addf %add3A_4412, %slice3A_4413 : vector<8x4096xf32>
    %lt3A_4415 = arith.cmpf olt, %add3A_4414, %select_n3A_4403 : vector<8x4096xf32>
    %select_n3A_4416 = arith.select %lt3A_4415, %add3A_4414, %select_n3A_4403 : vector<8x4096xi1>, vector<8x4096xf32>
    %jit3A_4417 = arith.constant 339 : i32
    %broadcast_in_dim3A_4418 = vector.broadcast %jit3A_4417 : i32 to vector<8x4096xi32>
    %select_n3A_4419 = arith.select %lt3A_4415, %broadcast_in_dim3A_4418, %select_n3A_4406 : vector<8x4096xi1>, vector<8x4096xi32>
    %get3A_4420 = arith.constant 2720 : index
    %get3A_4421 = arith.constant 0 : index
    %get3A_4422 = vector.load %arg5[%get3A_4420, %get3A_4421] : memref<2736x1xf32, #tpu.memory_space<vmem>>, vector<8x1xf32>
    %add3A_4423 = vector.broadcast %get3A_8 : vector<1x4096xf32> to vector<8x4096xf32>
    %add3A_4424 = vector.broadcast %get3A_4422 : vector<8x1xf32> to vector<8x4096xf32>
    %add3A_4425 = arith.addf %add3A_4423, %add3A_4424 : vector<8x4096xf32>
    %slice3A_4426 = vector.extract_strided_slice %dot_general3A_5 {offsets = [2720, 0], sizes = [8, 4096], strides = [1, 1]} : vector<2736x4096xf32> to vector<8x4096xf32>
    %add3A_4427 = arith.addf %add3A_4425, %slice3A_4426 : vector<8x4096xf32>
    %lt3A_4428 = arith.cmpf olt, %add3A_4427, %select_n3A_4416 : vector<8x4096xf32>
    %select_n3A_4429 = arith.select %lt3A_4428, %add3A_4427, %select_n3A_4416 : vector<8x4096xi1>, vector<8x4096xf32>
    %jit3A_4430 = arith.constant 340 : i32
    %broadcast_in_dim3A_4431 = vector.broadcast %jit3A_4430 : i32 to vector<8x4096xi32>
    %select_n3A_4432 = arith.select %lt3A_4428, %broadcast_in_dim3A_4431, %select_n3A_4419 : vector<8x4096xi1>, vector<8x4096xi32>
    %get3A_4433 = arith.constant 2728 : index
    %get3A_4434 = arith.constant 0 : index
    %get3A_4435 = vector.load %arg5[%get3A_4433, %get3A_4434] : memref<2736x1xf32, #tpu.memory_space<vmem>>, vector<8x1xf32>
    %add3A_4436 = vector.broadcast %get3A_8 : vector<1x4096xf32> to vector<8x4096xf32>
    %add3A_4437 = vector.broadcast %get3A_4435 : vector<8x1xf32> to vector<8x4096xf32>
    %add3A_4438 = arith.addf %add3A_4436, %add3A_4437 : vector<8x4096xf32>
    %slice3A_4439 = vector.extract_strided_slice %dot_general3A_5 {offsets = [2728, 0], sizes = [8, 4096], strides = [1, 1]} : vector<2736x4096xf32> to vector<8x4096xf32>
    %add3A_4440 = arith.addf %add3A_4438, %slice3A_4439 : vector<8x4096xf32>
    %lt3A_4441 = arith.cmpf olt, %add3A_4440, %select_n3A_4429 : vector<8x4096xf32>
    %select_n3A_4442 = arith.select %lt3A_4441, %add3A_4440, %select_n3A_4429 : vector<8x4096xi1>, vector<8x4096xf32>
    %jit3A_4443 = arith.constant 341 : i32
    %broadcast_in_dim3A_4444 = vector.broadcast %jit3A_4443 : i32 to vector<8x4096xi32>
    %select_n3A_4445 = arith.select %lt3A_4441, %broadcast_in_dim3A_4444, %select_n3A_4432 : vector<8x4096xi1>, vector<8x4096xi32>
    %iota3A = tpu.iota {dimensions = array<i32: 0>} : vector<8x4096xi32>
    %mul3A = arith.constant 8 : i32
    %mul3A_4446 = vector.broadcast %mul3A : i32 to vector<8x4096xi32>
    %mul3A_4447 = arith.muli %select_n3A_4445, %mul3A_4446 : vector<8x4096xi32>
    %add3A_4448 = arith.addi %mul3A_4447, %iota3A : vector<8x4096xi32>
    %reduce_min3A = arith.constant dense<0x7F800000> : vector<4096xf32>
    %reduce_min3A_4449 = vector.multi_reduction <minimumf>, %select_n3A_4442, %reduce_min3A [0] : vector<8x4096xf32> to vector<4096xf32>
    %broadcast_in_dim3A_4450 = vector.shape_cast %reduce_min3A_4449 : vector<4096xf32> to vector<1x4096xf32>
    %eq3A = vector.broadcast %broadcast_in_dim3A_4450 : vector<1x4096xf32> to vector<8x4096xf32>
    %eq3A_4451 = arith.cmpf oeq, %select_n3A_4442, %eq3A : vector<8x4096xf32>
    %jit3A_4452 = arith.constant 1073741824 : i32
    %broadcast_in_dim3A_4453 = vector.broadcast %jit3A_4452 : i32 to vector<8x4096xi32>
    %select_n3A_4454 = arith.select %eq3A_4451, %add3A_4448, %broadcast_in_dim3A_4453 : vector<8x4096xi1>, vector<8x4096xi32>
    %reduce_min3A_4455 = arith.constant dense<2147483647> : vector<4096xi32>
    %reduce_min3A_4456 = vector.multi_reduction <minsi>, %select_n3A_4454, %reduce_min3A_4455 [0] : vector<8x4096xi32> to vector<4096xi32>
    %broadcast_in_dim3A_4457 = vector.shape_cast %reduce_min3A_4456 : vector<4096xi32> to vector<1x4096xi32>
    %mul3A_4458 = arith.constant 2736 : i32
    %mul3A_4459 = arith.muli %arg0, %mul3A_4458 : i32
    %add3A_4460 = vector.broadcast %mul3A_4459 : i32 to vector<1x4096xi32>
    %add3A_4461 = arith.addi %broadcast_in_dim3A_4457, %add3A_4460 : vector<1x4096xi32>
    %eq3A_4462 = arith.constant 0 : i32
    %eq3A_4463 = arith.cmpi eq, %arg0, %eq3A_4462 : i32
    %convert_element_type3A = arith.extui %eq3A_4463 : i1 to i32
    %cond3A = arith.constant 0 : i32
    %cond3A_4464 = arith.cmpi ne, %convert_element_type3A, %cond3A : i32
    scf.if %cond3A_4464 {
      %convert_element_type3A_4474 = arith.truncf %broadcast_in_dim3A_4450 : vector<1x4096xf32> to vector<1x4096xbf16>
      %convert_element_type3A_4475 = arith.extf %convert_element_type3A_4474 : vector<1x4096xbf16> to vector<1x4096xf32>
      %swap3A = arith.index_cast %arg1 : i32 to index
      %swap3A_4476 = arith.constant 0 : index
      %swap3A_4477 = vector.load %arg8[%swap3A, %swap3A_4476] : memref<4x4096xf32, #tpu.memory_space<vmem>>, vector<1x4096xf32>
      tpu.vector_store %arg8[%swap3A, %swap3A_4476], %convert_element_type3A_4475 {strides = array<i32>} : memref<4x4096xf32, #tpu.memory_space<vmem>>, vector<1x4096xf32>,
      %swap3A_4478 = arith.index_cast %arg1 : i32 to index
      %swap3A_4479 = arith.constant 0 : index
      %swap3A_4480 = vector.load %arg9[%swap3A_4478, %swap3A_4479] : memref<4x4096xi32, #tpu.memory_space<vmem>>, vector<1x4096xi32>
      tpu.vector_store %arg9[%swap3A_4478, %swap3A_4479], %add3A_4461 {strides = array<i32>} : memref<4x4096xi32, #tpu.memory_space<vmem>>, vector<1x4096xi32>,
      %swap3A_4481 = arith.index_cast %arg1 : i32 to index
      %swap3A_4482 = arith.constant 0 : index
      %swap3A_4483 = vector.load %arg10[%swap3A_4481, %swap3A_4482] : memref<4x4096xf32, #tpu.memory_space<vmem>>, vector<1x4096xf32>
      tpu.vector_store %arg10[%swap3A_4481, %swap3A_4482], %broadcast_in_dim3A_4450 {strides = array<i32>} : memref<4x4096xf32, #tpu.memory_space<vmem>>, vector<1x4096xf32>,
    } else {
    }
    %gt3A = arith.constant 0 : i32
    %gt3A_4465 = arith.cmpi sgt, %arg0, %gt3A : i32
    %convert_element_type3A_4466 = arith.extui %gt3A_4465 : i1 to i32
    %cond3A_4467 = arith.constant 0 : i32
    %cond3A_4468 = arith.cmpi ne, %convert_element_type3A_4466, %cond3A_4467 : i32
    scf.if %cond3A_4468 {
      %get3A_4474 = arith.index_cast %arg1 : i32 to index
      %get3A_4475 = arith.constant 0 : index
      %get3A_4476 = vector.load %arg8[%get3A_4474, %get3A_4475] : memref<4x4096xf32, #tpu.memory_space<vmem>>, vector<1x4096xf32>
      %get3A_4477 = arith.index_cast %arg1 : i32 to index
      %get3A_4478 = arith.constant 0 : index
      %get3A_4479 = vector.load %arg9[%get3A_4477, %get3A_4478] : memref<4x4096xi32, #tpu.memory_space<vmem>>, vector<1x4096xi32>
      %get3A_4480 = arith.index_cast %arg1 : i32 to index
      %get3A_4481 = arith.constant 0 : index
      %get3A_4482 = vector.load %arg10[%get3A_4480, %get3A_4481] : memref<4x4096xf32, #tpu.memory_space<vmem>>, vector<1x4096xf32>
      %lt3A_4483 = arith.cmpf olt, %broadcast_in_dim3A_4450, %get3A_4476 : vector<1x4096xf32>
      %eq3A_4484 = arith.cmpf oeq, %broadcast_in_dim3A_4450, %get3A_4476 : vector<1x4096xf32>
      %lt3A_4485 = arith.cmpi slt, %add3A_4461, %get3A_4479 : vector<1x4096xi32>
      %and3A = arith.andi %eq3A_4484, %lt3A_4485 : vector<1x4096xi1>
      %or3A = arith.ori %lt3A_4483, %and3A : vector<1x4096xi1>
      %select_n3A_4486 = arith.select %or3A, %add3A_4461, %get3A_4479 : vector<1x4096xi1>, vector<1x4096xi32>
      %swap3A = arith.index_cast %arg1 : i32 to index
      %swap3A_4487 = arith.constant 0 : index
      %swap3A_4488 = vector.load %arg9[%swap3A, %swap3A_4487] : memref<4x4096xi32, #tpu.memory_space<vmem>>, vector<1x4096xi32>
      tpu.vector_store %arg9[%swap3A, %swap3A_4487], %select_n3A_4486 {strides = array<i32>} : memref<4x4096xi32, #tpu.memory_space<vmem>>, vector<1x4096xi32>,
      %select_n3A_4489 = arith.select %or3A, %broadcast_in_dim3A_4450, %get3A_4482 : vector<1x4096xi1>, vector<1x4096xf32>
      %swap3A_4490 = arith.index_cast %arg1 : i32 to index
      %swap3A_4491 = arith.constant 0 : index
      %swap3A_4492 = vector.load %arg10[%swap3A_4490, %swap3A_4491] : memref<4x4096xf32, #tpu.memory_space<vmem>>, vector<1x4096xf32>
      tpu.vector_store %arg10[%swap3A_4490, %swap3A_4491], %select_n3A_4489 {strides = array<i32>} : memref<4x4096xf32, #tpu.memory_space<vmem>>, vector<1x4096xf32>,
      %select_n3A_4493 = arith.select %lt3A_4483, %broadcast_in_dim3A_4450, %get3A_4476 : vector<1x4096xi1>, vector<1x4096xf32>
      %convert_element_type3A_4494 = arith.truncf %select_n3A_4493 : vector<1x4096xf32> to vector<1x4096xbf16>
      %convert_element_type3A_4495 = arith.extf %convert_element_type3A_4494 : vector<1x4096xbf16> to vector<1x4096xf32>
      %swap3A_4496 = arith.index_cast %arg1 : i32 to index
      %swap3A_4497 = arith.constant 0 : index
      %swap3A_4498 = vector.load %arg8[%swap3A_4496, %swap3A_4497] : memref<4x4096xf32, #tpu.memory_space<vmem>>, vector<1x4096xf32>
      tpu.vector_store %arg8[%swap3A_4496, %swap3A_4497], %convert_element_type3A_4495 {strides = array<i32>} : memref<4x4096xf32, #tpu.memory_space<vmem>>, vector<1x4096xf32>,
    } else {
    }
    %eq3A_4469 = arith.constant 2 : i32
    %eq3A_4470 = arith.cmpi eq, %arg0, %eq3A_4469 : i32
    %convert_element_type3A_4471 = arith.extui %eq3A_4470 : i1 to i32
    %cond3A_4472 = arith.constant 0 : i32
    %cond3A_4473 = arith.cmpi ne, %convert_element_type3A_4471, %cond3A_4472 : i32
    scf.if %cond3A_4473 {
      %get3A_4474 = arith.index_cast %arg1 : i32 to index
      %get3A_4475 = arith.constant 0 : index
      %get3A_4476 = vector.load %arg9[%get3A_4474, %get3A_4475] : memref<4x4096xi32, #tpu.memory_space<vmem>>, vector<1x4096xi32>
      %reshape3A = vector.shape_cast %get3A_4476 : vector<1x4096xi32> to vector<4096xi32>
      %swap3A = arith.constant 0 : index
      %swap3A_4477 = vector.load %arg6[%swap3A] : memref<4096xi32, #tpu.memory_space<vmem>>, vector<4096xi32>
      tpu.vector_store %arg6[%swap3A], %reshape3A {strides = array<i32>} : memref<4096xi32, #tpu.memory_space<vmem>>, vector<4096xi32>,
      %eq3A_4478 = arith.constant 0 : i32
      %eq3A_4479 = arith.cmpi eq, %arg1, %eq3A_4478 : i32
      %convert_element_type3A_4480 = arith.extui %eq3A_4479 : i1 to i32
      %cond3A_4481 = arith.constant 0 : i32
      %cond3A_4482 = arith.cmpi ne, %convert_element_type3A_4480, %cond3A_4481 : i32
      scf.if %cond3A_4482 {
        %swap3A_4500 = arith.constant 0.000000e+00 : f32
        %swap3A_4501 = arith.constant 0 : index
        %swap3A_4502 = memref.load %arg11[%swap3A_4501] : memref<1xf32, #tpu.memory_space<smem>>
        memref.store %swap3A_4500, %arg11[%swap3A_4501] : memref<1xf32, #tpu.memory_space<smem>>
      } else {
      }
      %get3A_4483 = arith.constant 0 : index
      %get3A_4484 = memref.load %arg11[%get3A_4483] : memref<1xf32, #tpu.memory_space<smem>>
      %get3A_4485 = arith.index_cast %arg1 : i32 to index
      %get3A_4486 = arith.constant 0 : index
      %get3A_4487 = vector.load %arg10[%get3A_4485, %get3A_4486] : memref<4x4096xf32, #tpu.memory_space<vmem>>, vector<1x4096xf32>
      %reduce_sum3A = vector.shape_cast %get3A_4487 : vector<1x4096xf32> to vector<1x1x4096xf32>
      %reduce_sum3A_4488 = arith.constant dense<0.000000e+00> : vector<1xf32>
      %reduce_sum3A_4489 = vector.multi_reduction <add>, %reduce_sum3A, %reduce_sum3A_4488 [1, 2] : vector<1x1x4096xf32> to vector<1xf32>
      %reduce_sum3A_4490 = vector.shape_cast %reduce_sum3A_4489 : vector<1xf32> to vector<1x1x1xf32>
      %reduce_sum3A_4491 = vector.extract %reduce_sum3A_4490[0, 0, 0] : f32 from vector<1x1x1xf32>
      %add3A_4492 = arith.addf %get3A_4484, %reduce_sum3A_4491 : f32
      %swap3A_4493 = arith.constant 0 : index
      %swap3A_4494 = memref.load %arg11[%swap3A_4493] : memref<1xf32, #tpu.memory_space<smem>>
      memref.store %add3A_4492, %arg11[%swap3A_4493] : memref<1xf32, #tpu.memory_space<smem>>
      %eq3A_4495 = arith.constant 3 : i32
      %eq3A_4496 = arith.cmpi eq, %arg1, %eq3A_4495 : i32
      %convert_element_type3A_4497 = arith.extui %eq3A_4496 : i1 to i32
      %cond3A_4498 = arith.constant 0 : i32
      %cond3A_4499 = arith.cmpi ne, %convert_element_type3A_4497, %cond3A_4498 : i32
      scf.if %cond3A_4499 {
        %get3A_4500 = arith.constant 0 : index
        %get3A_4501 = memref.load %arg11[%get3A_4500] : memref<1xf32, #tpu.memory_space<smem>>
        %mul3A_4502 = arith.constant 2.000000e+00 : f32
        %mul3A_4503 = arith.mulf %mul3A_4502, %get3A_4501 : f32
        %div3A = arith.constant 0x4A800000 : f32
        %div3A_4504 = arith.divf %mul3A_4503, %div3A : f32
        %swap3A_4505 = arith.constant 0 : index
        %swap3A_4506 = arith.constant 0 : index
        %swap3A_4507 = memref.load %arg7[%swap3A_4505, %swap3A_4506] : memref<1x1xf32, #tpu.memory_space<smem>>
        memref.store %div3A_4504, %arg7[%swap3A_4505, %swap3A_4506] : memref<1x1xf32, #tpu.memory_space<smem>>
      } else {
      }
    } else {
    }
    return
  }
  func.func @transform_0(%arg0: i32, %arg1: i32) -> (i32, i32) {
    %c0_i32 = arith.constant 0 : i32
    %c0_i32_0 = arith.constant 0 : i32
    return %arg1, %c0_i32 : i32, i32
  }
  func.func @transform_1(%arg0: i32, %arg1: i32) -> (i32, i32) {
    %c0_i32 = arith.constant 0 : i32
    %c0_i32_0 = arith.constant 0 : i32
    return %c0_i32, %arg1 : i32, i32
  }
  func.func @transform_2(%arg0: i32, %arg1: i32) -> (i32, i32) {
    %c0_i32 = arith.constant 0 : i32
    %c0_i32_0 = arith.constant 0 : i32
    return %arg0, %c0_i32 : i32, i32
  }
  func.func @transform_3(%arg0: i32, %arg1: i32) -> (i32, i32) {
    %c0_i32 = arith.constant 0 : i32
    %c0_i32_0 = arith.constant 0 : i32
    return %arg0, %c0_i32 : i32, i32
  }
  func.func @transform_4(%arg0: i32, %arg1: i32) -> i32 {
    %c0_i32 = arith.constant 0 : i32
    return %arg1 : i32
  }
  func.func @transform_5(%arg0: i32, %arg1: i32) -> (i32, i32) {
    %c0_i32 = arith.constant 0 : i32
    %c0_i32_0 = arith.constant 0 : i32
    %c0_i32_1 = arith.constant 0 : i32
    return %c0_i32, %c0_i32_0 : i32, i32
  }
}

</mosaic_0001>

<sc_bundles>
// kernel: kernel.4.cloned.1.call-start
scs
__scs_entry_jumppad:
0x0: {  	(pc) =	sbr.rel $0x88, $3  }
0x1: {  	(tag) =	ssettag $0x0;
	lr =	simm.s32 $0x1  }
0x2: {  	[smem:$0x3F9F] =	sst lr;
	_ =	strace $0xD0000000  }
0x3: {  	_ = 	snop  }
0x4: {  	_ = 	snop  }
0x5: {  	_ = 	snop  }
0x6: {  	_ = 	snop  }
0x7: {  	_ = 	snop  }
__scs_overlays_trampoline_lowered:
0x8: {  	[smem:$0x3FAE] =	sst s0  }
0x9: {  	[smem:$0x3FAF] =	sst s1  }
0xa: {  	[smem:$0x3FB0] =	sst s2  }
0xb: {  	[smem:$0x3FB1] =	sst s3  }
0xc: {  	[smem:$0x3FB2] =	sst s4  }
0xd: {  	[smem:$0x3FB3] =	sst s5  }
0xe: {  	[smem:$0x3FB4] =	sst s6  }
0xf: {  	[smem:$0x3FB5] =	sst s7  }
0x10: {  	[smem:$0x3FB6] =	sst s8  }
0x11: {  	[smem:$0x3FB7] =	sst s9;
	s0 =	simm.s32 @!p0 $0x0  }
0x12: {  	s1 =	sld [smem:$0x3F9D];
	s0 =	simm.s32 @p0 $0x1  }
0x13: {  	[smem:$0x3FB8] =	sst s0;
	s0 =	simm.s32 @!p1 $0x0  }
0x14: {  	s2 =	sld [smem:$0x3F9C];
	s0 =	simm.s32 @p1 $0x1  }
0x15: {  	[smem:$0x3FB9] =	sst s0;
	s0 =	simm.s32 @!p2 $0x0  }
0x16: {  	s3 =	sld [smem:$0x3FDB];
	s0 =	simm.s32 @p2 $0x1  }
0x17: {  	s4 =	simm.s32 $0x1BF5;
	[smem:$0x3FBB] =	sst s0  }
0x18: {  	s0 =	sld [smem:$0x3F9E];
	_ =	swait.ge [sflag:s4], $0x0  }
0x19: {  	s7 =	sld [smem:$0x3F9F]  }
0x1a: {  	s8 =	sadd.s32 $0xFFFFE003, lr  }
0x1b: {  	s9 =	sadd.s32 $0xFFFFFEF7, lr;
	s5 =	simm.s32 $0xFFFFFFFF;
	p2 =	slt.u32 s8, $0xFFFFF086  }
0x1c: {  	p1 =	slt.u32 s9, $0xF7A;
	s5 =	simm.s32 @!p2 $0x0  }
0x1d: {  	s5 =	simm.s32 @p1 $0x1;
	p0 =	seq.s32 s7, s2  }
0x1e: {  	s7 =	smul.u32 @!p0 $0xF7A, s2;
	p2 =	seq.s32 @!p0 s5, $0x0  }
0x1f: {  	s9 =	smul.u32 $0xF7A, s1;
	s8 =	simm.s32 @!p0 $0x1BF5;
	p2 =	por !p2, p0  }
0x20: {  	[sflag:s8] =	ssyncset.s32 @!p0 $0xFFFFF086;
	s6 =	sadd.s32 @!p0 s3, s7;
	s7 =	simm.s32 @!p0 $0x108  }
0x21: {  	s3 =	sadd.s32 s3, s9;
	s6 =	sadd.s32 @!p0 $0x88, s6;
	s7 =	simm.s32 @p2 $0x1082  }
0x22: {  	[simem:s7], [sflag:s8] =	dma.local @!p0 [hbm:s6], $0xF7A  }
0x23: {  	s9 =	sor.u32 $0xD0000000, s2;
	s6 =	simm.s32 $0x108;
	_ =	swait.ge @!p0 [sflag:s8], $0x0  }
0x24: {  	s3 =	sadd.s32 $0x88, s3;
	s6 =	simm.s32 @!p1 $0x1082;
	[sflag:s4] =	ssyncset.s32 $0xFFFFF086  }
0x25: {  	[simem:s6], [sflag:s4] =	dma.local [hbm:s3], $0xF7A  }
0x26: {  	[smem:$0x3F9F] =	sst s1;
	(tag) =	ssettag s2;
	_ =	strace s9  }
0x27: {  	s1 =	sld [smem:$0x3FAF]  }
0x28: {  	s2 =	sld [smem:$0x3FB0]  }
0x29: {  	s4 =	sld [smem:$0x3FB2]  }
0x2a: {  	p0 =	seq.s32 s5, $0x0;
	s5 =	sld [smem:$0x3FB3]  }
0x2b: {  	s6 =	sld [smem:$0x3FB4]  }
0x2c: {  	s7 =	sld [smem:$0x3FB5]  }
0x2d: {  	s3 =	simm.s32 $0x108;
	s8 =	sld [smem:$0x3FB6]  }
0x2e: {  	s3 =	simm.s32 @!p0 $0x1082;
	s9 =	sld [smem:$0x3FB7]  }
0x2f: {  	lr =	sadd.s32 s0, s3;
	s0 =	sld [smem:$0x3FAE]  }
0x30: {  	s3 =	sld [smem:$0x3FB1]  }
0x31: {  	[smem:$0x3FBA] =	sst s10  }
0x32: {  	s10 =	sld [smem:$0x3FB8];
	_ =	sdelay $0x3  }
0x33: {  	p0 =	seq.s32 s10, $0x1;
	s10 =	sld [smem:$0x3FBA];
	_ =	sdelay $0x3  }
0x34: {  	[smem:$0x3FBA] =	sst s10  }
0x35: {  	s10 =	sld [smem:$0x3FB9];
	_ =	sdelay $0x3  }
0x36: {  	p1 =	seq.s32 s10, $0x1;
	s10 =	sld [smem:$0x3FBA];
	_ =	sdelay $0x3  }
0x37: {  	[smem:$0x3FBA] =	sst s10  }
0x38: {  	s10 =	sld [smem:$0x3FBB]  }
0x39: {  	_ = 	snop;
	(pc) =	sbr.ind lr, $3  }
0x3a: {  	_ = 	snop  }
0x3b: {  	_ = 	snop  }
0x3c: {  	p2 =	seq.s32 s10, $0x1;
	s10 =	sld [smem:$0x3FBA]  }
0x3d: {  	_ =	shalt  }
0x3e: {  	_ =	shalt  }
0x3f: {  	_ =	shalt  }
0x40: {  	_ =	shalt  }
0x41: {  	_ =	shalt  }
0x42: {  	_ =	shalt  }
0x43: {  	_ =	shalt  }
0x44: {  	_ =	shalt  }
0x45: {  	_ =	shalt  }
0x46: {  	_ =	shalt  }
0x47: {  	_ =	shalt  }
0x48: {  	_ =	shalt  }
0x49: {  	_ =	shalt  }
0x4a: {  	_ =	shalt  }
0x4b: {  	_ =	shalt  }
0x4c: {  	_ =	shalt  }
0x4d: {  	_ =	shalt  }
0x4e: {  	_ =	shalt  }
0x4f: {  	_ =	shalt  }
0x50: {  	_ =	shalt  }
0x51: {  	_ =	shalt  }
0x52: {  	_ =	shalt  }
0x53: {  	_ =	shalt  }
0x54: {  	_ =	shalt  }
0x55: {  	_ =	shalt  }
0x56: {  	_ =	shalt  }
0x57: {  	_ =	shalt  }
0x58: {  	_ =	shalt  }
0x59: {  	_ =	shalt  }
0x5a: {  	_ =	shalt  }
0x5b: {  	_ =	shalt  }
0x5c: {  	_ =	shalt  }
0x5d: {  	_ =	shalt  }
0x5e: {  	_ =	shalt  }
0x5f: {  	_ =	shalt  }
0x60: {  	_ =	shalt  }
0x61: {  	_ =	shalt  }
0x62: {  	_ =	shalt  }
0x63: {  	_ =	shalt  }
0x64: {  	_ =	shalt  }
0x65: {  	_ =	shalt  }
0x66: {  	_ =	shalt  }
0x67: {  	_ =	shalt  }
0x68: {  	_ =	shalt  }
0x69: {  	_ =	shalt  }
0x6a: {  	_ =	shalt  }
0x6b: {  	_ =	shalt  }
0x6c: {  	_ =	shalt  }
0x6d: {  	_ =	shalt  }
0x6e: {  	_ =	shalt  }
0x6f: {  	_ =	shalt  }
0x70: {  	_ =	shalt  }
0x71: {  	_ =	shalt  }
0x72: {  	_ =	shalt  }
0x73: {  	_ =	shalt  }
0x74: {  	_ =	shalt  }
0x75: {  	_ =	shalt  }
0x76: {  	_ =	shalt  }
0x77: {  	_ =	shalt  }
0x78: {  	_ =	shalt  }
0x79: {  	_ =	shalt  }
0x7a: {  	_ =	shalt  }
0x7b: {  	_ =	shalt  }
0x7c: {  	_ =	shalt  }
0x7d: {  	_ =	shalt  }
0x7e: {  	_ =	shalt  }
0x7f: {  	_ =	shalt  }
0x80: {  	_ =	shalt  }
0x81: {  	_ =	shalt  }
0x82: {  	_ =	shalt  }
0x83: {  	_ =	shalt  }
0x84: {  	_ =	shalt  }
0x85: {  	_ =	shalt  }
0x86: {  	_ =	shalt  }
0x87: {  	_ =	shalt  }
.Lfunc_end0:
.L_simem_size_0:
called_computation_lowered:
.L_overlay_start_0:
0x88: {  	s2 =	sld [smem:$0x3FD9]  }
0x89: {  	s3 =	sld [smem:$0x3FFE];
	_ =	sdelay $0x1  }
0x8a: {  	s1 =	srdreg.scid  }
0x8b: {  	s0 =	sand.u32 $0x1, s1  }
0x8c: {  	s15 =	sshll.u32 s0, $0xA;
	s2 =	sadd.s32 s3, s2  }
0x8d: {  	s2 =	sadd.s32 s2, s15  }
0x8e: {  	[smem:$0x3FC6] =	sst s2  }
0x8f: {  	_ = 	snop  }
0x90: {  	s2 =	sld [smem:$0x3FD0];
	_ =	sdelay $0x2  }
0x91: {  	s4 =	simm.s32 $0xA;
	s5 =	simm.s32 $0x10;
	s16 =	sld [smem:$0x3FC8]  }
0x92: {  	[smem:s5], [sflag:s4] =	dma.local [hbm:s2], $0x1  }
0x93: {  	_ =	swait.eq [sflag:s4], $0x1  }
0x94: {  	[sflag:s4] =	ssyncset.done $0x0  }
0x95: {  	s17 =	sld [smem:$0x10];
	[sflag:s4] =	ssyncadd.s32 $0xFFFFFFFF  }
0x96: {  	s18 =	sld [smem:$0x12];
	(tm) =	ssettm $0x1  }
0x97: {  	s19 =	sld [smem:$0x3FFB];
	_ =	sdelay $0x3  }
0x98: {  	_ =	strace s19  }
0x99: {  	s5 =	sld [smem:$0x3FFC];
	_ =	sdelay $0x3  }
0x9a: {  	_ =	strace s5  }
0x9b: {  	s5 =	sld [smem:$0x3FFD];
	_ =	sdelay $0x3  }
0x9c: {  	_ =	strace s5  }
0x9d: {  	_ =	strace $0x8FFFFFFF  }
0x9e: {  	s20 =	sld [smem:$0x3FDB];
	_ =	sdelay $0x1  }
0x9f: {  	s6 =	simm.s32 $_scs_section_size  }
0xa0: {  	s7 =	simm.s32 $_size__tile_overlayer_lowered;
	s8 =	simm.s32 $_tile_overlayer_lowered  }
0xa1: {  	s23 =	simm.s32 $0x1BFF;
	s22 =	sshll.u32 s8, $0x1;
	s5 =	sadd.s32 s6, s20  }
0xa2: {  	s9 =	simm.s32 $0x0;
	s21 =	sshll.u32 s7, $0x1;
	s7 =	sadd.s32 s22, s5  }
0xa3: {  	[timem:s9], [sflag:s23] =	dma.local [hbm:s7], s21  }
0xa4: {  	_ =	swait.ge [sflag:s23], s21  }
0xa5: {  	s6 =	ssub.s32 $0x0, s21;
	[sflag:s23] =	ssyncset.done $0x0  }
0xa6: {  	[sflag:s23] =	ssyncadd.s32 s6;
	_ =	sdelay $0x1  }
0xa7: {  	s24 =	simm.s32 $0x1B8B  }
0xa8: {  	_ =	swait.ge [sflag:s24], $0x1  }
0xa9: {  	[sflag:s24] =	ssyncset.done $0x0  }
0xaa: {  	s25 =	simm.s32 $0x1B8E;
	[sflag:s24] =	ssyncadd.s32 $0xFFFFFFFF  }
0xab: {  	s26 =	simm.s32 $execute0_lowered;
	[smem:$0x3FD2] =	sst s25  }
0xac: {  	s6 =	sshll.u32 s26, $0x1;
	_ =	strace $0x80000046;
	[dreg:$0x1] =	wrdreg $0xFFFFFFFF  }
0xad: {  	s28 =	simm.s32 $_size_execute0_lowered;
	s5 =	sadd.s32 s5, s6;
	[dreg:$0x0] =	wrdreg $0x0  }
0xae: {  	s6 =	sshll.u32 s28, $0x1;
	[dreg:$0x2] =	wrdreg s5  }
0xaf: {  	[dreg:$0x3] =	wrdreg s6  }
0xb0: {  	[dreg:$0x4] =	wrdreg $0xC0  }
0xb1: {  	_ =	task [dreg:s9], $0x5FFFF  }
0xb2: {  	[dreg:$0x1] =	wrdreg $0xFFFFFFFF  }
0xb3: {  	[dreg:$0x0] =	wrdreg $0x60  }
0xb4: {  	[dreg:$0x2] =	wrdreg s17  }
0xb5: {  	[dreg:$0x3] =	wrdreg s16  }
0xb6: {  	[dreg:$0x4] =	wrdreg s18  }
0xb7: {  	[dreg:$0x5] =	wrdreg $0x9  }
0xb8: {  	_ =	task.clear_ibuf [dreg:s9], $0x6FFFF;
	_ =	strace $0x90000046  }
0xb9: {  	s29 =	simm.s32 $0x9;
	_ =	strace $0x80000048  }
0xba: {  	_ =	swait.ge [sflag:s29], $0x1  }
0xbb: {  	[sflag:s29] =	ssyncadd.s32 $0xFFFFFFFF  }
0xbc: {  	_ =	strace $0x90000048  }
0xbd: {  	_ =	sfence  }
0xbe: {  	s30 =	sld [smem:$0x0];
	_ =	sdelay $0x2  }
0xbf: {  	s31 =	sshll.u32 s1, $0xD;
	s1 =	sshrl.u32 s1, $0x2  }
0xc0: {  	s3 =	sand.u32 $0x4000, s31;
	s1 =	sadd.s32 s1, s30  }
0xc1: {  	s0 =	sor.u32 s3, s0;
	s1 =	sshll.u32 s1, $0x11  }
0xc2: {  	s0 =	sor.u32 s1, s0  }
0xc3: {  	s0 =	sadd.s32 $0x8F2B, s0  }
0xc4: {  	[sflag:s0] =	ssyncadd.remote.s32 $0x1  }
0xc5: {  	_ =	sfence.sel $0xFFFF  }
0xc6: {  	[dreg:$0x0] =	wrdreg $0xFFFFFFFF;
	(pc) =	sbr.abs _section_cstart, $3  }
0xc7: {  	[dreg:$0x1] =	wrdreg $0xFFFFFFFF  }
0xc8: {  	_ =	task.clear_ibuf [dreg:s9], $0x2FFFF;
	_ =	strace $0x9FFFFFFF  }
0xc9: {  	(tm) =	ssettm $0x7FFFFFFF  }
tec
execute0_lowered:
.L_overlay_start_1:
0x0: {  	(tag) =	ssettag $0x1  }
0x1: {  	s0 =	rddreg [dreg:$0x0]  }
0x2: {  	s1 =	srdreg.scid;
	s2 =	rddreg [dreg:$0x1]  }
0x3: {  	s3 =	stileid.u32;
	s4 =	rddreg [dreg:$0x2];
	s15 =	simm.s32 $0x2  }
0x4: {  	s17 =	simm.s32 $0x1200;
	s18 =	simm.s32 $0x1A00;
	s19 =	simm.s32 $0x2200  }
0x5: {  	s20 =	simm.s32 $0x2A00;
	s21 =	simm.s32 $0x3200;
	s22 =	simm.s32 $0x3A00  }
0x6: {  	s28 =	simm.s32 $0x5A00;
	s29 =	simm.s32 $0x6200;
	s30 =	simm.s32 $0x6A00  }
0x7: {  	s31 =	simm.s32 $0x7200;
	s8 =	simm.s32 $0x9200;
	s9 =	simm.s32 $0x9A00  }
0x8: {  	s10 =	simm.s32 $0xA200;
	s11 =	simm.s32 $0xAA00;
	s1 =	sand.u32 $0x1, s1  }
0x9: {  	s13 =	simm.s32 $0xBA00;
	s5 =	sshll.u32 s3, $0xA;
	s6 =	sshll.u32 s1, $0x9  }
0xa: {  	s14 =	simm.s32 $0x200;
	s3 =	simm.s32 $0x0;
	s5 =	sor.u32 s6, s5  }
0xb: {  	[smem:$0x7FF] =	sst s3;
	s1 =	ssub.s32 $0x2, s1;
	s6 =	sshrl.u32 s5, $0x3  }
0xc: {  	_ =	strace $0x80000047;
	s5 =	sshll.u32 s5, $0x5;
	s0 =	sadd.s32 s0, s6  }
0xd: {  	s25 =	sshrl.u32 s1, $0x1;
	s4 =	sadd.s32 s4, s5;
	[dreg:$0x4] =	wrdreg s0  }
0xe: {  	s1 =	ssub.s32 s1, s25;
	s23 =	sadd.s32 $0x1000, s4;
	[dreg:$0x8] =	wrdreg s4  }
0xf: {  	s25 =	simm.s32 $0x4A00;
	s24 =	sadd.s32 $0x2000, s4;
	[dreg:$0x5] =	wrdreg s23  }
0x10: {  	v2 =	vlaneseq.u32;
	s5 =	smax.u32 s1, $0x1;
	s26 =	sadd.s32 $0x3000, s4;
	[dreg:$0x6] =	wrdreg s24  }
0x11: {  	vm0 =	vmmov $0xffff;
	v1 =	vshrl.u32 v2, $0x3;
	s6 =	simm.s32 $0x3;
	s4 =	simm.s32 $0x1;
	[dreg:$0x7] =	wrdreg s26  }
0x12: {  	v0 =	vand.u32 $0x7, v2;
	v2 =	vor.u32 $0x8, v2;
	v1 =	vmul.u32 $0x8, v1;
	s24 =	simm.s32 $0x4200;
	s26 =	simm.s32 $0x5200;
	s23 =	simm.s32 $0x8A00  }
.LBB2_1:
0x13: {  	s16 =	rddreg [dreg:$0x4]  }
0x14: {  	[tilespmem:s3], [sflag:$0x3] =	stream.linear.gather [hbm4b:s16+s3], $0x200, $0x38;
	[tilespmem:$0x10200] =	vst v63  }
0x15: {  	_ =	swait.ge [sflag:s6], $0x200  }
0x16: {  	[sflag:s6] =	ssyncset.done $0x0  }
0x17: {  	[sflag:s6] =	ssyncadd.s32 $0xFFFFFE00  }
0x18: {  	v3 =	vld [tilespmem:$0x0];
	_ =	sdelay $0x4  }
0x19: {  	v4 =	vshll.u32 v3, $0x1  }
0x1a: {  	v3 =	vand.u32 $0x7, v3;
	v4 =	vand.u32 $0xFFFFFFF0, v4  }
0x1b: {  	v3 =	vor.u32 v3, v4  }
0x1c: {  	v4 =	vperm.xlane v3, v0;
	_ =	sdelay $0x1  }
0x1d: {  	v3 =	vperm.xlane v3, v2;
	v4 =	vadd.s32 v1, v4;
	_ =	sdelay $0x1  }
0x1e: {  	v3 =	vadd.s32 v1, v3;
	_ =	sdelay $0x1  }
0x1f: {  	s0 =	simm.s32 $0x200  }
0x20: {  	[tilespmem:s0], [sflag:$0x1] =	stream.indirect_vreg.gather [hbm4b:s2+s3], $0x80, v4, vm0, $0xb8;
	[tilespmem:$0x10200] =	vst v63  }
0x21: {  	s16 =	simm.s32 $0xA00  }
0x22: {  	[tilespmem:s16], [sflag:$0x1] =	stream.indirect_vreg.gather [hbm4b:s2+s3], $0x80, v3, vm0, $0xb8;
	[tilespmem:$0x10200] =	vst v63  }
0x23: {  	v3 =	vld [tilespmem:$0x10];
	_ =	sdelay $0x4  }
0x24: {  	v33 =	vshll.u32 v3, $0x1  }
0x25: {  	v3 =	vand.u32 $0x7, v3;
	v4 =	vand.u32 $0xFFFFFFF0, v33  }
0x26: {  	v3 =	vor.u32 v3, v4  }
0x27: {  	v4 =	vperm.xlane v3, v0;
	_ =	sdelay $0x1  }
0x28: {  	v3 =	vperm.xlane v3, v2;
	v4 =	vadd.s32 v1, v4;
	_ =	sdelay $0x1  }
0x29: {  	v3 =	vadd.s32 v1, v3;
	_ =	sdelay $0x2  }
0x2a: {  	[tilespmem:s17], [sflag:$0x1] =	stream.indirect_vreg.gather [hbm4b:s2+s3], $0x80, v4, vm0, $0xb8;
	[tilespmem:$0x10200] =	vst v63  }
0x2b: {  	_ = 	snop  }
0x2c: {  	[tilespmem:s18], [sflag:$0x1] =	stream.indirect_vreg.gather [hbm4b:s2+s3], $0x80, v3, vm0, $0xb8;
	[tilespmem:$0x10200] =	vst v63  }
0x2d: {  	v3 =	vld [tilespmem:$0x20];
	_ =	sdelay $0x4  }
0x2e: {  	v34 =	vshll.u32 v3, $0x1  }
0x2f: {  	v3 =	vand.u32 $0x7, v3;
	v4 =	vand.u32 $0xFFFFFFF0, v34  }
0x30: {  	v3 =	vor.u32 v3, v4  }
0x31: {  	v4 =	vperm.xlane v3, v0;
	_ =	sdelay $0x1  }
0x32: {  	v3 =	vperm.xlane v3, v2;
	v4 =	vadd.s32 v1, v4;
	_ =	sdelay $0x1  }
0x33: {  	v3 =	vadd.s32 v1, v3;
	_ =	sdelay $0x2  }
0x34: {  	[tilespmem:s19], [sflag:$0x1] =	stream.indirect_vreg.gather [hbm4b:s2+s3], $0x80, v4, vm0, $0xb8;
	[tilespmem:$0x10200] =	vst v63  }
0x35: {  	_ = 	snop  }
0x36: {  	[tilespmem:s20], [sflag:$0x1] =	stream.indirect_vreg.gather [hbm4b:s2+s3], $0x80, v3, vm0, $0xb8;
	[tilespmem:$0x10200] =	vst v63  }
0x37: {  	v3 =	vld [tilespmem:$0x30];
	_ =	sdelay $0x4  }
0x38: {  	v35 =	vshll.u32 v3, $0x1  }
0x39: {  	v3 =	vand.u32 $0x7, v3;
	v4 =	vand.u32 $0xFFFFFFF0, v35  }
0x3a: {  	v3 =	vor.u32 v3, v4  }
0x3b: {  	v4 =	vperm.xlane v3, v0;
	_ =	sdelay $0x1  }
0x3c: {  	v3 =	vperm.xlane v3, v2;
	v4 =	vadd.s32 v1, v4;
	_ =	sdelay $0x1  }
0x3d: {  	v3 =	vadd.s32 v1, v3;
	_ =	sdelay $0x2  }
0x3e: {  	[tilespmem:s21], [sflag:$0x1] =	stream.indirect_vreg.gather [hbm4b:s2+s3], $0x80, v4, vm0, $0xb8;
	[tilespmem:$0x10200] =	vst v63  }
0x3f: {  	_ = 	snop  }
0x40: {  	[tilespmem:s22], [sflag:$0x1] =	stream.indirect_vreg.gather [hbm4b:s2+s3], $0x80, v3, vm0, $0xb8;
	[tilespmem:$0x10200] =	vst v63  }
0x41: {  	v3 =	vld [tilespmem:$0x40];
	_ =	sdelay $0x4  }
0x42: {  	v36 =	vshll.u32 v3, $0x1  }
0x43: {  	v3 =	vand.u32 $0x7, v3;
	v4 =	vand.u32 $0xFFFFFFF0, v36  }
0x44: {  	v3 =	vor.u32 v3, v4  }
0x45: {  	v4 =	vperm.xlane v3, v0;
	_ =	sdelay $0x1  }
0x46: {  	v3 =	vperm.xlane v3, v2;
	v4 =	vadd.s32 v1, v4;
	_ =	sdelay $0x1  }
0x47: {  	v3 =	vadd.s32 v1, v3;
	_ =	sdelay $0x2  }
0x48: {  	[tilespmem:s24], [sflag:$0x1] =	stream.indirect_vreg.gather [hbm4b:s2+s3], $0x80, v4, vm0, $0xb8;
	[tilespmem:$0x10200] =	vst v63  }
0x49: {  	_ = 	snop  }
0x4a: {  	[tilespmem:s25], [sflag:$0x1] =	stream.indirect_vreg.gather [hbm4b:s2+s3], $0x80, v3, vm0, $0xb8;
	[tilespmem:$0x10200] =	vst v63  }
0x4b: {  	v3 =	vld [tilespmem:$0x50];
	_ =	sdelay $0x4  }
0x4c: {  	v37 =	vshll.u32 v3, $0x1  }
0x4d: {  	v3 =	vand.u32 $0x7, v3;
	v4 =	vand.u32 $0xFFFFFFF0, v37  }
0x4e: {  	v3 =	vor.u32 v3, v4  }
0x4f: {  	v4 =	vperm.xlane v3, v0;
	_ =	sdelay $0x1  }
0x50: {  	v3 =	vperm.xlane v3, v2;
	v4 =	vadd.s32 v1, v4;
	_ =	sdelay $0x1  }
0x51: {  	v3 =	vadd.s32 v1, v3;
	_ =	sdelay $0x2  }
0x52: {  	[tilespmem:s26], [sflag:$0x1] =	stream.indirect_vreg.gather [hbm4b:s2+s3], $0x80, v4, vm0, $0xb8;
	[tilespmem:$0x10200] =	vst v63  }
0x53: {  	_ = 	snop  }
0x54: {  	[tilespmem:s28], [sflag:$0x1] =	stream.indirect_vreg.gather [hbm4b:s2+s3], $0x80, v3, vm0, $0xb8;
	[tilespmem:$0x10200] =	vst v63  }
0x55: {  	v3 =	vld [tilespmem:$0x60];
	_ =	sdelay $0x4  }
0x56: {  	v38 =	vshll.u32 v3, $0x1  }
0x57: {  	v3 =	vand.u32 $0x7, v3;
	v4 =	vand.u32 $0xFFFFFFF0, v38  }
0x58: {  	v3 =	vor.u32 v3, v4  }
0x59: {  	v4 =	vperm.xlane v3, v0;
	_ =	sdelay $0x1  }
0x5a: {  	v3 =	vperm.xlane v3, v2;
	v4 =	vadd.s32 v1, v4;
	_ =	sdelay $0x1  }
0x5b: {  	v3 =	vadd.s32 v1, v3;
	_ =	sdelay $0x2  }
0x5c: {  	[tilespmem:s29], [sflag:$0x1] =	stream.indirect_vreg.gather [hbm4b:s2+s3], $0x80, v4, vm0, $0xb8;
	[tilespmem:$0x10200] =	vst v63  }
0x5d: {  	_ = 	snop  }
0x5e: {  	[tilespmem:s30], [sflag:$0x1] =	stream.indirect_vreg.gather [hbm4b:s2+s3], $0x80, v3, vm0, $0xb8;
	[tilespmem:$0x10200] =	vst v63  }
0x5f: {  	v3 =	vld [tilespmem:$0x70];
	_ =	sdelay $0x4  }
0x60: {  	v39 =	vshll.u32 v3, $0x1  }
0x61: {  	v3 =	vand.u32 $0x7, v3;
	v4 =	vand.u32 $0xFFFFFFF0, v39  }
0x62: {  	v3 =	vor.u32 v3, v4  }
0x63: {  	v4 =	vperm.xlane v3, v0;
	_ =	sdelay $0x1  }
0x64: {  	v3 =	vperm.xlane v3, v2;
	v4 =	vadd.s32 v1, v4;
	_ =	sdelay $0x1  }
0x65: {  	v3 =	vadd.s32 v1, v3;
	_ =	sdelay $0x2  }
0x66: {  	[tilespmem:s31], [sflag:$0x1] =	stream.indirect_vreg.gather [hbm4b:s2+s3], $0x80, v4, vm0, $0xb8;
	[tilespmem:$0x10200] =	vst v63  }
0x67: {  	s1 =	simm.s32 $0x7A00  }
0x68: {  	[tilespmem:s1], [sflag:$0x1] =	stream.indirect_vreg.gather [hbm4b:s2+s3], $0x80, v3, vm0, $0xb8;
	[tilespmem:$0x10200] =	vst v63  }
0x69: {  	v3 =	vld [tilespmem:$0x80];
	_ =	sdelay $0x4  }
0x6a: {  	v40 =	vshll.u32 v3, $0x1  }
0x6b: {  	v3 =	vand.u32 $0x7, v3;
	v4 =	vand.u32 $0xFFFFFFF0, v40  }
0x6c: {  	v3 =	vor.u32 v3, v4  }
0x6d: {  	v4 =	vperm.xlane v3, v0;
	_ =	sdelay $0x1  }
0x6e: {  	v3 =	vperm.xlane v3, v2;
	v4 =	vadd.s32 v1, v4;
	_ =	sdelay $0x1  }
0x6f: {  	v3 =	vadd.s32 v1, v3;
	_ =	sdelay $0x1  }
0x70: {  	s0 =	simm.s32 $0x8200  }
0x71: {  	[tilespmem:s0], [sflag:$0x2] =	stream.indirect_vreg.gather [hbm4b:s2+s3], $0x80, v4, vm0, $0xb8;
	[tilespmem:$0x10200] =	vst v63  }
0x72: {  	_ = 	snop  }
0x73: {  	[tilespmem:s23], [sflag:$0x2] =	stream.indirect_vreg.gather [hbm4b:s2+s3], $0x80, v3, vm0, $0xb8;
	[tilespmem:$0x10200] =	vst v63  }
0x74: {  	v3 =	vld [tilespmem:$0x90];
	_ =	sdelay $0x4  }
0x75: {  	v41 =	vshll.u32 v3, $0x1  }
0x76: {  	v3 =	vand.u32 $0x7, v3;
	v4 =	vand.u32 $0xFFFFFFF0, v41  }
0x77: {  	v3 =	vor.u32 v3, v4  }
0x78: {  	v4 =	vperm.xlane v3, v0;
	_ =	sdelay $0x1  }
0x79: {  	v3 =	vperm.xlane v3, v2;
	v4 =	vadd.s32 v1, v4;
	_ =	sdelay $0x1  }
0x7a: {  	v3 =	vadd.s32 v1, v3;
	_ =	sdelay $0x2  }
0x7b: {  	[tilespmem:s8], [sflag:$0x2] =	stream.indirect_vreg.gather [hbm4b:s2+s3], $0x80, v4, vm0, $0xb8;
	[tilespmem:$0x10200] =	vst v63  }
0x7c: {  	_ = 	snop  }
0x7d: {  	[tilespmem:s9], [sflag:$0x2] =	stream.indirect_vreg.gather [hbm4b:s2+s3], $0x80, v3, vm0, $0xb8;
	[tilespmem:$0x10200] =	vst v63  }
0x7e: {  	v3 =	vld [tilespmem:$0xA0];
	_ =	sdelay $0x4  }
0x7f: {  	v42 =	vshll.u32 v3, $0x1  }
0x80: {  	v3 =	vand.u32 $0x7, v3;
	v4 =	vand.u32 $0xFFFFFFF0, v42  }
0x81: {  	v3 =	vor.u32 v3, v4  }
0x82: {  	v4 =	vperm.xlane v3, v0;
	_ =	sdelay $0x1  }
0x83: {  	v3 =	vperm.xlane v3, v2;
	v4 =	vadd.s32 v1, v4;
	_ =	sdelay $0x1  }
0x84: {  	v3 =	vadd.s32 v1, v3;
	_ =	sdelay $0x2  }
0x85: {  	[tilespmem:s10], [sflag:$0x2] =	stream.indirect_vreg.gather [hbm4b:s2+s3], $0x80, v4, vm0, $0xb8;
	[tilespmem:$0x10200] =	vst v63  }
0x86: {  	_ = 	snop  }
0x87: {  	[tilespmem:s11], [sflag:$0x2] =	stream.indirect_vreg.gather [hbm4b:s2+s3], $0x80, v3, vm0, $0xb8;
	[tilespmem:$0x10200] =	vst v63  }
0x88: {  	v3 =	vld [tilespmem:$0xB0];
	_ =	sdelay $0x4  }
0x89: {  	v43 =	vshll.u32 v3, $0x1  }
0x8a: {  	v3 =	vand.u32 $0x7, v3;
	v4 =	vand.u32 $0xFFFFFFF0, v43  }
0x8b: {  	v3 =	vor.u32 v3, v4  }
0x8c: {  	v4 =	vperm.xlane v3, v0;
	_ =	sdelay $0x1  }
0x8d: {  	v3 =	vperm.xlane v3, v2;
	v4 =	vadd.s32 v1, v4;
	_ =	sdelay $0x1  }
0x8e: {  	v3 =	vadd.s32 v1, v3;
	_ =	sdelay $0x1  }
0x8f: {  	s7 =	simm.s32 $0xB200  }
0x90: {  	[tilespmem:s7], [sflag:$0x2] =	stream.indirect_vreg.gather [hbm4b:s2+s3], $0x80, v4, vm0, $0xb8;
	[tilespmem:$0x10200] =	vst v63  }
0x91: {  	_ = 	snop  }
0x92: {  	[tilespmem:s13], [sflag:$0x2] =	stream.indirect_vreg.gather [hbm4b:s2+s3], $0x80, v3, vm0, $0xb8;
	[tilespmem:$0x10200] =	vst v63  }
0x93: {  	v3 =	vld [tilespmem:$0xC0];
	_ =	sdelay $0x4  }
0x94: {  	v44 =	vshll.u32 v3, $0x1  }
0x95: {  	v3 =	vand.u32 $0x7, v3;
	v4 =	vand.u32 $0xFFFFFFF0, v44  }
0x96: {  	v3 =	vor.u32 v3, v4  }
0x97: {  	v4 =	vperm.xlane v3, v0;
	_ =	sdelay $0x1  }
0x98: {  	v3 =	vperm.xlane v3, v2;
	v4 =	vadd.s32 v1, v4;
	_ =	sdelay $0x1  }
0x99: {  	v3 =	vadd.s32 v1, v3;
	_ =	sdelay $0x1  }
0x9a: {  	s7 =	simm.s32 $0xC200  }
0x9b: {  	[tilespmem:s7], [sflag:$0x2] =	stream.indirect_vreg.gather [hbm4b:s2+s3], $0x80, v4, vm0, $0xb8;
	[tilespmem:$0x10200] =	vst v63  }
0x9c: {  	s12 =	simm.s32 $0xCA00  }
0x9d: {  	[tilespmem:s12], [sflag:$0x2] =	stream.indirect_vreg.gather [hbm4b:s2+s3], $0x80, v3, vm0, $0xb8;
	[tilespmem:$0x10200] =	vst v63  }
0x9e: {  	v3 =	vld [tilespmem:$0xD0];
	_ =	sdelay $0x4  }
0x9f: {  	v45 =	vshll.u32 v3, $0x1  }
0xa0: {  	v3 =	vand.u32 $0x7, v3;
	v4 =	vand.u32 $0xFFFFFFF0, v45  }
0xa1: {  	v3 =	vor.u32 v3, v4  }
0xa2: {  	v4 =	vperm.xlane v3, v0;
	_ =	sdelay $0x1  }
0xa3: {  	v3 =	vperm.xlane v3, v2;
	v4 =	vadd.s32 v1, v4;
	_ =	sdelay $0x1  }
0xa4: {  	v3 =	vadd.s32 v1, v3;
	_ =	sdelay $0x1  }
0xa5: {  	s12 =	simm.s32 $0xD200  }
0xa6: {  	[tilespmem:s12], [sflag:$0x2] =	stream.indirect_vreg.gather [hbm4b:s2+s3], $0x80, v4, vm0, $0xb8;
	[tilespmem:$0x10200] =	vst v63  }
0xa7: {  	s12 =	simm.s32 $0xDA00  }
0xa8: {  	[tilespmem:s12], [sflag:$0x2] =	stream.indirect_vreg.gather [hbm4b:s2+s3], $0x80, v3, vm0, $0xb8;
	[tilespmem:$0x10200] =	vst v63  }
0xa9: {  	v3 =	vld [tilespmem:$0xE0];
	_ =	sdelay $0x4  }
0xaa: {  	v46 =	vshll.u32 v3, $0x1  }
0xab: {  	v3 =	vand.u32 $0x7, v3;
	v4 =	vand.u32 $0xFFFFFFF0, v46  }
0xac: {  	v3 =	vor.u32 v3, v4  }
0xad: {  	v4 =	vperm.xlane v3, v0;
	_ =	sdelay $0x1  }
0xae: {  	v3 =	vperm.xlane v3, v2;
	v4 =	vadd.s32 v1, v4;
	_ =	sdelay $0x1  }
0xaf: {  	v3 =	vadd.s32 v1, v3;
	_ =	sdelay $0x1  }
0xb0: {  	s12 =	simm.s32 $0xE200  }
0xb1: {  	[tilespmem:s12], [sflag:$0x2] =	stream.indirect_vreg.gather [hbm4b:s2+s3], $0x80, v4, vm0, $0xb8;
	[tilespmem:$0x10200] =	vst v63  }
0xb2: {  	s12 =	simm.s32 $0xEA00  }
0xb3: {  	[tilespmem:s12], [sflag:$0x2] =	stream.indirect_vreg.gather [hbm4b:s2+s3], $0x80, v3, vm0, $0xb8;
	[tilespmem:$0x10200] =	vst v63  }
0xb4: {  	v3 =	vld [tilespmem:$0xF0];
	_ =	sdelay $0x4  }
0xb5: {  	v47 =	vshll.u32 v3, $0x1  }
0xb6: {  	v3 =	vand.u32 $0x7, v3;
	v4 =	vand.u32 $0xFFFFFFF0, v47  }
0xb7: {  	v3 =	vor.u32 v3, v4  }
0xb8: {  	v4 =	vperm.xlane v3, v0;
	_ =	sdelay $0x1  }
0xb9: {  	v3 =	vperm.xlane v3, v2;
	v4 =	vadd.s32 v1, v4;
	_ =	sdelay $0x1  }
0xba: {  	v3 =	vadd.s32 v1, v3;
	_ =	sdelay $0x1  }
0xbb: {  	s12 =	simm.s32 $0xF200  }
0xbc: {  	[tilespmem:s12], [sflag:$0x2] =	stream.indirect_vreg.gather [hbm4b:s2+s3], $0x80, v4, vm0, $0xb8;
	[tilespmem:$0x10200] =	vst v63  }
0xbd: {  	s12 =	simm.s32 $0xFA00  }
0xbe: {  	[tilespmem:s12], [sflag:$0x2] =	stream.indirect_vreg.gather [hbm4b:s2+s3], $0x80, v3, vm0, $0xb8;
	[tilespmem:$0x10200] =	vst v63  }
0xbf: {  	_ =	swait.ge [sflag:s4], $0x8000  }
0xc0: {  	[sflag:s4] =	ssyncset.done $0x0  }
0xc1: {  	s12 =	rddreg [dreg:$0x8];
	[sflag:s4] =	ssyncadd.s32 $0xFFFF8000  }
0xc2: {  	[hbm4b:s12+s3] =	stream.linear.scatter [tilespmem:s14], [sflag:$0x3], $0x8000, $0x38;
	[tilespmem:$0x10200] =	vst v63  }
0xc3: {  	_ =	swait.ge [sflag:s6], $0x8000  }
0xc4: {  	[sflag:s6] =	ssyncset.done $0x0  }
0xc5: {  	[sflag:s6] =	ssyncadd.s32 $0xFFFF8000  }
0xc6: {  	v3 =	vld [tilespmem:$0x100];
	_ =	sdelay $0x4  }
0xc7: {  	v48 =	vshll.u32 v3, $0x1  }
0xc8: {  	v3 =	vand.u32 $0x7, v3;
	v4 =	vand.u32 $0xFFFFFFF0, v48  }
0xc9: {  	v3 =	vor.u32 v3, v4  }
0xca: {  	v4 =	vperm.xlane v3, v0;
	_ =	sdelay $0x1  }
0xcb: {  	v3 =	vperm.xlane v3, v2;
	v4 =	vadd.s32 v1, v4;
	_ =	sdelay $0x1  }
0xcc: {  	v3 =	vadd.s32 v1, v3;
	_ =	sdelay $0x2  }
0xcd: {  	[tilespmem:s14], [sflag:$0x1] =	stream.indirect_vreg.gather [hbm4b:s2+s3], $0x80, v4, vm0, $0xb8;
	[tilespmem:$0x10200] =	vst v63  }
0xce: {  	_ = 	snop  }
0xcf: {  	[tilespmem:s16], [sflag:$0x1] =	stream.indirect_vreg.gather [hbm4b:s2+s3], $0x80, v3, vm0, $0xb8;
	[tilespmem:$0x10200] =	vst v63  }
0xd0: {  	v3 =	vld [tilespmem:$0x110];
	_ =	sdelay $0x4  }
0xd1: {  	v49 =	vshll.u32 v3, $0x1  }
0xd2: {  	v3 =	vand.u32 $0x7, v3;
	v4 =	vand.u32 $0xFFFFFFF0, v49  }
0xd3: {  	v3 =	vor.u32 v3, v4  }
0xd4: {  	v4 =	vperm.xlane v3, v0;
	_ =	sdelay $0x1  }
0xd5: {  	v3 =	vperm.xlane v3, v2;
	v4 =	vadd.s32 v1, v4;
	_ =	sdelay $0x1  }
0xd6: {  	v3 =	vadd.s32 v1, v3;
	_ =	sdelay $0x2  }
0xd7: {  	[tilespmem:s17], [sflag:$0x1] =	stream.indirect_vreg.gather [hbm4b:s2+s3], $0x80, v4, vm0, $0xb8;
	[tilespmem:$0x10200] =	vst v63  }
0xd8: {  	_ = 	snop  }
0xd9: {  	[tilespmem:s18], [sflag:$0x1] =	stream.indirect_vreg.gather [hbm4b:s2+s3], $0x80, v3, vm0, $0xb8;
	[tilespmem:$0x10200] =	vst v63  }
0xda: {  	v3 =	vld [tilespmem:$0x120];
	_ =	sdelay $0x4  }
0xdb: {  	v50 =	vshll.u32 v3, $0x1  }
0xdc: {  	v3 =	vand.u32 $0x7, v3;
	v4 =	vand.u32 $0xFFFFFFF0, v50  }
0xdd: {  	v3 =	vor.u32 v3, v4  }
0xde: {  	v4 =	vperm.xlane v3, v0;
	_ =	sdelay $0x1  }
0xdf: {  	v3 =	vperm.xlane v3, v2;
	v4 =	vadd.s32 v1, v4;
	_ =	sdelay $0x1  }
0xe0: {  	v3 =	vadd.s32 v1, v3;
	_ =	sdelay $0x2  }
0xe1: {  	[tilespmem:s19], [sflag:$0x1] =	stream.indirect_vreg.gather [hbm4b:s2+s3], $0x80, v4, vm0, $0xb8;
	[tilespmem:$0x10200] =	vst v63  }
0xe2: {  	_ = 	snop  }
0xe3: {  	[tilespmem:s20], [sflag:$0x1] =	stream.indirect_vreg.gather [hbm4b:s2+s3], $0x80, v3, vm0, $0xb8;
	[tilespmem:$0x10200] =	vst v63  }
0xe4: {  	v3 =	vld [tilespmem:$0x130];
	_ =	sdelay $0x4  }
0xe5: {  	v51 =	vshll.u32 v3, $0x1  }
0xe6: {  	v3 =	vand.u32 $0x7, v3;
	v4 =	vand.u32 $0xFFFFFFF0, v51  }
0xe7: {  	v3 =	vor.u32 v3, v4  }
0xe8: {  	v4 =	vperm.xlane v3, v0;
	_ =	sdelay $0x1  }
0xe9: {  	v3 =	vperm.xlane v3, v2;
	v4 =	vadd.s32 v1, v4;
	_ =	sdelay $0x1  }
0xea: {  	v3 =	vadd.s32 v1, v3;
	_ =	sdelay $0x2  }
0xeb: {  	[tilespmem:s21], [sflag:$0x1] =	stream.indirect_vreg.gather [hbm4b:s2+s3], $0x80, v4, vm0, $0xb8;
	[tilespmem:$0x10200] =	vst v63  }
0xec: {  	_ = 	snop  }
0xed: {  	[tilespmem:s22], [sflag:$0x1] =	stream.indirect_vreg.gather [hbm4b:s2+s3], $0x80, v3, vm0, $0xb8;
	[tilespmem:$0x10200] =	vst v63  }
0xee: {  	v3 =	vld [tilespmem:$0x140];
	_ =	sdelay $0x4  }
0xef: {  	v52 =	vshll.u32 v3, $0x1  }
0xf0: {  	v3 =	vand.u32 $0x7, v3;
	v4 =	vand.u32 $0xFFFFFFF0, v52  }
0xf1: {  	v3 =	vor.u32 v3, v4  }
0xf2: {  	v4 =	vperm.xlane v3, v0;
	_ =	sdelay $0x1  }
0xf3: {  	v3 =	vperm.xlane v3, v2;
	v4 =	vadd.s32 v1, v4;
	_ =	sdelay $0x1  }
0xf4: {  	v3 =	vadd.s32 v1, v3;
	_ =	sdelay $0x2  }
0xf5: {  	[tilespmem:s24], [sflag:$0x1] =	stream.indirect_vreg.gather [hbm4b:s2+s3], $0x80, v4, vm0, $0xb8;
	[tilespmem:$0x10200] =	vst v63  }
0xf6: {  	_ = 	snop  }
0xf7: {  	[tilespmem:s25], [sflag:$0x1] =	stream.indirect_vreg.gather [hbm4b:s2+s3], $0x80, v3, vm0, $0xb8;
	[tilespmem:$0x10200] =	vst v63  }
0xf8: {  	v3 =	vld [tilespmem:$0x150];
	_ =	sdelay $0x4  }
0xf9: {  	v53 =	vshll.u32 v3, $0x1  }
0xfa: {  	v3 =	vand.u32 $0x7, v3;
	v4 =	vand.u32 $0xFFFFFFF0, v53  }
0xfb: {  	v3 =	vor.u32 v3, v4  }
0xfc: {  	v4 =	vperm.xlane v3, v0;
	_ =	sdelay $0x1  }
0xfd: {  	v3 =	vperm.xlane v3, v2;
	v4 =	vadd.s32 v1, v4;
	_ =	sdelay $0x1  }
0xfe: {  	v3 =	vadd.s32 v1, v3;
	_ =	sdelay $0x2  }
0xff: {  	[tilespmem:s26], [sflag:$0x1] =	stream.indirect_vreg.gather [hbm4b:s2+s3], $0x80, v4, vm0, $0xb8;
	[tilespmem:$0x10200] =	vst v63  }
0x100: {  	_ = 	snop  }
0x101: {  	[tilespmem:s28], [sflag:$0x1] =	stream.indirect_vreg.gather [hbm4b:s2+s3], $0x80, v3, vm0, $0xb8;
	[tilespmem:$0x10200] =	vst v63  }
0x102: {  	v3 =	vld [tilespmem:$0x160];
	_ =	sdelay $0x4  }
0x103: {  	v54 =	vshll.u32 v3, $0x1  }
0x104: {  	v3 =	vand.u32 $0x7, v3;
	v4 =	vand.u32 $0xFFFFFFF0, v54  }
0x105: {  	v3 =	vor.u32 v3, v4  }
0x106: {  	v4 =	vperm.xlane v3, v0;
	_ =	sdelay $0x1  }
0x107: {  	v3 =	vperm.xlane v3, v2;
	v4 =	vadd.s32 v1, v4;
	_ =	sdelay $0x1  }
0x108: {  	v3 =	vadd.s32 v1, v3;
	_ =	sdelay $0x2  }
0x109: {  	[tilespmem:s29], [sflag:$0x1] =	stream.indirect_vreg.gather [hbm4b:s2+s3], $0x80, v4, vm0, $0xb8;
	[tilespmem:$0x10200] =	vst v63  }
0x10a: {  	_ = 	snop  }
0x10b: {  	[tilespmem:s30], [sflag:$0x1] =	stream.indirect_vreg.gather [hbm4b:s2+s3], $0x80, v3, vm0, $0xb8;
	[tilespmem:$0x10200] =	vst v63  }
0x10c: {  	v3 =	vld [tilespmem:$0x170];
	_ =	sdelay $0x4  }
0x10d: {  	v55 =	vshll.u32 v3, $0x1  }
0x10e: {  	v3 =	vand.u32 $0x7, v3;
	v4 =	vand.u32 $0xFFFFFFF0, v55  }
0x10f: {  	v3 =	vor.u32 v3, v4  }
0x110: {  	v4 =	vperm.xlane v3, v0;
	_ =	sdelay $0x1  }
0x111: {  	v3 =	vperm.xlane v3, v2;
	v4 =	vadd.s32 v1, v4;
	_ =	sdelay $0x1  }
0x112: {  	v3 =	vadd.s32 v1, v3;
	_ =	sdelay $0x2  }
0x113: {  	[tilespmem:s31], [sflag:$0x1] =	stream.indirect_vreg.gather [hbm4b:s2+s3], $0x80, v4, vm0, $0xb8;
	[tilespmem:$0x10200] =	vst v63  }
0x114: {  	_ = 	snop  }
0x115: {  	[tilespmem:s1], [sflag:$0x1] =	stream.indirect_vreg.gather [hbm4b:s2+s3], $0x80, v3, vm0, $0xb8;
	[tilespmem:$0x10200] =	vst v63  }
0x116: {  	_ =	swait.ge [sflag:s15], $0x8000  }
0x117: {  	[sflag:s15] =	ssyncset.done $0x0  }
0x118: {  	s1 =	rddreg [dreg:$0x5];
	[sflag:s15] =	ssyncadd.s32 $0xFFFF8000  }
0x119: {  	[hbm4b:s1+s3] =	stream.linear.scatter [tilespmem:s0], [sflag:$0x3], $0x8000, $0x38;
	[tilespmem:$0x10200] =	vst v63  }
0x11a: {  	_ =	swait.ge [sflag:s6], $0x8000  }
0x11b: {  	[sflag:s6] =	ssyncset.done $0x0  }
0x11c: {  	[sflag:s6] =	ssyncadd.s32 $0xFFFF8000  }
0x11d: {  	v3 =	vld [tilespmem:$0x180];
	_ =	sdelay $0x4  }
0x11e: {  	v56 =	vshll.u32 v3, $0x1  }
0x11f: {  	v3 =	vand.u32 $0x7, v3;
	v4 =	vand.u32 $0xFFFFFFF0, v56  }
0x120: {  	v3 =	vor.u32 v3, v4  }
0x121: {  	v4 =	vperm.xlane v3, v0;
	_ =	sdelay $0x1  }
0x122: {  	v3 =	vperm.xlane v3, v2;
	v4 =	vadd.s32 v1, v4;
	_ =	sdelay $0x1  }
0x123: {  	v3 =	vadd.s32 v1, v3;
	_ =	sdelay $0x2  }
0x124: {  	[tilespmem:s0], [sflag:$0x2] =	stream.indirect_vreg.gather [hbm4b:s2+s3], $0x80, v4, vm0, $0xb8;
	[tilespmem:$0x10200] =	vst v63  }
0x125: {  	_ = 	snop  }
0x126: {  	[tilespmem:s23], [sflag:$0x2] =	stream.indirect_vreg.gather [hbm4b:s2+s3], $0x80, v3, vm0, $0xb8;
	[tilespmem:$0x10200] =	vst v63  }
0x127: {  	v3 =	vld [tilespmem:$0x190];
	_ =	sdelay $0x4  }
0x128: {  	v57 =	vshll.u32 v3, $0x1  }
0x129: {  	v3 =	vand.u32 $0x7, v3;
	v4 =	vand.u32 $0xFFFFFFF0, v57  }
0x12a: {  	v3 =	vor.u32 v3, v4  }
0x12b: {  	v4 =	vperm.xlane v3, v0;
	_ =	sdelay $0x1  }
0x12c: {  	v3 =	vperm.xlane v3, v2;
	v4 =	vadd.s32 v1, v4;
	_ =	sdelay $0x1  }
0x12d: {  	v3 =	vadd.s32 v1, v3;
	_ =	sdelay $0x2  }
0x12e: {  	[tilespmem:s8], [sflag:$0x2] =	stream.indirect_vreg.gather [hbm4b:s2+s3], $0x80, v4, vm0, $0xb8;
	[tilespmem:$0x10200] =	vst v63  }
0x12f: {  	_ = 	snop  }
0x130: {  	[tilespmem:s9], [sflag:$0x2] =	stream.indirect_vreg.gather [hbm4b:s2+s3], $0x80, v3, vm0, $0xb8;
	[tilespmem:$0x10200] =	vst v63  }
0x131: {  	v3 =	vld [tilespmem:$0x1A0];
	_ =	sdelay $0x4  }
0x132: {  	v58 =	vshll.u32 v3, $0x1  }
0x133: {  	v3 =	vand.u32 $0x7, v3;
	v4 =	vand.u32 $0xFFFFFFF0, v58  }
0x134: {  	v3 =	vor.u32 v3, v4  }
0x135: {  	v4 =	vperm.xlane v3, v0;
	_ =	sdelay $0x1  }
0x136: {  	v3 =	vperm.xlane v3, v2;
	v4 =	vadd.s32 v1, v4;
	_ =	sdelay $0x1  }
0x137: {  	v3 =	vadd.s32 v1, v3;
	_ =	sdelay $0x2  }
0x138: {  	[tilespmem:s10], [sflag:$0x2] =	stream.indirect_vreg.gather [hbm4b:s2+s3], $0x80, v4, vm0, $0xb8;
	[tilespmem:$0x10200] =	vst v63  }
0x139: {  	_ = 	snop  }
0x13a: {  	[tilespmem:s11], [sflag:$0x2] =	stream.indirect_vreg.gather [hbm4b:s2+s3], $0x80, v3, vm0, $0xb8;
	[tilespmem:$0x10200] =	vst v63  }
0x13b: {  	v3 =	vld [tilespmem:$0x1B0];
	_ =	sdelay $0x4  }
0x13c: {  	v59 =	vshll.u32 v3, $0x1  }
0x13d: {  	v3 =	vand.u32 $0x7, v3;
	v4 =	vand.u32 $0xFFFFFFF0, v59  }
0x13e: {  	v3 =	vor.u32 v3, v4  }
0x13f: {  	v4 =	vperm.xlane v3, v0;
	_ =	sdelay $0x1  }
0x140: {  	v3 =	vperm.xlane v3, v2;
	v4 =	vadd.s32 v1, v4;
	_ =	sdelay $0x1  }
0x141: {  	v3 =	vadd.s32 v1, v3;
	_ =	sdelay $0x1  }
0x142: {  	s16 =	simm.s32 $0xB200  }
0x143: {  	[tilespmem:s16], [sflag:$0x2] =	stream.indirect_vreg.gather [hbm4b:s2+s3], $0x80, v4, vm0, $0xb8;
	[tilespmem:$0x10200] =	vst v63  }
0x144: {  	_ = 	snop  }
0x145: {  	[tilespmem:s13], [sflag:$0x2] =	stream.indirect_vreg.gather [hbm4b:s2+s3], $0x80, v3, vm0, $0xb8;
	[tilespmem:$0x10200] =	vst v63  }
0x146: {  	v3 =	vld [tilespmem:$0x1C0];
	_ =	sdelay $0x4  }
0x147: {  	v60 =	vshll.u32 v3, $0x1  }
0x148: {  	v3 =	vand.u32 $0x7, v3;
	v4 =	vand.u32 $0xFFFFFFF0, v60  }
0x149: {  	v3 =	vor.u32 v3, v4  }
0x14a: {  	v4 =	vperm.xlane v3, v0;
	_ =	sdelay $0x1  }
0x14b: {  	v3 =	vperm.xlane v3, v2;
	v4 =	vadd.s32 v1, v4;
	_ =	sdelay $0x1  }
0x14c: {  	v3 =	vadd.s32 v1, v3;
	_ =	sdelay $0x2  }
0x14d: {  	[tilespmem:s7], [sflag:$0x2] =	stream.indirect_vreg.gather [hbm4b:s2+s3], $0x80, v4, vm0, $0xb8;
	[tilespmem:$0x10200] =	vst v63  }
0x14e: {  	s16 =	simm.s32 $0xCA00  }
0x14f: {  	[tilespmem:s16], [sflag:$0x2] =	stream.indirect_vreg.gather [hbm4b:s2+s3], $0x80, v3, vm0, $0xb8;
	[tilespmem:$0x10200] =	vst v63  }
0x150: {  	v3 =	vld [tilespmem:$0x1D0];
	_ =	sdelay $0x4  }
0x151: {  	v61 =	vshll.u32 v3, $0x1  }
0x152: {  	v3 =	vand.u32 $0x7, v3;
	v4 =	vand.u32 $0xFFFFFFF0, v61  }
0x153: {  	v3 =	vor.u32 v3, v4  }
0x154: {  	v4 =	vperm.xlane v3, v0;
	_ =	sdelay $0x1  }
0x155: {  	v3 =	vperm.xlane v3, v2;
	v4 =	vadd.s32 v1, v4;
	_ =	sdelay $0x1  }
0x156: {  	v3 =	vadd.s32 v1, v3;
	_ =	sdelay $0x1  }
0x157: {  	s7 =	simm.s32 $0xD200  }
0x158: {  	[tilespmem:s7], [sflag:$0x2] =	stream.indirect_vreg.gather [hbm4b:s2+s3], $0x80, v4, vm0, $0xb8;
	[tilespmem:$0x10200] =	vst v63  }
0x159: {  	s16 =	simm.s32 $0xDA00  }
0x15a: {  	[tilespmem:s16], [sflag:$0x2] =	stream.indirect_vreg.gather [hbm4b:s2+s3], $0x80, v3, vm0, $0xb8;
	[tilespmem:$0x10200] =	vst v63  }
0x15b: {  	v3 =	vld [tilespmem:$0x1E0];
	_ =	sdelay $0x4  }
0x15c: {  	v62 =	vshll.u32 v3, $0x1  }
0x15d: {  	v3 =	vand.u32 $0x7, v3;
	v4 =	vand.u32 $0xFFFFFFF0, v62  }
0x15e: {  	v3 =	vor.u32 v3, v4  }
0x15f: {  	v4 =	vperm.xlane v3, v0;
	_ =	sdelay $0x1  }
0x160: {  	v3 =	vperm.xlane v3, v2;
	v4 =	vadd.s32 v1, v4;
	_ =	sdelay $0x1  }
0x161: {  	v3 =	vadd.s32 v1, v3;
	_ =	sdelay $0x1  }
0x162: {  	s7 =	simm.s32 $0xE200  }
0x163: {  	[tilespmem:s7], [sflag:$0x2] =	stream.indirect_vreg.gather [hbm4b:s2+s3], $0x80, v4, vm0, $0xb8;
	[tilespmem:$0x10200] =	vst v63  }
0x164: {  	s16 =	simm.s32 $0xEA00  }
0x165: {  	[tilespmem:s16], [sflag:$0x2] =	stream.indirect_vreg.gather [hbm4b:s2+s3], $0x80, v3, vm0, $0xb8;
	[tilespmem:$0x10200] =	vst v63  }
0x166: {  	v3 =	vld [tilespmem:$0x1F0];
	_ =	sdelay $0x4  }
0x167: {  	v63 =	vshll.u32 v3, $0x1  }
0x168: {  	v3 =	vand.u32 $0x7, v3;
	v4 =	vand.u32 $0xFFFFFFF0, v63  }
0x169: {  	v3 =	vor.u32 v3, v4  }
0x16a: {  	v4 =	vperm.xlane v3, v0;
	_ =	sdelay $0x1  }
0x16b: {  	v3 =	vperm.xlane v3, v2;
	v4 =	vadd.s32 v1, v4;
	_ =	sdelay $0x1  }
0x16c: {  	v3 =	vadd.s32 v1, v3;
	_ =	sdelay $0x1  }
0x16d: {  	s7 =	simm.s32 $0xF200  }
0x16e: {  	[tilespmem:s7], [sflag:$0x2] =	stream.indirect_vreg.gather [hbm4b:s2+s3], $0x80, v4, vm0, $0xb8;
	[tilespmem:$0x10200] =	vst v63  }
0x16f: {  	s16 =	simm.s32 $0xFA00  }
0x170: {  	[tilespmem:s16], [sflag:$0x2] =	stream.indirect_vreg.gather [hbm4b:s2+s3], $0x80, v3, vm0, $0xb8;
	[tilespmem:$0x10200] =	vst v63  }
0x171: {  	_ =	swait.ge [sflag:s4], $0x8000  }
0x172: {  	[sflag:s4] =	ssyncset.done $0x0  }
0x173: {  	s12 =	simm.s32 $0x200;
	s7 =	rddreg [dreg:$0x6];
	[sflag:s4] =	ssyncadd.s32 $0xFFFF8000  }
0x174: {  	[hbm4b:s7+s3] =	stream.linear.scatter [tilespmem:s12], [sflag:$0x3], $0x8000, $0x38;
	[tilespmem:$0x10200] =	vst v63  }
0x175: {  	_ =	swait.ge [sflag:s6], $0x8000  }
0x176: {  	[sflag:s6] =	ssyncset.done $0x0  }
0x177: {  	[sflag:s6] =	ssyncadd.s32 $0xFFFF8000  }
0x178: {  	_ =	swait.ge [sflag:s15], $0x8000  }
0x179: {  	p0 =	sne.s32 s5, $0x1;
	[sflag:s15] =	ssyncset.done $0x0  }
.Ltmp0:
0x17a: {  	s12 =	rddreg [dreg:$0x7];
	[sflag:s15] =	ssyncadd.s32 $0xFFFF8000;
	(pc) =	sbr.rel @p0 .LBB2_1-.Ltmp0, $4  }
0x17b: {  	[hbm4b:s12+s3] =	stream.linear.scatter [tilespmem:s0], [sflag:$0x3], $0x8000, $0x38;
	[tilespmem:$0x10200] =	vst v63  }
0x17c: {  	_ =	swait.ge [sflag:s6], $0x8000  }
0x17d: {  	[sflag:s6] =	ssyncset.done $0x0  }
0x17e: {  	s5 =	sadd.s32 $0xFFFFFFFF, s5;
	[sflag:s6] =	ssyncadd.s32 $0xFFFF8000  }
0x17f: {  	_ =	sfence.sel $0x180000  }
0x180: {  	[bflag:$0x0] =	sbarrier.arrive $0xFFFF  }
0x181: {  	_ =	strace $0x90000047  }
0x182: {  	s0 =	stileid.u32;
	[bflag:$0x2] =	sbarrier.arrive $0xFFFF  }
0x183: {  	p0 =	sne.s32 s0, $0x0;
	s0 =	rddreg [dreg:$0x3]  }
0x184: {  	s0 =	sadd.s32 @!p0 $0x100000, s0  }
0x185: {  	[sflag:s0] =	ssyncadd.tile.s32 @!p0 $0x1;
	_ =	shalt  }
.Lfunc_end2:
_tile_overlayer_lowered:
.L_overlay_start_2:
0x186: {  	(tag) =	ssettag $0x2  }
0x187: {  	s0 =	rddreg [dreg:$0x0];
	s2 =	stileid.u32  }
0x188: {  	s1 =	rddreg [dreg:$0x1];
	p0 =	sne.s32 s2, $0x0  }
0x189: {  	s3 =	rddreg [dreg:$0x2];
	[bflag:$0x3] =	sbarrier.arrive $0xFFFF;
	s2 =	simm.s32 @!p0 $0x1C03  }
0x18a: {  	[timem:s3], [sflag:s2] =	dma.local @!p0 [hbm:s0], s1  }
0x18b: {  	s0 =	simm.s32 @!p0 $0x3  }
0x18c: {  	_ =	swait.ge @!p0 [sflag:s0], s1  }
0x18d: {  	s1 =	ssub.s32 @!p0 $0x0, s1;
	[sflag:s0] =	ssyncset.done @!p0 $0x0  }
0x18e: {  	[sflag:s0] =	ssyncadd.s32 @!p0 s1  }
0x18f: {  	[bflag:$0x3] =	sbarrier.arrive $0xFFFF  }
0x190: {  	_ =	shalt  }

</sc_bundles>
